<compile_context>
chip_gen: v7x
topology: tpu7x:2x2x1
jax: 0.10.2.dev20260603
libtpu: 0.0.44.dev20260713+nightly
codegen_flags: <defaults>
</compile_context>

<pallas_src>
import functools

import jax
import jax.numpy as jnp
from jax import lax
from jax.experimental import pallas as pl
from jax.experimental.pallas import tpu as pltpu
from jax.experimental.pallas import tpu_sc as plsc

EMBED_DIM = 128
_NC = 2
_NS = 16
_NW = _NC * _NS

_ND, _NTM, _NX, _NY, _NU = 76, 49, 202, 202, 48
_YPAD = 208
_DTU = _NTM * _NU


_DBLK = 4
_XBLK = 101


def _dttd_body(wd_ref, wt_ref, wu_ref, out_ref):
    wtu = wt_ref[...][:, None, :] + wu_ref[...][None, :, :]
    wttd = wtu.reshape(_DTU, EMBED_DIM)
    wd = wd_ref[pl.ds(pl.program_id(0) * _DBLK, _DBLK), :]
    res = wd[:, None, :] + wttd[None, :, :]
    out_ref[...] = res.reshape(_DBLK * _DTU, EMBED_DIM)


def _lxly_body(wx_ref, wy_ref, out_ref):
    wx = wx_ref[pl.ds(pl.program_id(0) * _XBLK, _XBLK), :]
    res = wx[:, None, :] + wy_ref[...][None, :, :]
    res = jnp.concatenate(
        [res, jnp.zeros((_XBLK, _YPAD - _NY, EMBED_DIM), jnp.float32)], axis=1)
    out_ref[...] = res.reshape(_XBLK * _YPAD, EMBED_DIM)


def _build_dttd(W_day, W_time, W_td):
    return pl.pallas_call(
        _dttd_body,
        grid=(_ND // _DBLK,),
        in_specs=[
            pl.BlockSpec((_ND, EMBED_DIM), lambda d: (0, 0)),
            pl.BlockSpec((_NTM, EMBED_DIM), lambda d: (0, 0)),
            pl.BlockSpec((_NU, EMBED_DIM), lambda d: (0, 0)),
        ],
        out_specs=pl.BlockSpec((_DBLK * _DTU, EMBED_DIM), lambda d: (d, 0)),
        out_shape=jax.ShapeDtypeStruct((_ND * _DTU, EMBED_DIM), jnp.float32),
    )(W_day, W_time, W_td)


def _build_lxly(W_lx, W_ly):
    return pl.pallas_call(
        _lxly_body,
        grid=(_NX // _XBLK,),
        in_specs=[
            pl.BlockSpec((_NX, EMBED_DIM), lambda i: (0, 0)),
            pl.BlockSpec((_NY, EMBED_DIM), lambda i: (0, 0)),
        ],
        out_specs=pl.BlockSpec((_XBLK * _YPAD, EMBED_DIM), lambda i: (i, 0)),
        out_shape=jax.ShapeDtypeStruct((_NX * _YPAD, EMBED_DIM), jnp.float32),
    )(W_lx, W_ly)


def _sc_main(day, time, lx, ly, td, Wdttd, Wlxly, N, C):
    n_w = N // _NW
    n_chunks = n_w // C
    assert n_w % C == 0 and n_chunks % 3 == 2 and n_chunks >= 6
    assert C % 16 == 0
    mesh = plsc.VectorSubcoreMesh(core_axis_name="c", subcore_axis_name="s")

    vmem_sets = []
    for _ in range(3):
        vmem_sets += [
            pltpu.VMEM((5, C), jnp.int32),
            pltpu.VMEM((C,), jnp.int32),
            pltpu.VMEM((C,), jnp.int32),
            pltpu.VMEM((2, C, EMBED_DIM), jnp.float32),
            pltpu.VMEM((C, EMBED_DIM), jnp.float32),
            pltpu.SemaphoreType.DMA,
            pltpu.SemaphoreType.DMA,
            pltpu.SemaphoreType.DMA,
        ]

    @functools.partial(
        pl.kernel,
        mesh=mesh,
        out_type=jax.ShapeDtypeStruct((N, EMBED_DIM), jnp.float32),
        scratch_types=vmem_sets,
    )
    def k(d_h, t_h, lx_h, ly_h, td_h, wdttd_h, wlxly_h, out_h, *scr):
        sets = [scr[8 * s: 8 * (s + 1)] for s in range(3)]
        idx_hs = (d_h, t_h, lx_h, ly_h, td_h)
        w_hs = (wdttd_h, wlxly_h)
        wid = lax.axis_index("s") * _NC + lax.axis_index("c")
        w_base = wid * n_w

        def fire_idx(c, s):
            ib, gi = sets[s][0], sets[s][5]
            sl = pl.ds(w_base + c * C, C)
            for t in range(5):
                pltpu.async_copy(idx_hs[t].at[sl], ib.at[t], gi)

        def wait_idx(s):
            ib, gi = sets[s][0], sets[s][5]
            sl = pl.ds(0, C)
            for t in range(5):
                pltpu.make_async_copy(idx_hs[t].at[sl], ib.at[t], gi).wait()

        def compute_gidx(s):
            ib, ga, gl = sets[s][0], sets[s][1], sets[s][2]
            for v in range(C // 16):
                dsl = pl.ds(v * 16, 16)
                d = ib[0, dsl]
                t = ib[1, dsl]
                x = ib[2, dsl]
                y = ib[3, dsl]
                u = ib[4, dsl]
                ga[dsl] = (d * _NTM + t) * _NU + u
                gl[dsl] = x * _YPAD + y

        def fire_g(s):
            ga, gl, rb, gg = sets[s][1], sets[s][2], sets[s][3], sets[s][6]
            pltpu.async_copy(w_hs[0].at[ga], rb.at[0], gg)
            pltpu.async_copy(w_hs[1].at[gl], rb.at[1], gg)

        def wait_g(s):
            ga, gl, rb, gg = sets[s][1], sets[s][2], sets[s][3], sets[s][6]
            pltpu.make_async_copy(w_hs[0].at[ga], rb.at[0], gg).wait()
            pltpu.make_async_copy(w_hs[1].at[gl], rb.at[1], gg).wait()

        def fire_store(c, s):
            ob, gs = sets[s][4], sets[s][7]
            sl = pl.ds(w_base + c * C, C)
            pltpu.async_copy(ob, out_h.at[sl], gs)

        def wait_store(s):
            ob, gs = sets[s][4], sets[s][7]
            sl = pl.ds(0, C)
            pltpu.make_async_copy(ob, out_h.at[sl], gs).wait()

        def acc(s):
            rb, ob = sets[s][3], sets[s][4]

            def body(p, carry):
                for j in range(EMBED_DIM // 16):
                    dsl = pl.ds(j * 16, 16)
                    ob[p, dsl] = rb[0, p, dsl] + rb[1, p, dsl]
                return carry

            lax.fori_loop(0, C, body, 0)

        def step(c, s, do_wait_store, guard_idx):
            s2 = (s + 2) % 3
            wait_g(s)
            wait_idx(s2)
            compute_gidx(s2)
            fire_g(s2)
            if guard_idx:
                @pl.when(c + 3 < n_chunks)
                def _():
                    fire_idx(c + 3, s)
            else:
                fire_idx(c + 3, s)
            if do_wait_store:
                wait_store(s)
            acc(s)
            fire_store(c, s)

        for s in range(3):
            fire_idx(s, s)
        for s in range(2):
            wait_idx(s)
            compute_gidx(s)
            fire_g(s)

        for c in range(3):
            step(c, c, do_wait_store=False, guard_idx=False)

        def triple(k_, carry):
            c0 = 3 * k_
            step(c0, 0, do_wait_store=True, guard_idx=True)
            step(c0 + 1, 1, do_wait_store=True, guard_idx=True)
            step(c0 + 2, 2, do_wait_store=True, guard_idx=True)
            return carry

        lax.fori_loop(1, (n_chunks - 2) // 3, triple, 0)

        for c in (n_chunks - 2, n_chunks - 1):
            s = c % 3
            wait_g(s)
            wait_store(s)
            acc(s)
            fire_store(c, s)

        for s in range(3):
            wait_store(s)

    return k(day, time, lx, ly, td, Wdttd, Wlxly)


@functools.partial(jax.jit, static_argnums=(10, 11))
def _lookup_sum(day, time, lx, ly, td, W_day, W_time, W_lx, W_ly, W_td, N, C):
    Wdttd = _build_dttd(W_day, W_time, W_td)
    Wlxly = _build_lxly(W_lx, W_ly)
    return _sc_main(day, time, lx, ly, td, Wdttd, Wlxly, N, C)


def kernel(day, time, location_x, location_y, timedelta,
           W_day, W_time, W_lx, W_ly, W_td):
    B, L = day.shape
    N = B * L

    def flat(a):
        return a.reshape(-1).astype(jnp.int32)

    out = _lookup_sum(flat(day), flat(time), flat(location_x),
                      flat(location_y), flat(timedelta),
                      W_day, W_time, W_lx, W_ly, W_td, N, 80)
    return out.reshape(B, L, EMBED_DIM)

# --- scband reference (transcript-rebuilt; emitter-appended) ---
"""Pipeline reference for scband-embedding-layer-6219112644726 (READ-ONLY COPY).

The authoritative reference and input builder live on the scoring server;
editing this copy changes nothing except your own understanding.
"""

import jax, jax.numpy as jnp
import numpy as np

EMBED = 128
B, L = 4096, 200

def setup_inputs(seed: int = 0) -> dict:
    key = jax.random.key(seed)
    ks = jax.random.split(key, 10)
    day = jax.random.randint(ks[0], (B, L), 0, 76, dtype=jnp.int64 if jax.config.jax_enable_x64 else jnp.int32)
    time = jax.random.randint(ks[1], (B, L), 0, 49, dtype=day.dtype)
    location_x = jax.random.randint(ks[2], (B, L), 0, 202, dtype=day.dtype)
    location_y = jax.random.randint(ks[3], (B, L), 0, 202, dtype=day.dtype)
    timedelta = jax.random.randint(ks[4], (B, L), 0, 48, dtype=day.dtype)
    W_day = jax.random.normal(ks[5], (76, EMBED), dtype=jnp.float32)
    W_time = jax.random.normal(ks[6], (49, EMBED), dtype=jnp.float32)
    W_lx = jax.random.normal(ks[7], (202, EMBED), dtype=jnp.float32)
    W_ly = jax.random.normal(ks[8], (202, EMBED), dtype=jnp.float32)
    W_td = jax.random.normal(ks[9], (48, EMBED), dtype=jnp.float32)
    return {"day": day, "time": time, "location_x": location_x, "location_y": location_y, "timedelta": timedelta, "W_day": W_day, "W_time": W_time, "W_lx": W_lx, "W_ly": W_ly, "W_td": W_td}

def reference(day, time, location_x, location_y, timedelta, W_day, W_time, W_lx, W_ly, W_td):
    day_embed = jnp.take(W_day, day, axis=0)
    time_embed = jnp.take(W_time, time, axis=0)
    lx_embed = jnp.take(W_lx, location_x, axis=0)
    ly_embed = jnp.take(W_ly, location_y, axis=0)
    td_embed = jnp.take(W_td, timedelta, axis=0)
    embed = day_embed + time_embed + lx_embed + ly_embed + td_embed
    return embed

if __name__ == "__main__":
    import jax
    _d = setup_inputs()
    print(jax.jit(kernel)(*tuple(_d.values())))

</pallas_src>

<mosaic_0001>
#map = affine_map<(d0, d1) -> (0)>
#map1 = affine_map<(d0, d1) -> (0, 0)>
module attributes {stable_mosaic.version = 14 : i64} {
  func.func @k(%arg0: i32, %arg1: i32, %arg2: memref<819200xi32, #tpu.memory_space<hbm>>, %arg3: memref<819200xi32, #tpu.memory_space<hbm>>, %arg4: memref<819200xi32, #tpu.memory_space<hbm>>, %arg5: memref<819200xi32, #tpu.memory_space<hbm>>, %arg6: memref<819200xi32, #tpu.memory_space<hbm>>, %arg7: memref<178752x128xf32, #tpu.memory_space<hbm>>, %arg8: memref<42016x128xf32, #tpu.memory_space<hbm>>, %arg9: memref<819200x128xf32, #tpu.memory_space<hbm>>, %arg10: memref<5x80xi32, #tpu.memory_space<vmem>>, %arg11: memref<80xi32, #tpu.memory_space<vmem>>, %arg12: memref<80xi32, #tpu.memory_space<vmem>>, %arg13: memref<2x80x128xf32, #tpu.memory_space<vmem>>, %arg14: memref<80x128xf32, #tpu.memory_space<vmem>>, %arg15: memref<!tpu.dma_semaphore, #tpu.memory_space<semaphore_mem>>, %arg16: memref<!tpu.dma_semaphore, #tpu.memory_space<semaphore_mem>>, %arg17: memref<!tpu.dma_semaphore, #tpu.memory_space<semaphore_mem>>, %arg18: memref<5x80xi32, #tpu.memory_space<vmem>>, %arg19: memref<80xi32, #tpu.memory_space<vmem>>, %arg20: memref<80xi32, #tpu.memory_space<vmem>>, %arg21: memref<2x80x128xf32, #tpu.memory_space<vmem>>, %arg22: memref<80x128xf32, #tpu.memory_space<vmem>>, %arg23: memref<!tpu.dma_semaphore, #tpu.memory_space<semaphore_mem>>, %arg24: memref<!tpu.dma_semaphore, #tpu.memory_space<semaphore_mem>>, %arg25: memref<!tpu.dma_semaphore, #tpu.memory_space<semaphore_mem>>, %arg26: memref<5x80xi32, #tpu.memory_space<vmem>>, %arg27: memref<80xi32, #tpu.memory_space<vmem>>, %arg28: memref<80xi32, #tpu.memory_space<vmem>>, %arg29: memref<2x80x128xf32, #tpu.memory_space<vmem>>, %arg30: memref<80x128xf32, #tpu.memory_space<vmem>>, %arg31: memref<!tpu.dma_semaphore, #tpu.memory_space<semaphore_mem>>, %arg32: memref<!tpu.dma_semaphore, #tpu.memory_space<semaphore_mem>>, %arg33: memref<!tpu.dma_semaphore, #tpu.memory_space<semaphore_mem>>) attributes {dimension_semantics = [#tpu.dimension_semantics<core_parallel>, #tpu.dimension_semantics<subcore_parallel>], iteration_bounds = array<i64: 2, 16>, scalar_prefetch = 0 : i64, scratch_operands = 24 : i64, tpu.core_type = #tpu.core_type<sc_vector_subcore>, window_params = [{transform_indices = #map}, {transform_indices = #map}, {transform_indices = #map}, {transform_indices = #map}, {transform_indices = #map}, {transform_indices = #map1}, {transform_indices = #map1}, {transform_indices = #map1}]} {
    %mul3A = arith.constant 2 : i32
    %mul3A_0 = arith.muli %arg1, %mul3A : i32
    %add3A = arith.addi %mul3A_0, %arg0 : i32
    %mul3A_1 = arith.constant 25600 : i32
    %mul3A_2 = arith.muli %add3A, %mul3A_1 : i32
    %add3A_3 = arith.constant 0 : i32
    %add3A_4 = arith.addi %mul3A_2, %add3A_3 : i32
    %dma_start3A = arith.constant 0 : i32
    %dma_start3A_5 = arith.constant 0 : i32
    %dma_start3A_6 = tpu.memref_slice %arg10[%dma_start3A, %dma_start3A_5] : memref<5x80xi32, #tpu.memory_space<vmem>> -> memref<1x80xi32, #tpu.memory_space<vmem>>
    %dma_start3A_7 = tpu.memref_squeeze %dma_start3A_6 : memref<1x80xi32, #tpu.memory_space<vmem>> -> memref<80xi32, #tpu.memory_space<vmem>>
    %dma_start3A_8 = tpu.memref_slice %arg2[%add3A_4] : memref<819200xi32, #tpu.memory_space<hbm>> -> memref<80xi32, #tpu.memory_space<hbm>>
    %dma_start3A_9 = arith.constant 0 : i32
    %dma_start3A_10 = tpu.memref_slice %arg10[%dma_start3A, %dma_start3A_9] : memref<5x80xi32, #tpu.memory_space<vmem>> -> memref<1x80xi32, #tpu.memory_space<vmem>>
    %dma_start3A_11 = tpu.memref_squeeze %dma_start3A_10 : memref<1x80xi32, #tpu.memory_space<vmem>> -> memref<80xi32, #tpu.memory_space<vmem>>
    %dma_start3A_12 = tpu.memref_slice %arg2[%add3A_4] : memref<819200xi32, #tpu.memory_space<hbm>> -> memref<80xi32, #tpu.memory_space<hbm>>
    tpu.enqueue_dma source(%dma_start3A_12 : memref<80xi32, #tpu.memory_space<hbm>>) target(%dma_start3A_11 : memref<80xi32, #tpu.memory_space<vmem>>) target_semaphore(%arg15 : memref<!tpu.dma_semaphore, #tpu.memory_space<semaphore_mem>>)
    %dma_start3A_13 = arith.constant 1 : i32
    %dma_start3A_14 = arith.constant 0 : i32
    %dma_start3A_15 = tpu.memref_slice %arg10[%dma_start3A_13, %dma_start3A_14] : memref<5x80xi32, #tpu.memory_space<vmem>> -> memref<1x80xi32, #tpu.memory_space<vmem>>
    %dma_start3A_16 = tpu.memref_squeeze %dma_start3A_15 : memref<1x80xi32, #tpu.memory_space<vmem>> -> memref<80xi32, #tpu.memory_space<vmem>>
    %dma_start3A_17 = tpu.memref_slice %arg3[%add3A_4] : memref<819200xi32, #tpu.memory_space<hbm>> -> memref<80xi32, #tpu.memory_space<hbm>>
    %dma_start3A_18 = arith.constant 0 : i32
    %dma_start3A_19 = tpu.memref_slice %arg10[%dma_start3A_13, %dma_start3A_18] : memref<5x80xi32, #tpu.memory_space<vmem>> -> memref<1x80xi32, #tpu.memory_space<vmem>>
    %dma_start3A_20 = tpu.memref_squeeze %dma_start3A_19 : memref<1x80xi32, #tpu.memory_space<vmem>> -> memref<80xi32, #tpu.memory_space<vmem>>
    %dma_start3A_21 = tpu.memref_slice %arg3[%add3A_4] : memref<819200xi32, #tpu.memory_space<hbm>> -> memref<80xi32, #tpu.memory_space<hbm>>
    tpu.enqueue_dma source(%dma_start3A_21 : memref<80xi32, #tpu.memory_space<hbm>>) target(%dma_start3A_20 : memref<80xi32, #tpu.memory_space<vmem>>) target_semaphore(%arg15 : memref<!tpu.dma_semaphore, #tpu.memory_space<semaphore_mem>>)
    %dma_start3A_22 = arith.constant 2 : i32
    %dma_start3A_23 = arith.constant 0 : i32
    %dma_start3A_24 = tpu.memref_slice %arg10[%dma_start3A_22, %dma_start3A_23] : memref<5x80xi32, #tpu.memory_space<vmem>> -> memref<1x80xi32, #tpu.memory_space<vmem>>
    %dma_start3A_25 = tpu.memref_squeeze %dma_start3A_24 : memref<1x80xi32, #tpu.memory_space<vmem>> -> memref<80xi32, #tpu.memory_space<vmem>>
    %dma_start3A_26 = tpu.memref_slice %arg4[%add3A_4] : memref<819200xi32, #tpu.memory_space<hbm>> -> memref<80xi32, #tpu.memory_space<hbm>>
    %dma_start3A_27 = arith.constant 0 : i32
    %dma_start3A_28 = tpu.memref_slice %arg10[%dma_start3A_22, %dma_start3A_27] : memref<5x80xi32, #tpu.memory_space<vmem>> -> memref<1x80xi32, #tpu.memory_space<vmem>>
    %dma_start3A_29 = tpu.memref_squeeze %dma_start3A_28 : memref<1x80xi32, #tpu.memory_space<vmem>> -> memref<80xi32, #tpu.memory_space<vmem>>
    %dma_start3A_30 = tpu.memref_slice %arg4[%add3A_4] : memref<819200xi32, #tpu.memory_space<hbm>> -> memref<80xi32, #tpu.memory_space<hbm>>
    tpu.enqueue_dma source(%dma_start3A_30 : memref<80xi32, #tpu.memory_space<hbm>>) target(%dma_start3A_29 : memref<80xi32, #tpu.memory_space<vmem>>) target_semaphore(%arg15 : memref<!tpu.dma_semaphore, #tpu.memory_space<semaphore_mem>>)
    %dma_start3A_31 = arith.constant 3 : i32
    %dma_start3A_32 = arith.constant 0 : i32
    %dma_start3A_33 = tpu.memref_slice %arg10[%dma_start3A_31, %dma_start3A_32] : memref<5x80xi32, #tpu.memory_space<vmem>> -> memref<1x80xi32, #tpu.memory_space<vmem>>
    %dma_start3A_34 = tpu.memref_squeeze %dma_start3A_33 : memref<1x80xi32, #tpu.memory_space<vmem>> -> memref<80xi32, #tpu.memory_space<vmem>>
    %dma_start3A_35 = tpu.memref_slice %arg5[%add3A_4] : memref<819200xi32, #tpu.memory_space<hbm>> -> memref<80xi32, #tpu.memory_space<hbm>>
    %dma_start3A_36 = arith.constant 0 : i32
    %dma_start3A_37 = tpu.memref_slice %arg10[%dma_start3A_31, %dma_start3A_36] : memref<5x80xi32, #tpu.memory_space<vmem>> -> memref<1x80xi32, #tpu.memory_space<vmem>>
    %dma_start3A_38 = tpu.memref_squeeze %dma_start3A_37 : memref<1x80xi32, #tpu.memory_space<vmem>> -> memref<80xi32, #tpu.memory_space<vmem>>
    %dma_start3A_39 = tpu.memref_slice %arg5[%add3A_4] : memref<819200xi32, #tpu.memory_space<hbm>> -> memref<80xi32, #tpu.memory_space<hbm>>
    tpu.enqueue_dma source(%dma_start3A_39 : memref<80xi32, #tpu.memory_space<hbm>>) target(%dma_start3A_38 : memref<80xi32, #tpu.memory_space<vmem>>) target_semaphore(%arg15 : memref<!tpu.dma_semaphore, #tpu.memory_space<semaphore_mem>>)
    %dma_start3A_40 = arith.constant 4 : i32
    %dma_start3A_41 = arith.constant 0 : i32
    %dma_start3A_42 = tpu.memref_slice %arg10[%dma_start3A_40, %dma_start3A_41] : memref<5x80xi32, #tpu.memory_space<vmem>> -> memref<1x80xi32, #tpu.memory_space<vmem>>
    %dma_start3A_43 = tpu.memref_squeeze %dma_start3A_42 : memref<1x80xi32, #tpu.memory_space<vmem>> -> memref<80xi32, #tpu.memory_space<vmem>>
    %dma_start3A_44 = tpu.memref_slice %arg6[%add3A_4] : memref<819200xi32, #tpu.memory_space<hbm>> -> memref<80xi32, #tpu.memory_space<hbm>>
    %dma_start3A_45 = arith.constant 0 : i32
    %dma_start3A_46 = tpu.memref_slice %arg10[%dma_start3A_40, %dma_start3A_45] : memref<5x80xi32, #tpu.memory_space<vmem>> -> memref<1x80xi32, #tpu.memory_space<vmem>>
    %dma_start3A_47 = tpu.memref_squeeze %dma_start3A_46 : memref<1x80xi32, #tpu.memory_space<vmem>> -> memref<80xi32, #tpu.memory_space<vmem>>
    %dma_start3A_48 = tpu.memref_slice %arg6[%add3A_4] : memref<819200xi32, #tpu.memory_space<hbm>> -> memref<80xi32, #tpu.memory_space<hbm>>
    tpu.enqueue_dma source(%dma_start3A_48 : memref<80xi32, #tpu.memory_space<hbm>>) target(%dma_start3A_47 : memref<80xi32, #tpu.memory_space<vmem>>) target_semaphore(%arg15 : memref<!tpu.dma_semaphore, #tpu.memory_space<semaphore_mem>>)
    %add3A_49 = arith.constant 80 : i32
    %add3A_50 = arith.addi %mul3A_2, %add3A_49 : i32
    %dma_start3A_51 = arith.constant 0 : i32
    %dma_start3A_52 = arith.constant 0 : i32
    %dma_start3A_53 = tpu.memref_slice %arg18[%dma_start3A_51, %dma_start3A_52] : memref<5x80xi32, #tpu.memory_space<vmem>> -> memref<1x80xi32, #tpu.memory_space<vmem>>
    %dma_start3A_54 = tpu.memref_squeeze %dma_start3A_53 : memref<1x80xi32, #tpu.memory_space<vmem>> -> memref<80xi32, #tpu.memory_space<vmem>>
    %dma_start3A_55 = tpu.memref_slice %arg2[%add3A_50] : memref<819200xi32, #tpu.memory_space<hbm>> -> memref<80xi32, #tpu.memory_space<hbm>>
    %dma_start3A_56 = arith.constant 0 : i32
    %dma_start3A_57 = tpu.memref_slice %arg18[%dma_start3A_51, %dma_start3A_56] : memref<5x80xi32, #tpu.memory_space<vmem>> -> memref<1x80xi32, #tpu.memory_space<vmem>>
    %dma_start3A_58 = tpu.memref_squeeze %dma_start3A_57 : memref<1x80xi32, #tpu.memory_space<vmem>> -> memref<80xi32, #tpu.memory_space<vmem>>
    %dma_start3A_59 = tpu.memref_slice %arg2[%add3A_50] : memref<819200xi32, #tpu.memory_space<hbm>> -> memref<80xi32, #tpu.memory_space<hbm>>
    tpu.enqueue_dma source(%dma_start3A_59 : memref<80xi32, #tpu.memory_space<hbm>>) target(%dma_start3A_58 : memref<80xi32, #tpu.memory_space<vmem>>) target_semaphore(%arg23 : memref<!tpu.dma_semaphore, #tpu.memory_space<semaphore_mem>>)
    %dma_start3A_60 = arith.constant 1 : i32
    %dma_start3A_61 = arith.constant 0 : i32
    %dma_start3A_62 = tpu.memref_slice %arg18[%dma_start3A_60, %dma_start3A_61] : memref<5x80xi32, #tpu.memory_space<vmem>> -> memref<1x80xi32, #tpu.memory_space<vmem>>
    %dma_start3A_63 = tpu.memref_squeeze %dma_start3A_62 : memref<1x80xi32, #tpu.memory_space<vmem>> -> memref<80xi32, #tpu.memory_space<vmem>>
    %dma_start3A_64 = tpu.memref_slice %arg3[%add3A_50] : memref<819200xi32, #tpu.memory_space<hbm>> -> memref<80xi32, #tpu.memory_space<hbm>>
    %dma_start3A_65 = arith.constant 0 : i32
    %dma_start3A_66 = tpu.memref_slice %arg18[%dma_start3A_60, %dma_start3A_65] : memref<5x80xi32, #tpu.memory_space<vmem>> -> memref<1x80xi32, #tpu.memory_space<vmem>>
    %dma_start3A_67 = tpu.memref_squeeze %dma_start3A_66 : memref<1x80xi32, #tpu.memory_space<vmem>> -> memref<80xi32, #tpu.memory_space<vmem>>
    %dma_start3A_68 = tpu.memref_slice %arg3[%add3A_50] : memref<819200xi32, #tpu.memory_space<hbm>> -> memref<80xi32, #tpu.memory_space<hbm>>
    tpu.enqueue_dma source(%dma_start3A_68 : memref<80xi32, #tpu.memory_space<hbm>>) target(%dma_start3A_67 : memref<80xi32, #tpu.memory_space<vmem>>) target_semaphore(%arg23 : memref<!tpu.dma_semaphore, #tpu.memory_space<semaphore_mem>>)
    %dma_start3A_69 = arith.constant 2 : i32
    %dma_start3A_70 = arith.constant 0 : i32
    %dma_start3A_71 = tpu.memref_slice %arg18[%dma_start3A_69, %dma_start3A_70] : memref<5x80xi32, #tpu.memory_space<vmem>> -> memref<1x80xi32, #tpu.memory_space<vmem>>
    %dma_start3A_72 = tpu.memref_squeeze %dma_start3A_71 : memref<1x80xi32, #tpu.memory_space<vmem>> -> memref<80xi32, #tpu.memory_space<vmem>>
    %dma_start3A_73 = tpu.memref_slice %arg4[%add3A_50] : memref<819200xi32, #tpu.memory_space<hbm>> -> memref<80xi32, #tpu.memory_space<hbm>>
    %dma_start3A_74 = arith.constant 0 : i32
    %dma_start3A_75 = tpu.memref_slice %arg18[%dma_start3A_69, %dma_start3A_74] : memref<5x80xi32, #tpu.memory_space<vmem>> -> memref<1x80xi32, #tpu.memory_space<vmem>>
    %dma_start3A_76 = tpu.memref_squeeze %dma_start3A_75 : memref<1x80xi32, #tpu.memory_space<vmem>> -> memref<80xi32, #tpu.memory_space<vmem>>
    %dma_start3A_77 = tpu.memref_slice %arg4[%add3A_50] : memref<819200xi32, #tpu.memory_space<hbm>> -> memref<80xi32, #tpu.memory_space<hbm>>
    tpu.enqueue_dma source(%dma_start3A_77 : memref<80xi32, #tpu.memory_space<hbm>>) target(%dma_start3A_76 : memref<80xi32, #tpu.memory_space<vmem>>) target_semaphore(%arg23 : memref<!tpu.dma_semaphore, #tpu.memory_space<semaphore_mem>>)
    %dma_start3A_78 = arith.constant 3 : i32
    %dma_start3A_79 = arith.constant 0 : i32
    %dma_start3A_80 = tpu.memref_slice %arg18[%dma_start3A_78, %dma_start3A_79] : memref<5x80xi32, #tpu.memory_space<vmem>> -> memref<1x80xi32, #tpu.memory_space<vmem>>
    %dma_start3A_81 = tpu.memref_squeeze %dma_start3A_80 : memref<1x80xi32, #tpu.memory_space<vmem>> -> memref<80xi32, #tpu.memory_space<vmem>>
    %dma_start3A_82 = tpu.memref_slice %arg5[%add3A_50] : memref<819200xi32, #tpu.memory_space<hbm>> -> memref<80xi32, #tpu.memory_space<hbm>>
    %dma_start3A_83 = arith.constant 0 : i32
    %dma_start3A_84 = tpu.memref_slice %arg18[%dma_start3A_78, %dma_start3A_83] : memref<5x80xi32, #tpu.memory_space<vmem>> -> memref<1x80xi32, #tpu.memory_space<vmem>>
    %dma_start3A_85 = tpu.memref_squeeze %dma_start3A_84 : memref<1x80xi32, #tpu.memory_space<vmem>> -> memref<80xi32, #tpu.memory_space<vmem>>
    %dma_start3A_86 = tpu.memref_slice %arg5[%add3A_50] : memref<819200xi32, #tpu.memory_space<hbm>> -> memref<80xi32, #tpu.memory_space<hbm>>
    tpu.enqueue_dma source(%dma_start3A_86 : memref<80xi32, #tpu.memory_space<hbm>>) target(%dma_start3A_85 : memref<80xi32, #tpu.memory_space<vmem>>) target_semaphore(%arg23 : memref<!tpu.dma_semaphore, #tpu.memory_space<semaphore_mem>>)
    %dma_start3A_87 = arith.constant 4 : i32
    %dma_start3A_88 = arith.constant 0 : i32
    %dma_start3A_89 = tpu.memref_slice %arg18[%dma_start3A_87, %dma_start3A_88] : memref<5x80xi32, #tpu.memory_space<vmem>> -> memref<1x80xi32, #tpu.memory_space<vmem>>
    %dma_start3A_90 = tpu.memref_squeeze %dma_start3A_89 : memref<1x80xi32, #tpu.memory_space<vmem>> -> memref<80xi32, #tpu.memory_space<vmem>>
    %dma_start3A_91 = tpu.memref_slice %arg6[%add3A_50] : memref<819200xi32, #tpu.memory_space<hbm>> -> memref<80xi32, #tpu.memory_space<hbm>>
    %dma_start3A_92 = arith.constant 0 : i32
    %dma_start3A_93 = tpu.memref_slice %arg18[%dma_start3A_87, %dma_start3A_92] : memref<5x80xi32, #tpu.memory_space<vmem>> -> memref<1x80xi32, #tpu.memory_space<vmem>>
    %dma_start3A_94 = tpu.memref_squeeze %dma_start3A_93 : memref<1x80xi32, #tpu.memory_space<vmem>> -> memref<80xi32, #tpu.memory_space<vmem>>
    %dma_start3A_95 = tpu.memref_slice %arg6[%add3A_50] : memref<819200xi32, #tpu.memory_space<hbm>> -> memref<80xi32, #tpu.memory_space<hbm>>
    tpu.enqueue_dma source(%dma_start3A_95 : memref<80xi32, #tpu.memory_space<hbm>>) target(%dma_start3A_94 : memref<80xi32, #tpu.memory_space<vmem>>) target_semaphore(%arg23 : memref<!tpu.dma_semaphore, #tpu.memory_space<semaphore_mem>>)
    %add3A_96 = arith.constant 160 : i32
    %add3A_97 = arith.addi %mul3A_2, %add3A_96 : i32
    %dma_start3A_98 = arith.constant 0 : i32
    %dma_start3A_99 = arith.constant 0 : i32
    %dma_start3A_100 = tpu.memref_slice %arg26[%dma_start3A_98, %dma_start3A_99] : memref<5x80xi32, #tpu.memory_space<vmem>> -> memref<1x80xi32, #tpu.memory_space<vmem>>
    %dma_start3A_101 = tpu.memref_squeeze %dma_start3A_100 : memref<1x80xi32, #tpu.memory_space<vmem>> -> memref<80xi32, #tpu.memory_space<vmem>>
    %dma_start3A_102 = tpu.memref_slice %arg2[%add3A_97] : memref<819200xi32, #tpu.memory_space<hbm>> -> memref<80xi32, #tpu.memory_space<hbm>>
    %dma_start3A_103 = arith.constant 0 : i32
    %dma_start3A_104 = tpu.memref_slice %arg26[%dma_start3A_98, %dma_start3A_103] : memref<5x80xi32, #tpu.memory_space<vmem>> -> memref<1x80xi32, #tpu.memory_space<vmem>>
    %dma_start3A_105 = tpu.memref_squeeze %dma_start3A_104 : memref<1x80xi32, #tpu.memory_space<vmem>> -> memref<80xi32, #tpu.memory_space<vmem>>
    %dma_start3A_106 = tpu.memref_slice %arg2[%add3A_97] : memref<819200xi32, #tpu.memory_space<hbm>> -> memref<80xi32, #tpu.memory_space<hbm>>
    tpu.enqueue_dma source(%dma_start3A_106 : memref<80xi32, #tpu.memory_space<hbm>>) target(%dma_start3A_105 : memref<80xi32, #tpu.memory_space<vmem>>) target_semaphore(%arg31 : memref<!tpu.dma_semaphore, #tpu.memory_space<semaphore_mem>>)
    %dma_start3A_107 = arith.constant 1 : i32
    %dma_start3A_108 = arith.constant 0 : i32
    %dma_start3A_109 = tpu.memref_slice %arg26[%dma_start3A_107, %dma_start3A_108] : memref<5x80xi32, #tpu.memory_space<vmem>> -> memref<1x80xi32, #tpu.memory_space<vmem>>
    %dma_start3A_110 = tpu.memref_squeeze %dma_start3A_109 : memref<1x80xi32, #tpu.memory_space<vmem>> -> memref<80xi32, #tpu.memory_space<vmem>>
    %dma_start3A_111 = tpu.memref_slice %arg3[%add3A_97] : memref<819200xi32, #tpu.memory_space<hbm>> -> memref<80xi32, #tpu.memory_space<hbm>>
    %dma_start3A_112 = arith.constant 0 : i32
    %dma_start3A_113 = tpu.memref_slice %arg26[%dma_start3A_107, %dma_start3A_112] : memref<5x80xi32, #tpu.memory_space<vmem>> -> memref<1x80xi32, #tpu.memory_space<vmem>>
    %dma_start3A_114 = tpu.memref_squeeze %dma_start3A_113 : memref<1x80xi32, #tpu.memory_space<vmem>> -> memref<80xi32, #tpu.memory_space<vmem>>
    %dma_start3A_115 = tpu.memref_slice %arg3[%add3A_97] : memref<819200xi32, #tpu.memory_space<hbm>> -> memref<80xi32, #tpu.memory_space<hbm>>
    tpu.enqueue_dma source(%dma_start3A_115 : memref<80xi32, #tpu.memory_space<hbm>>) target(%dma_start3A_114 : memref<80xi32, #tpu.memory_space<vmem>>) target_semaphore(%arg31 : memref<!tpu.dma_semaphore, #tpu.memory_space<semaphore_mem>>)
    %dma_start3A_116 = arith.constant 2 : i32
    %dma_start3A_117 = arith.constant 0 : i32
    %dma_start3A_118 = tpu.memref_slice %arg26[%dma_start3A_116, %dma_start3A_117] : memref<5x80xi32, #tpu.memory_space<vmem>> -> memref<1x80xi32, #tpu.memory_space<vmem>>
    %dma_start3A_119 = tpu.memref_squeeze %dma_start3A_118 : memref<1x80xi32, #tpu.memory_space<vmem>> -> memref<80xi32, #tpu.memory_space<vmem>>
    %dma_start3A_120 = tpu.memref_slice %arg4[%add3A_97] : memref<819200xi32, #tpu.memory_space<hbm>> -> memref<80xi32, #tpu.memory_space<hbm>>
    %dma_start3A_121 = arith.constant 0 : i32
    %dma_start3A_122 = tpu.memref_slice %arg26[%dma_start3A_116, %dma_start3A_121] : memref<5x80xi32, #tpu.memory_space<vmem>> -> memref<1x80xi32, #tpu.memory_space<vmem>>
    %dma_start3A_123 = tpu.memref_squeeze %dma_start3A_122 : memref<1x80xi32, #tpu.memory_space<vmem>> -> memref<80xi32, #tpu.memory_space<vmem>>
    %dma_start3A_124 = tpu.memref_slice %arg4[%add3A_97] : memref<819200xi32, #tpu.memory_space<hbm>> -> memref<80xi32, #tpu.memory_space<hbm>>
    tpu.enqueue_dma source(%dma_start3A_124 : memref<80xi32, #tpu.memory_space<hbm>>) target(%dma_start3A_123 : memref<80xi32, #tpu.memory_space<vmem>>) target_semaphore(%arg31 : memref<!tpu.dma_semaphore, #tpu.memory_space<semaphore_mem>>)
    %dma_start3A_125 = arith.constant 3 : i32
    %dma_start3A_126 = arith.constant 0 : i32
    %dma_start3A_127 = tpu.memref_slice %arg26[%dma_start3A_125, %dma_start3A_126] : memref<5x80xi32, #tpu.memory_space<vmem>> -> memref<1x80xi32, #tpu.memory_space<vmem>>
    %dma_start3A_128 = tpu.memref_squeeze %dma_start3A_127 : memref<1x80xi32, #tpu.memory_space<vmem>> -> memref<80xi32, #tpu.memory_space<vmem>>
    %dma_start3A_129 = tpu.memref_slice %arg5[%add3A_97] : memref<819200xi32, #tpu.memory_space<hbm>> -> memref<80xi32, #tpu.memory_space<hbm>>
    %dma_start3A_130 = arith.constant 0 : i32
    %dma_start3A_131 = tpu.memref_slice %arg26[%dma_start3A_125, %dma_start3A_130] : memref<5x80xi32, #tpu.memory_space<vmem>> -> memref<1x80xi32, #tpu.memory_space<vmem>>
    %dma_start3A_132 = tpu.memref_squeeze %dma_start3A_131 : memref<1x80xi32, #tpu.memory_space<vmem>> -> memref<80xi32, #tpu.memory_space<vmem>>
    %dma_start3A_133 = tpu.memref_slice %arg5[%add3A_97] : memref<819200xi32, #tpu.memory_space<hbm>> -> memref<80xi32, #tpu.memory_space<hbm>>
    tpu.enqueue_dma source(%dma_start3A_133 : memref<80xi32, #tpu.memory_space<hbm>>) target(%dma_start3A_132 : memref<80xi32, #tpu.memory_space<vmem>>) target_semaphore(%arg31 : memref<!tpu.dma_semaphore, #tpu.memory_space<semaphore_mem>>)
    %dma_start3A_134 = arith.constant 4 : i32
    %dma_start3A_135 = arith.constant 0 : i32
    %dma_start3A_136 = tpu.memref_slice %arg26[%dma_start3A_134, %dma_start3A_135] : memref<5x80xi32, #tpu.memory_space<vmem>> -> memref<1x80xi32, #tpu.memory_space<vmem>>
    %dma_start3A_137 = tpu.memref_squeeze %dma_start3A_136 : memref<1x80xi32, #tpu.memory_space<vmem>> -> memref<80xi32, #tpu.memory_space<vmem>>
    %dma_start3A_138 = tpu.memref_slice %arg6[%add3A_97] : memref<819200xi32, #tpu.memory_space<hbm>> -> memref<80xi32, #tpu.memory_space<hbm>>
    %dma_start3A_139 = arith.constant 0 : i32
    %dma_start3A_140 = tpu.memref_slice %arg26[%dma_start3A_134, %dma_start3A_139] : memref<5x80xi32, #tpu.memory_space<vmem>> -> memref<1x80xi32, #tpu.memory_space<vmem>>
    %dma_start3A_141 = tpu.memref_squeeze %dma_start3A_140 : memref<1x80xi32, #tpu.memory_space<vmem>> -> memref<80xi32, #tpu.memory_space<vmem>>
    %dma_start3A_142 = tpu.memref_slice %arg6[%add3A_97] : memref<819200xi32, #tpu.memory_space<hbm>> -> memref<80xi32, #tpu.memory_space<hbm>>
    tpu.enqueue_dma source(%dma_start3A_142 : memref<80xi32, #tpu.memory_space<hbm>>) target(%dma_start3A_141 : memref<80xi32, #tpu.memory_space<vmem>>) target_semaphore(%arg31 : memref<!tpu.dma_semaphore, #tpu.memory_space<semaphore_mem>>)
    %dma_wait3A = arith.constant 0 : i32
    %dma_wait3A_143 = arith.constant 0 : i32
    %dma_wait3A_144 = tpu.memref_slice %arg10[%dma_wait3A, %dma_wait3A_143] : memref<5x80xi32, #tpu.memory_space<vmem>> -> memref<1x80xi32, #tpu.memory_space<vmem>>
    %dma_wait3A_145 = tpu.memref_squeeze %dma_wait3A_144 : memref<1x80xi32, #tpu.memory_space<vmem>> -> memref<80xi32, #tpu.memory_space<vmem>>
    %dma_wait3A_146 = arith.constant 0 : i32
    %dma_wait3A_147 = tpu.memref_slice %arg2[%dma_wait3A_146] : memref<819200xi32, #tpu.memory_space<hbm>> -> memref<80xi32, #tpu.memory_space<hbm>>
    %dma_wait3A_148 = arith.constant 0 : i32
    %dma_wait3A_149 = tpu.memref_slice %arg10[%dma_wait3A, %dma_wait3A_148] : memref<5x80xi32, #tpu.memory_space<vmem>> -> memref<1x80xi32, #tpu.memory_space<vmem>>
    %dma_wait3A_150 = tpu.memref_squeeze %dma_wait3A_149 : memref<1x80xi32, #tpu.memory_space<vmem>> -> memref<80xi32, #tpu.memory_space<vmem>>
    %dma_wait3A_151 = arith.constant 0 : i32
    %dma_wait3A_152 = tpu.memref_slice %arg2[%dma_wait3A_151] : memref<819200xi32, #tpu.memory_space<hbm>> -> memref<80xi32, #tpu.memory_space<hbm>>
    tpu.wait_dma2 semaphore(%arg15 : memref<!tpu.dma_semaphore, #tpu.memory_space<semaphore_mem>>) src(%dma_wait3A_152 : memref<80xi32, #tpu.memory_space<hbm>>) dst(%dma_wait3A_150 : memref<80xi32, #tpu.memory_space<vmem>>)
    %dma_wait3A_153 = arith.constant 1 : i32
    %dma_wait3A_154 = arith.constant 0 : i32
    %dma_wait3A_155 = tpu.memref_slice %arg10[%dma_wait3A_153, %dma_wait3A_154] : memref<5x80xi32, #tpu.memory_space<vmem>> -> memref<1x80xi32, #tpu.memory_space<vmem>>
    %dma_wait3A_156 = tpu.memref_squeeze %dma_wait3A_155 : memref<1x80xi32, #tpu.memory_space<vmem>> -> memref<80xi32, #tpu.memory_space<vmem>>
    %dma_wait3A_157 = arith.constant 0 : i32
    %dma_wait3A_158 = tpu.memref_slice %arg3[%dma_wait3A_157] : memref<819200xi32, #tpu.memory_space<hbm>> -> memref<80xi32, #tpu.memory_space<hbm>>
    %dma_wait3A_159 = arith.constant 0 : i32
    %dma_wait3A_160 = tpu.memref_slice %arg10[%dma_wait3A_153, %dma_wait3A_159] : memref<5x80xi32, #tpu.memory_space<vmem>> -> memref<1x80xi32, #tpu.memory_space<vmem>>
    %dma_wait3A_161 = tpu.memref_squeeze %dma_wait3A_160 : memref<1x80xi32, #tpu.memory_space<vmem>> -> memref<80xi32, #tpu.memory_space<vmem>>
    %dma_wait3A_162 = arith.constant 0 : i32
    %dma_wait3A_163 = tpu.memref_slice %arg3[%dma_wait3A_162] : memref<819200xi32, #tpu.memory_space<hbm>> -> memref<80xi32, #tpu.memory_space<hbm>>
    tpu.wait_dma2 semaphore(%arg15 : memref<!tpu.dma_semaphore, #tpu.memory_space<semaphore_mem>>) src(%dma_wait3A_163 : memref<80xi32, #tpu.memory_space<hbm>>) dst(%dma_wait3A_161 : memref<80xi32, #tpu.memory_space<vmem>>)
    %dma_wait3A_164 = arith.constant 2 : i32
    %dma_wait3A_165 = arith.constant 0 : i32
    %dma_wait3A_166 = tpu.memref_slice %arg10[%dma_wait3A_164, %dma_wait3A_165] : memref<5x80xi32, #tpu.memory_space<vmem>> -> memref<1x80xi32, #tpu.memory_space<vmem>>
    %dma_wait3A_167 = tpu.memref_squeeze %dma_wait3A_166 : memref<1x80xi32, #tpu.memory_space<vmem>> -> memref<80xi32, #tpu.memory_space<vmem>>
    %dma_wait3A_168 = arith.constant 0 : i32
    %dma_wait3A_169 = tpu.memref_slice %arg4[%dma_wait3A_168] : memref<819200xi32, #tpu.memory_space<hbm>> -> memref<80xi32, #tpu.memory_space<hbm>>
    %dma_wait3A_170 = arith.constant 0 : i32
    %dma_wait3A_171 = tpu.memref_slice %arg10[%dma_wait3A_164, %dma_wait3A_170] : memref<5x80xi32, #tpu.memory_space<vmem>> -> memref<1x80xi32, #tpu.memory_space<vmem>>
    %dma_wait3A_172 = tpu.memref_squeeze %dma_wait3A_171 : memref<1x80xi32, #tpu.memory_space<vmem>> -> memref<80xi32, #tpu.memory_space<vmem>>
    %dma_wait3A_173 = arith.constant 0 : i32
    %dma_wait3A_174 = tpu.memref_slice %arg4[%dma_wait3A_173] : memref<819200xi32, #tpu.memory_space<hbm>> -> memref<80xi32, #tpu.memory_space<hbm>>
    tpu.wait_dma2 semaphore(%arg15 : memref<!tpu.dma_semaphore, #tpu.memory_space<semaphore_mem>>) src(%dma_wait3A_174 : memref<80xi32, #tpu.memory_space<hbm>>) dst(%dma_wait3A_172 : memref<80xi32, #tpu.memory_space<vmem>>)
    %dma_wait3A_175 = arith.constant 3 : i32
    %dma_wait3A_176 = arith.constant 0 : i32
    %dma_wait3A_177 = tpu.memref_slice %arg10[%dma_wait3A_175, %dma_wait3A_176] : memref<5x80xi32, #tpu.memory_space<vmem>> -> memref<1x80xi32, #tpu.memory_space<vmem>>
    %dma_wait3A_178 = tpu.memref_squeeze %dma_wait3A_177 : memref<1x80xi32, #tpu.memory_space<vmem>> -> memref<80xi32, #tpu.memory_space<vmem>>
    %dma_wait3A_179 = arith.constant 0 : i32
    %dma_wait3A_180 = tpu.memref_slice %arg5[%dma_wait3A_179] : memref<819200xi32, #tpu.memory_space<hbm>> -> memref<80xi32, #tpu.memory_space<hbm>>
    %dma_wait3A_181 = arith.constant 0 : i32
    %dma_wait3A_182 = tpu.memref_slice %arg10[%dma_wait3A_175, %dma_wait3A_181] : memref<5x80xi32, #tpu.memory_space<vmem>> -> memref<1x80xi32, #tpu.memory_space<vmem>>
    %dma_wait3A_183 = tpu.memref_squeeze %dma_wait3A_182 : memref<1x80xi32, #tpu.memory_space<vmem>> -> memref<80xi32, #tpu.memory_space<vmem>>
    %dma_wait3A_184 = arith.constant 0 : i32
    %dma_wait3A_185 = tpu.memref_slice %arg5[%dma_wait3A_184] : memref<819200xi32, #tpu.memory_space<hbm>> -> memref<80xi32, #tpu.memory_space<hbm>>
    tpu.wait_dma2 semaphore(%arg15 : memref<!tpu.dma_semaphore, #tpu.memory_space<semaphore_mem>>) src(%dma_wait3A_185 : memref<80xi32, #tpu.memory_space<hbm>>) dst(%dma_wait3A_183 : memref<80xi32, #tpu.memory_space<vmem>>)
    %dma_wait3A_186 = arith.constant 4 : i32
    %dma_wait3A_187 = arith.constant 0 : i32
    %dma_wait3A_188 = tpu.memref_slice %arg10[%dma_wait3A_186, %dma_wait3A_187] : memref<5x80xi32, #tpu.memory_space<vmem>> -> memref<1x80xi32, #tpu.memory_space<vmem>>
    %dma_wait3A_189 = tpu.memref_squeeze %dma_wait3A_188 : memref<1x80xi32, #tpu.memory_space<vmem>> -> memref<80xi32, #tpu.memory_space<vmem>>
    %dma_wait3A_190 = arith.constant 0 : i32
    %dma_wait3A_191 = tpu.memref_slice %arg6[%dma_wait3A_190] : memref<819200xi32, #tpu.memory_space<hbm>> -> memref<80xi32, #tpu.memory_space<hbm>>
    %dma_wait3A_192 = arith.constant 0 : i32
    %dma_wait3A_193 = tpu.memref_slice %arg10[%dma_wait3A_186, %dma_wait3A_192] : memref<5x80xi32, #tpu.memory_space<vmem>> -> memref<1x80xi32, #tpu.memory_space<vmem>>
    %dma_wait3A_194 = tpu.memref_squeeze %dma_wait3A_193 : memref<1x80xi32, #tpu.memory_space<vmem>> -> memref<80xi32, #tpu.memory_space<vmem>>
    %dma_wait3A_195 = arith.constant 0 : i32
    %dma_wait3A_196 = tpu.memref_slice %arg6[%dma_wait3A_195] : memref<819200xi32, #tpu.memory_space<hbm>> -> memref<80xi32, #tpu.memory_space<hbm>>
    tpu.wait_dma2 semaphore(%arg15 : memref<!tpu.dma_semaphore, #tpu.memory_space<semaphore_mem>>) src(%dma_wait3A_196 : memref<80xi32, #tpu.memory_space<hbm>>) dst(%dma_wait3A_194 : memref<80xi32, #tpu.memory_space<vmem>>)
    %get3A = arith.constant 0 : i32
    %get3A_197 = arith.index_cast %get3A : i32 to index
    %get3A_198 = arith.constant 0 : index
    %get3A_199 = tpu.vector_load %arg10[%get3A_197, %get3A_198] {strides = array<i32>} : memref<5x80xi32, #tpu.memory_space<vmem>>, vector<1x16xi32>,
    %get3A_200 = vector.shape_cast %get3A_199 : vector<1x16xi32> to vector<16xi32>
    %get3A_201 = arith.constant 1 : i32
    %get3A_202 = arith.index_cast %get3A_201 : i32 to index
    %get3A_203 = arith.constant 0 : index
    %get3A_204 = tpu.vector_load %arg10[%get3A_202, %get3A_203] {strides = array<i32>} : memref<5x80xi32, #tpu.memory_space<vmem>>, vector<1x16xi32>,
    %get3A_205 = vector.shape_cast %get3A_204 : vector<1x16xi32> to vector<16xi32>
    %get3A_206 = arith.constant 2 : i32
    %get3A_207 = arith.index_cast %get3A_206 : i32 to index
    %get3A_208 = arith.constant 0 : index
    %get3A_209 = tpu.vector_load %arg10[%get3A_207, %get3A_208] {strides = array<i32>} : memref<5x80xi32, #tpu.memory_space<vmem>>, vector<1x16xi32>,
    %get3A_210 = vector.shape_cast %get3A_209 : vector<1x16xi32> to vector<16xi32>
    %get3A_211 = arith.constant 3 : i32
    %get3A_212 = arith.index_cast %get3A_211 : i32 to index
    %get3A_213 = arith.constant 0 : index
    %get3A_214 = tpu.vector_load %arg10[%get3A_212, %get3A_213] {strides = array<i32>} : memref<5x80xi32, #tpu.memory_space<vmem>>, vector<1x16xi32>,
    %get3A_215 = vector.shape_cast %get3A_214 : vector<1x16xi32> to vector<16xi32>
    %get3A_216 = arith.constant 4 : i32
    %get3A_217 = arith.index_cast %get3A_216 : i32 to index
    %get3A_218 = arith.constant 0 : index
    %get3A_219 = tpu.vector_load %arg10[%get3A_217, %get3A_218] {strides = array<i32>} : memref<5x80xi32, #tpu.memory_space<vmem>>, vector<1x16xi32>,
    %get3A_220 = vector.shape_cast %get3A_219 : vector<1x16xi32> to vector<16xi32>
    %mul3A_221 = arith.constant 49 : i32
    %mul3A_222 = vector.broadcast %mul3A_221 : i32 to vector<16xi32>
    %mul3A_223 = arith.muli %get3A_200, %mul3A_222 : vector<16xi32>
    %add3A_224 = arith.addi %mul3A_223, %get3A_205 : vector<16xi32>
    %mul3A_225 = arith.constant 48 : i32
    %mul3A_226 = vector.broadcast %mul3A_225 : i32 to vector<16xi32>
    %mul3A_227 = arith.muli %add3A_224, %mul3A_226 : vector<16xi32>
    %add3A_228 = arith.addi %mul3A_227, %get3A_220 : vector<16xi32>
    %swap3A = arith.constant 0 : index
    %swap3A_229 = tpu.vector_load %arg11[%swap3A] {strides = array<i32>} : memref<80xi32, #tpu.memory_space<vmem>>, vector<16xi32>,
    %swap3A_230 = vector.shape_cast %swap3A_229 : vector<16xi32> to vector<16xi32>
    %swap3A_231 = vector.shape_cast %add3A_228 : vector<16xi32> to vector<16xi32>
    tpu.vector_store %arg11[%swap3A], %swap3A_231 {strides = array<i32>} : memref<80xi32, #tpu.memory_space<vmem>>, vector<16xi32>,
    %mul3A_232 = arith.constant 208 : i32
    %mul3A_233 = vector.broadcast %mul3A_232 : i32 to vector<16xi32>
    %mul3A_234 = arith.muli %get3A_210, %mul3A_233 : vector<16xi32>
    %add3A_235 = arith.addi %mul3A_234, %get3A_215 : vector<16xi32>
    %swap3A_236 = arith.constant 0 : index
    %swap3A_237 = tpu.vector_load %arg12[%swap3A_236] {strides = array<i32>} : memref<80xi32, #tpu.memory_space<vmem>>, vector<16xi32>,
    %swap3A_238 = vector.shape_cast %swap3A_237 : vector<16xi32> to vector<16xi32>
    %swap3A_239 = vector.shape_cast %add3A_235 : vector<16xi32> to vector<16xi32>
    tpu.vector_store %arg12[%swap3A_236], %swap3A_239 {strides = array<i32>} : memref<80xi32, #tpu.memory_space<vmem>>, vector<16xi32>,
    %get3A_240 = arith.constant 0 : i32
    %get3A_241 = arith.index_cast %get3A_240 : i32 to index
    %get3A_242 = arith.constant 16 : index
    %get3A_243 = tpu.vector_load %arg10[%get3A_241, %get3A_242] {strides = array<i32>} : memref<5x80xi32, #tpu.memory_space<vmem>>, vector<1x16xi32>,
    %get3A_244 = vector.shape_cast %get3A_243 : vector<1x16xi32> to vector<16xi32>
    %get3A_245 = arith.constant 1 : i32
    %get3A_246 = arith.index_cast %get3A_245 : i32 to index
    %get3A_247 = arith.constant 16 : index
    %get3A_248 = tpu.vector_load %arg10[%get3A_246, %get3A_247] {strides = array<i32>} : memref<5x80xi32, #tpu.memory_space<vmem>>, vector<1x16xi32>,
    %get3A_249 = vector.shape_cast %get3A_248 : vector<1x16xi32> to vector<16xi32>
    %get3A_250 = arith.constant 2 : i32
    %get3A_251 = arith.index_cast %get3A_250 : i32 to index
    %get3A_252 = arith.constant 16 : index
    %get3A_253 = tpu.vector_load %arg10[%get3A_251, %get3A_252] {strides = array<i32>} : memref<5x80xi32, #tpu.memory_space<vmem>>, vector<1x16xi32>,
    %get3A_254 = vector.shape_cast %get3A_253 : vector<1x16xi32> to vector<16xi32>
    %get3A_255 = arith.constant 3 : i32
    %get3A_256 = arith.index_cast %get3A_255 : i32 to index
    %get3A_257 = arith.constant 16 : index
    %get3A_258 = tpu.vector_load %arg10[%get3A_256, %get3A_257] {strides = array<i32>} : memref<5x80xi32, #tpu.memory_space<vmem>>, vector<1x16xi32>,
    %get3A_259 = vector.shape_cast %get3A_258 : vector<1x16xi32> to vector<16xi32>
    %get3A_260 = arith.constant 4 : i32
    %get3A_261 = arith.index_cast %get3A_260 : i32 to index
    %get3A_262 = arith.constant 16 : index
    %get3A_263 = tpu.vector_load %arg10[%get3A_261, %get3A_262] {strides = array<i32>} : memref<5x80xi32, #tpu.memory_space<vmem>>, vector<1x16xi32>,
    %get3A_264 = vector.shape_cast %get3A_263 : vector<1x16xi32> to vector<16xi32>
    %mul3A_265 = arith.constant 49 : i32
    %mul3A_266 = vector.broadcast %mul3A_265 : i32 to vector<16xi32>
    %mul3A_267 = arith.muli %get3A_244, %mul3A_266 : vector<16xi32>
    %add3A_268 = arith.addi %mul3A_267, %get3A_249 : vector<16xi32>
    %mul3A_269 = arith.constant 48 : i32
    %mul3A_270 = vector.broadcast %mul3A_269 : i32 to vector<16xi32>
    %mul3A_271 = arith.muli %add3A_268, %mul3A_270 : vector<16xi32>
    %add3A_272 = arith.addi %mul3A_271, %get3A_264 : vector<16xi32>
    %swap3A_273 = arith.constant 16 : index
    %swap3A_274 = tpu.vector_load %arg11[%swap3A_273] {strides = array<i32>} : memref<80xi32, #tpu.memory_space<vmem>>, vector<16xi32>,
    %swap3A_275 = vector.shape_cast %swap3A_274 : vector<16xi32> to vector<16xi32>
    %swap3A_276 = vector.shape_cast %add3A_272 : vector<16xi32> to vector<16xi32>
    tpu.vector_store %arg11[%swap3A_273], %swap3A_276 {strides = array<i32>} : memref<80xi32, #tpu.memory_space<vmem>>, vector<16xi32>,
    %mul3A_277 = arith.constant 208 : i32
    %mul3A_278 = vector.broadcast %mul3A_277 : i32 to vector<16xi32>
    %mul3A_279 = arith.muli %get3A_254, %mul3A_278 : vector<16xi32>
    %add3A_280 = arith.addi %mul3A_279, %get3A_259 : vector<16xi32>
    %swap3A_281 = arith.constant 16 : index
    %swap3A_282 = tpu.vector_load %arg12[%swap3A_281] {strides = array<i32>} : memref<80xi32, #tpu.memory_space<vmem>>, vector<16xi32>,
    %swap3A_283 = vector.shape_cast %swap3A_282 : vector<16xi32> to vector<16xi32>
    %swap3A_284 = vector.shape_cast %add3A_280 : vector<16xi32> to vector<16xi32>
    tpu.vector_store %arg12[%swap3A_281], %swap3A_284 {strides = array<i32>} : memref<80xi32, #tpu.memory_space<vmem>>, vector<16xi32>,
    %get3A_285 = arith.constant 0 : i32
    %get3A_286 = arith.index_cast %get3A_285 : i32 to index
    %get3A_287 = arith.constant 32 : index
    %get3A_288 = tpu.vector_load %arg10[%get3A_286, %get3A_287] {strides = array<i32>} : memref<5x80xi32, #tpu.memory_space<vmem>>, vector<1x16xi32>,
    %get3A_289 = vector.shape_cast %get3A_288 : vector<1x16xi32> to vector<16xi32>
    %get3A_290 = arith.constant 1 : i32
    %get3A_291 = arith.index_cast %get3A_290 : i32 to index
    %get3A_292 = arith.constant 32 : index
    %get3A_293 = tpu.vector_load %arg10[%get3A_291, %get3A_292] {strides = array<i32>} : memref<5x80xi32, #tpu.memory_space<vmem>>, vector<1x16xi32>,
    %get3A_294 = vector.shape_cast %get3A_293 : vector<1x16xi32> to vector<16xi32>
    %get3A_295 = arith.constant 2 : i32
    %get3A_296 = arith.index_cast %get3A_295 : i32 to index
    %get3A_297 = arith.constant 32 : index
    %get3A_298 = tpu.vector_load %arg10[%get3A_296, %get3A_297] {strides = array<i32>} : memref<5x80xi32, #tpu.memory_space<vmem>>, vector<1x16xi32>,
    %get3A_299 = vector.shape_cast %get3A_298 : vector<1x16xi32> to vector<16xi32>
    %get3A_300 = arith.constant 3 : i32
    %get3A_301 = arith.index_cast %get3A_300 : i32 to index
    %get3A_302 = arith.constant 32 : index
    %get3A_303 = tpu.vector_load %arg10[%get3A_301, %get3A_302] {strides = array<i32>} : memref<5x80xi32, #tpu.memory_space<vmem>>, vector<1x16xi32>,
    %get3A_304 = vector.shape_cast %get3A_303 : vector<1x16xi32> to vector<16xi32>
    %get3A_305 = arith.constant 4 : i32
    %get3A_306 = arith.index_cast %get3A_305 : i32 to index
    %get3A_307 = arith.constant 32 : index
    %get3A_308 = tpu.vector_load %arg10[%get3A_306, %get3A_307] {strides = array<i32>} : memref<5x80xi32, #tpu.memory_space<vmem>>, vector<1x16xi32>,
    %get3A_309 = vector.shape_cast %get3A_308 : vector<1x16xi32> to vector<16xi32>
    %mul3A_310 = arith.constant 49 : i32
    %mul3A_311 = vector.broadcast %mul3A_310 : i32 to vector<16xi32>
    %mul3A_312 = arith.muli %get3A_289, %mul3A_311 : vector<16xi32>
    %add3A_313 = arith.addi %mul3A_312, %get3A_294 : vector<16xi32>
    %mul3A_314 = arith.constant 48 : i32
    %mul3A_315 = vector.broadcast %mul3A_314 : i32 to vector<16xi32>
    %mul3A_316 = arith.muli %add3A_313, %mul3A_315 : vector<16xi32>
    %add3A_317 = arith.addi %mul3A_316, %get3A_309 : vector<16xi32>
    %swap3A_318 = arith.constant 32 : index
    %swap3A_319 = tpu.vector_load %arg11[%swap3A_318] {strides = array<i32>} : memref<80xi32, #tpu.memory_space<vmem>>, vector<16xi32>,
    %swap3A_320 = vector.shape_cast %swap3A_319 : vector<16xi32> to vector<16xi32>
    %swap3A_321 = vector.shape_cast %add3A_317 : vector<16xi32> to vector<16xi32>
    tpu.vector_store %arg11[%swap3A_318], %swap3A_321 {strides = array<i32>} : memref<80xi32, #tpu.memory_space<vmem>>, vector<16xi32>,
    %mul3A_322 = arith.constant 208 : i32
    %mul3A_323 = vector.broadcast %mul3A_322 : i32 to vector<16xi32>
    %mul3A_324 = arith.muli %get3A_299, %mul3A_323 : vector<16xi32>
    %add3A_325 = arith.addi %mul3A_324, %get3A_304 : vector<16xi32>
    %swap3A_326 = arith.constant 32 : index
    %swap3A_327 = tpu.vector_load %arg12[%swap3A_326] {strides = array<i32>} : memref<80xi32, #tpu.memory_space<vmem>>, vector<16xi32>,
    %swap3A_328 = vector.shape_cast %swap3A_327 : vector<16xi32> to vector<16xi32>
    %swap3A_329 = vector.shape_cast %add3A_325 : vector<16xi32> to vector<16xi32>
    tpu.vector_store %arg12[%swap3A_326], %swap3A_329 {strides = array<i32>} : memref<80xi32, #tpu.memory_space<vmem>>, vector<16xi32>,
    %get3A_330 = arith.constant 0 : i32
    %get3A_331 = arith.index_cast %get3A_330 : i32 to index
    %get3A_332 = arith.constant 48 : index
    %get3A_333 = tpu.vector_load %arg10[%get3A_331, %get3A_332] {strides = array<i32>} : memref<5x80xi32, #tpu.memory_space<vmem>>, vector<1x16xi32>,
    %get3A_334 = vector.shape_cast %get3A_333 : vector<1x16xi32> to vector<16xi32>
    %get3A_335 = arith.constant 1 : i32
    %get3A_336 = arith.index_cast %get3A_335 : i32 to index
    %get3A_337 = arith.constant 48 : index
    %get3A_338 = tpu.vector_load %arg10[%get3A_336, %get3A_337] {strides = array<i32>} : memref<5x80xi32, #tpu.memory_space<vmem>>, vector<1x16xi32>,
    %get3A_339 = vector.shape_cast %get3A_338 : vector<1x16xi32> to vector<16xi32>
    %get3A_340 = arith.constant 2 : i32
    %get3A_341 = arith.index_cast %get3A_340 : i32 to index
    %get3A_342 = arith.constant 48 : index
    %get3A_343 = tpu.vector_load %arg10[%get3A_341, %get3A_342] {strides = array<i32>} : memref<5x80xi32, #tpu.memory_space<vmem>>, vector<1x16xi32>,
    %get3A_344 = vector.shape_cast %get3A_343 : vector<1x16xi32> to vector<16xi32>
    %get3A_345 = arith.constant 3 : i32
    %get3A_346 = arith.index_cast %get3A_345 : i32 to index
    %get3A_347 = arith.constant 48 : index
    %get3A_348 = tpu.vector_load %arg10[%get3A_346, %get3A_347] {strides = array<i32>} : memref<5x80xi32, #tpu.memory_space<vmem>>, vector<1x16xi32>,
    %get3A_349 = vector.shape_cast %get3A_348 : vector<1x16xi32> to vector<16xi32>
    %get3A_350 = arith.constant 4 : i32
    %get3A_351 = arith.index_cast %get3A_350 : i32 to index
    %get3A_352 = arith.constant 48 : index
    %get3A_353 = tpu.vector_load %arg10[%get3A_351, %get3A_352] {strides = array<i32>} : memref<5x80xi32, #tpu.memory_space<vmem>>, vector<1x16xi32>,
    %get3A_354 = vector.shape_cast %get3A_353 : vector<1x16xi32> to vector<16xi32>
    %mul3A_355 = arith.constant 49 : i32
    %mul3A_356 = vector.broadcast %mul3A_355 : i32 to vector<16xi32>
    %mul3A_357 = arith.muli %get3A_334, %mul3A_356 : vector<16xi32>
    %add3A_358 = arith.addi %mul3A_357, %get3A_339 : vector<16xi32>
    %mul3A_359 = arith.constant 48 : i32
    %mul3A_360 = vector.broadcast %mul3A_359 : i32 to vector<16xi32>
    %mul3A_361 = arith.muli %add3A_358, %mul3A_360 : vector<16xi32>
    %add3A_362 = arith.addi %mul3A_361, %get3A_354 : vector<16xi32>
    %swap3A_363 = arith.constant 48 : index
    %swap3A_364 = tpu.vector_load %arg11[%swap3A_363] {strides = array<i32>} : memref<80xi32, #tpu.memory_space<vmem>>, vector<16xi32>,
    %swap3A_365 = vector.shape_cast %swap3A_364 : vector<16xi32> to vector<16xi32>
    %swap3A_366 = vector.shape_cast %add3A_362 : vector<16xi32> to vector<16xi32>
    tpu.vector_store %arg11[%swap3A_363], %swap3A_366 {strides = array<i32>} : memref<80xi32, #tpu.memory_space<vmem>>, vector<16xi32>,
    %mul3A_367 = arith.constant 208 : i32
    %mul3A_368 = vector.broadcast %mul3A_367 : i32 to vector<16xi32>
    %mul3A_369 = arith.muli %get3A_344, %mul3A_368 : vector<16xi32>
    %add3A_370 = arith.addi %mul3A_369, %get3A_349 : vector<16xi32>
    %swap3A_371 = arith.constant 48 : index
    %swap3A_372 = tpu.vector_load %arg12[%swap3A_371] {strides = array<i32>} : memref<80xi32, #tpu.memory_space<vmem>>, vector<16xi32>,
    %swap3A_373 = vector.shape_cast %swap3A_372 : vector<16xi32> to vector<16xi32>
    %swap3A_374 = vector.shape_cast %add3A_370 : vector<16xi32> to vector<16xi32>
    tpu.vector_store %arg12[%swap3A_371], %swap3A_374 {strides = array<i32>} : memref<80xi32, #tpu.memory_space<vmem>>, vector<16xi32>,
    %get3A_375 = arith.constant 0 : i32
    %get3A_376 = arith.index_cast %get3A_375 : i32 to index
    %get3A_377 = arith.constant 64 : index
    %get3A_378 = tpu.vector_load %arg10[%get3A_376, %get3A_377] {strides = array<i32>} : memref<5x80xi32, #tpu.memory_space<vmem>>, vector<1x16xi32>,
    %get3A_379 = vector.shape_cast %get3A_378 : vector<1x16xi32> to vector<16xi32>
    %get3A_380 = arith.constant 1 : i32
    %get3A_381 = arith.index_cast %get3A_380 : i32 to index
    %get3A_382 = arith.constant 64 : index
    %get3A_383 = tpu.vector_load %arg10[%get3A_381, %get3A_382] {strides = array<i32>} : memref<5x80xi32, #tpu.memory_space<vmem>>, vector<1x16xi32>,
    %get3A_384 = vector.shape_cast %get3A_383 : vector<1x16xi32> to vector<16xi32>
    %get3A_385 = arith.constant 2 : i32
    %get3A_386 = arith.index_cast %get3A_385 : i32 to index
    %get3A_387 = arith.constant 64 : index
    %get3A_388 = tpu.vector_load %arg10[%get3A_386, %get3A_387] {strides = array<i32>} : memref<5x80xi32, #tpu.memory_space<vmem>>, vector<1x16xi32>,
    %get3A_389 = vector.shape_cast %get3A_388 : vector<1x16xi32> to vector<16xi32>
    %get3A_390 = arith.constant 3 : i32
    %get3A_391 = arith.index_cast %get3A_390 : i32 to index
    %get3A_392 = arith.constant 64 : index
    %get3A_393 = tpu.vector_load %arg10[%get3A_391, %get3A_392] {strides = array<i32>} : memref<5x80xi32, #tpu.memory_space<vmem>>, vector<1x16xi32>,
    %get3A_394 = vector.shape_cast %get3A_393 : vector<1x16xi32> to vector<16xi32>
    %get3A_395 = arith.constant 4 : i32
    %get3A_396 = arith.index_cast %get3A_395 : i32 to index
    %get3A_397 = arith.constant 64 : index
    %get3A_398 = tpu.vector_load %arg10[%get3A_396, %get3A_397] {strides = array<i32>} : memref<5x80xi32, #tpu.memory_space<vmem>>, vector<1x16xi32>,
    %get3A_399 = vector.shape_cast %get3A_398 : vector<1x16xi32> to vector<16xi32>
    %mul3A_400 = arith.constant 49 : i32
    %mul3A_401 = vector.broadcast %mul3A_400 : i32 to vector<16xi32>
    %mul3A_402 = arith.muli %get3A_379, %mul3A_401 : vector<16xi32>
    %add3A_403 = arith.addi %mul3A_402, %get3A_384 : vector<16xi32>
    %mul3A_404 = arith.constant 48 : i32
    %mul3A_405 = vector.broadcast %mul3A_404 : i32 to vector<16xi32>
    %mul3A_406 = arith.muli %add3A_403, %mul3A_405 : vector<16xi32>
    %add3A_407 = arith.addi %mul3A_406, %get3A_399 : vector<16xi32>
    %swap3A_408 = arith.constant 64 : index
    %swap3A_409 = tpu.vector_load %arg11[%swap3A_408] {strides = array<i32>} : memref<80xi32, #tpu.memory_space<vmem>>, vector<16xi32>,
    %swap3A_410 = vector.shape_cast %swap3A_409 : vector<16xi32> to vector<16xi32>
    %swap3A_411 = vector.shape_cast %add3A_407 : vector<16xi32> to vector<16xi32>
    tpu.vector_store %arg11[%swap3A_408], %swap3A_411 {strides = array<i32>} : memref<80xi32, #tpu.memory_space<vmem>>, vector<16xi32>,
    %mul3A_412 = arith.constant 208 : i32
    %mul3A_413 = vector.broadcast %mul3A_412 : i32 to vector<16xi32>
    %mul3A_414 = arith.muli %get3A_389, %mul3A_413 : vector<16xi32>
    %add3A_415 = arith.addi %mul3A_414, %get3A_394 : vector<16xi32>
    %swap3A_416 = arith.constant 64 : index
    %swap3A_417 = tpu.vector_load %arg12[%swap3A_416] {strides = array<i32>} : memref<80xi32, #tpu.memory_space<vmem>>, vector<16xi32>,
    %swap3A_418 = vector.shape_cast %swap3A_417 : vector<16xi32> to vector<16xi32>
    %swap3A_419 = vector.shape_cast %add3A_415 : vector<16xi32> to vector<16xi32>
    tpu.vector_store %arg12[%swap3A_416], %swap3A_419 {strides = array<i32>} : memref<80xi32, #tpu.memory_space<vmem>>, vector<16xi32>,
    %dma_start3A_420 = arith.constant 0 : i32
    %dma_start3A_421 = arith.constant 0 : i32
    %dma_start3A_422 = arith.constant 0 : i32
    %dma_start3A_423 = tpu.memref_slice %arg13[%dma_start3A_420, %dma_start3A_421, %dma_start3A_422] : memref<2x80x128xf32, #tpu.memory_space<vmem>> -> memref<1x80x128xf32, #tpu.memory_space<vmem>>
    %dma_start3A_424 = tpu.memref_squeeze %dma_start3A_423 : memref<1x80x128xf32, #tpu.memory_space<vmem>> -> memref<80x128xf32, #tpu.memory_space<vmem>>
    %dma_start3A_425 = arith.constant 0 : i32
    %dma_start3A_426 = arith.constant 0 : i32
    %dma_start3A_427 = tpu.memref_slice %arg7[%dma_start3A_425, %dma_start3A_426] : memref<178752x128xf32, #tpu.memory_space<hbm>> -> memref<178752x128xf32, #tpu.memory_space<hbm>>
    tpu.enqueue_indirect_dma source(%dma_start3A_427 : memref<178752x128xf32, #tpu.memory_space<hbm>>) target(%dma_start3A_424 : memref<80x128xf32, #tpu.memory_space<vmem>>) offsets(%arg11 : memref<80xi32, #tpu.memory_space<vmem>>) semaphore(%arg16 : memref<!tpu.dma_semaphore, #tpu.memory_space<semaphore_mem>>)
    %dma_start3A_428 = arith.constant 1 : i32
    %dma_start3A_429 = arith.constant 0 : i32
    %dma_start3A_430 = arith.constant 0 : i32
    %dma_start3A_431 = tpu.memref_slice %arg13[%dma_start3A_428, %dma_start3A_429, %dma_start3A_430] : memref<2x80x128xf32, #tpu.memory_space<vmem>> -> memref<1x80x128xf32, #tpu.memory_space<vmem>>
    %dma_start3A_432 = tpu.memref_squeeze %dma_start3A_431 : memref<1x80x128xf32, #tpu.memory_space<vmem>> -> memref<80x128xf32, #tpu.memory_space<vmem>>
    %dma_start3A_433 = arith.constant 0 : i32
    %dma_start3A_434 = arith.constant 0 : i32
    %dma_start3A_435 = tpu.memref_slice %arg8[%dma_start3A_433, %dma_start3A_434] : memref<42016x128xf32, #tpu.memory_space<hbm>> -> memref<42016x128xf32, #tpu.memory_space<hbm>>
    tpu.enqueue_indirect_dma source(%dma_start3A_435 : memref<42016x128xf32, #tpu.memory_space<hbm>>) target(%dma_start3A_432 : memref<80x128xf32, #tpu.memory_space<vmem>>) offsets(%arg12 : memref<80xi32, #tpu.memory_space<vmem>>) semaphore(%arg16 : memref<!tpu.dma_semaphore, #tpu.memory_space<semaphore_mem>>)
    %dma_wait3A_436 = arith.constant 0 : i32
    %dma_wait3A_437 = arith.constant 0 : i32
    %dma_wait3A_438 = tpu.memref_slice %arg18[%dma_wait3A_436, %dma_wait3A_437] : memref<5x80xi32, #tpu.memory_space<vmem>> -> memref<1x80xi32, #tpu.memory_space<vmem>>
    %dma_wait3A_439 = tpu.memref_squeeze %dma_wait3A_438 : memref<1x80xi32, #tpu.memory_space<vmem>> -> memref<80xi32, #tpu.memory_space<vmem>>
    %dma_wait3A_440 = arith.constant 0 : i32
    %dma_wait3A_441 = tpu.memref_slice %arg2[%dma_wait3A_440] : memref<819200xi32, #tpu.memory_space<hbm>> -> memref<80xi32, #tpu.memory_space<hbm>>
    %dma_wait3A_442 = arith.constant 0 : i32
    %dma_wait3A_443 = tpu.memref_slice %arg18[%dma_wait3A_436, %dma_wait3A_442] : memref<5x80xi32, #tpu.memory_space<vmem>> -> memref<1x80xi32, #tpu.memory_space<vmem>>
    %dma_wait3A_444 = tpu.memref_squeeze %dma_wait3A_443 : memref<1x80xi32, #tpu.memory_space<vmem>> -> memref<80xi32, #tpu.memory_space<vmem>>
    %dma_wait3A_445 = arith.constant 0 : i32
    %dma_wait3A_446 = tpu.memref_slice %arg2[%dma_wait3A_445] : memref<819200xi32, #tpu.memory_space<hbm>> -> memref<80xi32, #tpu.memory_space<hbm>>
    tpu.wait_dma2 semaphore(%arg23 : memref<!tpu.dma_semaphore, #tpu.memory_space<semaphore_mem>>) src(%dma_wait3A_446 : memref<80xi32, #tpu.memory_space<hbm>>) dst(%dma_wait3A_444 : memref<80xi32, #tpu.memory_space<vmem>>)
    %dma_wait3A_447 = arith.constant 1 : i32
    %dma_wait3A_448 = arith.constant 0 : i32
    %dma_wait3A_449 = tpu.memref_slice %arg18[%dma_wait3A_447, %dma_wait3A_448] : memref<5x80xi32, #tpu.memory_space<vmem>> -> memref<1x80xi32, #tpu.memory_space<vmem>>
    %dma_wait3A_450 = tpu.memref_squeeze %dma_wait3A_449 : memref<1x80xi32, #tpu.memory_space<vmem>> -> memref<80xi32, #tpu.memory_space<vmem>>
    %dma_wait3A_451 = arith.constant 0 : i32
    %dma_wait3A_452 = tpu.memref_slice %arg3[%dma_wait3A_451] : memref<819200xi32, #tpu.memory_space<hbm>> -> memref<80xi32, #tpu.memory_space<hbm>>
    %dma_wait3A_453 = arith.constant 0 : i32
    %dma_wait3A_454 = tpu.memref_slice %arg18[%dma_wait3A_447, %dma_wait3A_453] : memref<5x80xi32, #tpu.memory_space<vmem>> -> memref<1x80xi32, #tpu.memory_space<vmem>>
    %dma_wait3A_455 = tpu.memref_squeeze %dma_wait3A_454 : memref<1x80xi32, #tpu.memory_space<vmem>> -> memref<80xi32, #tpu.memory_space<vmem>>
    %dma_wait3A_456 = arith.constant 0 : i32
    %dma_wait3A_457 = tpu.memref_slice %arg3[%dma_wait3A_456] : memref<819200xi32, #tpu.memory_space<hbm>> -> memref<80xi32, #tpu.memory_space<hbm>>
    tpu.wait_dma2 semaphore(%arg23 : memref<!tpu.dma_semaphore, #tpu.memory_space<semaphore_mem>>) src(%dma_wait3A_457 : memref<80xi32, #tpu.memory_space<hbm>>) dst(%dma_wait3A_455 : memref<80xi32, #tpu.memory_space<vmem>>)
    %dma_wait3A_458 = arith.constant 2 : i32
    %dma_wait3A_459 = arith.constant 0 : i32
    %dma_wait3A_460 = tpu.memref_slice %arg18[%dma_wait3A_458, %dma_wait3A_459] : memref<5x80xi32, #tpu.memory_space<vmem>> -> memref<1x80xi32, #tpu.memory_space<vmem>>
    %dma_wait3A_461 = tpu.memref_squeeze %dma_wait3A_460 : memref<1x80xi32, #tpu.memory_space<vmem>> -> memref<80xi32, #tpu.memory_space<vmem>>
    %dma_wait3A_462 = arith.constant 0 : i32
    %dma_wait3A_463 = tpu.memref_slice %arg4[%dma_wait3A_462] : memref<819200xi32, #tpu.memory_space<hbm>> -> memref<80xi32, #tpu.memory_space<hbm>>
    %dma_wait3A_464 = arith.constant 0 : i32
    %dma_wait3A_465 = tpu.memref_slice %arg18[%dma_wait3A_458, %dma_wait3A_464] : memref<5x80xi32, #tpu.memory_space<vmem>> -> memref<1x80xi32, #tpu.memory_space<vmem>>
    %dma_wait3A_466 = tpu.memref_squeeze %dma_wait3A_465 : memref<1x80xi32, #tpu.memory_space<vmem>> -> memref<80xi32, #tpu.memory_space<vmem>>
    %dma_wait3A_467 = arith.constant 0 : i32
    %dma_wait3A_468 = tpu.memref_slice %arg4[%dma_wait3A_467] : memref<819200xi32, #tpu.memory_space<hbm>> -> memref<80xi32, #tpu.memory_space<hbm>>
    tpu.wait_dma2 semaphore(%arg23 : memref<!tpu.dma_semaphore, #tpu.memory_space<semaphore_mem>>) src(%dma_wait3A_468 : memref<80xi32, #tpu.memory_space<hbm>>) dst(%dma_wait3A_466 : memref<80xi32, #tpu.memory_space<vmem>>)
    %dma_wait3A_469 = arith.constant 3 : i32
    %dma_wait3A_470 = arith.constant 0 : i32
    %dma_wait3A_471 = tpu.memref_slice %arg18[%dma_wait3A_469, %dma_wait3A_470] : memref<5x80xi32, #tpu.memory_space<vmem>> -> memref<1x80xi32, #tpu.memory_space<vmem>>
    %dma_wait3A_472 = tpu.memref_squeeze %dma_wait3A_471 : memref<1x80xi32, #tpu.memory_space<vmem>> -> memref<80xi32, #tpu.memory_space<vmem>>
    %dma_wait3A_473 = arith.constant 0 : i32
    %dma_wait3A_474 = tpu.memref_slice %arg5[%dma_wait3A_473] : memref<819200xi32, #tpu.memory_space<hbm>> -> memref<80xi32, #tpu.memory_space<hbm>>
    %dma_wait3A_475 = arith.constant 0 : i32
    %dma_wait3A_476 = tpu.memref_slice %arg18[%dma_wait3A_469, %dma_wait3A_475] : memref<5x80xi32, #tpu.memory_space<vmem>> -> memref<1x80xi32, #tpu.memory_space<vmem>>
    %dma_wait3A_477 = tpu.memref_squeeze %dma_wait3A_476 : memref<1x80xi32, #tpu.memory_space<vmem>> -> memref<80xi32, #tpu.memory_space<vmem>>
    %dma_wait3A_478 = arith.constant 0 : i32
    %dma_wait3A_479 = tpu.memref_slice %arg5[%dma_wait3A_478] : memref<819200xi32, #tpu.memory_space<hbm>> -> memref<80xi32, #tpu.memory_space<hbm>>
    tpu.wait_dma2 semaphore(%arg23 : memref<!tpu.dma_semaphore, #tpu.memory_space<semaphore_mem>>) src(%dma_wait3A_479 : memref<80xi32, #tpu.memory_space<hbm>>) dst(%dma_wait3A_477 : memref<80xi32, #tpu.memory_space<vmem>>)
    %dma_wait3A_480 = arith.constant 4 : i32
    %dma_wait3A_481 = arith.constant 0 : i32
    %dma_wait3A_482 = tpu.memref_slice %arg18[%dma_wait3A_480, %dma_wait3A_481] : memref<5x80xi32, #tpu.memory_space<vmem>> -> memref<1x80xi32, #tpu.memory_space<vmem>>
    %dma_wait3A_483 = tpu.memref_squeeze %dma_wait3A_482 : memref<1x80xi32, #tpu.memory_space<vmem>> -> memref<80xi32, #tpu.memory_space<vmem>>
    %dma_wait3A_484 = arith.constant 0 : i32
    %dma_wait3A_485 = tpu.memref_slice %arg6[%dma_wait3A_484] : memref<819200xi32, #tpu.memory_space<hbm>> -> memref<80xi32, #tpu.memory_space<hbm>>
    %dma_wait3A_486 = arith.constant 0 : i32
    %dma_wait3A_487 = tpu.memref_slice %arg18[%dma_wait3A_480, %dma_wait3A_486] : memref<5x80xi32, #tpu.memory_space<vmem>> -> memref<1x80xi32, #tpu.memory_space<vmem>>
    %dma_wait3A_488 = tpu.memref_squeeze %dma_wait3A_487 : memref<1x80xi32, #tpu.memory_space<vmem>> -> memref<80xi32, #tpu.memory_space<vmem>>
    %dma_wait3A_489 = arith.constant 0 : i32
    %dma_wait3A_490 = tpu.memref_slice %arg6[%dma_wait3A_489] : memref<819200xi32, #tpu.memory_space<hbm>> -> memref<80xi32, #tpu.memory_space<hbm>>
    tpu.wait_dma2 semaphore(%arg23 : memref<!tpu.dma_semaphore, #tpu.memory_space<semaphore_mem>>) src(%dma_wait3A_490 : memref<80xi32, #tpu.memory_space<hbm>>) dst(%dma_wait3A_488 : memref<80xi32, #tpu.memory_space<vmem>>)
    %get3A_491 = arith.constant 0 : i32
    %get3A_492 = arith.index_cast %get3A_491 : i32 to index
    %get3A_493 = arith.constant 0 : index
    %get3A_494 = tpu.vector_load %arg18[%get3A_492, %get3A_493] {strides = array<i32>} : memref<5x80xi32, #tpu.memory_space<vmem>>, vector<1x16xi32>,
    %get3A_495 = vector.shape_cast %get3A_494 : vector<1x16xi32> to vector<16xi32>
    %get3A_496 = arith.constant 1 : i32
    %get3A_497 = arith.index_cast %get3A_496 : i32 to index
    %get3A_498 = arith.constant 0 : index
    %get3A_499 = tpu.vector_load %arg18[%get3A_497, %get3A_498] {strides = array<i32>} : memref<5x80xi32, #tpu.memory_space<vmem>>, vector<1x16xi32>,
    %get3A_500 = vector.shape_cast %get3A_499 : vector<1x16xi32> to vector<16xi32>
    %get3A_501 = arith.constant 2 : i32
    %get3A_502 = arith.index_cast %get3A_501 : i32 to index
    %get3A_503 = arith.constant 0 : index
    %get3A_504 = tpu.vector_load %arg18[%get3A_502, %get3A_503] {strides = array<i32>} : memref<5x80xi32, #tpu.memory_space<vmem>>, vector<1x16xi32>,
    %get3A_505 = vector.shape_cast %get3A_504 : vector<1x16xi32> to vector<16xi32>
    %get3A_506 = arith.constant 3 : i32
    %get3A_507 = arith.index_cast %get3A_506 : i32 to index
    %get3A_508 = arith.constant 0 : index
    %get3A_509 = tpu.vector_load %arg18[%get3A_507, %get3A_508] {strides = array<i32>} : memref<5x80xi32, #tpu.memory_space<vmem>>, vector<1x16xi32>,
    %get3A_510 = vector.shape_cast %get3A_509 : vector<1x16xi32> to vector<16xi32>
    %get3A_511 = arith.constant 4 : i32
    %get3A_512 = arith.index_cast %get3A_511 : i32 to index
    %get3A_513 = arith.constant 0 : index
    %get3A_514 = tpu.vector_load %arg18[%get3A_512, %get3A_513] {strides = array<i32>} : memref<5x80xi32, #tpu.memory_space<vmem>>, vector<1x16xi32>,
    %get3A_515 = vector.shape_cast %get3A_514 : vector<1x16xi32> to vector<16xi32>
    %mul3A_516 = arith.constant 49 : i32
    %mul3A_517 = vector.broadcast %mul3A_516 : i32 to vector<16xi32>
    %mul3A_518 = arith.muli %get3A_495, %mul3A_517 : vector<16xi32>
    %add3A_519 = arith.addi %mul3A_518, %get3A_500 : vector<16xi32>
    %mul3A_520 = arith.constant 48 : i32
    %mul3A_521 = vector.broadcast %mul3A_520 : i32 to vector<16xi32>
    %mul3A_522 = arith.muli %add3A_519, %mul3A_521 : vector<16xi32>
    %add3A_523 = arith.addi %mul3A_522, %get3A_515 : vector<16xi32>
    %swap3A_524 = arith.constant 0 : index
    %swap3A_525 = tpu.vector_load %arg19[%swap3A_524] {strides = array<i32>} : memref<80xi32, #tpu.memory_space<vmem>>, vector<16xi32>,
    %swap3A_526 = vector.shape_cast %swap3A_525 : vector<16xi32> to vector<16xi32>
    %swap3A_527 = vector.shape_cast %add3A_523 : vector<16xi32> to vector<16xi32>
    tpu.vector_store %arg19[%swap3A_524], %swap3A_527 {strides = array<i32>} : memref<80xi32, #tpu.memory_space<vmem>>, vector<16xi32>,
    %mul3A_528 = arith.constant 208 : i32
    %mul3A_529 = vector.broadcast %mul3A_528 : i32 to vector<16xi32>
    %mul3A_530 = arith.muli %get3A_505, %mul3A_529 : vector<16xi32>
    %add3A_531 = arith.addi %mul3A_530, %get3A_510 : vector<16xi32>
    %swap3A_532 = arith.constant 0 : index
    %swap3A_533 = tpu.vector_load %arg20[%swap3A_532] {strides = array<i32>} : memref<80xi32, #tpu.memory_space<vmem>>, vector<16xi32>,
    %swap3A_534 = vector.shape_cast %swap3A_533 : vector<16xi32> to vector<16xi32>
    %swap3A_535 = vector.shape_cast %add3A_531 : vector<16xi32> to vector<16xi32>
    tpu.vector_store %arg20[%swap3A_532], %swap3A_535 {strides = array<i32>} : memref<80xi32, #tpu.memory_space<vmem>>, vector<16xi32>,
    %get3A_536 = arith.constant 0 : i32
    %get3A_537 = arith.index_cast %get3A_536 : i32 to index
    %get3A_538 = arith.constant 16 : index
    %get3A_539 = tpu.vector_load %arg18[%get3A_537, %get3A_538] {strides = array<i32>} : memref<5x80xi32, #tpu.memory_space<vmem>>, vector<1x16xi32>,
    %get3A_540 = vector.shape_cast %get3A_539 : vector<1x16xi32> to vector<16xi32>
    %get3A_541 = arith.constant 1 : i32
    %get3A_542 = arith.index_cast %get3A_541 : i32 to index
    %get3A_543 = arith.constant 16 : index
    %get3A_544 = tpu.vector_load %arg18[%get3A_542, %get3A_543] {strides = array<i32>} : memref<5x80xi32, #tpu.memory_space<vmem>>, vector<1x16xi32>,
    %get3A_545 = vector.shape_cast %get3A_544 : vector<1x16xi32> to vector<16xi32>
    %get3A_546 = arith.constant 2 : i32
    %get3A_547 = arith.index_cast %get3A_546 : i32 to index
    %get3A_548 = arith.constant 16 : index
    %get3A_549 = tpu.vector_load %arg18[%get3A_547, %get3A_548] {strides = array<i32>} : memref<5x80xi32, #tpu.memory_space<vmem>>, vector<1x16xi32>,
    %get3A_550 = vector.shape_cast %get3A_549 : vector<1x16xi32> to vector<16xi32>
    %get3A_551 = arith.constant 3 : i32
    %get3A_552 = arith.index_cast %get3A_551 : i32 to index
    %get3A_553 = arith.constant 16 : index
    %get3A_554 = tpu.vector_load %arg18[%get3A_552, %get3A_553] {strides = array<i32>} : memref<5x80xi32, #tpu.memory_space<vmem>>, vector<1x16xi32>,
    %get3A_555 = vector.shape_cast %get3A_554 : vector<1x16xi32> to vector<16xi32>
    %get3A_556 = arith.constant 4 : i32
    %get3A_557 = arith.index_cast %get3A_556 : i32 to index
    %get3A_558 = arith.constant 16 : index
    %get3A_559 = tpu.vector_load %arg18[%get3A_557, %get3A_558] {strides = array<i32>} : memref<5x80xi32, #tpu.memory_space<vmem>>, vector<1x16xi32>,
    %get3A_560 = vector.shape_cast %get3A_559 : vector<1x16xi32> to vector<16xi32>
    %mul3A_561 = arith.constant 49 : i32
    %mul3A_562 = vector.broadcast %mul3A_561 : i32 to vector<16xi32>
    %mul3A_563 = arith.muli %get3A_540, %mul3A_562 : vector<16xi32>
    %add3A_564 = arith.addi %mul3A_563, %get3A_545 : vector<16xi32>
    %mul3A_565 = arith.constant 48 : i32
    %mul3A_566 = vector.broadcast %mul3A_565 : i32 to vector<16xi32>
    %mul3A_567 = arith.muli %add3A_564, %mul3A_566 : vector<16xi32>
    %add3A_568 = arith.addi %mul3A_567, %get3A_560 : vector<16xi32>
    %swap3A_569 = arith.constant 16 : index
    %swap3A_570 = tpu.vector_load %arg19[%swap3A_569] {strides = array<i32>} : memref<80xi32, #tpu.memory_space<vmem>>, vector<16xi32>,
    %swap3A_571 = vector.shape_cast %swap3A_570 : vector<16xi32> to vector<16xi32>
    %swap3A_572 = vector.shape_cast %add3A_568 : vector<16xi32> to vector<16xi32>
    tpu.vector_store %arg19[%swap3A_569], %swap3A_572 {strides = array<i32>} : memref<80xi32, #tpu.memory_space<vmem>>, vector<16xi32>,
    %mul3A_573 = arith.constant 208 : i32
    %mul3A_574 = vector.broadcast %mul3A_573 : i32 to vector<16xi32>
    %mul3A_575 = arith.muli %get3A_550, %mul3A_574 : vector<16xi32>
    %add3A_576 = arith.addi %mul3A_575, %get3A_555 : vector<16xi32>
    %swap3A_577 = arith.constant 16 : index
    %swap3A_578 = tpu.vector_load %arg20[%swap3A_577] {strides = array<i32>} : memref<80xi32, #tpu.memory_space<vmem>>, vector<16xi32>,
    %swap3A_579 = vector.shape_cast %swap3A_578 : vector<16xi32> to vector<16xi32>
    %swap3A_580 = vector.shape_cast %add3A_576 : vector<16xi32> to vector<16xi32>
    tpu.vector_store %arg20[%swap3A_577], %swap3A_580 {strides = array<i32>} : memref<80xi32, #tpu.memory_space<vmem>>, vector<16xi32>,
    %get3A_581 = arith.constant 0 : i32
    %get3A_582 = arith.index_cast %get3A_581 : i32 to index
    %get3A_583 = arith.constant 32 : index
    %get3A_584 = tpu.vector_load %arg18[%get3A_582, %get3A_583] {strides = array<i32>} : memref<5x80xi32, #tpu.memory_space<vmem>>, vector<1x16xi32>,
    %get3A_585 = vector.shape_cast %get3A_584 : vector<1x16xi32> to vector<16xi32>
    %get3A_586 = arith.constant 1 : i32
    %get3A_587 = arith.index_cast %get3A_586 : i32 to index
    %get3A_588 = arith.constant 32 : index
    %get3A_589 = tpu.vector_load %arg18[%get3A_587, %get3A_588] {strides = array<i32>} : memref<5x80xi32, #tpu.memory_space<vmem>>, vector<1x16xi32>,
    %get3A_590 = vector.shape_cast %get3A_589 : vector<1x16xi32> to vector<16xi32>
    %get3A_591 = arith.constant 2 : i32
    %get3A_592 = arith.index_cast %get3A_591 : i32 to index
    %get3A_593 = arith.constant 32 : index
    %get3A_594 = tpu.vector_load %arg18[%get3A_592, %get3A_593] {strides = array<i32>} : memref<5x80xi32, #tpu.memory_space<vmem>>, vector<1x16xi32>,
    %get3A_595 = vector.shape_cast %get3A_594 : vector<1x16xi32> to vector<16xi32>
    %get3A_596 = arith.constant 3 : i32
    %get3A_597 = arith.index_cast %get3A_596 : i32 to index
    %get3A_598 = arith.constant 32 : index
    %get3A_599 = tpu.vector_load %arg18[%get3A_597, %get3A_598] {strides = array<i32>} : memref<5x80xi32, #tpu.memory_space<vmem>>, vector<1x16xi32>,
    %get3A_600 = vector.shape_cast %get3A_599 : vector<1x16xi32> to vector<16xi32>
    %get3A_601 = arith.constant 4 : i32
    %get3A_602 = arith.index_cast %get3A_601 : i32 to index
    %get3A_603 = arith.constant 32 : index
    %get3A_604 = tpu.vector_load %arg18[%get3A_602, %get3A_603] {strides = array<i32>} : memref<5x80xi32, #tpu.memory_space<vmem>>, vector<1x16xi32>,
    %get3A_605 = vector.shape_cast %get3A_604 : vector<1x16xi32> to vector<16xi32>
    %mul3A_606 = arith.constant 49 : i32
    %mul3A_607 = vector.broadcast %mul3A_606 : i32 to vector<16xi32>
    %mul3A_608 = arith.muli %get3A_585, %mul3A_607 : vector<16xi32>
    %add3A_609 = arith.addi %mul3A_608, %get3A_590 : vector<16xi32>
    %mul3A_610 = arith.constant 48 : i32
    %mul3A_611 = vector.broadcast %mul3A_610 : i32 to vector<16xi32>
    %mul3A_612 = arith.muli %add3A_609, %mul3A_611 : vector<16xi32>
    %add3A_613 = arith.addi %mul3A_612, %get3A_605 : vector<16xi32>
    %swap3A_614 = arith.constant 32 : index
    %swap3A_615 = tpu.vector_load %arg19[%swap3A_614] {strides = array<i32>} : memref<80xi32, #tpu.memory_space<vmem>>, vector<16xi32>,
    %swap3A_616 = vector.shape_cast %swap3A_615 : vector<16xi32> to vector<16xi32>
    %swap3A_617 = vector.shape_cast %add3A_613 : vector<16xi32> to vector<16xi32>
    tpu.vector_store %arg19[%swap3A_614], %swap3A_617 {strides = array<i32>} : memref<80xi32, #tpu.memory_space<vmem>>, vector<16xi32>,
    %mul3A_618 = arith.constant 208 : i32
    %mul3A_619 = vector.broadcast %mul3A_618 : i32 to vector<16xi32>
    %mul3A_620 = arith.muli %get3A_595, %mul3A_619 : vector<16xi32>
    %add3A_621 = arith.addi %mul3A_620, %get3A_600 : vector<16xi32>
    %swap3A_622 = arith.constant 32 : index
    %swap3A_623 = tpu.vector_load %arg20[%swap3A_622] {strides = array<i32>} : memref<80xi32, #tpu.memory_space<vmem>>, vector<16xi32>,
    %swap3A_624 = vector.shape_cast %swap3A_623 : vector<16xi32> to vector<16xi32>
    %swap3A_625 = vector.shape_cast %add3A_621 : vector<16xi32> to vector<16xi32>
    tpu.vector_store %arg20[%swap3A_622], %swap3A_625 {strides = array<i32>} : memref<80xi32, #tpu.memory_space<vmem>>, vector<16xi32>,
    %get3A_626 = arith.constant 0 : i32
    %get3A_627 = arith.index_cast %get3A_626 : i32 to index
    %get3A_628 = arith.constant 48 : index
    %get3A_629 = tpu.vector_load %arg18[%get3A_627, %get3A_628] {strides = array<i32>} : memref<5x80xi32, #tpu.memory_space<vmem>>, vector<1x16xi32>,
    %get3A_630 = vector.shape_cast %get3A_629 : vector<1x16xi32> to vector<16xi32>
    %get3A_631 = arith.constant 1 : i32
    %get3A_632 = arith.index_cast %get3A_631 : i32 to index
    %get3A_633 = arith.constant 48 : index
    %get3A_634 = tpu.vector_load %arg18[%get3A_632, %get3A_633] {strides = array<i32>} : memref<5x80xi32, #tpu.memory_space<vmem>>, vector<1x16xi32>,
    %get3A_635 = vector.shape_cast %get3A_634 : vector<1x16xi32> to vector<16xi32>
    %get3A_636 = arith.constant 2 : i32
    %get3A_637 = arith.index_cast %get3A_636 : i32 to index
    %get3A_638 = arith.constant 48 : index
    %get3A_639 = tpu.vector_load %arg18[%get3A_637, %get3A_638] {strides = array<i32>} : memref<5x80xi32, #tpu.memory_space<vmem>>, vector<1x16xi32>,
    %get3A_640 = vector.shape_cast %get3A_639 : vector<1x16xi32> to vector<16xi32>
    %get3A_641 = arith.constant 3 : i32
    %get3A_642 = arith.index_cast %get3A_641 : i32 to index
    %get3A_643 = arith.constant 48 : index
    %get3A_644 = tpu.vector_load %arg18[%get3A_642, %get3A_643] {strides = array<i32>} : memref<5x80xi32, #tpu.memory_space<vmem>>, vector<1x16xi32>,
    %get3A_645 = vector.shape_cast %get3A_644 : vector<1x16xi32> to vector<16xi32>
    %get3A_646 = arith.constant 4 : i32
    %get3A_647 = arith.index_cast %get3A_646 : i32 to index
    %get3A_648 = arith.constant 48 : index
    %get3A_649 = tpu.vector_load %arg18[%get3A_647, %get3A_648] {strides = array<i32>} : memref<5x80xi32, #tpu.memory_space<vmem>>, vector<1x16xi32>,
    %get3A_650 = vector.shape_cast %get3A_649 : vector<1x16xi32> to vector<16xi32>
    %mul3A_651 = arith.constant 49 : i32
    %mul3A_652 = vector.broadcast %mul3A_651 : i32 to vector<16xi32>
    %mul3A_653 = arith.muli %get3A_630, %mul3A_652 : vector<16xi32>
    %add3A_654 = arith.addi %mul3A_653, %get3A_635 : vector<16xi32>
    %mul3A_655 = arith.constant 48 : i32
    %mul3A_656 = vector.broadcast %mul3A_655 : i32 to vector<16xi32>
    %mul3A_657 = arith.muli %add3A_654, %mul3A_656 : vector<16xi32>
    %add3A_658 = arith.addi %mul3A_657, %get3A_650 : vector<16xi32>
    %swap3A_659 = arith.constant 48 : index
    %swap3A_660 = tpu.vector_load %arg19[%swap3A_659] {strides = array<i32>} : memref<80xi32, #tpu.memory_space<vmem>>, vector<16xi32>,
    %swap3A_661 = vector.shape_cast %swap3A_660 : vector<16xi32> to vector<16xi32>
    %swap3A_662 = vector.shape_cast %add3A_658 : vector<16xi32> to vector<16xi32>
    tpu.vector_store %arg19[%swap3A_659], %swap3A_662 {strides = array<i32>} : memref<80xi32, #tpu.memory_space<vmem>>, vector<16xi32>,
    %mul3A_663 = arith.constant 208 : i32
    %mul3A_664 = vector.broadcast %mul3A_663 : i32 to vector<16xi32>
    %mul3A_665 = arith.muli %get3A_640, %mul3A_664 : vector<16xi32>
    %add3A_666 = arith.addi %mul3A_665, %get3A_645 : vector<16xi32>
    %swap3A_667 = arith.constant 48 : index
    %swap3A_668 = tpu.vector_load %arg20[%swap3A_667] {strides = array<i32>} : memref<80xi32, #tpu.memory_space<vmem>>, vector<16xi32>,
    %swap3A_669 = vector.shape_cast %swap3A_668 : vector<16xi32> to vector<16xi32>
    %swap3A_670 = vector.shape_cast %add3A_666 : vector<16xi32> to vector<16xi32>
    tpu.vector_store %arg20[%swap3A_667], %swap3A_670 {strides = array<i32>} : memref<80xi32, #tpu.memory_space<vmem>>, vector<16xi32>,
    %get3A_671 = arith.constant 0 : i32
    %get3A_672 = arith.index_cast %get3A_671 : i32 to index
    %get3A_673 = arith.constant 64 : index
    %get3A_674 = tpu.vector_load %arg18[%get3A_672, %get3A_673] {strides = array<i32>} : memref<5x80xi32, #tpu.memory_space<vmem>>, vector<1x16xi32>,
    %get3A_675 = vector.shape_cast %get3A_674 : vector<1x16xi32> to vector<16xi32>
    %get3A_676 = arith.constant 1 : i32
    %get3A_677 = arith.index_cast %get3A_676 : i32 to index
    %get3A_678 = arith.constant 64 : index
    %get3A_679 = tpu.vector_load %arg18[%get3A_677, %get3A_678] {strides = array<i32>} : memref<5x80xi32, #tpu.memory_space<vmem>>, vector<1x16xi32>,
    %get3A_680 = vector.shape_cast %get3A_679 : vector<1x16xi32> to vector<16xi32>
    %get3A_681 = arith.constant 2 : i32
    %get3A_682 = arith.index_cast %get3A_681 : i32 to index
    %get3A_683 = arith.constant 64 : index
    %get3A_684 = tpu.vector_load %arg18[%get3A_682, %get3A_683] {strides = array<i32>} : memref<5x80xi32, #tpu.memory_space<vmem>>, vector<1x16xi32>,
    %get3A_685 = vector.shape_cast %get3A_684 : vector<1x16xi32> to vector<16xi32>
    %get3A_686 = arith.constant 3 : i32
    %get3A_687 = arith.index_cast %get3A_686 : i32 to index
    %get3A_688 = arith.constant 64 : index
    %get3A_689 = tpu.vector_load %arg18[%get3A_687, %get3A_688] {strides = array<i32>} : memref<5x80xi32, #tpu.memory_space<vmem>>, vector<1x16xi32>,
    %get3A_690 = vector.shape_cast %get3A_689 : vector<1x16xi32> to vector<16xi32>
    %get3A_691 = arith.constant 4 : i32
    %get3A_692 = arith.index_cast %get3A_691 : i32 to index
    %get3A_693 = arith.constant 64 : index
    %get3A_694 = tpu.vector_load %arg18[%get3A_692, %get3A_693] {strides = array<i32>} : memref<5x80xi32, #tpu.memory_space<vmem>>, vector<1x16xi32>,
    %get3A_695 = vector.shape_cast %get3A_694 : vector<1x16xi32> to vector<16xi32>
    %mul3A_696 = arith.constant 49 : i32
    %mul3A_697 = vector.broadcast %mul3A_696 : i32 to vector<16xi32>
    %mul3A_698 = arith.muli %get3A_675, %mul3A_697 : vector<16xi32>
    %add3A_699 = arith.addi %mul3A_698, %get3A_680 : vector<16xi32>
    %mul3A_700 = arith.constant 48 : i32
    %mul3A_701 = vector.broadcast %mul3A_700 : i32 to vector<16xi32>
    %mul3A_702 = arith.muli %add3A_699, %mul3A_701 : vector<16xi32>
    %add3A_703 = arith.addi %mul3A_702, %get3A_695 : vector<16xi32>
    %swap3A_704 = arith.constant 64 : index
    %swap3A_705 = tpu.vector_load %arg19[%swap3A_704] {strides = array<i32>} : memref<80xi32, #tpu.memory_space<vmem>>, vector<16xi32>,
    %swap3A_706 = vector.shape_cast %swap3A_705 : vector<16xi32> to vector<16xi32>
    %swap3A_707 = vector.shape_cast %add3A_703 : vector<16xi32> to vector<16xi32>
    tpu.vector_store %arg19[%swap3A_704], %swap3A_707 {strides = array<i32>} : memref<80xi32, #tpu.memory_space<vmem>>, vector<16xi32>,
    %mul3A_708 = arith.constant 208 : i32
    %mul3A_709 = vector.broadcast %mul3A_708 : i32 to vector<16xi32>
    %mul3A_710 = arith.muli %get3A_685, %mul3A_709 : vector<16xi32>
    %add3A_711 = arith.addi %mul3A_710, %get3A_690 : vector<16xi32>
    %swap3A_712 = arith.constant 64 : index
    %swap3A_713 = tpu.vector_load %arg20[%swap3A_712] {strides = array<i32>} : memref<80xi32, #tpu.memory_space<vmem>>, vector<16xi32>,
    %swap3A_714 = vector.shape_cast %swap3A_713 : vector<16xi32> to vector<16xi32>
    %swap3A_715 = vector.shape_cast %add3A_711 : vector<16xi32> to vector<16xi32>
    tpu.vector_store %arg20[%swap3A_712], %swap3A_715 {strides = array<i32>} : memref<80xi32, #tpu.memory_space<vmem>>, vector<16xi32>,
    %dma_start3A_716 = arith.constant 0 : i32
    %dma_start3A_717 = arith.constant 0 : i32
    %dma_start3A_718 = arith.constant 0 : i32
    %dma_start3A_719 = tpu.memref_slice %arg21[%dma_start3A_716, %dma_start3A_717, %dma_start3A_718] : memref<2x80x128xf32, #tpu.memory_space<vmem>> -> memref<1x80x128xf32, #tpu.memory_space<vmem>>
    %dma_start3A_720 = tpu.memref_squeeze %dma_start3A_719 : memref<1x80x128xf32, #tpu.memory_space<vmem>> -> memref<80x128xf32, #tpu.memory_space<vmem>>
    %dma_start3A_721 = arith.constant 0 : i32
    %dma_start3A_722 = arith.constant 0 : i32
    %dma_start3A_723 = tpu.memref_slice %arg7[%dma_start3A_721, %dma_start3A_722] : memref<178752x128xf32, #tpu.memory_space<hbm>> -> memref<178752x128xf32, #tpu.memory_space<hbm>>
    tpu.enqueue_indirect_dma source(%dma_start3A_723 : memref<178752x128xf32, #tpu.memory_space<hbm>>) target(%dma_start3A_720 : memref<80x128xf32, #tpu.memory_space<vmem>>) offsets(%arg19 : memref<80xi32, #tpu.memory_space<vmem>>) semaphore(%arg24 : memref<!tpu.dma_semaphore, #tpu.memory_space<semaphore_mem>>)
    %dma_start3A_724 = arith.constant 1 : i32
    %dma_start3A_725 = arith.constant 0 : i32
    %dma_start3A_726 = arith.constant 0 : i32
    %dma_start3A_727 = tpu.memref_slice %arg21[%dma_start3A_724, %dma_start3A_725, %dma_start3A_726] : memref<2x80x128xf32, #tpu.memory_space<vmem>> -> memref<1x80x128xf32, #tpu.memory_space<vmem>>
    %dma_start3A_728 = tpu.memref_squeeze %dma_start3A_727 : memref<1x80x128xf32, #tpu.memory_space<vmem>> -> memref<80x128xf32, #tpu.memory_space<vmem>>
    %dma_start3A_729 = arith.constant 0 : i32
    %dma_start3A_730 = arith.constant 0 : i32
    %dma_start3A_731 = tpu.memref_slice %arg8[%dma_start3A_729, %dma_start3A_730] : memref<42016x128xf32, #tpu.memory_space<hbm>> -> memref<42016x128xf32, #tpu.memory_space<hbm>>
    tpu.enqueue_indirect_dma source(%dma_start3A_731 : memref<42016x128xf32, #tpu.memory_space<hbm>>) target(%dma_start3A_728 : memref<80x128xf32, #tpu.memory_space<vmem>>) offsets(%arg20 : memref<80xi32, #tpu.memory_space<vmem>>) semaphore(%arg24 : memref<!tpu.dma_semaphore, #tpu.memory_space<semaphore_mem>>)
    %dma_wait3A_732 = arith.constant 0 : i32
    %dma_wait3A_733 = arith.constant 0 : i32
    %dma_wait3A_734 = arith.constant 0 : i32
    %dma_wait3A_735 = tpu.memref_slice %arg13[%dma_wait3A_732, %dma_wait3A_733, %dma_wait3A_734] : memref<2x80x128xf32, #tpu.memory_space<vmem>> -> memref<1x80x128xf32, #tpu.memory_space<vmem>>
    %dma_wait3A_736 = tpu.memref_squeeze %dma_wait3A_735 : memref<1x80x128xf32, #tpu.memory_space<vmem>> -> memref<80x128xf32, #tpu.memory_space<vmem>>
    %dma_wait3A_737 = arith.constant 0 : i32
    %dma_wait3A_738 = arith.constant 0 : i32
    %dma_wait3A_739 = tpu.memref_slice %arg7[%dma_wait3A_737, %dma_wait3A_738] : memref<178752x128xf32, #tpu.memory_space<hbm>> -> memref<178752x128xf32, #tpu.memory_space<hbm>>
    tpu.wait_indirect_dma semaphore(%arg16 : memref<!tpu.dma_semaphore, #tpu.memory_space<semaphore_mem>>) src(%dma_wait3A_739 : memref<178752x128xf32, #tpu.memory_space<hbm>>) dst(%dma_wait3A_736 : memref<80x128xf32, #tpu.memory_space<vmem>>)
    %dma_wait3A_740 = arith.constant 1 : i32
    %dma_wait3A_741 = arith.constant 0 : i32
    %dma_wait3A_742 = arith.constant 0 : i32
    %dma_wait3A_743 = tpu.memref_slice %arg13[%dma_wait3A_740, %dma_wait3A_741, %dma_wait3A_742] : memref<2x80x128xf32, #tpu.memory_space<vmem>> -> memref<1x80x128xf32, #tpu.memory_space<vmem>>
    %dma_wait3A_744 = tpu.memref_squeeze %dma_wait3A_743 : memref<1x80x128xf32, #tpu.memory_space<vmem>> -> memref<80x128xf32, #tpu.memory_space<vmem>>
    %dma_wait3A_745 = arith.constant 0 : i32
    %dma_wait3A_746 = arith.constant 0 : i32
    %dma_wait3A_747 = tpu.memref_slice %arg8[%dma_wait3A_745, %dma_wait3A_746] : memref<42016x128xf32, #tpu.memory_space<hbm>> -> memref<42016x128xf32, #tpu.memory_space<hbm>>
    tpu.wait_indirect_dma semaphore(%arg16 : memref<!tpu.dma_semaphore, #tpu.memory_space<semaphore_mem>>) src(%dma_wait3A_747 : memref<42016x128xf32, #tpu.memory_space<hbm>>) dst(%dma_wait3A_744 : memref<80x128xf32, #tpu.memory_space<vmem>>)
    %dma_wait3A_748 = arith.constant 0 : i32
    %dma_wait3A_749 = arith.constant 0 : i32
    %dma_wait3A_750 = tpu.memref_slice %arg26[%dma_wait3A_748, %dma_wait3A_749] : memref<5x80xi32, #tpu.memory_space<vmem>> -> memref<1x80xi32, #tpu.memory_space<vmem>>
    %dma_wait3A_751 = tpu.memref_squeeze %dma_wait3A_750 : memref<1x80xi32, #tpu.memory_space<vmem>> -> memref<80xi32, #tpu.memory_space<vmem>>
    %dma_wait3A_752 = arith.constant 0 : i32
    %dma_wait3A_753 = tpu.memref_slice %arg2[%dma_wait3A_752] : memref<819200xi32, #tpu.memory_space<hbm>> -> memref<80xi32, #tpu.memory_space<hbm>>
    %dma_wait3A_754 = arith.constant 0 : i32
    %dma_wait3A_755 = tpu.memref_slice %arg26[%dma_wait3A_748, %dma_wait3A_754] : memref<5x80xi32, #tpu.memory_space<vmem>> -> memref<1x80xi32, #tpu.memory_space<vmem>>
    %dma_wait3A_756 = tpu.memref_squeeze %dma_wait3A_755 : memref<1x80xi32, #tpu.memory_space<vmem>> -> memref<80xi32, #tpu.memory_space<vmem>>
    %dma_wait3A_757 = arith.constant 0 : i32
    %dma_wait3A_758 = tpu.memref_slice %arg2[%dma_wait3A_757] : memref<819200xi32, #tpu.memory_space<hbm>> -> memref<80xi32, #tpu.memory_space<hbm>>
    tpu.wait_dma2 semaphore(%arg31 : memref<!tpu.dma_semaphore, #tpu.memory_space<semaphore_mem>>) src(%dma_wait3A_758 : memref<80xi32, #tpu.memory_space<hbm>>) dst(%dma_wait3A_756 : memref<80xi32, #tpu.memory_space<vmem>>)
    %dma_wait3A_759 = arith.constant 1 : i32
    %dma_wait3A_760 = arith.constant 0 : i32
    %dma_wait3A_761 = tpu.memref_slice %arg26[%dma_wait3A_759, %dma_wait3A_760] : memref<5x80xi32, #tpu.memory_space<vmem>> -> memref<1x80xi32, #tpu.memory_space<vmem>>
    %dma_wait3A_762 = tpu.memref_squeeze %dma_wait3A_761 : memref<1x80xi32, #tpu.memory_space<vmem>> -> memref<80xi32, #tpu.memory_space<vmem>>
    %dma_wait3A_763 = arith.constant 0 : i32
    %dma_wait3A_764 = tpu.memref_slice %arg3[%dma_wait3A_763] : memref<819200xi32, #tpu.memory_space<hbm>> -> memref<80xi32, #tpu.memory_space<hbm>>
    %dma_wait3A_765 = arith.constant 0 : i32
    %dma_wait3A_766 = tpu.memref_slice %arg26[%dma_wait3A_759, %dma_wait3A_765] : memref<5x80xi32, #tpu.memory_space<vmem>> -> memref<1x80xi32, #tpu.memory_space<vmem>>
    %dma_wait3A_767 = tpu.memref_squeeze %dma_wait3A_766 : memref<1x80xi32, #tpu.memory_space<vmem>> -> memref<80xi32, #tpu.memory_space<vmem>>
    %dma_wait3A_768 = arith.constant 0 : i32
    %dma_wait3A_769 = tpu.memref_slice %arg3[%dma_wait3A_768] : memref<819200xi32, #tpu.memory_space<hbm>> -> memref<80xi32, #tpu.memory_space<hbm>>
    tpu.wait_dma2 semaphore(%arg31 : memref<!tpu.dma_semaphore, #tpu.memory_space<semaphore_mem>>) src(%dma_wait3A_769 : memref<80xi32, #tpu.memory_space<hbm>>) dst(%dma_wait3A_767 : memref<80xi32, #tpu.memory_space<vmem>>)
    %dma_wait3A_770 = arith.constant 2 : i32
    %dma_wait3A_771 = arith.constant 0 : i32
    %dma_wait3A_772 = tpu.memref_slice %arg26[%dma_wait3A_770, %dma_wait3A_771] : memref<5x80xi32, #tpu.memory_space<vmem>> -> memref<1x80xi32, #tpu.memory_space<vmem>>
    %dma_wait3A_773 = tpu.memref_squeeze %dma_wait3A_772 : memref<1x80xi32, #tpu.memory_space<vmem>> -> memref<80xi32, #tpu.memory_space<vmem>>
    %dma_wait3A_774 = arith.constant 0 : i32
    %dma_wait3A_775 = tpu.memref_slice %arg4[%dma_wait3A_774] : memref<819200xi32, #tpu.memory_space<hbm>> -> memref<80xi32, #tpu.memory_space<hbm>>
    %dma_wait3A_776 = arith.constant 0 : i32
    %dma_wait3A_777 = tpu.memref_slice %arg26[%dma_wait3A_770, %dma_wait3A_776] : memref<5x80xi32, #tpu.memory_space<vmem>> -> memref<1x80xi32, #tpu.memory_space<vmem>>
    %dma_wait3A_778 = tpu.memref_squeeze %dma_wait3A_777 : memref<1x80xi32, #tpu.memory_space<vmem>> -> memref<80xi32, #tpu.memory_space<vmem>>
    %dma_wait3A_779 = arith.constant 0 : i32
    %dma_wait3A_780 = tpu.memref_slice %arg4[%dma_wait3A_779] : memref<819200xi32, #tpu.memory_space<hbm>> -> memref<80xi32, #tpu.memory_space<hbm>>
    tpu.wait_dma2 semaphore(%arg31 : memref<!tpu.dma_semaphore, #tpu.memory_space<semaphore_mem>>) src(%dma_wait3A_780 : memref<80xi32, #tpu.memory_space<hbm>>) dst(%dma_wait3A_778 : memref<80xi32, #tpu.memory_space<vmem>>)
    %dma_wait3A_781 = arith.constant 3 : i32
    %dma_wait3A_782 = arith.constant 0 : i32
    %dma_wait3A_783 = tpu.memref_slice %arg26[%dma_wait3A_781, %dma_wait3A_782] : memref<5x80xi32, #tpu.memory_space<vmem>> -> memref<1x80xi32, #tpu.memory_space<vmem>>
    %dma_wait3A_784 = tpu.memref_squeeze %dma_wait3A_783 : memref<1x80xi32, #tpu.memory_space<vmem>> -> memref<80xi32, #tpu.memory_space<vmem>>
    %dma_wait3A_785 = arith.constant 0 : i32
    %dma_wait3A_786 = tpu.memref_slice %arg5[%dma_wait3A_785] : memref<819200xi32, #tpu.memory_space<hbm>> -> memref<80xi32, #tpu.memory_space<hbm>>
    %dma_wait3A_787 = arith.constant 0 : i32
    %dma_wait3A_788 = tpu.memref_slice %arg26[%dma_wait3A_781, %dma_wait3A_787] : memref<5x80xi32, #tpu.memory_space<vmem>> -> memref<1x80xi32, #tpu.memory_space<vmem>>
    %dma_wait3A_789 = tpu.memref_squeeze %dma_wait3A_788 : memref<1x80xi32, #tpu.memory_space<vmem>> -> memref<80xi32, #tpu.memory_space<vmem>>
    %dma_wait3A_790 = arith.constant 0 : i32
    %dma_wait3A_791 = tpu.memref_slice %arg5[%dma_wait3A_790] : memref<819200xi32, #tpu.memory_space<hbm>> -> memref<80xi32, #tpu.memory_space<hbm>>
    tpu.wait_dma2 semaphore(%arg31 : memref<!tpu.dma_semaphore, #tpu.memory_space<semaphore_mem>>) src(%dma_wait3A_791 : memref<80xi32, #tpu.memory_space<hbm>>) dst(%dma_wait3A_789 : memref<80xi32, #tpu.memory_space<vmem>>)
    %dma_wait3A_792 = arith.constant 4 : i32
    %dma_wait3A_793 = arith.constant 0 : i32
    %dma_wait3A_794 = tpu.memref_slice %arg26[%dma_wait3A_792, %dma_wait3A_793] : memref<5x80xi32, #tpu.memory_space<vmem>> -> memref<1x80xi32, #tpu.memory_space<vmem>>
    %dma_wait3A_795 = tpu.memref_squeeze %dma_wait3A_794 : memref<1x80xi32, #tpu.memory_space<vmem>> -> memref<80xi32, #tpu.memory_space<vmem>>
    %dma_wait3A_796 = arith.constant 0 : i32
    %dma_wait3A_797 = tpu.memref_slice %arg6[%dma_wait3A_796] : memref<819200xi32, #tpu.memory_space<hbm>> -> memref<80xi32, #tpu.memory_space<hbm>>
    %dma_wait3A_798 = arith.constant 0 : i32
    %dma_wait3A_799 = tpu.memref_slice %arg26[%dma_wait3A_792, %dma_wait3A_798] : memref<5x80xi32, #tpu.memory_space<vmem>> -> memref<1x80xi32, #tpu.memory_space<vmem>>
    %dma_wait3A_800 = tpu.memref_squeeze %dma_wait3A_799 : memref<1x80xi32, #tpu.memory_space<vmem>> -> memref<80xi32, #tpu.memory_space<vmem>>
    %dma_wait3A_801 = arith.constant 0 : i32
    %dma_wait3A_802 = tpu.memref_slice %arg6[%dma_wait3A_801] : memref<819200xi32, #tpu.memory_space<hbm>> -> memref<80xi32, #tpu.memory_space<hbm>>
    tpu.wait_dma2 semaphore(%arg31 : memref<!tpu.dma_semaphore, #tpu.memory_space<semaphore_mem>>) src(%dma_wait3A_802 : memref<80xi32, #tpu.memory_space<hbm>>) dst(%dma_wait3A_800 : memref<80xi32, #tpu.memory_space<vmem>>)
    %get3A_803 = arith.constant 0 : i32
    %get3A_804 = arith.index_cast %get3A_803 : i32 to index
    %get3A_805 = arith.constant 0 : index
    %get3A_806 = tpu.vector_load %arg26[%get3A_804, %get3A_805] {strides = array<i32>} : memref<5x80xi32, #tpu.memory_space<vmem>>, vector<1x16xi32>,
    %get3A_807 = vector.shape_cast %get3A_806 : vector<1x16xi32> to vector<16xi32>
    %get3A_808 = arith.constant 1 : i32
    %get3A_809 = arith.index_cast %get3A_808 : i32 to index
    %get3A_810 = arith.constant 0 : index
    %get3A_811 = tpu.vector_load %arg26[%get3A_809, %get3A_810] {strides = array<i32>} : memref<5x80xi32, #tpu.memory_space<vmem>>, vector<1x16xi32>,
    %get3A_812 = vector.shape_cast %get3A_811 : vector<1x16xi32> to vector<16xi32>
    %get3A_813 = arith.constant 2 : i32
    %get3A_814 = arith.index_cast %get3A_813 : i32 to index
    %get3A_815 = arith.constant 0 : index
    %get3A_816 = tpu.vector_load %arg26[%get3A_814, %get3A_815] {strides = array<i32>} : memref<5x80xi32, #tpu.memory_space<vmem>>, vector<1x16xi32>,
    %get3A_817 = vector.shape_cast %get3A_816 : vector<1x16xi32> to vector<16xi32>
    %get3A_818 = arith.constant 3 : i32
    %get3A_819 = arith.index_cast %get3A_818 : i32 to index
    %get3A_820 = arith.constant 0 : index
    %get3A_821 = tpu.vector_load %arg26[%get3A_819, %get3A_820] {strides = array<i32>} : memref<5x80xi32, #tpu.memory_space<vmem>>, vector<1x16xi32>,
    %get3A_822 = vector.shape_cast %get3A_821 : vector<1x16xi32> to vector<16xi32>
    %get3A_823 = arith.constant 4 : i32
    %get3A_824 = arith.index_cast %get3A_823 : i32 to index
    %get3A_825 = arith.constant 0 : index
    %get3A_826 = tpu.vector_load %arg26[%get3A_824, %get3A_825] {strides = array<i32>} : memref<5x80xi32, #tpu.memory_space<vmem>>, vector<1x16xi32>,
    %get3A_827 = vector.shape_cast %get3A_826 : vector<1x16xi32> to vector<16xi32>
    %mul3A_828 = arith.constant 49 : i32
    %mul3A_829 = vector.broadcast %mul3A_828 : i32 to vector<16xi32>
    %mul3A_830 = arith.muli %get3A_807, %mul3A_829 : vector<16xi32>
    %add3A_831 = arith.addi %mul3A_830, %get3A_812 : vector<16xi32>
    %mul3A_832 = arith.constant 48 : i32
    %mul3A_833 = vector.broadcast %mul3A_832 : i32 to vector<16xi32>
    %mul3A_834 = arith.muli %add3A_831, %mul3A_833 : vector<16xi32>
    %add3A_835 = arith.addi %mul3A_834, %get3A_827 : vector<16xi32>
    %swap3A_836 = arith.constant 0 : index
    %swap3A_837 = tpu.vector_load %arg27[%swap3A_836] {strides = array<i32>} : memref<80xi32, #tpu.memory_space<vmem>>, vector<16xi32>,
    %swap3A_838 = vector.shape_cast %swap3A_837 : vector<16xi32> to vector<16xi32>
    %swap3A_839 = vector.shape_cast %add3A_835 : vector<16xi32> to vector<16xi32>
    tpu.vector_store %arg27[%swap3A_836], %swap3A_839 {strides = array<i32>} : memref<80xi32, #tpu.memory_space<vmem>>, vector<16xi32>,
    %mul3A_840 = arith.constant 208 : i32
    %mul3A_841 = vector.broadcast %mul3A_840 : i32 to vector<16xi32>
    %mul3A_842 = arith.muli %get3A_817, %mul3A_841 : vector<16xi32>
    %add3A_843 = arith.addi %mul3A_842, %get3A_822 : vector<16xi32>
    %swap3A_844 = arith.constant 0 : index
    %swap3A_845 = tpu.vector_load %arg28[%swap3A_844] {strides = array<i32>} : memref<80xi32, #tpu.memory_space<vmem>>, vector<16xi32>,
    %swap3A_846 = vector.shape_cast %swap3A_845 : vector<16xi32> to vector<16xi32>
    %swap3A_847 = vector.shape_cast %add3A_843 : vector<16xi32> to vector<16xi32>
    tpu.vector_store %arg28[%swap3A_844], %swap3A_847 {strides = array<i32>} : memref<80xi32, #tpu.memory_space<vmem>>, vector<16xi32>,
    %get3A_848 = arith.constant 0 : i32
    %get3A_849 = arith.index_cast %get3A_848 : i32 to index
    %get3A_850 = arith.constant 16 : index
    %get3A_851 = tpu.vector_load %arg26[%get3A_849, %get3A_850] {strides = array<i32>} : memref<5x80xi32, #tpu.memory_space<vmem>>, vector<1x16xi32>,
    %get3A_852 = vector.shape_cast %get3A_851 : vector<1x16xi32> to vector<16xi32>
    %get3A_853 = arith.constant 1 : i32
    %get3A_854 = arith.index_cast %get3A_853 : i32 to index
    %get3A_855 = arith.constant 16 : index
    %get3A_856 = tpu.vector_load %arg26[%get3A_854, %get3A_855] {strides = array<i32>} : memref<5x80xi32, #tpu.memory_space<vmem>>, vector<1x16xi32>,
    %get3A_857 = vector.shape_cast %get3A_856 : vector<1x16xi32> to vector<16xi32>
    %get3A_858 = arith.constant 2 : i32
    %get3A_859 = arith.index_cast %get3A_858 : i32 to index
    %get3A_860 = arith.constant 16 : index
    %get3A_861 = tpu.vector_load %arg26[%get3A_859, %get3A_860] {strides = array<i32>} : memref<5x80xi32, #tpu.memory_space<vmem>>, vector<1x16xi32>,
    %get3A_862 = vector.shape_cast %get3A_861 : vector<1x16xi32> to vector<16xi32>
    %get3A_863 = arith.constant 3 : i32
    %get3A_864 = arith.index_cast %get3A_863 : i32 to index
    %get3A_865 = arith.constant 16 : index
    %get3A_866 = tpu.vector_load %arg26[%get3A_864, %get3A_865] {strides = array<i32>} : memref<5x80xi32, #tpu.memory_space<vmem>>, vector<1x16xi32>,
    %get3A_867 = vector.shape_cast %get3A_866 : vector<1x16xi32> to vector<16xi32>
    %get3A_868 = arith.constant 4 : i32
    %get3A_869 = arith.index_cast %get3A_868 : i32 to index
    %get3A_870 = arith.constant 16 : index
    %get3A_871 = tpu.vector_load %arg26[%get3A_869, %get3A_870] {strides = array<i32>} : memref<5x80xi32, #tpu.memory_space<vmem>>, vector<1x16xi32>,
    %get3A_872 = vector.shape_cast %get3A_871 : vector<1x16xi32> to vector<16xi32>
    %mul3A_873 = arith.constant 49 : i32
    %mul3A_874 = vector.broadcast %mul3A_873 : i32 to vector<16xi32>
    %mul3A_875 = arith.muli %get3A_852, %mul3A_874 : vector<16xi32>
    %add3A_876 = arith.addi %mul3A_875, %get3A_857 : vector<16xi32>
    %mul3A_877 = arith.constant 48 : i32
    %mul3A_878 = vector.broadcast %mul3A_877 : i32 to vector<16xi32>
    %mul3A_879 = arith.muli %add3A_876, %mul3A_878 : vector<16xi32>
    %add3A_880 = arith.addi %mul3A_879, %get3A_872 : vector<16xi32>
    %swap3A_881 = arith.constant 16 : index
    %swap3A_882 = tpu.vector_load %arg27[%swap3A_881] {strides = array<i32>} : memref<80xi32, #tpu.memory_space<vmem>>, vector<16xi32>,
    %swap3A_883 = vector.shape_cast %swap3A_882 : vector<16xi32> to vector<16xi32>
    %swap3A_884 = vector.shape_cast %add3A_880 : vector<16xi32> to vector<16xi32>
    tpu.vector_store %arg27[%swap3A_881], %swap3A_884 {strides = array<i32>} : memref<80xi32, #tpu.memory_space<vmem>>, vector<16xi32>,
    %mul3A_885 = arith.constant 208 : i32
    %mul3A_886 = vector.broadcast %mul3A_885 : i32 to vector<16xi32>
    %mul3A_887 = arith.muli %get3A_862, %mul3A_886 : vector<16xi32>
    %add3A_888 = arith.addi %mul3A_887, %get3A_867 : vector<16xi32>
    %swap3A_889 = arith.constant 16 : index
    %swap3A_890 = tpu.vector_load %arg28[%swap3A_889] {strides = array<i32>} : memref<80xi32, #tpu.memory_space<vmem>>, vector<16xi32>,
    %swap3A_891 = vector.shape_cast %swap3A_890 : vector<16xi32> to vector<16xi32>
    %swap3A_892 = vector.shape_cast %add3A_888 : vector<16xi32> to vector<16xi32>
    tpu.vector_store %arg28[%swap3A_889], %swap3A_892 {strides = array<i32>} : memref<80xi32, #tpu.memory_space<vmem>>, vector<16xi32>,
    %get3A_893 = arith.constant 0 : i32
    %get3A_894 = arith.index_cast %get3A_893 : i32 to index
    %get3A_895 = arith.constant 32 : index
    %get3A_896 = tpu.vector_load %arg26[%get3A_894, %get3A_895] {strides = array<i32>} : memref<5x80xi32, #tpu.memory_space<vmem>>, vector<1x16xi32>,
    %get3A_897 = vector.shape_cast %get3A_896 : vector<1x16xi32> to vector<16xi32>
    %get3A_898 = arith.constant 1 : i32
    %get3A_899 = arith.index_cast %get3A_898 : i32 to index
    %get3A_900 = arith.constant 32 : index
    %get3A_901 = tpu.vector_load %arg26[%get3A_899, %get3A_900] {strides = array<i32>} : memref<5x80xi32, #tpu.memory_space<vmem>>, vector<1x16xi32>,
    %get3A_902 = vector.shape_cast %get3A_901 : vector<1x16xi32> to vector<16xi32>
    %get3A_903 = arith.constant 2 : i32
    %get3A_904 = arith.index_cast %get3A_903 : i32 to index
    %get3A_905 = arith.constant 32 : index
    %get3A_906 = tpu.vector_load %arg26[%get3A_904, %get3A_905] {strides = array<i32>} : memref<5x80xi32, #tpu.memory_space<vmem>>, vector<1x16xi32>,
    %get3A_907 = vector.shape_cast %get3A_906 : vector<1x16xi32> to vector<16xi32>
    %get3A_908 = arith.constant 3 : i32
    %get3A_909 = arith.index_cast %get3A_908 : i32 to index
    %get3A_910 = arith.constant 32 : index
    %get3A_911 = tpu.vector_load %arg26[%get3A_909, %get3A_910] {strides = array<i32>} : memref<5x80xi32, #tpu.memory_space<vmem>>, vector<1x16xi32>,
    %get3A_912 = vector.shape_cast %get3A_911 : vector<1x16xi32> to vector<16xi32>
    %get3A_913 = arith.constant 4 : i32
    %get3A_914 = arith.index_cast %get3A_913 : i32 to index
    %get3A_915 = arith.constant 32 : index
    %get3A_916 = tpu.vector_load %arg26[%get3A_914, %get3A_915] {strides = array<i32>} : memref<5x80xi32, #tpu.memory_space<vmem>>, vector<1x16xi32>,
    %get3A_917 = vector.shape_cast %get3A_916 : vector<1x16xi32> to vector<16xi32>
    %mul3A_918 = arith.constant 49 : i32
    %mul3A_919 = vector.broadcast %mul3A_918 : i32 to vector<16xi32>
    %mul3A_920 = arith.muli %get3A_897, %mul3A_919 : vector<16xi32>
    %add3A_921 = arith.addi %mul3A_920, %get3A_902 : vector<16xi32>
    %mul3A_922 = arith.constant 48 : i32
    %mul3A_923 = vector.broadcast %mul3A_922 : i32 to vector<16xi32>
    %mul3A_924 = arith.muli %add3A_921, %mul3A_923 : vector<16xi32>
    %add3A_925 = arith.addi %mul3A_924, %get3A_917 : vector<16xi32>
    %swap3A_926 = arith.constant 32 : index
    %swap3A_927 = tpu.vector_load %arg27[%swap3A_926] {strides = array<i32>} : memref<80xi32, #tpu.memory_space<vmem>>, vector<16xi32>,
    %swap3A_928 = vector.shape_cast %swap3A_927 : vector<16xi32> to vector<16xi32>
    %swap3A_929 = vector.shape_cast %add3A_925 : vector<16xi32> to vector<16xi32>
    tpu.vector_store %arg27[%swap3A_926], %swap3A_929 {strides = array<i32>} : memref<80xi32, #tpu.memory_space<vmem>>, vector<16xi32>,
    %mul3A_930 = arith.constant 208 : i32
    %mul3A_931 = vector.broadcast %mul3A_930 : i32 to vector<16xi32>
    %mul3A_932 = arith.muli %get3A_907, %mul3A_931 : vector<16xi32>
    %add3A_933 = arith.addi %mul3A_932, %get3A_912 : vector<16xi32>
    %swap3A_934 = arith.constant 32 : index
    %swap3A_935 = tpu.vector_load %arg28[%swap3A_934] {strides = array<i32>} : memref<80xi32, #tpu.memory_space<vmem>>, vector<16xi32>,
    %swap3A_936 = vector.shape_cast %swap3A_935 : vector<16xi32> to vector<16xi32>
    %swap3A_937 = vector.shape_cast %add3A_933 : vector<16xi32> to vector<16xi32>
    tpu.vector_store %arg28[%swap3A_934], %swap3A_937 {strides = array<i32>} : memref<80xi32, #tpu.memory_space<vmem>>, vector<16xi32>,
    %get3A_938 = arith.constant 0 : i32
    %get3A_939 = arith.index_cast %get3A_938 : i32 to index
    %get3A_940 = arith.constant 48 : index
    %get3A_941 = tpu.vector_load %arg26[%get3A_939, %get3A_940] {strides = array<i32>} : memref<5x80xi32, #tpu.memory_space<vmem>>, vector<1x16xi32>,
    %get3A_942 = vector.shape_cast %get3A_941 : vector<1x16xi32> to vector<16xi32>
    %get3A_943 = arith.constant 1 : i32
    %get3A_944 = arith.index_cast %get3A_943 : i32 to index
    %get3A_945 = arith.constant 48 : index
    %get3A_946 = tpu.vector_load %arg26[%get3A_944, %get3A_945] {strides = array<i32>} : memref<5x80xi32, #tpu.memory_space<vmem>>, vector<1x16xi32>,
    %get3A_947 = vector.shape_cast %get3A_946 : vector<1x16xi32> to vector<16xi32>
    %get3A_948 = arith.constant 2 : i32
    %get3A_949 = arith.index_cast %get3A_948 : i32 to index
    %get3A_950 = arith.constant 48 : index
    %get3A_951 = tpu.vector_load %arg26[%get3A_949, %get3A_950] {strides = array<i32>} : memref<5x80xi32, #tpu.memory_space<vmem>>, vector<1x16xi32>,
    %get3A_952 = vector.shape_cast %get3A_951 : vector<1x16xi32> to vector<16xi32>
    %get3A_953 = arith.constant 3 : i32
    %get3A_954 = arith.index_cast %get3A_953 : i32 to index
    %get3A_955 = arith.constant 48 : index
    %get3A_956 = tpu.vector_load %arg26[%get3A_954, %get3A_955] {strides = array<i32>} : memref<5x80xi32, #tpu.memory_space<vmem>>, vector<1x16xi32>,
    %get3A_957 = vector.shape_cast %get3A_956 : vector<1x16xi32> to vector<16xi32>
    %get3A_958 = arith.constant 4 : i32
    %get3A_959 = arith.index_cast %get3A_958 : i32 to index
    %get3A_960 = arith.constant 48 : index
    %get3A_961 = tpu.vector_load %arg26[%get3A_959, %get3A_960] {strides = array<i32>} : memref<5x80xi32, #tpu.memory_space<vmem>>, vector<1x16xi32>,
    %get3A_962 = vector.shape_cast %get3A_961 : vector<1x16xi32> to vector<16xi32>
    %mul3A_963 = arith.constant 49 : i32
    %mul3A_964 = vector.broadcast %mul3A_963 : i32 to vector<16xi32>
    %mul3A_965 = arith.muli %get3A_942, %mul3A_964 : vector<16xi32>
    %add3A_966 = arith.addi %mul3A_965, %get3A_947 : vector<16xi32>
    %mul3A_967 = arith.constant 48 : i32
    %mul3A_968 = vector.broadcast %mul3A_967 : i32 to vector<16xi32>
    %mul3A_969 = arith.muli %add3A_966, %mul3A_968 : vector<16xi32>
    %add3A_970 = arith.addi %mul3A_969, %get3A_962 : vector<16xi32>
    %swap3A_971 = arith.constant 48 : index
    %swap3A_972 = tpu.vector_load %arg27[%swap3A_971] {strides = array<i32>} : memref<80xi32, #tpu.memory_space<vmem>>, vector<16xi32>,
    %swap3A_973 = vector.shape_cast %swap3A_972 : vector<16xi32> to vector<16xi32>
    %swap3A_974 = vector.shape_cast %add3A_970 : vector<16xi32> to vector<16xi32>
    tpu.vector_store %arg27[%swap3A_971], %swap3A_974 {strides = array<i32>} : memref<80xi32, #tpu.memory_space<vmem>>, vector<16xi32>,
    %mul3A_975 = arith.constant 208 : i32
    %mul3A_976 = vector.broadcast %mul3A_975 : i32 to vector<16xi32>
    %mul3A_977 = arith.muli %get3A_952, %mul3A_976 : vector<16xi32>
    %add3A_978 = arith.addi %mul3A_977, %get3A_957 : vector<16xi32>
    %swap3A_979 = arith.constant 48 : index
    %swap3A_980 = tpu.vector_load %arg28[%swap3A_979] {strides = array<i32>} : memref<80xi32, #tpu.memory_space<vmem>>, vector<16xi32>,
    %swap3A_981 = vector.shape_cast %swap3A_980 : vector<16xi32> to vector<16xi32>
    %swap3A_982 = vector.shape_cast %add3A_978 : vector<16xi32> to vector<16xi32>
    tpu.vector_store %arg28[%swap3A_979], %swap3A_982 {strides = array<i32>} : memref<80xi32, #tpu.memory_space<vmem>>, vector<16xi32>,
    %get3A_983 = arith.constant 0 : i32
    %get3A_984 = arith.index_cast %get3A_983 : i32 to index
    %get3A_985 = arith.constant 64 : index
    %get3A_986 = tpu.vector_load %arg26[%get3A_984, %get3A_985] {strides = array<i32>} : memref<5x80xi32, #tpu.memory_space<vmem>>, vector<1x16xi32>,
    %get3A_987 = vector.shape_cast %get3A_986 : vector<1x16xi32> to vector<16xi32>
    %get3A_988 = arith.constant 1 : i32
    %get3A_989 = arith.index_cast %get3A_988 : i32 to index
    %get3A_990 = arith.constant 64 : index
    %get3A_991 = tpu.vector_load %arg26[%get3A_989, %get3A_990] {strides = array<i32>} : memref<5x80xi32, #tpu.memory_space<vmem>>, vector<1x16xi32>,
    %get3A_992 = vector.shape_cast %get3A_991 : vector<1x16xi32> to vector<16xi32>
    %get3A_993 = arith.constant 2 : i32
    %get3A_994 = arith.index_cast %get3A_993 : i32 to index
    %get3A_995 = arith.constant 64 : index
    %get3A_996 = tpu.vector_load %arg26[%get3A_994, %get3A_995] {strides = array<i32>} : memref<5x80xi32, #tpu.memory_space<vmem>>, vector<1x16xi32>,
    %get3A_997 = vector.shape_cast %get3A_996 : vector<1x16xi32> to vector<16xi32>
    %get3A_998 = arith.constant 3 : i32
    %get3A_999 = arith.index_cast %get3A_998 : i32 to index
    %get3A_1000 = arith.constant 64 : index
    %get3A_1001 = tpu.vector_load %arg26[%get3A_999, %get3A_1000] {strides = array<i32>} : memref<5x80xi32, #tpu.memory_space<vmem>>, vector<1x16xi32>,
    %get3A_1002 = vector.shape_cast %get3A_1001 : vector<1x16xi32> to vector<16xi32>
    %get3A_1003 = arith.constant 4 : i32
    %get3A_1004 = arith.index_cast %get3A_1003 : i32 to index
    %get3A_1005 = arith.constant 64 : index
    %get3A_1006 = tpu.vector_load %arg26[%get3A_1004, %get3A_1005] {strides = array<i32>} : memref<5x80xi32, #tpu.memory_space<vmem>>, vector<1x16xi32>,
    %get3A_1007 = vector.shape_cast %get3A_1006 : vector<1x16xi32> to vector<16xi32>
    %mul3A_1008 = arith.constant 49 : i32
    %mul3A_1009 = vector.broadcast %mul3A_1008 : i32 to vector<16xi32>
    %mul3A_1010 = arith.muli %get3A_987, %mul3A_1009 : vector<16xi32>
    %add3A_1011 = arith.addi %mul3A_1010, %get3A_992 : vector<16xi32>
    %mul3A_1012 = arith.constant 48 : i32
    %mul3A_1013 = vector.broadcast %mul3A_1012 : i32 to vector<16xi32>
    %mul3A_1014 = arith.muli %add3A_1011, %mul3A_1013 : vector<16xi32>
    %add3A_1015 = arith.addi %mul3A_1014, %get3A_1007 : vector<16xi32>
    %swap3A_1016 = arith.constant 64 : index
    %swap3A_1017 = tpu.vector_load %arg27[%swap3A_1016] {strides = array<i32>} : memref<80xi32, #tpu.memory_space<vmem>>, vector<16xi32>,
    %swap3A_1018 = vector.shape_cast %swap3A_1017 : vector<16xi32> to vector<16xi32>
    %swap3A_1019 = vector.shape_cast %add3A_1015 : vector<16xi32> to vector<16xi32>
    tpu.vector_store %arg27[%swap3A_1016], %swap3A_1019 {strides = array<i32>} : memref<80xi32, #tpu.memory_space<vmem>>, vector<16xi32>,
    %mul3A_1020 = arith.constant 208 : i32
    %mul3A_1021 = vector.broadcast %mul3A_1020 : i32 to vector<16xi32>
    %mul3A_1022 = arith.muli %get3A_997, %mul3A_1021 : vector<16xi32>
    %add3A_1023 = arith.addi %mul3A_1022, %get3A_1002 : vector<16xi32>
    %swap3A_1024 = arith.constant 64 : index
    %swap3A_1025 = tpu.vector_load %arg28[%swap3A_1024] {strides = array<i32>} : memref<80xi32, #tpu.memory_space<vmem>>, vector<16xi32>,
    %swap3A_1026 = vector.shape_cast %swap3A_1025 : vector<16xi32> to vector<16xi32>
    %swap3A_1027 = vector.shape_cast %add3A_1023 : vector<16xi32> to vector<16xi32>
    tpu.vector_store %arg28[%swap3A_1024], %swap3A_1027 {strides = array<i32>} : memref<80xi32, #tpu.memory_space<vmem>>, vector<16xi32>,
    %dma_start3A_1028 = arith.constant 0 : i32
    %dma_start3A_1029 = arith.constant 0 : i32
    %dma_start3A_1030 = arith.constant 0 : i32
    %dma_start3A_1031 = tpu.memref_slice %arg29[%dma_start3A_1028, %dma_start3A_1029, %dma_start3A_1030] : memref<2x80x128xf32, #tpu.memory_space<vmem>> -> memref<1x80x128xf32, #tpu.memory_space<vmem>>
    %dma_start3A_1032 = tpu.memref_squeeze %dma_start3A_1031 : memref<1x80x128xf32, #tpu.memory_space<vmem>> -> memref<80x128xf32, #tpu.memory_space<vmem>>
    %dma_start3A_1033 = arith.constant 0 : i32
    %dma_start3A_1034 = arith.constant 0 : i32
    %dma_start3A_1035 = tpu.memref_slice %arg7[%dma_start3A_1033, %dma_start3A_1034] : memref<178752x128xf32, #tpu.memory_space<hbm>> -> memref<178752x128xf32, #tpu.memory_space<hbm>>
    tpu.enqueue_indirect_dma source(%dma_start3A_1035 : memref<178752x128xf32, #tpu.memory_space<hbm>>) target(%dma_start3A_1032 : memref<80x128xf32, #tpu.memory_space<vmem>>) offsets(%arg27 : memref<80xi32, #tpu.memory_space<vmem>>) semaphore(%arg32 : memref<!tpu.dma_semaphore, #tpu.memory_space<semaphore_mem>>)
    %dma_start3A_1036 = arith.constant 1 : i32
    %dma_start3A_1037 = arith.constant 0 : i32
    %dma_start3A_1038 = arith.constant 0 : i32
    %dma_start3A_1039 = tpu.memref_slice %arg29[%dma_start3A_1036, %dma_start3A_1037, %dma_start3A_1038] : memref<2x80x128xf32, #tpu.memory_space<vmem>> -> memref<1x80x128xf32, #tpu.memory_space<vmem>>
    %dma_start3A_1040 = tpu.memref_squeeze %dma_start3A_1039 : memref<1x80x128xf32, #tpu.memory_space<vmem>> -> memref<80x128xf32, #tpu.memory_space<vmem>>
    %dma_start3A_1041 = arith.constant 0 : i32
    %dma_start3A_1042 = arith.constant 0 : i32
    %dma_start3A_1043 = tpu.memref_slice %arg8[%dma_start3A_1041, %dma_start3A_1042] : memref<42016x128xf32, #tpu.memory_space<hbm>> -> memref<42016x128xf32, #tpu.memory_space<hbm>>
    tpu.enqueue_indirect_dma source(%dma_start3A_1043 : memref<42016x128xf32, #tpu.memory_space<hbm>>) target(%dma_start3A_1040 : memref<80x128xf32, #tpu.memory_space<vmem>>) offsets(%arg28 : memref<80xi32, #tpu.memory_space<vmem>>) semaphore(%arg32 : memref<!tpu.dma_semaphore, #tpu.memory_space<semaphore_mem>>)
    %add3A_1044 = arith.constant 240 : i32
    %add3A_1045 = arith.addi %mul3A_2, %add3A_1044 : i32
    %dma_start3A_1046 = arith.constant 0 : i32
    %dma_start3A_1047 = arith.constant 0 : i32
    %dma_start3A_1048 = tpu.memref_slice %arg10[%dma_start3A_1046, %dma_start3A_1047] : memref<5x80xi32, #tpu.memory_space<vmem>> -> memref<1x80xi32, #tpu.memory_space<vmem>>
    %dma_start3A_1049 = tpu.memref_squeeze %dma_start3A_1048 : memref<1x80xi32, #tpu.memory_space<vmem>> -> memref<80xi32, #tpu.memory_space<vmem>>
    %dma_start3A_1050 = tpu.memref_slice %arg2[%add3A_1045] : memref<819200xi32, #tpu.memory_space<hbm>> -> memref<80xi32, #tpu.memory_space<hbm>>
    %dma_start3A_1051 = arith.constant 0 : i32
    %dma_start3A_1052 = tpu.memref_slice %arg10[%dma_start3A_1046, %dma_start3A_1051] : memref<5x80xi32, #tpu.memory_space<vmem>> -> memref<1x80xi32, #tpu.memory_space<vmem>>
    %dma_start3A_1053 = tpu.memref_squeeze %dma_start3A_1052 : memref<1x80xi32, #tpu.memory_space<vmem>> -> memref<80xi32, #tpu.memory_space<vmem>>
    %dma_start3A_1054 = tpu.memref_slice %arg2[%add3A_1045] : memref<819200xi32, #tpu.memory_space<hbm>> -> memref<80xi32, #tpu.memory_space<hbm>>
    tpu.enqueue_dma source(%dma_start3A_1054 : memref<80xi32, #tpu.memory_space<hbm>>) target(%dma_start3A_1053 : memref<80xi32, #tpu.memory_space<vmem>>) target_semaphore(%arg15 : memref<!tpu.dma_semaphore, #tpu.memory_space<semaphore_mem>>)
    %dma_start3A_1055 = arith.constant 1 : i32
    %dma_start3A_1056 = arith.constant 0 : i32
    %dma_start3A_1057 = tpu.memref_slice %arg10[%dma_start3A_1055, %dma_start3A_1056] : memref<5x80xi32, #tpu.memory_space<vmem>> -> memref<1x80xi32, #tpu.memory_space<vmem>>
    %dma_start3A_1058 = tpu.memref_squeeze %dma_start3A_1057 : memref<1x80xi32, #tpu.memory_space<vmem>> -> memref<80xi32, #tpu.memory_space<vmem>>
    %dma_start3A_1059 = tpu.memref_slice %arg3[%add3A_1045] : memref<819200xi32, #tpu.memory_space<hbm>> -> memref<80xi32, #tpu.memory_space<hbm>>
    %dma_start3A_1060 = arith.constant 0 : i32
    %dma_start3A_1061 = tpu.memref_slice %arg10[%dma_start3A_1055, %dma_start3A_1060] : memref<5x80xi32, #tpu.memory_space<vmem>> -> memref<1x80xi32, #tpu.memory_space<vmem>>
    %dma_start3A_1062 = tpu.memref_squeeze %dma_start3A_1061 : memref<1x80xi32, #tpu.memory_space<vmem>> -> memref<80xi32, #tpu.memory_space<vmem>>
    %dma_start3A_1063 = tpu.memref_slice %arg3[%add3A_1045] : memref<819200xi32, #tpu.memory_space<hbm>> -> memref<80xi32, #tpu.memory_space<hbm>>
    tpu.enqueue_dma source(%dma_start3A_1063 : memref<80xi32, #tpu.memory_space<hbm>>) target(%dma_start3A_1062 : memref<80xi32, #tpu.memory_space<vmem>>) target_semaphore(%arg15 : memref<!tpu.dma_semaphore, #tpu.memory_space<semaphore_mem>>)
    %dma_start3A_1064 = arith.constant 2 : i32
    %dma_start3A_1065 = arith.constant 0 : i32
    %dma_start3A_1066 = tpu.memref_slice %arg10[%dma_start3A_1064, %dma_start3A_1065] : memref<5x80xi32, #tpu.memory_space<vmem>> -> memref<1x80xi32, #tpu.memory_space<vmem>>
    %dma_start3A_1067 = tpu.memref_squeeze %dma_start3A_1066 : memref<1x80xi32, #tpu.memory_space<vmem>> -> memref<80xi32, #tpu.memory_space<vmem>>
    %dma_start3A_1068 = tpu.memref_slice %arg4[%add3A_1045] : memref<819200xi32, #tpu.memory_space<hbm>> -> memref<80xi32, #tpu.memory_space<hbm>>
    %dma_start3A_1069 = arith.constant 0 : i32
    %dma_start3A_1070 = tpu.memref_slice %arg10[%dma_start3A_1064, %dma_start3A_1069] : memref<5x80xi32, #tpu.memory_space<vmem>> -> memref<1x80xi32, #tpu.memory_space<vmem>>
    %dma_start3A_1071 = tpu.memref_squeeze %dma_start3A_1070 : memref<1x80xi32, #tpu.memory_space<vmem>> -> memref<80xi32, #tpu.memory_space<vmem>>
    %dma_start3A_1072 = tpu.memref_slice %arg4[%add3A_1045] : memref<819200xi32, #tpu.memory_space<hbm>> -> memref<80xi32, #tpu.memory_space<hbm>>
    tpu.enqueue_dma source(%dma_start3A_1072 : memref<80xi32, #tpu.memory_space<hbm>>) target(%dma_start3A_1071 : memref<80xi32, #tpu.memory_space<vmem>>) target_semaphore(%arg15 : memref<!tpu.dma_semaphore, #tpu.memory_space<semaphore_mem>>)
    %dma_start3A_1073 = arith.constant 3 : i32
    %dma_start3A_1074 = arith.constant 0 : i32
    %dma_start3A_1075 = tpu.memref_slice %arg10[%dma_start3A_1073, %dma_start3A_1074] : memref<5x80xi32, #tpu.memory_space<vmem>> -> memref<1x80xi32, #tpu.memory_space<vmem>>
    %dma_start3A_1076 = tpu.memref_squeeze %dma_start3A_1075 : memref<1x80xi32, #tpu.memory_space<vmem>> -> memref<80xi32, #tpu.memory_space<vmem>>
    %dma_start3A_1077 = tpu.memref_slice %arg5[%add3A_1045] : memref<819200xi32, #tpu.memory_space<hbm>> -> memref<80xi32, #tpu.memory_space<hbm>>
    %dma_start3A_1078 = arith.constant 0 : i32
    %dma_start3A_1079 = tpu.memref_slice %arg10[%dma_start3A_1073, %dma_start3A_1078] : memref<5x80xi32, #tpu.memory_space<vmem>> -> memref<1x80xi32, #tpu.memory_space<vmem>>
    %dma_start3A_1080 = tpu.memref_squeeze %dma_start3A_1079 : memref<1x80xi32, #tpu.memory_space<vmem>> -> memref<80xi32, #tpu.memory_space<vmem>>
    %dma_start3A_1081 = tpu.memref_slice %arg5[%add3A_1045] : memref<819200xi32, #tpu.memory_space<hbm>> -> memref<80xi32, #tpu.memory_space<hbm>>
    tpu.enqueue_dma source(%dma_start3A_1081 : memref<80xi32, #tpu.memory_space<hbm>>) target(%dma_start3A_1080 : memref<80xi32, #tpu.memory_space<vmem>>) target_semaphore(%arg15 : memref<!tpu.dma_semaphore, #tpu.memory_space<semaphore_mem>>)
    %dma_start3A_1082 = arith.constant 4 : i32
    %dma_start3A_1083 = arith.constant 0 : i32
    %dma_start3A_1084 = tpu.memref_slice %arg10[%dma_start3A_1082, %dma_start3A_1083] : memref<5x80xi32, #tpu.memory_space<vmem>> -> memref<1x80xi32, #tpu.memory_space<vmem>>
    %dma_start3A_1085 = tpu.memref_squeeze %dma_start3A_1084 : memref<1x80xi32, #tpu.memory_space<vmem>> -> memref<80xi32, #tpu.memory_space<vmem>>
    %dma_start3A_1086 = tpu.memref_slice %arg6[%add3A_1045] : memref<819200xi32, #tpu.memory_space<hbm>> -> memref<80xi32, #tpu.memory_space<hbm>>
    %dma_start3A_1087 = arith.constant 0 : i32
    %dma_start3A_1088 = tpu.memref_slice %arg10[%dma_start3A_1082, %dma_start3A_1087] : memref<5x80xi32, #tpu.memory_space<vmem>> -> memref<1x80xi32, #tpu.memory_space<vmem>>
    %dma_start3A_1089 = tpu.memref_squeeze %dma_start3A_1088 : memref<1x80xi32, #tpu.memory_space<vmem>> -> memref<80xi32, #tpu.memory_space<vmem>>
    %dma_start3A_1090 = tpu.memref_slice %arg6[%add3A_1045] : memref<819200xi32, #tpu.memory_space<hbm>> -> memref<80xi32, #tpu.memory_space<hbm>>
    tpu.enqueue_dma source(%dma_start3A_1090 : memref<80xi32, #tpu.memory_space<hbm>>) target(%dma_start3A_1089 : memref<80xi32, #tpu.memory_space<vmem>>) target_semaphore(%arg15 : memref<!tpu.dma_semaphore, #tpu.memory_space<semaphore_mem>>)
    %scan3A = arith.constant 0 : i32
    %scan3A_1091 = arith.constant 0 : i32
    %scan3A_1092 = arith.constant 80 : i32
    %scan3A_1093 = arith.addi %scan3A_1091, %scan3A_1092 : i32
    %scan3A_1094 = arith.constant 1 : i32
    scf.for %scan3A_1936 = %scan3A_1091 to %scan3A_1093 step %scan3A_1094  : i32 {
      %get3A_1937 = arith.constant 0 : i32
      %get3A_1938 = arith.index_cast %get3A_1937 : i32 to index
      %get3A_1939 = arith.index_cast %scan3A_1936 : i32 to index
      %get3A_1940 = arith.constant 0 : index
      %get3A_1941 = tpu.vector_load %arg13[%get3A_1938, %get3A_1939, %get3A_1940] {strides = array<i32>} : memref<2x80x128xf32, #tpu.memory_space<vmem>>, vector<1x1x16xf32>,
      %get3A_1942 = vector.shape_cast %get3A_1941 : vector<1x1x16xf32> to vector<16xf32>
      %get3A_1943 = arith.constant 1 : i32
      %get3A_1944 = arith.index_cast %get3A_1943 : i32 to index
      %get3A_1945 = arith.index_cast %scan3A_1936 : i32 to index
      %get3A_1946 = arith.constant 0 : index
      %get3A_1947 = tpu.vector_load %arg13[%get3A_1944, %get3A_1945, %get3A_1946] {strides = array<i32>} : memref<2x80x128xf32, #tpu.memory_space<vmem>>, vector<1x1x16xf32>,
      %get3A_1948 = vector.shape_cast %get3A_1947 : vector<1x1x16xf32> to vector<16xf32>
      %add3A_1949 = arith.addf %get3A_1942, %get3A_1948 : vector<16xf32>
      %swap3A_1950 = arith.index_cast %scan3A_1936 : i32 to index
      %swap3A_1951 = arith.constant 0 : index
      %swap3A_1952 = tpu.vector_load %arg14[%swap3A_1950, %swap3A_1951] {strides = array<i32>} : memref<80x128xf32, #tpu.memory_space<vmem>>, vector<1x16xf32>,
      %swap3A_1953 = vector.shape_cast %swap3A_1952 : vector<1x16xf32> to vector<16xf32>
      %swap3A_1954 = vector.shape_cast %add3A_1949 : vector<16xf32> to vector<1x16xf32>
      tpu.vector_store %arg14[%swap3A_1950, %swap3A_1951], %swap3A_1954 {strides = array<i32>} : memref<80x128xf32, #tpu.memory_space<vmem>>, vector<1x16xf32>,
      %get3A_1955 = arith.constant 0 : i32
      %get3A_1956 = arith.index_cast %get3A_1955 : i32 to index
      %get3A_1957 = arith.index_cast %scan3A_1936 : i32 to index
      %get3A_1958 = arith.constant 16 : index
      %get3A_1959 = tpu.vector_load %arg13[%get3A_1956, %get3A_1957, %get3A_1958] {strides = array<i32>} : memref<2x80x128xf32, #tpu.memory_space<vmem>>, vector<1x1x16xf32>,
      %get3A_1960 = vector.shape_cast %get3A_1959 : vector<1x1x16xf32> to vector<16xf32>
      %get3A_1961 = arith.constant 1 : i32
      %get3A_1962 = arith.index_cast %get3A_1961 : i32 to index
      %get3A_1963 = arith.index_cast %scan3A_1936 : i32 to index
      %get3A_1964 = arith.constant 16 : index
      %get3A_1965 = tpu.vector_load %arg13[%get3A_1962, %get3A_1963, %get3A_1964] {strides = array<i32>} : memref<2x80x128xf32, #tpu.memory_space<vmem>>, vector<1x1x16xf32>,
      %get3A_1966 = vector.shape_cast %get3A_1965 : vector<1x1x16xf32> to vector<16xf32>
      %add3A_1967 = arith.addf %get3A_1960, %get3A_1966 : vector<16xf32>
      %swap3A_1968 = arith.index_cast %scan3A_1936 : i32 to index
      %swap3A_1969 = arith.constant 16 : index
      %swap3A_1970 = tpu.vector_load %arg14[%swap3A_1968, %swap3A_1969] {strides = array<i32>} : memref<80x128xf32, #tpu.memory_space<vmem>>, vector<1x16xf32>,
      %swap3A_1971 = vector.shape_cast %swap3A_1970 : vector<1x16xf32> to vector<16xf32>
      %swap3A_1972 = vector.shape_cast %add3A_1967 : vector<16xf32> to vector<1x16xf32>
      tpu.vector_store %arg14[%swap3A_1968, %swap3A_1969], %swap3A_1972 {strides = array<i32>} : memref<80x128xf32, #tpu.memory_space<vmem>>, vector<1x16xf32>,
      %get3A_1973 = arith.constant 0 : i32
      %get3A_1974 = arith.index_cast %get3A_1973 : i32 to index
      %get3A_1975 = arith.index_cast %scan3A_1936 : i32 to index
      %get3A_1976 = arith.constant 32 : index
      %get3A_1977 = tpu.vector_load %arg13[%get3A_1974, %get3A_1975, %get3A_1976] {strides = array<i32>} : memref<2x80x128xf32, #tpu.memory_space<vmem>>, vector<1x1x16xf32>,
      %get3A_1978 = vector.shape_cast %get3A_1977 : vector<1x1x16xf32> to vector<16xf32>
      %get3A_1979 = arith.constant 1 : i32
      %get3A_1980 = arith.index_cast %get3A_1979 : i32 to index
      %get3A_1981 = arith.index_cast %scan3A_1936 : i32 to index
      %get3A_1982 = arith.constant 32 : index
      %get3A_1983 = tpu.vector_load %arg13[%get3A_1980, %get3A_1981, %get3A_1982] {strides = array<i32>} : memref<2x80x128xf32, #tpu.memory_space<vmem>>, vector<1x1x16xf32>,
      %get3A_1984 = vector.shape_cast %get3A_1983 : vector<1x1x16xf32> to vector<16xf32>
      %add3A_1985 = arith.addf %get3A_1978, %get3A_1984 : vector<16xf32>
      %swap3A_1986 = arith.index_cast %scan3A_1936 : i32 to index
      %swap3A_1987 = arith.constant 32 : index
      %swap3A_1988 = tpu.vector_load %arg14[%swap3A_1986, %swap3A_1987] {strides = array<i32>} : memref<80x128xf32, #tpu.memory_space<vmem>>, vector<1x16xf32>,
      %swap3A_1989 = vector.shape_cast %swap3A_1988 : vector<1x16xf32> to vector<16xf32>
      %swap3A_1990 = vector.shape_cast %add3A_1985 : vector<16xf32> to vector<1x16xf32>
      tpu.vector_store %arg14[%swap3A_1986, %swap3A_1987], %swap3A_1990 {strides = array<i32>} : memref<80x128xf32, #tpu.memory_space<vmem>>, vector<1x16xf32>,
      %get3A_1991 = arith.constant 0 : i32
      %get3A_1992 = arith.index_cast %get3A_1991 : i32 to index
      %get3A_1993 = arith.index_cast %scan3A_1936 : i32 to index
      %get3A_1994 = arith.constant 48 : index
      %get3A_1995 = tpu.vector_load %arg13[%get3A_1992, %get3A_1993, %get3A_1994] {strides = array<i32>} : memref<2x80x128xf32, #tpu.memory_space<vmem>>, vector<1x1x16xf32>,
      %get3A_1996 = vector.shape_cast %get3A_1995 : vector<1x1x16xf32> to vector<16xf32>
      %get3A_1997 = arith.constant 1 : i32
      %get3A_1998 = arith.index_cast %get3A_1997 : i32 to index
      %get3A_1999 = arith.index_cast %scan3A_1936 : i32 to index
      %get3A_2000 = arith.constant 48 : index
      %get3A_2001 = tpu.vector_load %arg13[%get3A_1998, %get3A_1999, %get3A_2000] {strides = array<i32>} : memref<2x80x128xf32, #tpu.memory_space<vmem>>, vector<1x1x16xf32>,
      %get3A_2002 = vector.shape_cast %get3A_2001 : vector<1x1x16xf32> to vector<16xf32>
      %add3A_2003 = arith.addf %get3A_1996, %get3A_2002 : vector<16xf32>
      %swap3A_2004 = arith.index_cast %scan3A_1936 : i32 to index
      %swap3A_2005 = arith.constant 48 : index
      %swap3A_2006 = tpu.vector_load %arg14[%swap3A_2004, %swap3A_2005] {strides = array<i32>} : memref<80x128xf32, #tpu.memory_space<vmem>>, vector<1x16xf32>,
      %swap3A_2007 = vector.shape_cast %swap3A_2006 : vector<1x16xf32> to vector<16xf32>
      %swap3A_2008 = vector.shape_cast %add3A_2003 : vector<16xf32> to vector<1x16xf32>
      tpu.vector_store %arg14[%swap3A_2004, %swap3A_2005], %swap3A_2008 {strides = array<i32>} : memref<80x128xf32, #tpu.memory_space<vmem>>, vector<1x16xf32>,
      %get3A_2009 = arith.constant 0 : i32
      %get3A_2010 = arith.index_cast %get3A_2009 : i32 to index
      %get3A_2011 = arith.index_cast %scan3A_1936 : i32 to index
      %get3A_2012 = arith.constant 64 : index
      %get3A_2013 = tpu.vector_load %arg13[%get3A_2010, %get3A_2011, %get3A_2012] {strides = array<i32>} : memref<2x80x128xf32, #tpu.memory_space<vmem>>, vector<1x1x16xf32>,
      %get3A_2014 = vector.shape_cast %get3A_2013 : vector<1x1x16xf32> to vector<16xf32>
      %get3A_2015 = arith.constant 1 : i32
      %get3A_2016 = arith.index_cast %get3A_2015 : i32 to index
      %get3A_2017 = arith.index_cast %scan3A_1936 : i32 to index
      %get3A_2018 = arith.constant 64 : index
      %get3A_2019 = tpu.vector_load %arg13[%get3A_2016, %get3A_2017, %get3A_2018] {strides = array<i32>} : memref<2x80x128xf32, #tpu.memory_space<vmem>>, vector<1x1x16xf32>,
      %get3A_2020 = vector.shape_cast %get3A_2019 : vector<1x1x16xf32> to vector<16xf32>
      %add3A_2021 = arith.addf %get3A_2014, %get3A_2020 : vector<16xf32>
      %swap3A_2022 = arith.index_cast %scan3A_1936 : i32 to index
      %swap3A_2023 = arith.constant 64 : index
      %swap3A_2024 = tpu.vector_load %arg14[%swap3A_2022, %swap3A_2023] {strides = array<i32>} : memref<80x128xf32, #tpu.memory_space<vmem>>, vector<1x16xf32>,
      %swap3A_2025 = vector.shape_cast %swap3A_2024 : vector<1x16xf32> to vector<16xf32>
      %swap3A_2026 = vector.shape_cast %add3A_2021 : vector<16xf32> to vector<1x16xf32>
      tpu.vector_store %arg14[%swap3A_2022, %swap3A_2023], %swap3A_2026 {strides = array<i32>} : memref<80x128xf32, #tpu.memory_space<vmem>>, vector<1x16xf32>,
      %get3A_2027 = arith.constant 0 : i32
      %get3A_2028 = arith.index_cast %get3A_2027 : i32 to index
      %get3A_2029 = arith.index_cast %scan3A_1936 : i32 to index
      %get3A_2030 = arith.constant 80 : index
      %get3A_2031 = tpu.vector_load %arg13[%get3A_2028, %get3A_2029, %get3A_2030] {strides = array<i32>} : memref<2x80x128xf32, #tpu.memory_space<vmem>>, vector<1x1x16xf32>,
      %get3A_2032 = vector.shape_cast %get3A_2031 : vector<1x1x16xf32> to vector<16xf32>
      %get3A_2033 = arith.constant 1 : i32
      %get3A_2034 = arith.index_cast %get3A_2033 : i32 to index
      %get3A_2035 = arith.index_cast %scan3A_1936 : i32 to index
      %get3A_2036 = arith.constant 80 : index
      %get3A_2037 = tpu.vector_load %arg13[%get3A_2034, %get3A_2035, %get3A_2036] {strides = array<i32>} : memref<2x80x128xf32, #tpu.memory_space<vmem>>, vector<1x1x16xf32>,
      %get3A_2038 = vector.shape_cast %get3A_2037 : vector<1x1x16xf32> to vector<16xf32>
      %add3A_2039 = arith.addf %get3A_2032, %get3A_2038 : vector<16xf32>
      %swap3A_2040 = arith.index_cast %scan3A_1936 : i32 to index
      %swap3A_2041 = arith.constant 80 : index
      %swap3A_2042 = tpu.vector_load %arg14[%swap3A_2040, %swap3A_2041] {strides = array<i32>} : memref<80x128xf32, #tpu.memory_space<vmem>>, vector<1x16xf32>,
      %swap3A_2043 = vector.shape_cast %swap3A_2042 : vector<1x16xf32> to vector<16xf32>
      %swap3A_2044 = vector.shape_cast %add3A_2039 : vector<16xf32> to vector<1x16xf32>
      tpu.vector_store %arg14[%swap3A_2040, %swap3A_2041], %swap3A_2044 {strides = array<i32>} : memref<80x128xf32, #tpu.memory_space<vmem>>, vector<1x16xf32>,
      %get3A_2045 = arith.constant 0 : i32
      %get3A_2046 = arith.index_cast %get3A_2045 : i32 to index
      %get3A_2047 = arith.index_cast %scan3A_1936 : i32 to index
      %get3A_2048 = arith.constant 96 : index
      %get3A_2049 = tpu.vector_load %arg13[%get3A_2046, %get3A_2047, %get3A_2048] {strides = array<i32>} : memref<2x80x128xf32, #tpu.memory_space<vmem>>, vector<1x1x16xf32>,
      %get3A_2050 = vector.shape_cast %get3A_2049 : vector<1x1x16xf32> to vector<16xf32>
      %get3A_2051 = arith.constant 1 : i32
      %get3A_2052 = arith.index_cast %get3A_2051 : i32 to index
      %get3A_2053 = arith.index_cast %scan3A_1936 : i32 to index
      %get3A_2054 = arith.constant 96 : index
      %get3A_2055 = tpu.vector_load %arg13[%get3A_2052, %get3A_2053, %get3A_2054] {strides = array<i32>} : memref<2x80x128xf32, #tpu.memory_space<vmem>>, vector<1x1x16xf32>,
      %get3A_2056 = vector.shape_cast %get3A_2055 : vector<1x1x16xf32> to vector<16xf32>
      %add3A_2057 = arith.addf %get3A_2050, %get3A_2056 : vector<16xf32>
      %swap3A_2058 = arith.index_cast %scan3A_1936 : i32 to index
      %swap3A_2059 = arith.constant 96 : index
      %swap3A_2060 = tpu.vector_load %arg14[%swap3A_2058, %swap3A_2059] {strides = array<i32>} : memref<80x128xf32, #tpu.memory_space<vmem>>, vector<1x16xf32>,
      %swap3A_2061 = vector.shape_cast %swap3A_2060 : vector<1x16xf32> to vector<16xf32>
      %swap3A_2062 = vector.shape_cast %add3A_2057 : vector<16xf32> to vector<1x16xf32>
      tpu.vector_store %arg14[%swap3A_2058, %swap3A_2059], %swap3A_2062 {strides = array<i32>} : memref<80x128xf32, #tpu.memory_space<vmem>>, vector<1x16xf32>,
      %get3A_2063 = arith.constant 0 : i32
      %get3A_2064 = arith.index_cast %get3A_2063 : i32 to index
      %get3A_2065 = arith.index_cast %scan3A_1936 : i32 to index
      %get3A_2066 = arith.constant 112 : index
      %get3A_2067 = tpu.vector_load %arg13[%get3A_2064, %get3A_2065, %get3A_2066] {strides = array<i32>} : memref<2x80x128xf32, #tpu.memory_space<vmem>>, vector<1x1x16xf32>,
      %get3A_2068 = vector.shape_cast %get3A_2067 : vector<1x1x16xf32> to vector<16xf32>
      %get3A_2069 = arith.constant 1 : i32
      %get3A_2070 = arith.index_cast %get3A_2069 : i32 to index
      %get3A_2071 = arith.index_cast %scan3A_1936 : i32 to index
      %get3A_2072 = arith.constant 112 : index
      %get3A_2073 = tpu.vector_load %arg13[%get3A_2070, %get3A_2071, %get3A_2072] {strides = array<i32>} : memref<2x80x128xf32, #tpu.memory_space<vmem>>, vector<1x1x16xf32>,
      %get3A_2074 = vector.shape_cast %get3A_2073 : vector<1x1x16xf32> to vector<16xf32>
      %add3A_2075 = arith.addf %get3A_2068, %get3A_2074 : vector<16xf32>
      %swap3A_2076 = arith.index_cast %scan3A_1936 : i32 to index
      %swap3A_2077 = arith.constant 112 : index
      %swap3A_2078 = tpu.vector_load %arg14[%swap3A_2076, %swap3A_2077] {strides = array<i32>} : memref<80x128xf32, #tpu.memory_space<vmem>>, vector<1x16xf32>,
      %swap3A_2079 = vector.shape_cast %swap3A_2078 : vector<1x16xf32> to vector<16xf32>
      %swap3A_2080 = vector.shape_cast %add3A_2075 : vector<16xf32> to vector<1x16xf32>
      tpu.vector_store %arg14[%swap3A_2076, %swap3A_2077], %swap3A_2080 {strides = array<i32>} : memref<80x128xf32, #tpu.memory_space<vmem>>, vector<1x16xf32>,
    }
    %scan3A_1095 = arith.constant 80 : i32
    %add3A_1096 = arith.constant 0 : i32
    %add3A_1097 = arith.addi %mul3A_2, %add3A_1096 : i32
    %dma_start3A_1098 = arith.constant 0 : i32
    %dma_start3A_1099 = tpu.memref_slice %arg9[%add3A_1097, %dma_start3A_1098] : memref<819200x128xf32, #tpu.memory_space<hbm>> -> memref<80x128xf32, #tpu.memory_space<hbm>>
    %dma_start3A_1100 = arith.constant 0 : i32
    %dma_start3A_1101 = tpu.memref_slice %arg9[%add3A_1097, %dma_start3A_1100] : memref<819200x128xf32, #tpu.memory_space<hbm>> -> memref<80x128xf32, #tpu.memory_space<hbm>>
    tpu.enqueue_dma source(%arg14 : memref<80x128xf32, #tpu.memory_space<vmem>>) target(%dma_start3A_1101 : memref<80x128xf32, #tpu.memory_space<hbm>>) target_semaphore(%arg17 : memref<!tpu.dma_semaphore, #tpu.memory_space<semaphore_mem>>)
    %dma_wait3A_1102 = arith.constant 0 : i32
    %dma_wait3A_1103 = arith.constant 0 : i32
    %dma_wait3A_1104 = arith.constant 0 : i32
    %dma_wait3A_1105 = tpu.memref_slice %arg21[%dma_wait3A_1102, %dma_wait3A_1103, %dma_wait3A_1104] : memref<2x80x128xf32, #tpu.memory_space<vmem>> -> memref<1x80x128xf32, #tpu.memory_space<vmem>>
    %dma_wait3A_1106 = tpu.memref_squeeze %dma_wait3A_1105 : memref<1x80x128xf32, #tpu.memory_space<vmem>> -> memref<80x128xf32, #tpu.memory_space<vmem>>
    %dma_wait3A_1107 = arith.constant 0 : i32
    %dma_wait3A_1108 = arith.constant 0 : i32
    %dma_wait3A_1109 = tpu.memref_slice %arg7[%dma_wait3A_1107, %dma_wait3A_1108] : memref<178752x128xf32, #tpu.memory_space<hbm>> -> memref<178752x128xf32, #tpu.memory_space<hbm>>
    tpu.wait_indirect_dma semaphore(%arg24 : memref<!tpu.dma_semaphore, #tpu.memory_space<semaphore_mem>>) src(%dma_wait3A_1109 : memref<178752x128xf32, #tpu.memory_space<hbm>>) dst(%dma_wait3A_1106 : memref<80x128xf32, #tpu.memory_space<vmem>>)
    %dma_wait3A_1110 = arith.constant 1 : i32
    %dma_wait3A_1111 = arith.constant 0 : i32
    %dma_wait3A_1112 = arith.constant 0 : i32
    %dma_wait3A_1113 = tpu.memref_slice %arg21[%dma_wait3A_1110, %dma_wait3A_1111, %dma_wait3A_1112] : memref<2x80x128xf32, #tpu.memory_space<vmem>> -> memref<1x80x128xf32, #tpu.memory_space<vmem>>
    %dma_wait3A_1114 = tpu.memref_squeeze %dma_wait3A_1113 : memref<1x80x128xf32, #tpu.memory_space<vmem>> -> memref<80x128xf32, #tpu.memory_space<vmem>>
    %dma_wait3A_1115 = arith.constant 0 : i32
    %dma_wait3A_1116 = arith.constant 0 : i32
    %dma_wait3A_1117 = tpu.memref_slice %arg8[%dma_wait3A_1115, %dma_wait3A_1116] : memref<42016x128xf32, #tpu.memory_space<hbm>> -> memref<42016x128xf32, #tpu.memory_space<hbm>>
    tpu.wait_indirect_dma semaphore(%arg24 : memref<!tpu.dma_semaphore, #tpu.memory_space<semaphore_mem>>) src(%dma_wait3A_1117 : memref<42016x128xf32, #tpu.memory_space<hbm>>) dst(%dma_wait3A_1114 : memref<80x128xf32, #tpu.memory_space<vmem>>)
    %dma_wait3A_1118 = arith.constant 0 : i32
    %dma_wait3A_1119 = arith.constant 0 : i32
    %dma_wait3A_1120 = tpu.memref_slice %arg10[%dma_wait3A_1118, %dma_wait3A_1119] : memref<5x80xi32, #tpu.memory_space<vmem>> -> memref<1x80xi32, #tpu.memory_space<vmem>>
    %dma_wait3A_1121 = tpu.memref_squeeze %dma_wait3A_1120 : memref<1x80xi32, #tpu.memory_space<vmem>> -> memref<80xi32, #tpu.memory_space<vmem>>
    %dma_wait3A_1122 = arith.constant 0 : i32
    %dma_wait3A_1123 = tpu.memref_slice %arg2[%dma_wait3A_1122] : memref<819200xi32, #tpu.memory_space<hbm>> -> memref<80xi32, #tpu.memory_space<hbm>>
    %dma_wait3A_1124 = arith.constant 0 : i32
    %dma_wait3A_1125 = tpu.memref_slice %arg10[%dma_wait3A_1118, %dma_wait3A_1124] : memref<5x80xi32, #tpu.memory_space<vmem>> -> memref<1x80xi32, #tpu.memory_space<vmem>>
    %dma_wait3A_1126 = tpu.memref_squeeze %dma_wait3A_1125 : memref<1x80xi32, #tpu.memory_space<vmem>> -> memref<80xi32, #tpu.memory_space<vmem>>
    %dma_wait3A_1127 = arith.constant 0 : i32
    %dma_wait3A_1128 = tpu.memref_slice %arg2[%dma_wait3A_1127] : memref<819200xi32, #tpu.memory_space<hbm>> -> memref<80xi32, #tpu.memory_space<hbm>>
    tpu.wait_dma2 semaphore(%arg15 : memref<!tpu.dma_semaphore, #tpu.memory_space<semaphore_mem>>) src(%dma_wait3A_1128 : memref<80xi32, #tpu.memory_space<hbm>>) dst(%dma_wait3A_1126 : memref<80xi32, #tpu.memory_space<vmem>>)
    %dma_wait3A_1129 = arith.constant 1 : i32
    %dma_wait3A_1130 = arith.constant 0 : i32
    %dma_wait3A_1131 = tpu.memref_slice %arg10[%dma_wait3A_1129, %dma_wait3A_1130] : memref<5x80xi32, #tpu.memory_space<vmem>> -> memref<1x80xi32, #tpu.memory_space<vmem>>
    %dma_wait3A_1132 = tpu.memref_squeeze %dma_wait3A_1131 : memref<1x80xi32, #tpu.memory_space<vmem>> -> memref<80xi32, #tpu.memory_space<vmem>>
    %dma_wait3A_1133 = arith.constant 0 : i32
    %dma_wait3A_1134 = tpu.memref_slice %arg3[%dma_wait3A_1133] : memref<819200xi32, #tpu.memory_space<hbm>> -> memref<80xi32, #tpu.memory_space<hbm>>
    %dma_wait3A_1135 = arith.constant 0 : i32
    %dma_wait3A_1136 = tpu.memref_slice %arg10[%dma_wait3A_1129, %dma_wait3A_1135] : memref<5x80xi32, #tpu.memory_space<vmem>> -> memref<1x80xi32, #tpu.memory_space<vmem>>
    %dma_wait3A_1137 = tpu.memref_squeeze %dma_wait3A_1136 : memref<1x80xi32, #tpu.memory_space<vmem>> -> memref<80xi32, #tpu.memory_space<vmem>>
    %dma_wait3A_1138 = arith.constant 0 : i32
    %dma_wait3A_1139 = tpu.memref_slice %arg3[%dma_wait3A_1138] : memref<819200xi32, #tpu.memory_space<hbm>> -> memref<80xi32, #tpu.memory_space<hbm>>
    tpu.wait_dma2 semaphore(%arg15 : memref<!tpu.dma_semaphore, #tpu.memory_space<semaphore_mem>>) src(%dma_wait3A_1139 : memref<80xi32, #tpu.memory_space<hbm>>) dst(%dma_wait3A_1137 : memref<80xi32, #tpu.memory_space<vmem>>)
    %dma_wait3A_1140 = arith.constant 2 : i32
    %dma_wait3A_1141 = arith.constant 0 : i32
    %dma_wait3A_1142 = tpu.memref_slice %arg10[%dma_wait3A_1140, %dma_wait3A_1141] : memref<5x80xi32, #tpu.memory_space<vmem>> -> memref<1x80xi32, #tpu.memory_space<vmem>>
    %dma_wait3A_1143 = tpu.memref_squeeze %dma_wait3A_1142 : memref<1x80xi32, #tpu.memory_space<vmem>> -> memref<80xi32, #tpu.memory_space<vmem>>
    %dma_wait3A_1144 = arith.constant 0 : i32
    %dma_wait3A_1145 = tpu.memref_slice %arg4[%dma_wait3A_1144] : memref<819200xi32, #tpu.memory_space<hbm>> -> memref<80xi32, #tpu.memory_space<hbm>>
    %dma_wait3A_1146 = arith.constant 0 : i32
    %dma_wait3A_1147 = tpu.memref_slice %arg10[%dma_wait3A_1140, %dma_wait3A_1146] : memref<5x80xi32, #tpu.memory_space<vmem>> -> memref<1x80xi32, #tpu.memory_space<vmem>>
    %dma_wait3A_1148 = tpu.memref_squeeze %dma_wait3A_1147 : memref<1x80xi32, #tpu.memory_space<vmem>> -> memref<80xi32, #tpu.memory_space<vmem>>
    %dma_wait3A_1149 = arith.constant 0 : i32
    %dma_wait3A_1150 = tpu.memref_slice %arg4[%dma_wait3A_1149] : memref<819200xi32, #tpu.memory_space<hbm>> -> memref<80xi32, #tpu.memory_space<hbm>>
    tpu.wait_dma2 semaphore(%arg15 : memref<!tpu.dma_semaphore, #tpu.memory_space<semaphore_mem>>) src(%dma_wait3A_1150 : memref<80xi32, #tpu.memory_space<hbm>>) dst(%dma_wait3A_1148 : memref<80xi32, #tpu.memory_space<vmem>>)
    %dma_wait3A_1151 = arith.constant 3 : i32
    %dma_wait3A_1152 = arith.constant 0 : i32
    %dma_wait3A_1153 = tpu.memref_slice %arg10[%dma_wait3A_1151, %dma_wait3A_1152] : memref<5x80xi32, #tpu.memory_space<vmem>> -> memref<1x80xi32, #tpu.memory_space<vmem>>
    %dma_wait3A_1154 = tpu.memref_squeeze %dma_wait3A_1153 : memref<1x80xi32, #tpu.memory_space<vmem>> -> memref<80xi32, #tpu.memory_space<vmem>>
    %dma_wait3A_1155 = arith.constant 0 : i32
    %dma_wait3A_1156 = tpu.memref_slice %arg5[%dma_wait3A_1155] : memref<819200xi32, #tpu.memory_space<hbm>> -> memref<80xi32, #tpu.memory_space<hbm>>
    %dma_wait3A_1157 = arith.constant 0 : i32
    %dma_wait3A_1158 = tpu.memref_slice %arg10[%dma_wait3A_1151, %dma_wait3A_1157] : memref<5x80xi32, #tpu.memory_space<vmem>> -> memref<1x80xi32, #tpu.memory_space<vmem>>
    %dma_wait3A_1159 = tpu.memref_squeeze %dma_wait3A_1158 : memref<1x80xi32, #tpu.memory_space<vmem>> -> memref<80xi32, #tpu.memory_space<vmem>>
    %dma_wait3A_1160 = arith.constant 0 : i32
    %dma_wait3A_1161 = tpu.memref_slice %arg5[%dma_wait3A_1160] : memref<819200xi32, #tpu.memory_space<hbm>> -> memref<80xi32, #tpu.memory_space<hbm>>
    tpu.wait_dma2 semaphore(%arg15 : memref<!tpu.dma_semaphore, #tpu.memory_space<semaphore_mem>>) src(%dma_wait3A_1161 : memref<80xi32, #tpu.memory_space<hbm>>) dst(%dma_wait3A_1159 : memref<80xi32, #tpu.memory_space<vmem>>)
    %dma_wait3A_1162 = arith.constant 4 : i32
    %dma_wait3A_1163 = arith.constant 0 : i32
    %dma_wait3A_1164 = tpu.memref_slice %arg10[%dma_wait3A_1162, %dma_wait3A_1163] : memref<5x80xi32, #tpu.memory_space<vmem>> -> memref<1x80xi32, #tpu.memory_space<vmem>>
    %dma_wait3A_1165 = tpu.memref_squeeze %dma_wait3A_1164 : memref<1x80xi32, #tpu.memory_space<vmem>> -> memref<80xi32, #tpu.memory_space<vmem>>
    %dma_wait3A_1166 = arith.constant 0 : i32
    %dma_wait3A_1167 = tpu.memref_slice %arg6[%dma_wait3A_1166] : memref<819200xi32, #tpu.memory_space<hbm>> -> memref<80xi32, #tpu.memory_space<hbm>>
    %dma_wait3A_1168 = arith.constant 0 : i32
    %dma_wait3A_1169 = tpu.memref_slice %arg10[%dma_wait3A_1162, %dma_wait3A_1168] : memref<5x80xi32, #tpu.memory_space<vmem>> -> memref<1x80xi32, #tpu.memory_space<vmem>>
    %dma_wait3A_1170 = tpu.memref_squeeze %dma_wait3A_1169 : memref<1x80xi32, #tpu.memory_space<vmem>> -> memref<80xi32, #tpu.memory_space<vmem>>
    %dma_wait3A_1171 = arith.constant 0 : i32
    %dma_wait3A_1172 = tpu.memref_slice %arg6[%dma_wait3A_1171] : memref<819200xi32, #tpu.memory_space<hbm>> -> memref<80xi32, #tpu.memory_space<hbm>>
    tpu.wait_dma2 semaphore(%arg15 : memref<!tpu.dma_semaphore, #tpu.memory_space<semaphore_mem>>) src(%dma_wait3A_1172 : memref<80xi32, #tpu.memory_space<hbm>>) dst(%dma_wait3A_1170 : memref<80xi32, #tpu.memory_space<vmem>>)
    %get3A_1173 = arith.constant 0 : i32
    %get3A_1174 = arith.index_cast %get3A_1173 : i32 to index
    %get3A_1175 = arith.constant 0 : index
    %get3A_1176 = tpu.vector_load %arg10[%get3A_1174, %get3A_1175] {strides = array<i32>} : memref<5x80xi32, #tpu.memory_space<vmem>>, vector<1x16xi32>,
    %get3A_1177 = vector.shape_cast %get3A_1176 : vector<1x16xi32> to vector<16xi32>
    %get3A_1178 = arith.constant 1 : i32
    %get3A_1179 = arith.index_cast %get3A_1178 : i32 to index
    %get3A_1180 = arith.constant 0 : index
    %get3A_1181 = tpu.vector_load %arg10[%get3A_1179, %get3A_1180] {strides = array<i32>} : memref<5x80xi32, #tpu.memory_space<vmem>>, vector<1x16xi32>,
    %get3A_1182 = vector.shape_cast %get3A_1181 : vector<1x16xi32> to vector<16xi32>
    %get3A_1183 = arith.constant 2 : i32
    %get3A_1184 = arith.index_cast %get3A_1183 : i32 to index
    %get3A_1185 = arith.constant 0 : index
    %get3A_1186 = tpu.vector_load %arg10[%get3A_1184, %get3A_1185] {strides = array<i32>} : memref<5x80xi32, #tpu.memory_space<vmem>>, vector<1x16xi32>,
    %get3A_1187 = vector.shape_cast %get3A_1186 : vector<1x16xi32> to vector<16xi32>
    %get3A_1188 = arith.constant 3 : i32
    %get3A_1189 = arith.index_cast %get3A_1188 : i32 to index
    %get3A_1190 = arith.constant 0 : index
    %get3A_1191 = tpu.vector_load %arg10[%get3A_1189, %get3A_1190] {strides = array<i32>} : memref<5x80xi32, #tpu.memory_space<vmem>>, vector<1x16xi32>,
    %get3A_1192 = vector.shape_cast %get3A_1191 : vector<1x16xi32> to vector<16xi32>
    %get3A_1193 = arith.constant 4 : i32
    %get3A_1194 = arith.index_cast %get3A_1193 : i32 to index
    %get3A_1195 = arith.constant 0 : index
    %get3A_1196 = tpu.vector_load %arg10[%get3A_1194, %get3A_1195] {strides = array<i32>} : memref<5x80xi32, #tpu.memory_space<vmem>>, vector<1x16xi32>,
    %get3A_1197 = vector.shape_cast %get3A_1196 : vector<1x16xi32> to vector<16xi32>
    %mul3A_1198 = arith.constant 49 : i32
    %mul3A_1199 = vector.broadcast %mul3A_1198 : i32 to vector<16xi32>
    %mul3A_1200 = arith.muli %get3A_1177, %mul3A_1199 : vector<16xi32>
    %add3A_1201 = arith.addi %mul3A_1200, %get3A_1182 : vector<16xi32>
    %mul3A_1202 = arith.constant 48 : i32
    %mul3A_1203 = vector.broadcast %mul3A_1202 : i32 to vector<16xi32>
    %mul3A_1204 = arith.muli %add3A_1201, %mul3A_1203 : vector<16xi32>
    %add3A_1205 = arith.addi %mul3A_1204, %get3A_1197 : vector<16xi32>
    %swap3A_1206 = arith.constant 0 : index
    %swap3A_1207 = tpu.vector_load %arg11[%swap3A_1206] {strides = array<i32>} : memref<80xi32, #tpu.memory_space<vmem>>, vector<16xi32>,
    %swap3A_1208 = vector.shape_cast %swap3A_1207 : vector<16xi32> to vector<16xi32>
    %swap3A_1209 = vector.shape_cast %add3A_1205 : vector<16xi32> to vector<16xi32>
    tpu.vector_store %arg11[%swap3A_1206], %swap3A_1209 {strides = array<i32>} : memref<80xi32, #tpu.memory_space<vmem>>, vector<16xi32>,
    %mul3A_1210 = arith.constant 208 : i32
    %mul3A_1211 = vector.broadcast %mul3A_1210 : i32 to vector<16xi32>
    %mul3A_1212 = arith.muli %get3A_1187, %mul3A_1211 : vector<16xi32>
    %add3A_1213 = arith.addi %mul3A_1212, %get3A_1192 : vector<16xi32>
    %swap3A_1214 = arith.constant 0 : index
    %swap3A_1215 = tpu.vector_load %arg12[%swap3A_1214] {strides = array<i32>} : memref<80xi32, #tpu.memory_space<vmem>>, vector<16xi32>,
    %swap3A_1216 = vector.shape_cast %swap3A_1215 : vector<16xi32> to vector<16xi32>
    %swap3A_1217 = vector.shape_cast %add3A_1213 : vector<16xi32> to vector<16xi32>
    tpu.vector_store %arg12[%swap3A_1214], %swap3A_1217 {strides = array<i32>} : memref<80xi32, #tpu.memory_space<vmem>>, vector<16xi32>,
    %get3A_1218 = arith.constant 0 : i32
    %get3A_1219 = arith.index_cast %get3A_1218 : i32 to index
    %get3A_1220 = arith.constant 16 : index
    %get3A_1221 = tpu.vector_load %arg10[%get3A_1219, %get3A_1220] {strides = array<i32>} : memref<5x80xi32, #tpu.memory_space<vmem>>, vector<1x16xi32>,
    %get3A_1222 = vector.shape_cast %get3A_1221 : vector<1x16xi32> to vector<16xi32>
    %get3A_1223 = arith.constant 1 : i32
    %get3A_1224 = arith.index_cast %get3A_1223 : i32 to index
    %get3A_1225 = arith.constant 16 : index
    %get3A_1226 = tpu.vector_load %arg10[%get3A_1224, %get3A_1225] {strides = array<i32>} : memref<5x80xi32, #tpu.memory_space<vmem>>, vector<1x16xi32>,
    %get3A_1227 = vector.shape_cast %get3A_1226 : vector<1x16xi32> to vector<16xi32>
    %get3A_1228 = arith.constant 2 : i32
    %get3A_1229 = arith.index_cast %get3A_1228 : i32 to index
    %get3A_1230 = arith.constant 16 : index
    %get3A_1231 = tpu.vector_load %arg10[%get3A_1229, %get3A_1230] {strides = array<i32>} : memref<5x80xi32, #tpu.memory_space<vmem>>, vector<1x16xi32>,
    %get3A_1232 = vector.shape_cast %get3A_1231 : vector<1x16xi32> to vector<16xi32>
    %get3A_1233 = arith.constant 3 : i32
    %get3A_1234 = arith.index_cast %get3A_1233 : i32 to index
    %get3A_1235 = arith.constant 16 : index
    %get3A_1236 = tpu.vector_load %arg10[%get3A_1234, %get3A_1235] {strides = array<i32>} : memref<5x80xi32, #tpu.memory_space<vmem>>, vector<1x16xi32>,
    %get3A_1237 = vector.shape_cast %get3A_1236 : vector<1x16xi32> to vector<16xi32>
    %get3A_1238 = arith.constant 4 : i32
    %get3A_1239 = arith.index_cast %get3A_1238 : i32 to index
    %get3A_1240 = arith.constant 16 : index
    %get3A_1241 = tpu.vector_load %arg10[%get3A_1239, %get3A_1240] {strides = array<i32>} : memref<5x80xi32, #tpu.memory_space<vmem>>, vector<1x16xi32>,
    %get3A_1242 = vector.shape_cast %get3A_1241 : vector<1x16xi32> to vector<16xi32>
    %mul3A_1243 = arith.constant 49 : i32
    %mul3A_1244 = vector.broadcast %mul3A_1243 : i32 to vector<16xi32>
    %mul3A_1245 = arith.muli %get3A_1222, %mul3A_1244 : vector<16xi32>
    %add3A_1246 = arith.addi %mul3A_1245, %get3A_1227 : vector<16xi32>
    %mul3A_1247 = arith.constant 48 : i32
    %mul3A_1248 = vector.broadcast %mul3A_1247 : i32 to vector<16xi32>
    %mul3A_1249 = arith.muli %add3A_1246, %mul3A_1248 : vector<16xi32>
    %add3A_1250 = arith.addi %mul3A_1249, %get3A_1242 : vector<16xi32>
    %swap3A_1251 = arith.constant 16 : index
    %swap3A_1252 = tpu.vector_load %arg11[%swap3A_1251] {strides = array<i32>} : memref<80xi32, #tpu.memory_space<vmem>>, vector<16xi32>,
    %swap3A_1253 = vector.shape_cast %swap3A_1252 : vector<16xi32> to vector<16xi32>
    %swap3A_1254 = vector.shape_cast %add3A_1250 : vector<16xi32> to vector<16xi32>
    tpu.vector_store %arg11[%swap3A_1251], %swap3A_1254 {strides = array<i32>} : memref<80xi32, #tpu.memory_space<vmem>>, vector<16xi32>,
    %mul3A_1255 = arith.constant 208 : i32
    %mul3A_1256 = vector.broadcast %mul3A_1255 : i32 to vector<16xi32>
    %mul3A_1257 = arith.muli %get3A_1232, %mul3A_1256 : vector<16xi32>
    %add3A_1258 = arith.addi %mul3A_1257, %get3A_1237 : vector<16xi32>
    %swap3A_1259 = arith.constant 16 : index
    %swap3A_1260 = tpu.vector_load %arg12[%swap3A_1259] {strides = array<i32>} : memref<80xi32, #tpu.memory_space<vmem>>, vector<16xi32>,
    %swap3A_1261 = vector.shape_cast %swap3A_1260 : vector<16xi32> to vector<16xi32>
    %swap3A_1262 = vector.shape_cast %add3A_1258 : vector<16xi32> to vector<16xi32>
    tpu.vector_store %arg12[%swap3A_1259], %swap3A_1262 {strides = array<i32>} : memref<80xi32, #tpu.memory_space<vmem>>, vector<16xi32>,
    %get3A_1263 = arith.constant 0 : i32
    %get3A_1264 = arith.index_cast %get3A_1263 : i32 to index
    %get3A_1265 = arith.constant 32 : index
    %get3A_1266 = tpu.vector_load %arg10[%get3A_1264, %get3A_1265] {strides = array<i32>} : memref<5x80xi32, #tpu.memory_space<vmem>>, vector<1x16xi32>,
    %get3A_1267 = vector.shape_cast %get3A_1266 : vector<1x16xi32> to vector<16xi32>
    %get3A_1268 = arith.constant 1 : i32
    %get3A_1269 = arith.index_cast %get3A_1268 : i32 to index
    %get3A_1270 = arith.constant 32 : index
    %get3A_1271 = tpu.vector_load %arg10[%get3A_1269, %get3A_1270] {strides = array<i32>} : memref<5x80xi32, #tpu.memory_space<vmem>>, vector<1x16xi32>,
    %get3A_1272 = vector.shape_cast %get3A_1271 : vector<1x16xi32> to vector<16xi32>
    %get3A_1273 = arith.constant 2 : i32
    %get3A_1274 = arith.index_cast %get3A_1273 : i32 to index
    %get3A_1275 = arith.constant 32 : index
    %get3A_1276 = tpu.vector_load %arg10[%get3A_1274, %get3A_1275] {strides = array<i32>} : memref<5x80xi32, #tpu.memory_space<vmem>>, vector<1x16xi32>,
    %get3A_1277 = vector.shape_cast %get3A_1276 : vector<1x16xi32> to vector<16xi32>
    %get3A_1278 = arith.constant 3 : i32
    %get3A_1279 = arith.index_cast %get3A_1278 : i32 to index
    %get3A_1280 = arith.constant 32 : index
    %get3A_1281 = tpu.vector_load %arg10[%get3A_1279, %get3A_1280] {strides = array<i32>} : memref<5x80xi32, #tpu.memory_space<vmem>>, vector<1x16xi32>,
    %get3A_1282 = vector.shape_cast %get3A_1281 : vector<1x16xi32> to vector<16xi32>
    %get3A_1283 = arith.constant 4 : i32
    %get3A_1284 = arith.index_cast %get3A_1283 : i32 to index
    %get3A_1285 = arith.constant 32 : index
    %get3A_1286 = tpu.vector_load %arg10[%get3A_1284, %get3A_1285] {strides = array<i32>} : memref<5x80xi32, #tpu.memory_space<vmem>>, vector<1x16xi32>,
    %get3A_1287 = vector.shape_cast %get3A_1286 : vector<1x16xi32> to vector<16xi32>
    %mul3A_1288 = arith.constant 49 : i32
    %mul3A_1289 = vector.broadcast %mul3A_1288 : i32 to vector<16xi32>
    %mul3A_1290 = arith.muli %get3A_1267, %mul3A_1289 : vector<16xi32>
    %add3A_1291 = arith.addi %mul3A_1290, %get3A_1272 : vector<16xi32>
    %mul3A_1292 = arith.constant 48 : i32
    %mul3A_1293 = vector.broadcast %mul3A_1292 : i32 to vector<16xi32>
    %mul3A_1294 = arith.muli %add3A_1291, %mul3A_1293 : vector<16xi32>
    %add3A_1295 = arith.addi %mul3A_1294, %get3A_1287 : vector<16xi32>
    %swap3A_1296 = arith.constant 32 : index
    %swap3A_1297 = tpu.vector_load %arg11[%swap3A_1296] {strides = array<i32>} : memref<80xi32, #tpu.memory_space<vmem>>, vector<16xi32>,
    %swap3A_1298 = vector.shape_cast %swap3A_1297 : vector<16xi32> to vector<16xi32>
    %swap3A_1299 = vector.shape_cast %add3A_1295 : vector<16xi32> to vector<16xi32>
    tpu.vector_store %arg11[%swap3A_1296], %swap3A_1299 {strides = array<i32>} : memref<80xi32, #tpu.memory_space<vmem>>, vector<16xi32>,
    %mul3A_1300 = arith.constant 208 : i32
    %mul3A_1301 = vector.broadcast %mul3A_1300 : i32 to vector<16xi32>
    %mul3A_1302 = arith.muli %get3A_1277, %mul3A_1301 : vector<16xi32>
    %add3A_1303 = arith.addi %mul3A_1302, %get3A_1282 : vector<16xi32>
    %swap3A_1304 = arith.constant 32 : index
    %swap3A_1305 = tpu.vector_load %arg12[%swap3A_1304] {strides = array<i32>} : memref<80xi32, #tpu.memory_space<vmem>>, vector<16xi32>,
    %swap3A_1306 = vector.shape_cast %swap3A_1305 : vector<16xi32> to vector<16xi32>
    %swap3A_1307 = vector.shape_cast %add3A_1303 : vector<16xi32> to vector<16xi32>
    tpu.vector_store %arg12[%swap3A_1304], %swap3A_1307 {strides = array<i32>} : memref<80xi32, #tpu.memory_space<vmem>>, vector<16xi32>,
    %get3A_1308 = arith.constant 0 : i32
    %get3A_1309 = arith.index_cast %get3A_1308 : i32 to index
    %get3A_1310 = arith.constant 48 : index
    %get3A_1311 = tpu.vector_load %arg10[%get3A_1309, %get3A_1310] {strides = array<i32>} : memref<5x80xi32, #tpu.memory_space<vmem>>, vector<1x16xi32>,
    %get3A_1312 = vector.shape_cast %get3A_1311 : vector<1x16xi32> to vector<16xi32>
    %get3A_1313 = arith.constant 1 : i32
    %get3A_1314 = arith.index_cast %get3A_1313 : i32 to index
    %get3A_1315 = arith.constant 48 : index
    %get3A_1316 = tpu.vector_load %arg10[%get3A_1314, %get3A_1315] {strides = array<i32>} : memref<5x80xi32, #tpu.memory_space<vmem>>, vector<1x16xi32>,
    %get3A_1317 = vector.shape_cast %get3A_1316 : vector<1x16xi32> to vector<16xi32>
    %get3A_1318 = arith.constant 2 : i32
    %get3A_1319 = arith.index_cast %get3A_1318 : i32 to index
    %get3A_1320 = arith.constant 48 : index
    %get3A_1321 = tpu.vector_load %arg10[%get3A_1319, %get3A_1320] {strides = array<i32>} : memref<5x80xi32, #tpu.memory_space<vmem>>, vector<1x16xi32>,
    %get3A_1322 = vector.shape_cast %get3A_1321 : vector<1x16xi32> to vector<16xi32>
    %get3A_1323 = arith.constant 3 : i32
    %get3A_1324 = arith.index_cast %get3A_1323 : i32 to index
    %get3A_1325 = arith.constant 48 : index
    %get3A_1326 = tpu.vector_load %arg10[%get3A_1324, %get3A_1325] {strides = array<i32>} : memref<5x80xi32, #tpu.memory_space<vmem>>, vector<1x16xi32>,
    %get3A_1327 = vector.shape_cast %get3A_1326 : vector<1x16xi32> to vector<16xi32>
    %get3A_1328 = arith.constant 4 : i32
    %get3A_1329 = arith.index_cast %get3A_1328 : i32 to index
    %get3A_1330 = arith.constant 48 : index
    %get3A_1331 = tpu.vector_load %arg10[%get3A_1329, %get3A_1330] {strides = array<i32>} : memref<5x80xi32, #tpu.memory_space<vmem>>, vector<1x16xi32>,
    %get3A_1332 = vector.shape_cast %get3A_1331 : vector<1x16xi32> to vector<16xi32>
    %mul3A_1333 = arith.constant 49 : i32
    %mul3A_1334 = vector.broadcast %mul3A_1333 : i32 to vector<16xi32>
    %mul3A_1335 = arith.muli %get3A_1312, %mul3A_1334 : vector<16xi32>
    %add3A_1336 = arith.addi %mul3A_1335, %get3A_1317 : vector<16xi32>
    %mul3A_1337 = arith.constant 48 : i32
    %mul3A_1338 = vector.broadcast %mul3A_1337 : i32 to vector<16xi32>
    %mul3A_1339 = arith.muli %add3A_1336, %mul3A_1338 : vector<16xi32>
    %add3A_1340 = arith.addi %mul3A_1339, %get3A_1332 : vector<16xi32>
    %swap3A_1341 = arith.constant 48 : index
    %swap3A_1342 = tpu.vector_load %arg11[%swap3A_1341] {strides = array<i32>} : memref<80xi32, #tpu.memory_space<vmem>>, vector<16xi32>,
    %swap3A_1343 = vector.shape_cast %swap3A_1342 : vector<16xi32> to vector<16xi32>
    %swap3A_1344 = vector.shape_cast %add3A_1340 : vector<16xi32> to vector<16xi32>
    tpu.vector_store %arg11[%swap3A_1341], %swap3A_1344 {strides = array<i32>} : memref<80xi32, #tpu.memory_space<vmem>>, vector<16xi32>,
    %mul3A_1345 = arith.constant 208 : i32
    %mul3A_1346 = vector.broadcast %mul3A_1345 : i32 to vector<16xi32>
    %mul3A_1347 = arith.muli %get3A_1322, %mul3A_1346 : vector<16xi32>
    %add3A_1348 = arith.addi %mul3A_1347, %get3A_1327 : vector<16xi32>
    %swap3A_1349 = arith.constant 48 : index
    %swap3A_1350 = tpu.vector_load %arg12[%swap3A_1349] {strides = array<i32>} : memref<80xi32, #tpu.memory_space<vmem>>, vector<16xi32>,
    %swap3A_1351 = vector.shape_cast %swap3A_1350 : vector<16xi32> to vector<16xi32>
    %swap3A_1352 = vector.shape_cast %add3A_1348 : vector<16xi32> to vector<16xi32>
    tpu.vector_store %arg12[%swap3A_1349], %swap3A_1352 {strides = array<i32>} : memref<80xi32, #tpu.memory_space<vmem>>, vector<16xi32>,
    %get3A_1353 = arith.constant 0 : i32
    %get3A_1354 = arith.index_cast %get3A_1353 : i32 to index
    %get3A_1355 = arith.constant 64 : index
    %get3A_1356 = tpu.vector_load %arg10[%get3A_1354, %get3A_1355] {strides = array<i32>} : memref<5x80xi32, #tpu.memory_space<vmem>>, vector<1x16xi32>,
    %get3A_1357 = vector.shape_cast %get3A_1356 : vector<1x16xi32> to vector<16xi32>
    %get3A_1358 = arith.constant 1 : i32
    %get3A_1359 = arith.index_cast %get3A_1358 : i32 to index
    %get3A_1360 = arith.constant 64 : index
    %get3A_1361 = tpu.vector_load %arg10[%get3A_1359, %get3A_1360] {strides = array<i32>} : memref<5x80xi32, #tpu.memory_space<vmem>>, vector<1x16xi32>,
    %get3A_1362 = vector.shape_cast %get3A_1361 : vector<1x16xi32> to vector<16xi32>
    %get3A_1363 = arith.constant 2 : i32
    %get3A_1364 = arith.index_cast %get3A_1363 : i32 to index
    %get3A_1365 = arith.constant 64 : index
    %get3A_1366 = tpu.vector_load %arg10[%get3A_1364, %get3A_1365] {strides = array<i32>} : memref<5x80xi32, #tpu.memory_space<vmem>>, vector<1x16xi32>,
    %get3A_1367 = vector.shape_cast %get3A_1366 : vector<1x16xi32> to vector<16xi32>
    %get3A_1368 = arith.constant 3 : i32
    %get3A_1369 = arith.index_cast %get3A_1368 : i32 to index
    %get3A_1370 = arith.constant 64 : index
    %get3A_1371 = tpu.vector_load %arg10[%get3A_1369, %get3A_1370] {strides = array<i32>} : memref<5x80xi32, #tpu.memory_space<vmem>>, vector<1x16xi32>,
    %get3A_1372 = vector.shape_cast %get3A_1371 : vector<1x16xi32> to vector<16xi32>
    %get3A_1373 = arith.constant 4 : i32
    %get3A_1374 = arith.index_cast %get3A_1373 : i32 to index
    %get3A_1375 = arith.constant 64 : index
    %get3A_1376 = tpu.vector_load %arg10[%get3A_1374, %get3A_1375] {strides = array<i32>} : memref<5x80xi32, #tpu.memory_space<vmem>>, vector<1x16xi32>,
    %get3A_1377 = vector.shape_cast %get3A_1376 : vector<1x16xi32> to vector<16xi32>
    %mul3A_1378 = arith.constant 49 : i32
    %mul3A_1379 = vector.broadcast %mul3A_1378 : i32 to vector<16xi32>
    %mul3A_1380 = arith.muli %get3A_1357, %mul3A_1379 : vector<16xi32>
    %add3A_1381 = arith.addi %mul3A_1380, %get3A_1362 : vector<16xi32>
    %mul3A_1382 = arith.constant 48 : i32
    %mul3A_1383 = vector.broadcast %mul3A_1382 : i32 to vector<16xi32>
    %mul3A_1384 = arith.muli %add3A_1381, %mul3A_1383 : vector<16xi32>
    %add3A_1385 = arith.addi %mul3A_1384, %get3A_1377 : vector<16xi32>
    %swap3A_1386 = arith.constant 64 : index
    %swap3A_1387 = tpu.vector_load %arg11[%swap3A_1386] {strides = array<i32>} : memref<80xi32, #tpu.memory_space<vmem>>, vector<16xi32>,
    %swap3A_1388 = vector.shape_cast %swap3A_1387 : vector<16xi32> to vector<16xi32>
    %swap3A_1389 = vector.shape_cast %add3A_1385 : vector<16xi32> to vector<16xi32>
    tpu.vector_store %arg11[%swap3A_1386], %swap3A_1389 {strides = array<i32>} : memref<80xi32, #tpu.memory_space<vmem>>, vector<16xi32>,
    %mul3A_1390 = arith.constant 208 : i32
    %mul3A_1391 = vector.broadcast %mul3A_1390 : i32 to vector<16xi32>
    %mul3A_1392 = arith.muli %get3A_1367, %mul3A_1391 : vector<16xi32>
    %add3A_1393 = arith.addi %mul3A_1392, %get3A_1372 : vector<16xi32>
    %swap3A_1394 = arith.constant 64 : index
    %swap3A_1395 = tpu.vector_load %arg12[%swap3A_1394] {strides = array<i32>} : memref<80xi32, #tpu.memory_space<vmem>>, vector<16xi32>,
    %swap3A_1396 = vector.shape_cast %swap3A_1395 : vector<16xi32> to vector<16xi32>
    %swap3A_1397 = vector.shape_cast %add3A_1393 : vector<16xi32> to vector<16xi32>
    tpu.vector_store %arg12[%swap3A_1394], %swap3A_1397 {strides = array<i32>} : memref<80xi32, #tpu.memory_space<vmem>>, vector<16xi32>,
    %dma_start3A_1398 = arith.constant 0 : i32
    %dma_start3A_1399 = arith.constant 0 : i32
    %dma_start3A_1400 = arith.constant 0 : i32
    %dma_start3A_1401 = tpu.memref_slice %arg13[%dma_start3A_1398, %dma_start3A_1399, %dma_start3A_1400] : memref<2x80x128xf32, #tpu.memory_space<vmem>> -> memref<1x80x128xf32, #tpu.memory_space<vmem>>
    %dma_start3A_1402 = tpu.memref_squeeze %dma_start3A_1401 : memref<1x80x128xf32, #tpu.memory_space<vmem>> -> memref<80x128xf32, #tpu.memory_space<vmem>>
    %dma_start3A_1403 = arith.constant 0 : i32
    %dma_start3A_1404 = arith.constant 0 : i32
    %dma_start3A_1405 = tpu.memref_slice %arg7[%dma_start3A_1403, %dma_start3A_1404] : memref<178752x128xf32, #tpu.memory_space<hbm>> -> memref<178752x128xf32, #tpu.memory_space<hbm>>
    tpu.enqueue_indirect_dma source(%dma_start3A_1405 : memref<178752x128xf32, #tpu.memory_space<hbm>>) target(%dma_start3A_1402 : memref<80x128xf32, #tpu.memory_space<vmem>>) offsets(%arg11 : memref<80xi32, #tpu.memory_space<vmem>>) semaphore(%arg16 : memref<!tpu.dma_semaphore, #tpu.memory_space<semaphore_mem>>)
    %dma_start3A_1406 = arith.constant 1 : i32
    %dma_start3A_1407 = arith.constant 0 : i32
    %dma_start3A_1408 = arith.constant 0 : i32
    %dma_start3A_1409 = tpu.memref_slice %arg13[%dma_start3A_1406, %dma_start3A_1407, %dma_start3A_1408] : memref<2x80x128xf32, #tpu.memory_space<vmem>> -> memref<1x80x128xf32, #tpu.memory_space<vmem>>
    %dma_start3A_1410 = tpu.memref_squeeze %dma_start3A_1409 : memref<1x80x128xf32, #tpu.memory_space<vmem>> -> memref<80x128xf32, #tpu.memory_space<vmem>>
    %dma_start3A_1411 = arith.constant 0 : i32
    %dma_start3A_1412 = arith.constant 0 : i32
    %dma_start3A_1413 = tpu.memref_slice %arg8[%dma_start3A_1411, %dma_start3A_1412] : memref<42016x128xf32, #tpu.memory_space<hbm>> -> memref<42016x128xf32, #tpu.memory_space<hbm>>
    tpu.enqueue_indirect_dma source(%dma_start3A_1413 : memref<42016x128xf32, #tpu.memory_space<hbm>>) target(%dma_start3A_1410 : memref<80x128xf32, #tpu.memory_space<vmem>>) offsets(%arg12 : memref<80xi32, #tpu.memory_space<vmem>>) semaphore(%arg16 : memref<!tpu.dma_semaphore, #tpu.memory_space<semaphore_mem>>)
    %add3A_1414 = arith.constant 320 : i32
    %add3A_1415 = arith.addi %mul3A_2, %add3A_1414 : i32
    %dma_start3A_1416 = arith.constant 0 : i32
    %dma_start3A_1417 = arith.constant 0 : i32
    %dma_start3A_1418 = tpu.memref_slice %arg18[%dma_start3A_1416, %dma_start3A_1417] : memref<5x80xi32, #tpu.memory_space<vmem>> -> memref<1x80xi32, #tpu.memory_space<vmem>>
    %dma_start3A_1419 = tpu.memref_squeeze %dma_start3A_1418 : memref<1x80xi32, #tpu.memory_space<vmem>> -> memref<80xi32, #tpu.memory_space<vmem>>
    %dma_start3A_1420 = tpu.memref_slice %arg2[%add3A_1415] : memref<819200xi32, #tpu.memory_space<hbm>> -> memref<80xi32, #tpu.memory_space<hbm>>
    %dma_start3A_1421 = arith.constant 0 : i32
    %dma_start3A_1422 = tpu.memref_slice %arg18[%dma_start3A_1416, %dma_start3A_1421] : memref<5x80xi32, #tpu.memory_space<vmem>> -> memref<1x80xi32, #tpu.memory_space<vmem>>
    %dma_start3A_1423 = tpu.memref_squeeze %dma_start3A_1422 : memref<1x80xi32, #tpu.memory_space<vmem>> -> memref<80xi32, #tpu.memory_space<vmem>>
    %dma_start3A_1424 = tpu.memref_slice %arg2[%add3A_1415] : memref<819200xi32, #tpu.memory_space<hbm>> -> memref<80xi32, #tpu.memory_space<hbm>>
    tpu.enqueue_dma source(%dma_start3A_1424 : memref<80xi32, #tpu.memory_space<hbm>>) target(%dma_start3A_1423 : memref<80xi32, #tpu.memory_space<vmem>>) target_semaphore(%arg23 : memref<!tpu.dma_semaphore, #tpu.memory_space<semaphore_mem>>)
    %dma_start3A_1425 = arith.constant 1 : i32
    %dma_start3A_1426 = arith.constant 0 : i32
    %dma_start3A_1427 = tpu.memref_slice %arg18[%dma_start3A_1425, %dma_start3A_1426] : memref<5x80xi32, #tpu.memory_space<vmem>> -> memref<1x80xi32, #tpu.memory_space<vmem>>
    %dma_start3A_1428 = tpu.memref_squeeze %dma_start3A_1427 : memref<1x80xi32, #tpu.memory_space<vmem>> -> memref<80xi32, #tpu.memory_space<vmem>>
    %dma_start3A_1429 = tpu.memref_slice %arg3[%add3A_1415] : memref<819200xi32, #tpu.memory_space<hbm>> -> memref<80xi32, #tpu.memory_space<hbm>>
    %dma_start3A_1430 = arith.constant 0 : i32
    %dma_start3A_1431 = tpu.memref_slice %arg18[%dma_start3A_1425, %dma_start3A_1430] : memref<5x80xi32, #tpu.memory_space<vmem>> -> memref<1x80xi32, #tpu.memory_space<vmem>>
    %dma_start3A_1432 = tpu.memref_squeeze %dma_start3A_1431 : memref<1x80xi32, #tpu.memory_space<vmem>> -> memref<80xi32, #tpu.memory_space<vmem>>
    %dma_start3A_1433 = tpu.memref_slice %arg3[%add3A_1415] : memref<819200xi32, #tpu.memory_space<hbm>> -> memref<80xi32, #tpu.memory_space<hbm>>
    tpu.enqueue_dma source(%dma_start3A_1433 : memref<80xi32, #tpu.memory_space<hbm>>) target(%dma_start3A_1432 : memref<80xi32, #tpu.memory_space<vmem>>) target_semaphore(%arg23 : memref<!tpu.dma_semaphore, #tpu.memory_space<semaphore_mem>>)
    %dma_start3A_1434 = arith.constant 2 : i32
    %dma_start3A_1435 = arith.constant 0 : i32
    %dma_start3A_1436 = tpu.memref_slice %arg18[%dma_start3A_1434, %dma_start3A_1435] : memref<5x80xi32, #tpu.memory_space<vmem>> -> memref<1x80xi32, #tpu.memory_space<vmem>>
    %dma_start3A_1437 = tpu.memref_squeeze %dma_start3A_1436 : memref<1x80xi32, #tpu.memory_space<vmem>> -> memref<80xi32, #tpu.memory_space<vmem>>
    %dma_start3A_1438 = tpu.memref_slice %arg4[%add3A_1415] : memref<819200xi32, #tpu.memory_space<hbm>> -> memref<80xi32, #tpu.memory_space<hbm>>
    %dma_start3A_1439 = arith.constant 0 : i32
    %dma_start3A_1440 = tpu.memref_slice %arg18[%dma_start3A_1434, %dma_start3A_1439] : memref<5x80xi32, #tpu.memory_space<vmem>> -> memref<1x80xi32, #tpu.memory_space<vmem>>
    %dma_start3A_1441 = tpu.memref_squeeze %dma_start3A_1440 : memref<1x80xi32, #tpu.memory_space<vmem>> -> memref<80xi32, #tpu.memory_space<vmem>>
    %dma_start3A_1442 = tpu.memref_slice %arg4[%add3A_1415] : memref<819200xi32, #tpu.memory_space<hbm>> -> memref<80xi32, #tpu.memory_space<hbm>>
    tpu.enqueue_dma source(%dma_start3A_1442 : memref<80xi32, #tpu.memory_space<hbm>>) target(%dma_start3A_1441 : memref<80xi32, #tpu.memory_space<vmem>>) target_semaphore(%arg23 : memref<!tpu.dma_semaphore, #tpu.memory_space<semaphore_mem>>)
    %dma_start3A_1443 = arith.constant 3 : i32
    %dma_start3A_1444 = arith.constant 0 : i32
    %dma_start3A_1445 = tpu.memref_slice %arg18[%dma_start3A_1443, %dma_start3A_1444] : memref<5x80xi32, #tpu.memory_space<vmem>> -> memref<1x80xi32, #tpu.memory_space<vmem>>
    %dma_start3A_1446 = tpu.memref_squeeze %dma_start3A_1445 : memref<1x80xi32, #tpu.memory_space<vmem>> -> memref<80xi32, #tpu.memory_space<vmem>>
    %dma_start3A_1447 = tpu.memref_slice %arg5[%add3A_1415] : memref<819200xi32, #tpu.memory_space<hbm>> -> memref<80xi32, #tpu.memory_space<hbm>>
    %dma_start3A_1448 = arith.constant 0 : i32
    %dma_start3A_1449 = tpu.memref_slice %arg18[%dma_start3A_1443, %dma_start3A_1448] : memref<5x80xi32, #tpu.memory_space<vmem>> -> memref<1x80xi32, #tpu.memory_space<vmem>>
    %dma_start3A_1450 = tpu.memref_squeeze %dma_start3A_1449 : memref<1x80xi32, #tpu.memory_space<vmem>> -> memref<80xi32, #tpu.memory_space<vmem>>
    %dma_start3A_1451 = tpu.memref_slice %arg5[%add3A_1415] : memref<819200xi32, #tpu.memory_space<hbm>> -> memref<80xi32, #tpu.memory_space<hbm>>
    tpu.enqueue_dma source(%dma_start3A_1451 : memref<80xi32, #tpu.memory_space<hbm>>) target(%dma_start3A_1450 : memref<80xi32, #tpu.memory_space<vmem>>) target_semaphore(%arg23 : memref<!tpu.dma_semaphore, #tpu.memory_space<semaphore_mem>>)
    %dma_start3A_1452 = arith.constant 4 : i32
    %dma_start3A_1453 = arith.constant 0 : i32
    %dma_start3A_1454 = tpu.memref_slice %arg18[%dma_start3A_1452, %dma_start3A_1453] : memref<5x80xi32, #tpu.memory_space<vmem>> -> memref<1x80xi32, #tpu.memory_space<vmem>>
    %dma_start3A_1455 = tpu.memref_squeeze %dma_start3A_1454 : memref<1x80xi32, #tpu.memory_space<vmem>> -> memref<80xi32, #tpu.memory_space<vmem>>
    %dma_start3A_1456 = tpu.memref_slice %arg6[%add3A_1415] : memref<819200xi32, #tpu.memory_space<hbm>> -> memref<80xi32, #tpu.memory_space<hbm>>
    %dma_start3A_1457 = arith.constant 0 : i32
    %dma_start3A_1458 = tpu.memref_slice %arg18[%dma_start3A_1452, %dma_start3A_1457] : memref<5x80xi32, #tpu.memory_space<vmem>> -> memref<1x80xi32, #tpu.memory_space<vmem>>
    %dma_start3A_1459 = tpu.memref_squeeze %dma_start3A_1458 : memref<1x80xi32, #tpu.memory_space<vmem>> -> memref<80xi32, #tpu.memory_space<vmem>>
    %dma_start3A_1460 = tpu.memref_slice %arg6[%add3A_1415] : memref<819200xi32, #tpu.memory_space<hbm>> -> memref<80xi32, #tpu.memory_space<hbm>>
    tpu.enqueue_dma source(%dma_start3A_1460 : memref<80xi32, #tpu.memory_space<hbm>>) target(%dma_start3A_1459 : memref<80xi32, #tpu.memory_space<vmem>>) target_semaphore(%arg23 : memref<!tpu.dma_semaphore, #tpu.memory_space<semaphore_mem>>)
    %scan3A_1461 = arith.constant 0 : i32
    %scan3A_1462 = arith.constant 0 : i32
    %scan3A_1463 = arith.constant 80 : i32
    %scan3A_1464 = arith.addi %scan3A_1462, %scan3A_1463 : i32
    %scan3A_1465 = arith.constant 1 : i32
    scf.for %scan3A_1936 = %scan3A_1462 to %scan3A_1464 step %scan3A_1465  : i32 {
      %get3A_1937 = arith.constant 0 : i32
      %get3A_1938 = arith.index_cast %get3A_1937 : i32 to index
      %get3A_1939 = arith.index_cast %scan3A_1936 : i32 to index
      %get3A_1940 = arith.constant 0 : index
      %get3A_1941 = tpu.vector_load %arg21[%get3A_1938, %get3A_1939, %get3A_1940] {strides = array<i32>} : memref<2x80x128xf32, #tpu.memory_space<vmem>>, vector<1x1x16xf32>,
      %get3A_1942 = vector.shape_cast %get3A_1941 : vector<1x1x16xf32> to vector<16xf32>
      %get3A_1943 = arith.constant 1 : i32
      %get3A_1944 = arith.index_cast %get3A_1943 : i32 to index
      %get3A_1945 = arith.index_cast %scan3A_1936 : i32 to index
      %get3A_1946 = arith.constant 0 : index
      %get3A_1947 = tpu.vector_load %arg21[%get3A_1944, %get3A_1945, %get3A_1946] {strides = array<i32>} : memref<2x80x128xf32, #tpu.memory_space<vmem>>, vector<1x1x16xf32>,
      %get3A_1948 = vector.shape_cast %get3A_1947 : vector<1x1x16xf32> to vector<16xf32>
      %add3A_1949 = arith.addf %get3A_1942, %get3A_1948 : vector<16xf32>
      %swap3A_1950 = arith.index_cast %scan3A_1936 : i32 to index
      %swap3A_1951 = arith.constant 0 : index
      %swap3A_1952 = tpu.vector_load %arg22[%swap3A_1950, %swap3A_1951] {strides = array<i32>} : memref<80x128xf32, #tpu.memory_space<vmem>>, vector<1x16xf32>,
      %swap3A_1953 = vector.shape_cast %swap3A_1952 : vector<1x16xf32> to vector<16xf32>
      %swap3A_1954 = vector.shape_cast %add3A_1949 : vector<16xf32> to vector<1x16xf32>
      tpu.vector_store %arg22[%swap3A_1950, %swap3A_1951], %swap3A_1954 {strides = array<i32>} : memref<80x128xf32, #tpu.memory_space<vmem>>, vector<1x16xf32>,
      %get3A_1955 = arith.constant 0 : i32
      %get3A_1956 = arith.index_cast %get3A_1955 : i32 to index
      %get3A_1957 = arith.index_cast %scan3A_1936 : i32 to index
      %get3A_1958 = arith.constant 16 : index
      %get3A_1959 = tpu.vector_load %arg21[%get3A_1956, %get3A_1957, %get3A_1958] {strides = array<i32>} : memref<2x80x128xf32, #tpu.memory_space<vmem>>, vector<1x1x16xf32>,
      %get3A_1960 = vector.shape_cast %get3A_1959 : vector<1x1x16xf32> to vector<16xf32>
      %get3A_1961 = arith.constant 1 : i32
      %get3A_1962 = arith.index_cast %get3A_1961 : i32 to index
      %get3A_1963 = arith.index_cast %scan3A_1936 : i32 to index
      %get3A_1964 = arith.constant 16 : index
      %get3A_1965 = tpu.vector_load %arg21[%get3A_1962, %get3A_1963, %get3A_1964] {strides = array<i32>} : memref<2x80x128xf32, #tpu.memory_space<vmem>>, vector<1x1x16xf32>,
      %get3A_1966 = vector.shape_cast %get3A_1965 : vector<1x1x16xf32> to vector<16xf32>
      %add3A_1967 = arith.addf %get3A_1960, %get3A_1966 : vector<16xf32>
      %swap3A_1968 = arith.index_cast %scan3A_1936 : i32 to index
      %swap3A_1969 = arith.constant 16 : index
      %swap3A_1970 = tpu.vector_load %arg22[%swap3A_1968, %swap3A_1969] {strides = array<i32>} : memref<80x128xf32, #tpu.memory_space<vmem>>, vector<1x16xf32>,
      %swap3A_1971 = vector.shape_cast %swap3A_1970 : vector<1x16xf32> to vector<16xf32>
      %swap3A_1972 = vector.shape_cast %add3A_1967 : vector<16xf32> to vector<1x16xf32>
      tpu.vector_store %arg22[%swap3A_1968, %swap3A_1969], %swap3A_1972 {strides = array<i32>} : memref<80x128xf32, #tpu.memory_space<vmem>>, vector<1x16xf32>,
      %get3A_1973 = arith.constant 0 : i32
      %get3A_1974 = arith.index_cast %get3A_1973 : i32 to index
      %get3A_1975 = arith.index_cast %scan3A_1936 : i32 to index
      %get3A_1976 = arith.constant 32 : index
      %get3A_1977 = tpu.vector_load %arg21[%get3A_1974, %get3A_1975, %get3A_1976] {strides = array<i32>} : memref<2x80x128xf32, #tpu.memory_space<vmem>>, vector<1x1x16xf32>,
      %get3A_1978 = vector.shape_cast %get3A_1977 : vector<1x1x16xf32> to vector<16xf32>
      %get3A_1979 = arith.constant 1 : i32
      %get3A_1980 = arith.index_cast %get3A_1979 : i32 to index
      %get3A_1981 = arith.index_cast %scan3A_1936 : i32 to index
      %get3A_1982 = arith.constant 32 : index
      %get3A_1983 = tpu.vector_load %arg21[%get3A_1980, %get3A_1981, %get3A_1982] {strides = array<i32>} : memref<2x80x128xf32, #tpu.memory_space<vmem>>, vector<1x1x16xf32>,
      %get3A_1984 = vector.shape_cast %get3A_1983 : vector<1x1x16xf32> to vector<16xf32>
      %add3A_1985 = arith.addf %get3A_1978, %get3A_1984 : vector<16xf32>
      %swap3A_1986 = arith.index_cast %scan3A_1936 : i32 to index
      %swap3A_1987 = arith.constant 32 : index
      %swap3A_1988 = tpu.vector_load %arg22[%swap3A_1986, %swap3A_1987] {strides = array<i32>} : memref<80x128xf32, #tpu.memory_space<vmem>>, vector<1x16xf32>,
      %swap3A_1989 = vector.shape_cast %swap3A_1988 : vector<1x16xf32> to vector<16xf32>
      %swap3A_1990 = vector.shape_cast %add3A_1985 : vector<16xf32> to vector<1x16xf32>
      tpu.vector_store %arg22[%swap3A_1986, %swap3A_1987], %swap3A_1990 {strides = array<i32>} : memref<80x128xf32, #tpu.memory_space<vmem>>, vector<1x16xf32>,
      %get3A_1991 = arith.constant 0 : i32
      %get3A_1992 = arith.index_cast %get3A_1991 : i32 to index
      %get3A_1993 = arith.index_cast %scan3A_1936 : i32 to index
      %get3A_1994 = arith.constant 48 : index
      %get3A_1995 = tpu.vector_load %arg21[%get3A_1992, %get3A_1993, %get3A_1994] {strides = array<i32>} : memref<2x80x128xf32, #tpu.memory_space<vmem>>, vector<1x1x16xf32>,
      %get3A_1996 = vector.shape_cast %get3A_1995 : vector<1x1x16xf32> to vector<16xf32>
      %get3A_1997 = arith.constant 1 : i32
      %get3A_1998 = arith.index_cast %get3A_1997 : i32 to index
      %get3A_1999 = arith.index_cast %scan3A_1936 : i32 to index
      %get3A_2000 = arith.constant 48 : index
      %get3A_2001 = tpu.vector_load %arg21[%get3A_1998, %get3A_1999, %get3A_2000] {strides = array<i32>} : memref<2x80x128xf32, #tpu.memory_space<vmem>>, vector<1x1x16xf32>,
      %get3A_2002 = vector.shape_cast %get3A_2001 : vector<1x1x16xf32> to vector<16xf32>
      %add3A_2003 = arith.addf %get3A_1996, %get3A_2002 : vector<16xf32>
      %swap3A_2004 = arith.index_cast %scan3A_1936 : i32 to index
      %swap3A_2005 = arith.constant 48 : index
      %swap3A_2006 = tpu.vector_load %arg22[%swap3A_2004, %swap3A_2005] {strides = array<i32>} : memref<80x128xf32, #tpu.memory_space<vmem>>, vector<1x16xf32>,
      %swap3A_2007 = vector.shape_cast %swap3A_2006 : vector<1x16xf32> to vector<16xf32>
      %swap3A_2008 = vector.shape_cast %add3A_2003 : vector<16xf32> to vector<1x16xf32>
      tpu.vector_store %arg22[%swap3A_2004, %swap3A_2005], %swap3A_2008 {strides = array<i32>} : memref<80x128xf32, #tpu.memory_space<vmem>>, vector<1x16xf32>,
      %get3A_2009 = arith.constant 0 : i32
      %get3A_2010 = arith.index_cast %get3A_2009 : i32 to index
      %get3A_2011 = arith.index_cast %scan3A_1936 : i32 to index
      %get3A_2012 = arith.constant 64 : index
      %get3A_2013 = tpu.vector_load %arg21[%get3A_2010, %get3A_2011, %get3A_2012] {strides = array<i32>} : memref<2x80x128xf32, #tpu.memory_space<vmem>>, vector<1x1x16xf32>,
      %get3A_2014 = vector.shape_cast %get3A_2013 : vector<1x1x16xf32> to vector<16xf32>
      %get3A_2015 = arith.constant 1 : i32
      %get3A_2016 = arith.index_cast %get3A_2015 : i32 to index
      %get3A_2017 = arith.index_cast %scan3A_1936 : i32 to index
      %get3A_2018 = arith.constant 64 : index
      %get3A_2019 = tpu.vector_load %arg21[%get3A_2016, %get3A_2017, %get3A_2018] {strides = array<i32>} : memref<2x80x128xf32, #tpu.memory_space<vmem>>, vector<1x1x16xf32>,
      %get3A_2020 = vector.shape_cast %get3A_2019 : vector<1x1x16xf32> to vector<16xf32>
      %add3A_2021 = arith.addf %get3A_2014, %get3A_2020 : vector<16xf32>
      %swap3A_2022 = arith.index_cast %scan3A_1936 : i32 to index
      %swap3A_2023 = arith.constant 64 : index
      %swap3A_2024 = tpu.vector_load %arg22[%swap3A_2022, %swap3A_2023] {strides = array<i32>} : memref<80x128xf32, #tpu.memory_space<vmem>>, vector<1x16xf32>,
      %swap3A_2025 = vector.shape_cast %swap3A_2024 : vector<1x16xf32> to vector<16xf32>
      %swap3A_2026 = vector.shape_cast %add3A_2021 : vector<16xf32> to vector<1x16xf32>
      tpu.vector_store %arg22[%swap3A_2022, %swap3A_2023], %swap3A_2026 {strides = array<i32>} : memref<80x128xf32, #tpu.memory_space<vmem>>, vector<1x16xf32>,
      %get3A_2027 = arith.constant 0 : i32
      %get3A_2028 = arith.index_cast %get3A_2027 : i32 to index
      %get3A_2029 = arith.index_cast %scan3A_1936 : i32 to index
      %get3A_2030 = arith.constant 80 : index
      %get3A_2031 = tpu.vector_load %arg21[%get3A_2028, %get3A_2029, %get3A_2030] {strides = array<i32>} : memref<2x80x128xf32, #tpu.memory_space<vmem>>, vector<1x1x16xf32>,
      %get3A_2032 = vector.shape_cast %get3A_2031 : vector<1x1x16xf32> to vector<16xf32>
      %get3A_2033 = arith.constant 1 : i32
      %get3A_2034 = arith.index_cast %get3A_2033 : i32 to index
      %get3A_2035 = arith.index_cast %scan3A_1936 : i32 to index
      %get3A_2036 = arith.constant 80 : index
      %get3A_2037 = tpu.vector_load %arg21[%get3A_2034, %get3A_2035, %get3A_2036] {strides = array<i32>} : memref<2x80x128xf32, #tpu.memory_space<vmem>>, vector<1x1x16xf32>,
      %get3A_2038 = vector.shape_cast %get3A_2037 : vector<1x1x16xf32> to vector<16xf32>
      %add3A_2039 = arith.addf %get3A_2032, %get3A_2038 : vector<16xf32>
      %swap3A_2040 = arith.index_cast %scan3A_1936 : i32 to index
      %swap3A_2041 = arith.constant 80 : index
      %swap3A_2042 = tpu.vector_load %arg22[%swap3A_2040, %swap3A_2041] {strides = array<i32>} : memref<80x128xf32, #tpu.memory_space<vmem>>, vector<1x16xf32>,
      %swap3A_2043 = vector.shape_cast %swap3A_2042 : vector<1x16xf32> to vector<16xf32>
      %swap3A_2044 = vector.shape_cast %add3A_2039 : vector<16xf32> to vector<1x16xf32>
      tpu.vector_store %arg22[%swap3A_2040, %swap3A_2041], %swap3A_2044 {strides = array<i32>} : memref<80x128xf32, #tpu.memory_space<vmem>>, vector<1x16xf32>,
      %get3A_2045 = arith.constant 0 : i32
      %get3A_2046 = arith.index_cast %get3A_2045 : i32 to index
      %get3A_2047 = arith.index_cast %scan3A_1936 : i32 to index
      %get3A_2048 = arith.constant 96 : index
      %get3A_2049 = tpu.vector_load %arg21[%get3A_2046, %get3A_2047, %get3A_2048] {strides = array<i32>} : memref<2x80x128xf32, #tpu.memory_space<vmem>>, vector<1x1x16xf32>,
      %get3A_2050 = vector.shape_cast %get3A_2049 : vector<1x1x16xf32> to vector<16xf32>
      %get3A_2051 = arith.constant 1 : i32
      %get3A_2052 = arith.index_cast %get3A_2051 : i32 to index
      %get3A_2053 = arith.index_cast %scan3A_1936 : i32 to index
      %get3A_2054 = arith.constant 96 : index
      %get3A_2055 = tpu.vector_load %arg21[%get3A_2052, %get3A_2053, %get3A_2054] {strides = array<i32>} : memref<2x80x128xf32, #tpu.memory_space<vmem>>, vector<1x1x16xf32>,
      %get3A_2056 = vector.shape_cast %get3A_2055 : vector<1x1x16xf32> to vector<16xf32>
      %add3A_2057 = arith.addf %get3A_2050, %get3A_2056 : vector<16xf32>
      %swap3A_2058 = arith.index_cast %scan3A_1936 : i32 to index
      %swap3A_2059 = arith.constant 96 : index
      %swap3A_2060 = tpu.vector_load %arg22[%swap3A_2058, %swap3A_2059] {strides = array<i32>} : memref<80x128xf32, #tpu.memory_space<vmem>>, vector<1x16xf32>,
      %swap3A_2061 = vector.shape_cast %swap3A_2060 : vector<1x16xf32> to vector<16xf32>
      %swap3A_2062 = vector.shape_cast %add3A_2057 : vector<16xf32> to vector<1x16xf32>
      tpu.vector_store %arg22[%swap3A_2058, %swap3A_2059], %swap3A_2062 {strides = array<i32>} : memref<80x128xf32, #tpu.memory_space<vmem>>, vector<1x16xf32>,
      %get3A_2063 = arith.constant 0 : i32
      %get3A_2064 = arith.index_cast %get3A_2063 : i32 to index
      %get3A_2065 = arith.index_cast %scan3A_1936 : i32 to index
      %get3A_2066 = arith.constant 112 : index
      %get3A_2067 = tpu.vector_load %arg21[%get3A_2064, %get3A_2065, %get3A_2066] {strides = array<i32>} : memref<2x80x128xf32, #tpu.memory_space<vmem>>, vector<1x1x16xf32>,
      %get3A_2068 = vector.shape_cast %get3A_2067 : vector<1x1x16xf32> to vector<16xf32>
      %get3A_2069 = arith.constant 1 : i32
      %get3A_2070 = arith.index_cast %get3A_2069 : i32 to index
      %get3A_2071 = arith.index_cast %scan3A_1936 : i32 to index
      %get3A_2072 = arith.constant 112 : index
      %get3A_2073 = tpu.vector_load %arg21[%get3A_2070, %get3A_2071, %get3A_2072] {strides = array<i32>} : memref<2x80x128xf32, #tpu.memory_space<vmem>>, vector<1x1x16xf32>,
      %get3A_2074 = vector.shape_cast %get3A_2073 : vector<1x1x16xf32> to vector<16xf32>
      %add3A_2075 = arith.addf %get3A_2068, %get3A_2074 : vector<16xf32>
      %swap3A_2076 = arith.index_cast %scan3A_1936 : i32 to index
      %swap3A_2077 = arith.constant 112 : index
      %swap3A_2078 = tpu.vector_load %arg22[%swap3A_2076, %swap3A_2077] {strides = array<i32>} : memref<80x128xf32, #tpu.memory_space<vmem>>, vector<1x16xf32>,
      %swap3A_2079 = vector.shape_cast %swap3A_2078 : vector<1x16xf32> to vector<16xf32>
      %swap3A_2080 = vector.shape_cast %add3A_2075 : vector<16xf32> to vector<1x16xf32>
      tpu.vector_store %arg22[%swap3A_2076, %swap3A_2077], %swap3A_2080 {strides = array<i32>} : memref<80x128xf32, #tpu.memory_space<vmem>>, vector<1x16xf32>,
    }
    %scan3A_1466 = arith.constant 80 : i32
    %add3A_1467 = arith.constant 80 : i32
    %add3A_1468 = arith.addi %mul3A_2, %add3A_1467 : i32
    %dma_start3A_1469 = arith.constant 0 : i32
    %dma_start3A_1470 = tpu.memref_slice %arg9[%add3A_1468, %dma_start3A_1469] : memref<819200x128xf32, #tpu.memory_space<hbm>> -> memref<80x128xf32, #tpu.memory_space<hbm>>
    %dma_start3A_1471 = arith.constant 0 : i32
    %dma_start3A_1472 = tpu.memref_slice %arg9[%add3A_1468, %dma_start3A_1471] : memref<819200x128xf32, #tpu.memory_space<hbm>> -> memref<80x128xf32, #tpu.memory_space<hbm>>
    tpu.enqueue_dma source(%arg22 : memref<80x128xf32, #tpu.memory_space<vmem>>) target(%dma_start3A_1472 : memref<80x128xf32, #tpu.memory_space<hbm>>) target_semaphore(%arg25 : memref<!tpu.dma_semaphore, #tpu.memory_space<semaphore_mem>>)
    %dma_wait3A_1473 = arith.constant 0 : i32
    %dma_wait3A_1474 = arith.constant 0 : i32
    %dma_wait3A_1475 = arith.constant 0 : i32
    %dma_wait3A_1476 = tpu.memref_slice %arg29[%dma_wait3A_1473, %dma_wait3A_1474, %dma_wait3A_1475] : memref<2x80x128xf32, #tpu.memory_space<vmem>> -> memref<1x80x128xf32, #tpu.memory_space<vmem>>
    %dma_wait3A_1477 = tpu.memref_squeeze %dma_wait3A_1476 : memref<1x80x128xf32, #tpu.memory_space<vmem>> -> memref<80x128xf32, #tpu.memory_space<vmem>>
    %dma_wait3A_1478 = arith.constant 0 : i32
    %dma_wait3A_1479 = arith.constant 0 : i32
    %dma_wait3A_1480 = tpu.memref_slice %arg7[%dma_wait3A_1478, %dma_wait3A_1479] : memref<178752x128xf32, #tpu.memory_space<hbm>> -> memref<178752x128xf32, #tpu.memory_space<hbm>>
    tpu.wait_indirect_dma semaphore(%arg32 : memref<!tpu.dma_semaphore, #tpu.memory_space<semaphore_mem>>) src(%dma_wait3A_1480 : memref<178752x128xf32, #tpu.memory_space<hbm>>) dst(%dma_wait3A_1477 : memref<80x128xf32, #tpu.memory_space<vmem>>)
    %dma_wait3A_1481 = arith.constant 1 : i32
    %dma_wait3A_1482 = arith.constant 0 : i32
    %dma_wait3A_1483 = arith.constant 0 : i32
    %dma_wait3A_1484 = tpu.memref_slice %arg29[%dma_wait3A_1481, %dma_wait3A_1482, %dma_wait3A_1483] : memref<2x80x128xf32, #tpu.memory_space<vmem>> -> memref<1x80x128xf32, #tpu.memory_space<vmem>>
    %dma_wait3A_1485 = tpu.memref_squeeze %dma_wait3A_1484 : memref<1x80x128xf32, #tpu.memory_space<vmem>> -> memref<80x128xf32, #tpu.memory_space<vmem>>
    %dma_wait3A_1486 = arith.constant 0 : i32
    %dma_wait3A_1487 = arith.constant 0 : i32
    %dma_wait3A_1488 = tpu.memref_slice %arg8[%dma_wait3A_1486, %dma_wait3A_1487] : memref<42016x128xf32, #tpu.memory_space<hbm>> -> memref<42016x128xf32, #tpu.memory_space<hbm>>
    tpu.wait_indirect_dma semaphore(%arg32 : memref<!tpu.dma_semaphore, #tpu.memory_space<semaphore_mem>>) src(%dma_wait3A_1488 : memref<42016x128xf32, #tpu.memory_space<hbm>>) dst(%dma_wait3A_1485 : memref<80x128xf32, #tpu.memory_space<vmem>>)
    %dma_wait3A_1489 = arith.constant 0 : i32
    %dma_wait3A_1490 = arith.constant 0 : i32
    %dma_wait3A_1491 = tpu.memref_slice %arg18[%dma_wait3A_1489, %dma_wait3A_1490] : memref<5x80xi32, #tpu.memory_space<vmem>> -> memref<1x80xi32, #tpu.memory_space<vmem>>
    %dma_wait3A_1492 = tpu.memref_squeeze %dma_wait3A_1491 : memref<1x80xi32, #tpu.memory_space<vmem>> -> memref<80xi32, #tpu.memory_space<vmem>>
    %dma_wait3A_1493 = arith.constant 0 : i32
    %dma_wait3A_1494 = tpu.memref_slice %arg2[%dma_wait3A_1493] : memref<819200xi32, #tpu.memory_space<hbm>> -> memref<80xi32, #tpu.memory_space<hbm>>
    %dma_wait3A_1495 = arith.constant 0 : i32
    %dma_wait3A_1496 = tpu.memref_slice %arg18[%dma_wait3A_1489, %dma_wait3A_1495] : memref<5x80xi32, #tpu.memory_space<vmem>> -> memref<1x80xi32, #tpu.memory_space<vmem>>
    %dma_wait3A_1497 = tpu.memref_squeeze %dma_wait3A_1496 : memref<1x80xi32, #tpu.memory_space<vmem>> -> memref<80xi32, #tpu.memory_space<vmem>>
    %dma_wait3A_1498 = arith.constant 0 : i32
    %dma_wait3A_1499 = tpu.memref_slice %arg2[%dma_wait3A_1498] : memref<819200xi32, #tpu.memory_space<hbm>> -> memref<80xi32, #tpu.memory_space<hbm>>
    tpu.wait_dma2 semaphore(%arg23 : memref<!tpu.dma_semaphore, #tpu.memory_space<semaphore_mem>>) src(%dma_wait3A_1499 : memref<80xi32, #tpu.memory_space<hbm>>) dst(%dma_wait3A_1497 : memref<80xi32, #tpu.memory_space<vmem>>)
    %dma_wait3A_1500 = arith.constant 1 : i32
    %dma_wait3A_1501 = arith.constant 0 : i32
    %dma_wait3A_1502 = tpu.memref_slice %arg18[%dma_wait3A_1500, %dma_wait3A_1501] : memref<5x80xi32, #tpu.memory_space<vmem>> -> memref<1x80xi32, #tpu.memory_space<vmem>>
    %dma_wait3A_1503 = tpu.memref_squeeze %dma_wait3A_1502 : memref<1x80xi32, #tpu.memory_space<vmem>> -> memref<80xi32, #tpu.memory_space<vmem>>
    %dma_wait3A_1504 = arith.constant 0 : i32
    %dma_wait3A_1505 = tpu.memref_slice %arg3[%dma_wait3A_1504] : memref<819200xi32, #tpu.memory_space<hbm>> -> memref<80xi32, #tpu.memory_space<hbm>>
    %dma_wait3A_1506 = arith.constant 0 : i32
    %dma_wait3A_1507 = tpu.memref_slice %arg18[%dma_wait3A_1500, %dma_wait3A_1506] : memref<5x80xi32, #tpu.memory_space<vmem>> -> memref<1x80xi32, #tpu.memory_space<vmem>>
    %dma_wait3A_1508 = tpu.memref_squeeze %dma_wait3A_1507 : memref<1x80xi32, #tpu.memory_space<vmem>> -> memref<80xi32, #tpu.memory_space<vmem>>
    %dma_wait3A_1509 = arith.constant 0 : i32
    %dma_wait3A_1510 = tpu.memref_slice %arg3[%dma_wait3A_1509] : memref<819200xi32, #tpu.memory_space<hbm>> -> memref<80xi32, #tpu.memory_space<hbm>>
    tpu.wait_dma2 semaphore(%arg23 : memref<!tpu.dma_semaphore, #tpu.memory_space<semaphore_mem>>) src(%dma_wait3A_1510 : memref<80xi32, #tpu.memory_space<hbm>>) dst(%dma_wait3A_1508 : memref<80xi32, #tpu.memory_space<vmem>>)
    %dma_wait3A_1511 = arith.constant 2 : i32
    %dma_wait3A_1512 = arith.constant 0 : i32
    %dma_wait3A_1513 = tpu.memref_slice %arg18[%dma_wait3A_1511, %dma_wait3A_1512] : memref<5x80xi32, #tpu.memory_space<vmem>> -> memref<1x80xi32, #tpu.memory_space<vmem>>
    %dma_wait3A_1514 = tpu.memref_squeeze %dma_wait3A_1513 : memref<1x80xi32, #tpu.memory_space<vmem>> -> memref<80xi32, #tpu.memory_space<vmem>>
    %dma_wait3A_1515 = arith.constant 0 : i32
    %dma_wait3A_1516 = tpu.memref_slice %arg4[%dma_wait3A_1515] : memref<819200xi32, #tpu.memory_space<hbm>> -> memref<80xi32, #tpu.memory_space<hbm>>
    %dma_wait3A_1517 = arith.constant 0 : i32
    %dma_wait3A_1518 = tpu.memref_slice %arg18[%dma_wait3A_1511, %dma_wait3A_1517] : memref<5x80xi32, #tpu.memory_space<vmem>> -> memref<1x80xi32, #tpu.memory_space<vmem>>
    %dma_wait3A_1519 = tpu.memref_squeeze %dma_wait3A_1518 : memref<1x80xi32, #tpu.memory_space<vmem>> -> memref<80xi32, #tpu.memory_space<vmem>>
    %dma_wait3A_1520 = arith.constant 0 : i32
    %dma_wait3A_1521 = tpu.memref_slice %arg4[%dma_wait3A_1520] : memref<819200xi32, #tpu.memory_space<hbm>> -> memref<80xi32, #tpu.memory_space<hbm>>
    tpu.wait_dma2 semaphore(%arg23 : memref<!tpu.dma_semaphore, #tpu.memory_space<semaphore_mem>>) src(%dma_wait3A_1521 : memref<80xi32, #tpu.memory_space<hbm>>) dst(%dma_wait3A_1519 : memref<80xi32, #tpu.memory_space<vmem>>)
    %dma_wait3A_1522 = arith.constant 3 : i32
    %dma_wait3A_1523 = arith.constant 0 : i32
    %dma_wait3A_1524 = tpu.memref_slice %arg18[%dma_wait3A_1522, %dma_wait3A_1523] : memref<5x80xi32, #tpu.memory_space<vmem>> -> memref<1x80xi32, #tpu.memory_space<vmem>>
    %dma_wait3A_1525 = tpu.memref_squeeze %dma_wait3A_1524 : memref<1x80xi32, #tpu.memory_space<vmem>> -> memref<80xi32, #tpu.memory_space<vmem>>
    %dma_wait3A_1526 = arith.constant 0 : i32
    %dma_wait3A_1527 = tpu.memref_slice %arg5[%dma_wait3A_1526] : memref<819200xi32, #tpu.memory_space<hbm>> -> memref<80xi32, #tpu.memory_space<hbm>>
    %dma_wait3A_1528 = arith.constant 0 : i32
    %dma_wait3A_1529 = tpu.memref_slice %arg18[%dma_wait3A_1522, %dma_wait3A_1528] : memref<5x80xi32, #tpu.memory_space<vmem>> -> memref<1x80xi32, #tpu.memory_space<vmem>>
    %dma_wait3A_1530 = tpu.memref_squeeze %dma_wait3A_1529 : memref<1x80xi32, #tpu.memory_space<vmem>> -> memref<80xi32, #tpu.memory_space<vmem>>
    %dma_wait3A_1531 = arith.constant 0 : i32
    %dma_wait3A_1532 = tpu.memref_slice %arg5[%dma_wait3A_1531] : memref<819200xi32, #tpu.memory_space<hbm>> -> memref<80xi32, #tpu.memory_space<hbm>>
    tpu.wait_dma2 semaphore(%arg23 : memref<!tpu.dma_semaphore, #tpu.memory_space<semaphore_mem>>) src(%dma_wait3A_1532 : memref<80xi32, #tpu.memory_space<hbm>>) dst(%dma_wait3A_1530 : memref<80xi32, #tpu.memory_space<vmem>>)
    %dma_wait3A_1533 = arith.constant 4 : i32
    %dma_wait3A_1534 = arith.constant 0 : i32
    %dma_wait3A_1535 = tpu.memref_slice %arg18[%dma_wait3A_1533, %dma_wait3A_1534] : memref<5x80xi32, #tpu.memory_space<vmem>> -> memref<1x80xi32, #tpu.memory_space<vmem>>
    %dma_wait3A_1536 = tpu.memref_squeeze %dma_wait3A_1535 : memref<1x80xi32, #tpu.memory_space<vmem>> -> memref<80xi32, #tpu.memory_space<vmem>>
    %dma_wait3A_1537 = arith.constant 0 : i32
    %dma_wait3A_1538 = tpu.memref_slice %arg6[%dma_wait3A_1537] : memref<819200xi32, #tpu.memory_space<hbm>> -> memref<80xi32, #tpu.memory_space<hbm>>
    %dma_wait3A_1539 = arith.constant 0 : i32
    %dma_wait3A_1540 = tpu.memref_slice %arg18[%dma_wait3A_1533, %dma_wait3A_1539] : memref<5x80xi32, #tpu.memory_space<vmem>> -> memref<1x80xi32, #tpu.memory_space<vmem>>
    %dma_wait3A_1541 = tpu.memref_squeeze %dma_wait3A_1540 : memref<1x80xi32, #tpu.memory_space<vmem>> -> memref<80xi32, #tpu.memory_space<vmem>>
    %dma_wait3A_1542 = arith.constant 0 : i32
    %dma_wait3A_1543 = tpu.memref_slice %arg6[%dma_wait3A_1542] : memref<819200xi32, #tpu.memory_space<hbm>> -> memref<80xi32, #tpu.memory_space<hbm>>
    tpu.wait_dma2 semaphore(%arg23 : memref<!tpu.dma_semaphore, #tpu.memory_space<semaphore_mem>>) src(%dma_wait3A_1543 : memref<80xi32, #tpu.memory_space<hbm>>) dst(%dma_wait3A_1541 : memref<80xi32, #tpu.memory_space<vmem>>)
    %get3A_1544 = arith.constant 0 : i32
    %get3A_1545 = arith.index_cast %get3A_1544 : i32 to index
    %get3A_1546 = arith.constant 0 : index
    %get3A_1547 = tpu.vector_load %arg18[%get3A_1545, %get3A_1546] {strides = array<i32>} : memref<5x80xi32, #tpu.memory_space<vmem>>, vector<1x16xi32>,
    %get3A_1548 = vector.shape_cast %get3A_1547 : vector<1x16xi32> to vector<16xi32>
    %get3A_1549 = arith.constant 1 : i32
    %get3A_1550 = arith.index_cast %get3A_1549 : i32 to index
    %get3A_1551 = arith.constant 0 : index
    %get3A_1552 = tpu.vector_load %arg18[%get3A_1550, %get3A_1551] {strides = array<i32>} : memref<5x80xi32, #tpu.memory_space<vmem>>, vector<1x16xi32>,
    %get3A_1553 = vector.shape_cast %get3A_1552 : vector<1x16xi32> to vector<16xi32>
    %get3A_1554 = arith.constant 2 : i32
    %get3A_1555 = arith.index_cast %get3A_1554 : i32 to index
    %get3A_1556 = arith.constant 0 : index
    %get3A_1557 = tpu.vector_load %arg18[%get3A_1555, %get3A_1556] {strides = array<i32>} : memref<5x80xi32, #tpu.memory_space<vmem>>, vector<1x16xi32>,
    %get3A_1558 = vector.shape_cast %get3A_1557 : vector<1x16xi32> to vector<16xi32>
    %get3A_1559 = arith.constant 3 : i32
    %get3A_1560 = arith.index_cast %get3A_1559 : i32 to index
    %get3A_1561 = arith.constant 0 : index
    %get3A_1562 = tpu.vector_load %arg18[%get3A_1560, %get3A_1561] {strides = array<i32>} : memref<5x80xi32, #tpu.memory_space<vmem>>, vector<1x16xi32>,
    %get3A_1563 = vector.shape_cast %get3A_1562 : vector<1x16xi32> to vector<16xi32>
    %get3A_1564 = arith.constant 4 : i32
    %get3A_1565 = arith.index_cast %get3A_1564 : i32 to index
    %get3A_1566 = arith.constant 0 : index
    %get3A_1567 = tpu.vector_load %arg18[%get3A_1565, %get3A_1566] {strides = array<i32>} : memref<5x80xi32, #tpu.memory_space<vmem>>, vector<1x16xi32>,
    %get3A_1568 = vector.shape_cast %get3A_1567 : vector<1x16xi32> to vector<16xi32>
    %mul3A_1569 = arith.constant 49 : i32
    %mul3A_1570 = vector.broadcast %mul3A_1569 : i32 to vector<16xi32>
    %mul3A_1571 = arith.muli %get3A_1548, %mul3A_1570 : vector<16xi32>
    %add3A_1572 = arith.addi %mul3A_1571, %get3A_1553 : vector<16xi32>
    %mul3A_1573 = arith.constant 48 : i32
    %mul3A_1574 = vector.broadcast %mul3A_1573 : i32 to vector<16xi32>
    %mul3A_1575 = arith.muli %add3A_1572, %mul3A_1574 : vector<16xi32>
    %add3A_1576 = arith.addi %mul3A_1575, %get3A_1568 : vector<16xi32>
    %swap3A_1577 = arith.constant 0 : index
    %swap3A_1578 = tpu.vector_load %arg19[%swap3A_1577] {strides = array<i32>} : memref<80xi32, #tpu.memory_space<vmem>>, vector<16xi32>,
    %swap3A_1579 = vector.shape_cast %swap3A_1578 : vector<16xi32> to vector<16xi32>
    %swap3A_1580 = vector.shape_cast %add3A_1576 : vector<16xi32> to vector<16xi32>
    tpu.vector_store %arg19[%swap3A_1577], %swap3A_1580 {strides = array<i32>} : memref<80xi32, #tpu.memory_space<vmem>>, vector<16xi32>,
    %mul3A_1581 = arith.constant 208 : i32
    %mul3A_1582 = vector.broadcast %mul3A_1581 : i32 to vector<16xi32>
    %mul3A_1583 = arith.muli %get3A_1558, %mul3A_1582 : vector<16xi32>
    %add3A_1584 = arith.addi %mul3A_1583, %get3A_1563 : vector<16xi32>
    %swap3A_1585 = arith.constant 0 : index
    %swap3A_1586 = tpu.vector_load %arg20[%swap3A_1585] {strides = array<i32>} : memref<80xi32, #tpu.memory_space<vmem>>, vector<16xi32>,
    %swap3A_1587 = vector.shape_cast %swap3A_1586 : vector<16xi32> to vector<16xi32>
    %swap3A_1588 = vector.shape_cast %add3A_1584 : vector<16xi32> to vector<16xi32>
    tpu.vector_store %arg20[%swap3A_1585], %swap3A_1588 {strides = array<i32>} : memref<80xi32, #tpu.memory_space<vmem>>, vector<16xi32>,
    %get3A_1589 = arith.constant 0 : i32
    %get3A_1590 = arith.index_cast %get3A_1589 : i32 to index
    %get3A_1591 = arith.constant 16 : index
    %get3A_1592 = tpu.vector_load %arg18[%get3A_1590, %get3A_1591] {strides = array<i32>} : memref<5x80xi32, #tpu.memory_space<vmem>>, vector<1x16xi32>,
    %get3A_1593 = vector.shape_cast %get3A_1592 : vector<1x16xi32> to vector<16xi32>
    %get3A_1594 = arith.constant 1 : i32
    %get3A_1595 = arith.index_cast %get3A_1594 : i32 to index
    %get3A_1596 = arith.constant 16 : index
    %get3A_1597 = tpu.vector_load %arg18[%get3A_1595, %get3A_1596] {strides = array<i32>} : memref<5x80xi32, #tpu.memory_space<vmem>>, vector<1x16xi32>,
    %get3A_1598 = vector.shape_cast %get3A_1597 : vector<1x16xi32> to vector<16xi32>
    %get3A_1599 = arith.constant 2 : i32
    %get3A_1600 = arith.index_cast %get3A_1599 : i32 to index
    %get3A_1601 = arith.constant 16 : index
    %get3A_1602 = tpu.vector_load %arg18[%get3A_1600, %get3A_1601] {strides = array<i32>} : memref<5x80xi32, #tpu.memory_space<vmem>>, vector<1x16xi32>,
    %get3A_1603 = vector.shape_cast %get3A_1602 : vector<1x16xi32> to vector<16xi32>
    %get3A_1604 = arith.constant 3 : i32
    %get3A_1605 = arith.index_cast %get3A_1604 : i32 to index
    %get3A_1606 = arith.constant 16 : index
    %get3A_1607 = tpu.vector_load %arg18[%get3A_1605, %get3A_1606] {strides = array<i32>} : memref<5x80xi32, #tpu.memory_space<vmem>>, vector<1x16xi32>,
    %get3A_1608 = vector.shape_cast %get3A_1607 : vector<1x16xi32> to vector<16xi32>
    %get3A_1609 = arith.constant 4 : i32
    %get3A_1610 = arith.index_cast %get3A_1609 : i32 to index
    %get3A_1611 = arith.constant 16 : index
    %get3A_1612 = tpu.vector_load %arg18[%get3A_1610, %get3A_1611] {strides = array<i32>} : memref<5x80xi32, #tpu.memory_space<vmem>>, vector<1x16xi32>,
    %get3A_1613 = vector.shape_cast %get3A_1612 : vector<1x16xi32> to vector<16xi32>
    %mul3A_1614 = arith.constant 49 : i32
    %mul3A_1615 = vector.broadcast %mul3A_1614 : i32 to vector<16xi32>
    %mul3A_1616 = arith.muli %get3A_1593, %mul3A_1615 : vector<16xi32>
    %add3A_1617 = arith.addi %mul3A_1616, %get3A_1598 : vector<16xi32>
    %mul3A_1618 = arith.constant 48 : i32
    %mul3A_1619 = vector.broadcast %mul3A_1618 : i32 to vector<16xi32>
    %mul3A_1620 = arith.muli %add3A_1617, %mul3A_1619 : vector<16xi32>
    %add3A_1621 = arith.addi %mul3A_1620, %get3A_1613 : vector<16xi32>
    %swap3A_1622 = arith.constant 16 : index
    %swap3A_1623 = tpu.vector_load %arg19[%swap3A_1622] {strides = array<i32>} : memref<80xi32, #tpu.memory_space<vmem>>, vector<16xi32>,
    %swap3A_1624 = vector.shape_cast %swap3A_1623 : vector<16xi32> to vector<16xi32>
    %swap3A_1625 = vector.shape_cast %add3A_1621 : vector<16xi32> to vector<16xi32>
    tpu.vector_store %arg19[%swap3A_1622], %swap3A_1625 {strides = array<i32>} : memref<80xi32, #tpu.memory_space<vmem>>, vector<16xi32>,
    %mul3A_1626 = arith.constant 208 : i32
    %mul3A_1627 = vector.broadcast %mul3A_1626 : i32 to vector<16xi32>
    %mul3A_1628 = arith.muli %get3A_1603, %mul3A_1627 : vector<16xi32>
    %add3A_1629 = arith.addi %mul3A_1628, %get3A_1608 : vector<16xi32>
    %swap3A_1630 = arith.constant 16 : index
    %swap3A_1631 = tpu.vector_load %arg20[%swap3A_1630] {strides = array<i32>} : memref<80xi32, #tpu.memory_space<vmem>>, vector<16xi32>,
    %swap3A_1632 = vector.shape_cast %swap3A_1631 : vector<16xi32> to vector<16xi32>
    %swap3A_1633 = vector.shape_cast %add3A_1629 : vector<16xi32> to vector<16xi32>
    tpu.vector_store %arg20[%swap3A_1630], %swap3A_1633 {strides = array<i32>} : memref<80xi32, #tpu.memory_space<vmem>>, vector<16xi32>,
    %get3A_1634 = arith.constant 0 : i32
    %get3A_1635 = arith.index_cast %get3A_1634 : i32 to index
    %get3A_1636 = arith.constant 32 : index
    %get3A_1637 = tpu.vector_load %arg18[%get3A_1635, %get3A_1636] {strides = array<i32>} : memref<5x80xi32, #tpu.memory_space<vmem>>, vector<1x16xi32>,
    %get3A_1638 = vector.shape_cast %get3A_1637 : vector<1x16xi32> to vector<16xi32>
    %get3A_1639 = arith.constant 1 : i32
    %get3A_1640 = arith.index_cast %get3A_1639 : i32 to index
    %get3A_1641 = arith.constant 32 : index
    %get3A_1642 = tpu.vector_load %arg18[%get3A_1640, %get3A_1641] {strides = array<i32>} : memref<5x80xi32, #tpu.memory_space<vmem>>, vector<1x16xi32>,
    %get3A_1643 = vector.shape_cast %get3A_1642 : vector<1x16xi32> to vector<16xi32>
    %get3A_1644 = arith.constant 2 : i32
    %get3A_1645 = arith.index_cast %get3A_1644 : i32 to index
    %get3A_1646 = arith.constant 32 : index
    %get3A_1647 = tpu.vector_load %arg18[%get3A_1645, %get3A_1646] {strides = array<i32>} : memref<5x80xi32, #tpu.memory_space<vmem>>, vector<1x16xi32>,
    %get3A_1648 = vector.shape_cast %get3A_1647 : vector<1x16xi32> to vector<16xi32>
    %get3A_1649 = arith.constant 3 : i32
    %get3A_1650 = arith.index_cast %get3A_1649 : i32 to index
    %get3A_1651 = arith.constant 32 : index
    %get3A_1652 = tpu.vector_load %arg18[%get3A_1650, %get3A_1651] {strides = array<i32>} : memref<5x80xi32, #tpu.memory_space<vmem>>, vector<1x16xi32>,
    %get3A_1653 = vector.shape_cast %get3A_1652 : vector<1x16xi32> to vector<16xi32>
    %get3A_1654 = arith.constant 4 : i32
    %get3A_1655 = arith.index_cast %get3A_1654 : i32 to index
    %get3A_1656 = arith.constant 32 : index
    %get3A_1657 = tpu.vector_load %arg18[%get3A_1655, %get3A_1656] {strides = array<i32>} : memref<5x80xi32, #tpu.memory_space<vmem>>, vector<1x16xi32>,
    %get3A_1658 = vector.shape_cast %get3A_1657 : vector<1x16xi32> to vector<16xi32>
    %mul3A_1659 = arith.constant 49 : i32
    %mul3A_1660 = vector.broadcast %mul3A_1659 : i32 to vector<16xi32>
    %mul3A_1661 = arith.muli %get3A_1638, %mul3A_1660 : vector<16xi32>
    %add3A_1662 = arith.addi %mul3A_1661, %get3A_1643 : vector<16xi32>
    %mul3A_1663 = arith.constant 48 : i32
    %mul3A_1664 = vector.broadcast %mul3A_1663 : i32 to vector<16xi32>
    %mul3A_1665 = arith.muli %add3A_1662, %mul3A_1664 : vector<16xi32>
    %add3A_1666 = arith.addi %mul3A_1665, %get3A_1658 : vector<16xi32>
    %swap3A_1667 = arith.constant 32 : index
    %swap3A_1668 = tpu.vector_load %arg19[%swap3A_1667] {strides = array<i32>} : memref<80xi32, #tpu.memory_space<vmem>>, vector<16xi32>,
    %swap3A_1669 = vector.shape_cast %swap3A_1668 : vector<16xi32> to vector<16xi32>
    %swap3A_1670 = vector.shape_cast %add3A_1666 : vector<16xi32> to vector<16xi32>
    tpu.vector_store %arg19[%swap3A_1667], %swap3A_1670 {strides = array<i32>} : memref<80xi32, #tpu.memory_space<vmem>>, vector<16xi32>,
    %mul3A_1671 = arith.constant 208 : i32
    %mul3A_1672 = vector.broadcast %mul3A_1671 : i32 to vector<16xi32>
    %mul3A_1673 = arith.muli %get3A_1648, %mul3A_1672 : vector<16xi32>
    %add3A_1674 = arith.addi %mul3A_1673, %get3A_1653 : vector<16xi32>
    %swap3A_1675 = arith.constant 32 : index
    %swap3A_1676 = tpu.vector_load %arg20[%swap3A_1675] {strides = array<i32>} : memref<80xi32, #tpu.memory_space<vmem>>, vector<16xi32>,
    %swap3A_1677 = vector.shape_cast %swap3A_1676 : vector<16xi32> to vector<16xi32>
    %swap3A_1678 = vector.shape_cast %add3A_1674 : vector<16xi32> to vector<16xi32>
    tpu.vector_store %arg20[%swap3A_1675], %swap3A_1678 {strides = array<i32>} : memref<80xi32, #tpu.memory_space<vmem>>, vector<16xi32>,
    %get3A_1679 = arith.constant 0 : i32
    %get3A_1680 = arith.index_cast %get3A_1679 : i32 to index
    %get3A_1681 = arith.constant 48 : index
    %get3A_1682 = tpu.vector_load %arg18[%get3A_1680, %get3A_1681] {strides = array<i32>} : memref<5x80xi32, #tpu.memory_space<vmem>>, vector<1x16xi32>,
    %get3A_1683 = vector.shape_cast %get3A_1682 : vector<1x16xi32> to vector<16xi32>
    %get3A_1684 = arith.constant 1 : i32
    %get3A_1685 = arith.index_cast %get3A_1684 : i32 to index
    %get3A_1686 = arith.constant 48 : index
    %get3A_1687 = tpu.vector_load %arg18[%get3A_1685, %get3A_1686] {strides = array<i32>} : memref<5x80xi32, #tpu.memory_space<vmem>>, vector<1x16xi32>,
    %get3A_1688 = vector.shape_cast %get3A_1687 : vector<1x16xi32> to vector<16xi32>
    %get3A_1689 = arith.constant 2 : i32
    %get3A_1690 = arith.index_cast %get3A_1689 : i32 to index
    %get3A_1691 = arith.constant 48 : index
    %get3A_1692 = tpu.vector_load %arg18[%get3A_1690, %get3A_1691] {strides = array<i32>} : memref<5x80xi32, #tpu.memory_space<vmem>>, vector<1x16xi32>,
    %get3A_1693 = vector.shape_cast %get3A_1692 : vector<1x16xi32> to vector<16xi32>
    %get3A_1694 = arith.constant 3 : i32
    %get3A_1695 = arith.index_cast %get3A_1694 : i32 to index
    %get3A_1696 = arith.constant 48 : index
    %get3A_1697 = tpu.vector_load %arg18[%get3A_1695, %get3A_1696] {strides = array<i32>} : memref<5x80xi32, #tpu.memory_space<vmem>>, vector<1x16xi32>,
    %get3A_1698 = vector.shape_cast %get3A_1697 : vector<1x16xi32> to vector<16xi32>
    %get3A_1699 = arith.constant 4 : i32
    %get3A_1700 = arith.index_cast %get3A_1699 : i32 to index
    %get3A_1701 = arith.constant 48 : index
    %get3A_1702 = tpu.vector_load %arg18[%get3A_1700, %get3A_1701] {strides = array<i32>} : memref<5x80xi32, #tpu.memory_space<vmem>>, vector<1x16xi32>,
    %get3A_1703 = vector.shape_cast %get3A_1702 : vector<1x16xi32> to vector<16xi32>
    %mul3A_1704 = arith.constant 49 : i32
    %mul3A_1705 = vector.broadcast %mul3A_1704 : i32 to vector<16xi32>
    %mul3A_1706 = arith.muli %get3A_1683, %mul3A_1705 : vector<16xi32>
    %add3A_1707 = arith.addi %mul3A_1706, %get3A_1688 : vector<16xi32>
    %mul3A_1708 = arith.constant 48 : i32
    %mul3A_1709 = vector.broadcast %mul3A_1708 : i32 to vector<16xi32>
    %mul3A_1710 = arith.muli %add3A_1707, %mul3A_1709 : vector<16xi32>
    %add3A_1711 = arith.addi %mul3A_1710, %get3A_1703 : vector<16xi32>
    %swap3A_1712 = arith.constant 48 : index
    %swap3A_1713 = tpu.vector_load %arg19[%swap3A_1712] {strides = array<i32>} : memref<80xi32, #tpu.memory_space<vmem>>, vector<16xi32>,
    %swap3A_1714 = vector.shape_cast %swap3A_1713 : vector<16xi32> to vector<16xi32>
    %swap3A_1715 = vector.shape_cast %add3A_1711 : vector<16xi32> to vector<16xi32>
    tpu.vector_store %arg19[%swap3A_1712], %swap3A_1715 {strides = array<i32>} : memref<80xi32, #tpu.memory_space<vmem>>, vector<16xi32>,
    %mul3A_1716 = arith.constant 208 : i32
    %mul3A_1717 = vector.broadcast %mul3A_1716 : i32 to vector<16xi32>
    %mul3A_1718 = arith.muli %get3A_1693, %mul3A_1717 : vector<16xi32>
    %add3A_1719 = arith.addi %mul3A_1718, %get3A_1698 : vector<16xi32>
    %swap3A_1720 = arith.constant 48 : index
    %swap3A_1721 = tpu.vector_load %arg20[%swap3A_1720] {strides = array<i32>} : memref<80xi32, #tpu.memory_space<vmem>>, vector<16xi32>,
    %swap3A_1722 = vector.shape_cast %swap3A_1721 : vector<16xi32> to vector<16xi32>
    %swap3A_1723 = vector.shape_cast %add3A_1719 : vector<16xi32> to vector<16xi32>
    tpu.vector_store %arg20[%swap3A_1720], %swap3A_1723 {strides = array<i32>} : memref<80xi32, #tpu.memory_space<vmem>>, vector<16xi32>,
    %get3A_1724 = arith.constant 0 : i32
    %get3A_1725 = arith.index_cast %get3A_1724 : i32 to index
    %get3A_1726 = arith.constant 64 : index
    %get3A_1727 = tpu.vector_load %arg18[%get3A_1725, %get3A_1726] {strides = array<i32>} : memref<5x80xi32, #tpu.memory_space<vmem>>, vector<1x16xi32>,
    %get3A_1728 = vector.shape_cast %get3A_1727 : vector<1x16xi32> to vector<16xi32>
    %get3A_1729 = arith.constant 1 : i32
    %get3A_1730 = arith.index_cast %get3A_1729 : i32 to index
    %get3A_1731 = arith.constant 64 : index
    %get3A_1732 = tpu.vector_load %arg18[%get3A_1730, %get3A_1731] {strides = array<i32>} : memref<5x80xi32, #tpu.memory_space<vmem>>, vector<1x16xi32>,
    %get3A_1733 = vector.shape_cast %get3A_1732 : vector<1x16xi32> to vector<16xi32>
    %get3A_1734 = arith.constant 2 : i32
    %get3A_1735 = arith.index_cast %get3A_1734 : i32 to index
    %get3A_1736 = arith.constant 64 : index
    %get3A_1737 = tpu.vector_load %arg18[%get3A_1735, %get3A_1736] {strides = array<i32>} : memref<5x80xi32, #tpu.memory_space<vmem>>, vector<1x16xi32>,
    %get3A_1738 = vector.shape_cast %get3A_1737 : vector<1x16xi32> to vector<16xi32>
    %get3A_1739 = arith.constant 3 : i32
    %get3A_1740 = arith.index_cast %get3A_1739 : i32 to index
    %get3A_1741 = arith.constant 64 : index
    %get3A_1742 = tpu.vector_load %arg18[%get3A_1740, %get3A_1741] {strides = array<i32>} : memref<5x80xi32, #tpu.memory_space<vmem>>, vector<1x16xi32>,
    %get3A_1743 = vector.shape_cast %get3A_1742 : vector<1x16xi32> to vector<16xi32>
    %get3A_1744 = arith.constant 4 : i32
    %get3A_1745 = arith.index_cast %get3A_1744 : i32 to index
    %get3A_1746 = arith.constant 64 : index
    %get3A_1747 = tpu.vector_load %arg18[%get3A_1745, %get3A_1746] {strides = array<i32>} : memref<5x80xi32, #tpu.memory_space<vmem>>, vector<1x16xi32>,
    %get3A_1748 = vector.shape_cast %get3A_1747 : vector<1x16xi32> to vector<16xi32>
    %mul3A_1749 = arith.constant 49 : i32
    %mul3A_1750 = vector.broadcast %mul3A_1749 : i32 to vector<16xi32>
    %mul3A_1751 = arith.muli %get3A_1728, %mul3A_1750 : vector<16xi32>
    %add3A_1752 = arith.addi %mul3A_1751, %get3A_1733 : vector<16xi32>
    %mul3A_1753 = arith.constant 48 : i32
    %mul3A_1754 = vector.broadcast %mul3A_1753 : i32 to vector<16xi32>
    %mul3A_1755 = arith.muli %add3A_1752, %mul3A_1754 : vector<16xi32>
    %add3A_1756 = arith.addi %mul3A_1755, %get3A_1748 : vector<16xi32>
    %swap3A_1757 = arith.constant 64 : index
    %swap3A_1758 = tpu.vector_load %arg19[%swap3A_1757] {strides = array<i32>} : memref<80xi32, #tpu.memory_space<vmem>>, vector<16xi32>,
    %swap3A_1759 = vector.shape_cast %swap3A_1758 : vector<16xi32> to vector<16xi32>
    %swap3A_1760 = vector.shape_cast %add3A_1756 : vector<16xi32> to vector<16xi32>
    tpu.vector_store %arg19[%swap3A_1757], %swap3A_1760 {strides = array<i32>} : memref<80xi32, #tpu.memory_space<vmem>>, vector<16xi32>,
    %mul3A_1761 = arith.constant 208 : i32
    %mul3A_1762 = vector.broadcast %mul3A_1761 : i32 to vector<16xi32>
    %mul3A_1763 = arith.muli %get3A_1738, %mul3A_1762 : vector<16xi32>
    %add3A_1764 = arith.addi %mul3A_1763, %get3A_1743 : vector<16xi32>
    %swap3A_1765 = arith.constant 64 : index
    %swap3A_1766 = tpu.vector_load %arg20[%swap3A_1765] {strides = array<i32>} : memref<80xi32, #tpu.memory_space<vmem>>, vector<16xi32>,
    %swap3A_1767 = vector.shape_cast %swap3A_1766 : vector<16xi32> to vector<16xi32>
    %swap3A_1768 = vector.shape_cast %add3A_1764 : vector<16xi32> to vector<16xi32>
    tpu.vector_store %arg20[%swap3A_1765], %swap3A_1768 {strides = array<i32>} : memref<80xi32, #tpu.memory_space<vmem>>, vector<16xi32>,
    %dma_start3A_1769 = arith.constant 0 : i32
    %dma_start3A_1770 = arith.constant 0 : i32
    %dma_start3A_1771 = arith.constant 0 : i32
    %dma_start3A_1772 = tpu.memref_slice %arg21[%dma_start3A_1769, %dma_start3A_1770, %dma_start3A_1771] : memref<2x80x128xf32, #tpu.memory_space<vmem>> -> memref<1x80x128xf32, #tpu.memory_space<vmem>>
    %dma_start3A_1773 = tpu.memref_squeeze %dma_start3A_1772 : memref<1x80x128xf32, #tpu.memory_space<vmem>> -> memref<80x128xf32, #tpu.memory_space<vmem>>
    %dma_start3A_1774 = arith.constant 0 : i32
    %dma_start3A_1775 = arith.constant 0 : i32
    %dma_start3A_1776 = tpu.memref_slice %arg7[%dma_start3A_1774, %dma_start3A_1775] : memref<178752x128xf32, #tpu.memory_space<hbm>> -> memref<178752x128xf32, #tpu.memory_space<hbm>>
    tpu.enqueue_indirect_dma source(%dma_start3A_1776 : memref<178752x128xf32, #tpu.memory_space<hbm>>) target(%dma_start3A_1773 : memref<80x128xf32, #tpu.memory_space<vmem>>) offsets(%arg19 : memref<80xi32, #tpu.memory_space<vmem>>) semaphore(%arg24 : memref<!tpu.dma_semaphore, #tpu.memory_space<semaphore_mem>>)
    %dma_start3A_1777 = arith.constant 1 : i32
    %dma_start3A_1778 = arith.constant 0 : i32
    %dma_start3A_1779 = arith.constant 0 : i32
    %dma_start3A_1780 = tpu.memref_slice %arg21[%dma_start3A_1777, %dma_start3A_1778, %dma_start3A_1779] : memref<2x80x128xf32, #tpu.memory_space<vmem>> -> memref<1x80x128xf32, #tpu.memory_space<vmem>>
    %dma_start3A_1781 = tpu.memref_squeeze %dma_start3A_1780 : memref<1x80x128xf32, #tpu.memory_space<vmem>> -> memref<80x128xf32, #tpu.memory_space<vmem>>
    %dma_start3A_1782 = arith.constant 0 : i32
    %dma_start3A_1783 = arith.constant 0 : i32
    %dma_start3A_1784 = tpu.memref_slice %arg8[%dma_start3A_1782, %dma_start3A_1783] : memref<42016x128xf32, #tpu.memory_space<hbm>> -> memref<42016x128xf32, #tpu.memory_space<hbm>>
    tpu.enqueue_indirect_dma source(%dma_start3A_1784 : memref<42016x128xf32, #tpu.memory_space<hbm>>) target(%dma_start3A_1781 : memref<80x128xf32, #tpu.memory_space<vmem>>) offsets(%arg20 : memref<80xi32, #tpu.memory_space<vmem>>) semaphore(%arg24 : memref<!tpu.dma_semaphore, #tpu.memory_space<semaphore_mem>>)
    %add3A_1785 = arith.constant 400 : i32
    %add3A_1786 = arith.addi %mul3A_2, %add3A_1785 : i32
    %dma_start3A_1787 = arith.constant 0 : i32
    %dma_start3A_1788 = arith.constant 0 : i32
    %dma_start3A_1789 = tpu.memref_slice %arg26[%dma_start3A_1787, %dma_start3A_1788] : memref<5x80xi32, #tpu.memory_space<vmem>> -> memref<1x80xi32, #tpu.memory_space<vmem>>
    %dma_start3A_1790 = tpu.memref_squeeze %dma_start3A_1789 : memref<1x80xi32, #tpu.memory_space<vmem>> -> memref<80xi32, #tpu.memory_space<vmem>>
    %dma_start3A_1791 = tpu.memref_slice %arg2[%add3A_1786] : memref<819200xi32, #tpu.memory_space<hbm>> -> memref<80xi32, #tpu.memory_space<hbm>>
    %dma_start3A_1792 = arith.constant 0 : i32
    %dma_start3A_1793 = tpu.memref_slice %arg26[%dma_start3A_1787, %dma_start3A_1792] : memref<5x80xi32, #tpu.memory_space<vmem>> -> memref<1x80xi32, #tpu.memory_space<vmem>>
    %dma_start3A_1794 = tpu.memref_squeeze %dma_start3A_1793 : memref<1x80xi32, #tpu.memory_space<vmem>> -> memref<80xi32, #tpu.memory_space<vmem>>
    %dma_start3A_1795 = tpu.memref_slice %arg2[%add3A_1786] : memref<819200xi32, #tpu.memory_space<hbm>> -> memref<80xi32, #tpu.memory_space<hbm>>
    tpu.enqueue_dma source(%dma_start3A_1795 : memref<80xi32, #tpu.memory_space<hbm>>) target(%dma_start3A_1794 : memref<80xi32, #tpu.memory_space<vmem>>) target_semaphore(%arg31 : memref<!tpu.dma_semaphore, #tpu.memory_space<semaphore_mem>>)
    %dma_start3A_1796 = arith.constant 1 : i32
    %dma_start3A_1797 = arith.constant 0 : i32
    %dma_start3A_1798 = tpu.memref_slice %arg26[%dma_start3A_1796, %dma_start3A_1797] : memref<5x80xi32, #tpu.memory_space<vmem>> -> memref<1x80xi32, #tpu.memory_space<vmem>>
    %dma_start3A_1799 = tpu.memref_squeeze %dma_start3A_1798 : memref<1x80xi32, #tpu.memory_space<vmem>> -> memref<80xi32, #tpu.memory_space<vmem>>
    %dma_start3A_1800 = tpu.memref_slice %arg3[%add3A_1786] : memref<819200xi32, #tpu.memory_space<hbm>> -> memref<80xi32, #tpu.memory_space<hbm>>
    %dma_start3A_1801 = arith.constant 0 : i32
    %dma_start3A_1802 = tpu.memref_slice %arg26[%dma_start3A_1796, %dma_start3A_1801] : memref<5x80xi32, #tpu.memory_space<vmem>> -> memref<1x80xi32, #tpu.memory_space<vmem>>
    %dma_start3A_1803 = tpu.memref_squeeze %dma_start3A_1802 : memref<1x80xi32, #tpu.memory_space<vmem>> -> memref<80xi32, #tpu.memory_space<vmem>>
    %dma_start3A_1804 = tpu.memref_slice %arg3[%add3A_1786] : memref<819200xi32, #tpu.memory_space<hbm>> -> memref<80xi32, #tpu.memory_space<hbm>>
    tpu.enqueue_dma source(%dma_start3A_1804 : memref<80xi32, #tpu.memory_space<hbm>>) target(%dma_start3A_1803 : memref<80xi32, #tpu.memory_space<vmem>>) target_semaphore(%arg31 : memref<!tpu.dma_semaphore, #tpu.memory_space<semaphore_mem>>)
    %dma_start3A_1805 = arith.constant 2 : i32
    %dma_start3A_1806 = arith.constant 0 : i32
    %dma_start3A_1807 = tpu.memref_slice %arg26[%dma_start3A_1805, %dma_start3A_1806] : memref<5x80xi32, #tpu.memory_space<vmem>> -> memref<1x80xi32, #tpu.memory_space<vmem>>
    %dma_start3A_1808 = tpu.memref_squeeze %dma_start3A_1807 : memref<1x80xi32, #tpu.memory_space<vmem>> -> memref<80xi32, #tpu.memory_space<vmem>>
    %dma_start3A_1809 = tpu.memref_slice %arg4[%add3A_1786] : memref<819200xi32, #tpu.memory_space<hbm>> -> memref<80xi32, #tpu.memory_space<hbm>>
    %dma_start3A_1810 = arith.constant 0 : i32
    %dma_start3A_1811 = tpu.memref_slice %arg26[%dma_start3A_1805, %dma_start3A_1810] : memref<5x80xi32, #tpu.memory_space<vmem>> -> memref<1x80xi32, #tpu.memory_space<vmem>>
    %dma_start3A_1812 = tpu.memref_squeeze %dma_start3A_1811 : memref<1x80xi32, #tpu.memory_space<vmem>> -> memref<80xi32, #tpu.memory_space<vmem>>
    %dma_start3A_1813 = tpu.memref_slice %arg4[%add3A_1786] : memref<819200xi32, #tpu.memory_space<hbm>> -> memref<80xi32, #tpu.memory_space<hbm>>
    tpu.enqueue_dma source(%dma_start3A_1813 : memref<80xi32, #tpu.memory_space<hbm>>) target(%dma_start3A_1812 : memref<80xi32, #tpu.memory_space<vmem>>) target_semaphore(%arg31 : memref<!tpu.dma_semaphore, #tpu.memory_space<semaphore_mem>>)
    %dma_start3A_1814 = arith.constant 3 : i32
    %dma_start3A_1815 = arith.constant 0 : i32
    %dma_start3A_1816 = tpu.memref_slice %arg26[%dma_start3A_1814, %dma_start3A_1815] : memref<5x80xi32, #tpu.memory_space<vmem>> -> memref<1x80xi32, #tpu.memory_space<vmem>>
    %dma_start3A_1817 = tpu.memref_squeeze %dma_start3A_1816 : memref<1x80xi32, #tpu.memory_space<vmem>> -> memref<80xi32, #tpu.memory_space<vmem>>
    %dma_start3A_1818 = tpu.memref_slice %arg5[%add3A_1786] : memref<819200xi32, #tpu.memory_space<hbm>> -> memref<80xi32, #tpu.memory_space<hbm>>
    %dma_start3A_1819 = arith.constant 0 : i32
    %dma_start3A_1820 = tpu.memref_slice %arg26[%dma_start3A_1814, %dma_start3A_1819] : memref<5x80xi32, #tpu.memory_space<vmem>> -> memref<1x80xi32, #tpu.memory_space<vmem>>
    %dma_start3A_1821 = tpu.memref_squeeze %dma_start3A_1820 : memref<1x80xi32, #tpu.memory_space<vmem>> -> memref<80xi32, #tpu.memory_space<vmem>>
    %dma_start3A_1822 = tpu.memref_slice %arg5[%add3A_1786] : memref<819200xi32, #tpu.memory_space<hbm>> -> memref<80xi32, #tpu.memory_space<hbm>>
    tpu.enqueue_dma source(%dma_start3A_1822 : memref<80xi32, #tpu.memory_space<hbm>>) target(%dma_start3A_1821 : memref<80xi32, #tpu.memory_space<vmem>>) target_semaphore(%arg31 : memref<!tpu.dma_semaphore, #tpu.memory_space<semaphore_mem>>)
    %dma_start3A_1823 = arith.constant 4 : i32
    %dma_start3A_1824 = arith.constant 0 : i32
    %dma_start3A_1825 = tpu.memref_slice %arg26[%dma_start3A_1823, %dma_start3A_1824] : memref<5x80xi32, #tpu.memory_space<vmem>> -> memref<1x80xi32, #tpu.memory_space<vmem>>
    %dma_start3A_1826 = tpu.memref_squeeze %dma_start3A_1825 : memref<1x80xi32, #tpu.memory_space<vmem>> -> memref<80xi32, #tpu.memory_space<vmem>>
    %dma_start3A_1827 = tpu.memref_slice %arg6[%add3A_1786] : memref<819200xi32, #tpu.memory_space<hbm>> -> memref<80xi32, #tpu.memory_space<hbm>>
    %dma_start3A_1828 = arith.constant 0 : i32
    %dma_start3A_1829 = tpu.memref_slice %arg26[%dma_start3A_1823, %dma_start3A_1828] : memref<5x80xi32, #tpu.memory_space<vmem>> -> memref<1x80xi32, #tpu.memory_space<vmem>>
    %dma_start3A_1830 = tpu.memref_squeeze %dma_start3A_1829 : memref<1x80xi32, #tpu.memory_space<vmem>> -> memref<80xi32, #tpu.memory_space<vmem>>
    %dma_start3A_1831 = tpu.memref_slice %arg6[%add3A_1786] : memref<819200xi32, #tpu.memory_space<hbm>> -> memref<80xi32, #tpu.memory_space<hbm>>
    tpu.enqueue_dma source(%dma_start3A_1831 : memref<80xi32, #tpu.memory_space<hbm>>) target(%dma_start3A_1830 : memref<80xi32, #tpu.memory_space<vmem>>) target_semaphore(%arg31 : memref<!tpu.dma_semaphore, #tpu.memory_space<semaphore_mem>>)
    %scan3A_1832 = arith.constant 0 : i32
    %scan3A_1833 = arith.constant 0 : i32
    %scan3A_1834 = arith.constant 80 : i32
    %scan3A_1835 = arith.addi %scan3A_1833, %scan3A_1834 : i32
    %scan3A_1836 = arith.constant 1 : i32
    scf.for %scan3A_1936 = %scan3A_1833 to %scan3A_1835 step %scan3A_1836  : i32 {
      %get3A_1937 = arith.constant 0 : i32
      %get3A_1938 = arith.index_cast %get3A_1937 : i32 to index
      %get3A_1939 = arith.index_cast %scan3A_1936 : i32 to index
      %get3A_1940 = arith.constant 0 : index
      %get3A_1941 = tpu.vector_load %arg29[%get3A_1938, %get3A_1939, %get3A_1940] {strides = array<i32>} : memref<2x80x128xf32, #tpu.memory_space<vmem>>, vector<1x1x16xf32>,
      %get3A_1942 = vector.shape_cast %get3A_1941 : vector<1x1x16xf32> to vector<16xf32>
      %get3A_1943 = arith.constant 1 : i32
      %get3A_1944 = arith.index_cast %get3A_1943 : i32 to index
      %get3A_1945 = arith.index_cast %scan3A_1936 : i32 to index
      %get3A_1946 = arith.constant 0 : index
      %get3A_1947 = tpu.vector_load %arg29[%get3A_1944, %get3A_1945, %get3A_1946] {strides = array<i32>} : memref<2x80x128xf32, #tpu.memory_space<vmem>>, vector<1x1x16xf32>,
      %get3A_1948 = vector.shape_cast %get3A_1947 : vector<1x1x16xf32> to vector<16xf32>
      %add3A_1949 = arith.addf %get3A_1942, %get3A_1948 : vector<16xf32>
      %swap3A_1950 = arith.index_cast %scan3A_1936 : i32 to index
      %swap3A_1951 = arith.constant 0 : index
      %swap3A_1952 = tpu.vector_load %arg30[%swap3A_1950, %swap3A_1951] {strides = array<i32>} : memref<80x128xf32, #tpu.memory_space<vmem>>, vector<1x16xf32>,
      %swap3A_1953 = vector.shape_cast %swap3A_1952 : vector<1x16xf32> to vector<16xf32>
      %swap3A_1954 = vector.shape_cast %add3A_1949 : vector<16xf32> to vector<1x16xf32>
      tpu.vector_store %arg30[%swap3A_1950, %swap3A_1951], %swap3A_1954 {strides = array<i32>} : memref<80x128xf32, #tpu.memory_space<vmem>>, vector<1x16xf32>,
      %get3A_1955 = arith.constant 0 : i32
      %get3A_1956 = arith.index_cast %get3A_1955 : i32 to index
      %get3A_1957 = arith.index_cast %scan3A_1936 : i32 to index
      %get3A_1958 = arith.constant 16 : index
      %get3A_1959 = tpu.vector_load %arg29[%get3A_1956, %get3A_1957, %get3A_1958] {strides = array<i32>} : memref<2x80x128xf32, #tpu.memory_space<vmem>>, vector<1x1x16xf32>,
      %get3A_1960 = vector.shape_cast %get3A_1959 : vector<1x1x16xf32> to vector<16xf32>
      %get3A_1961 = arith.constant 1 : i32
      %get3A_1962 = arith.index_cast %get3A_1961 : i32 to index
      %get3A_1963 = arith.index_cast %scan3A_1936 : i32 to index
      %get3A_1964 = arith.constant 16 : index
      %get3A_1965 = tpu.vector_load %arg29[%get3A_1962, %get3A_1963, %get3A_1964] {strides = array<i32>} : memref<2x80x128xf32, #tpu.memory_space<vmem>>, vector<1x1x16xf32>,
      %get3A_1966 = vector.shape_cast %get3A_1965 : vector<1x1x16xf32> to vector<16xf32>
      %add3A_1967 = arith.addf %get3A_1960, %get3A_1966 : vector<16xf32>
      %swap3A_1968 = arith.index_cast %scan3A_1936 : i32 to index
      %swap3A_1969 = arith.constant 16 : index
      %swap3A_1970 = tpu.vector_load %arg30[%swap3A_1968, %swap3A_1969] {strides = array<i32>} : memref<80x128xf32, #tpu.memory_space<vmem>>, vector<1x16xf32>,
      %swap3A_1971 = vector.shape_cast %swap3A_1970 : vector<1x16xf32> to vector<16xf32>
      %swap3A_1972 = vector.shape_cast %add3A_1967 : vector<16xf32> to vector<1x16xf32>
      tpu.vector_store %arg30[%swap3A_1968, %swap3A_1969], %swap3A_1972 {strides = array<i32>} : memref<80x128xf32, #tpu.memory_space<vmem>>, vector<1x16xf32>,
      %get3A_1973 = arith.constant 0 : i32
      %get3A_1974 = arith.index_cast %get3A_1973 : i32 to index
      %get3A_1975 = arith.index_cast %scan3A_1936 : i32 to index
      %get3A_1976 = arith.constant 32 : index
      %get3A_1977 = tpu.vector_load %arg29[%get3A_1974, %get3A_1975, %get3A_1976] {strides = array<i32>} : memref<2x80x128xf32, #tpu.memory_space<vmem>>, vector<1x1x16xf32>,
      %get3A_1978 = vector.shape_cast %get3A_1977 : vector<1x1x16xf32> to vector<16xf32>
      %get3A_1979 = arith.constant 1 : i32
      %get3A_1980 = arith.index_cast %get3A_1979 : i32 to index
      %get3A_1981 = arith.index_cast %scan3A_1936 : i32 to index
      %get3A_1982 = arith.constant 32 : index
      %get3A_1983 = tpu.vector_load %arg29[%get3A_1980, %get3A_1981, %get3A_1982] {strides = array<i32>} : memref<2x80x128xf32, #tpu.memory_space<vmem>>, vector<1x1x16xf32>,
      %get3A_1984 = vector.shape_cast %get3A_1983 : vector<1x1x16xf32> to vector<16xf32>
      %add3A_1985 = arith.addf %get3A_1978, %get3A_1984 : vector<16xf32>
      %swap3A_1986 = arith.index_cast %scan3A_1936 : i32 to index
      %swap3A_1987 = arith.constant 32 : index
      %swap3A_1988 = tpu.vector_load %arg30[%swap3A_1986, %swap3A_1987] {strides = array<i32>} : memref<80x128xf32, #tpu.memory_space<vmem>>, vector<1x16xf32>,
      %swap3A_1989 = vector.shape_cast %swap3A_1988 : vector<1x16xf32> to vector<16xf32>
      %swap3A_1990 = vector.shape_cast %add3A_1985 : vector<16xf32> to vector<1x16xf32>
      tpu.vector_store %arg30[%swap3A_1986, %swap3A_1987], %swap3A_1990 {strides = array<i32>} : memref<80x128xf32, #tpu.memory_space<vmem>>, vector<1x16xf32>,
      %get3A_1991 = arith.constant 0 : i32
      %get3A_1992 = arith.index_cast %get3A_1991 : i32 to index
      %get3A_1993 = arith.index_cast %scan3A_1936 : i32 to index
      %get3A_1994 = arith.constant 48 : index
      %get3A_1995 = tpu.vector_load %arg29[%get3A_1992, %get3A_1993, %get3A_1994] {strides = array<i32>} : memref<2x80x128xf32, #tpu.memory_space<vmem>>, vector<1x1x16xf32>,
      %get3A_1996 = vector.shape_cast %get3A_1995 : vector<1x1x16xf32> to vector<16xf32>
      %get3A_1997 = arith.constant 1 : i32
      %get3A_1998 = arith.index_cast %get3A_1997 : i32 to index
      %get3A_1999 = arith.index_cast %scan3A_1936 : i32 to index
      %get3A_2000 = arith.constant 48 : index
      %get3A_2001 = tpu.vector_load %arg29[%get3A_1998, %get3A_1999, %get3A_2000] {strides = array<i32>} : memref<2x80x128xf32, #tpu.memory_space<vmem>>, vector<1x1x16xf32>,
      %get3A_2002 = vector.shape_cast %get3A_2001 : vector<1x1x16xf32> to vector<16xf32>
      %add3A_2003 = arith.addf %get3A_1996, %get3A_2002 : vector<16xf32>
      %swap3A_2004 = arith.index_cast %scan3A_1936 : i32 to index
      %swap3A_2005 = arith.constant 48 : index
      %swap3A_2006 = tpu.vector_load %arg30[%swap3A_2004, %swap3A_2005] {strides = array<i32>} : memref<80x128xf32, #tpu.memory_space<vmem>>, vector<1x16xf32>,
      %swap3A_2007 = vector.shape_cast %swap3A_2006 : vector<1x16xf32> to vector<16xf32>
      %swap3A_2008 = vector.shape_cast %add3A_2003 : vector<16xf32> to vector<1x16xf32>
      tpu.vector_store %arg30[%swap3A_2004, %swap3A_2005], %swap3A_2008 {strides = array<i32>} : memref<80x128xf32, #tpu.memory_space<vmem>>, vector<1x16xf32>,
      %get3A_2009 = arith.constant 0 : i32
      %get3A_2010 = arith.index_cast %get3A_2009 : i32 to index
      %get3A_2011 = arith.index_cast %scan3A_1936 : i32 to index
      %get3A_2012 = arith.constant 64 : index
      %get3A_2013 = tpu.vector_load %arg29[%get3A_2010, %get3A_2011, %get3A_2012] {strides = array<i32>} : memref<2x80x128xf32, #tpu.memory_space<vmem>>, vector<1x1x16xf32>,
      %get3A_2014 = vector.shape_cast %get3A_2013 : vector<1x1x16xf32> to vector<16xf32>
      %get3A_2015 = arith.constant 1 : i32
      %get3A_2016 = arith.index_cast %get3A_2015 : i32 to index
      %get3A_2017 = arith.index_cast %scan3A_1936 : i32 to index
      %get3A_2018 = arith.constant 64 : index
      %get3A_2019 = tpu.vector_load %arg29[%get3A_2016, %get3A_2017, %get3A_2018] {strides = array<i32>} : memref<2x80x128xf32, #tpu.memory_space<vmem>>, vector<1x1x16xf32>,
      %get3A_2020 = vector.shape_cast %get3A_2019 : vector<1x1x16xf32> to vector<16xf32>
      %add3A_2021 = arith.addf %get3A_2014, %get3A_2020 : vector<16xf32>
      %swap3A_2022 = arith.index_cast %scan3A_1936 : i32 to index
      %swap3A_2023 = arith.constant 64 : index
      %swap3A_2024 = tpu.vector_load %arg30[%swap3A_2022, %swap3A_2023] {strides = array<i32>} : memref<80x128xf32, #tpu.memory_space<vmem>>, vector<1x16xf32>,
      %swap3A_2025 = vector.shape_cast %swap3A_2024 : vector<1x16xf32> to vector<16xf32>
      %swap3A_2026 = vector.shape_cast %add3A_2021 : vector<16xf32> to vector<1x16xf32>
      tpu.vector_store %arg30[%swap3A_2022, %swap3A_2023], %swap3A_2026 {strides = array<i32>} : memref<80x128xf32, #tpu.memory_space<vmem>>, vector<1x16xf32>,
      %get3A_2027 = arith.constant 0 : i32
      %get3A_2028 = arith.index_cast %get3A_2027 : i32 to index
      %get3A_2029 = arith.index_cast %scan3A_1936 : i32 to index
      %get3A_2030 = arith.constant 80 : index
      %get3A_2031 = tpu.vector_load %arg29[%get3A_2028, %get3A_2029, %get3A_2030] {strides = array<i32>} : memref<2x80x128xf32, #tpu.memory_space<vmem>>, vector<1x1x16xf32>,
      %get3A_2032 = vector.shape_cast %get3A_2031 : vector<1x1x16xf32> to vector<16xf32>
      %get3A_2033 = arith.constant 1 : i32
      %get3A_2034 = arith.index_cast %get3A_2033 : i32 to index
      %get3A_2035 = arith.index_cast %scan3A_1936 : i32 to index
      %get3A_2036 = arith.constant 80 : index
      %get3A_2037 = tpu.vector_load %arg29[%get3A_2034, %get3A_2035, %get3A_2036] {strides = array<i32>} : memref<2x80x128xf32, #tpu.memory_space<vmem>>, vector<1x1x16xf32>,
      %get3A_2038 = vector.shape_cast %get3A_2037 : vector<1x1x16xf32> to vector<16xf32>
      %add3A_2039 = arith.addf %get3A_2032, %get3A_2038 : vector<16xf32>
      %swap3A_2040 = arith.index_cast %scan3A_1936 : i32 to index
      %swap3A_2041 = arith.constant 80 : index
      %swap3A_2042 = tpu.vector_load %arg30[%swap3A_2040, %swap3A_2041] {strides = array<i32>} : memref<80x128xf32, #tpu.memory_space<vmem>>, vector<1x16xf32>,
      %swap3A_2043 = vector.shape_cast %swap3A_2042 : vector<1x16xf32> to vector<16xf32>
      %swap3A_2044 = vector.shape_cast %add3A_2039 : vector<16xf32> to vector<1x16xf32>
      tpu.vector_store %arg30[%swap3A_2040, %swap3A_2041], %swap3A_2044 {strides = array<i32>} : memref<80x128xf32, #tpu.memory_space<vmem>>, vector<1x16xf32>,
      %get3A_2045 = arith.constant 0 : i32
      %get3A_2046 = arith.index_cast %get3A_2045 : i32 to index
      %get3A_2047 = arith.index_cast %scan3A_1936 : i32 to index
      %get3A_2048 = arith.constant 96 : index
      %get3A_2049 = tpu.vector_load %arg29[%get3A_2046, %get3A_2047, %get3A_2048] {strides = array<i32>} : memref<2x80x128xf32, #tpu.memory_space<vmem>>, vector<1x1x16xf32>,
      %get3A_2050 = vector.shape_cast %get3A_2049 : vector<1x1x16xf32> to vector<16xf32>
      %get3A_2051 = arith.constant 1 : i32
      %get3A_2052 = arith.index_cast %get3A_2051 : i32 to index
      %get3A_2053 = arith.index_cast %scan3A_1936 : i32 to index
      %get3A_2054 = arith.constant 96 : index
      %get3A_2055 = tpu.vector_load %arg29[%get3A_2052, %get3A_2053, %get3A_2054] {strides = array<i32>} : memref<2x80x128xf32, #tpu.memory_space<vmem>>, vector<1x1x16xf32>,
      %get3A_2056 = vector.shape_cast %get3A_2055 : vector<1x1x16xf32> to vector<16xf32>
      %add3A_2057 = arith.addf %get3A_2050, %get3A_2056 : vector<16xf32>
      %swap3A_2058 = arith.index_cast %scan3A_1936 : i32 to index
      %swap3A_2059 = arith.constant 96 : index
      %swap3A_2060 = tpu.vector_load %arg30[%swap3A_2058, %swap3A_2059] {strides = array<i32>} : memref<80x128xf32, #tpu.memory_space<vmem>>, vector<1x16xf32>,
      %swap3A_2061 = vector.shape_cast %swap3A_2060 : vector<1x16xf32> to vector<16xf32>
      %swap3A_2062 = vector.shape_cast %add3A_2057 : vector<16xf32> to vector<1x16xf32>
      tpu.vector_store %arg30[%swap3A_2058, %swap3A_2059], %swap3A_2062 {strides = array<i32>} : memref<80x128xf32, #tpu.memory_space<vmem>>, vector<1x16xf32>,
      %get3A_2063 = arith.constant 0 : i32
      %get3A_2064 = arith.index_cast %get3A_2063 : i32 to index
      %get3A_2065 = arith.index_cast %scan3A_1936 : i32 to index
      %get3A_2066 = arith.constant 112 : index
      %get3A_2067 = tpu.vector_load %arg29[%get3A_2064, %get3A_2065, %get3A_2066] {strides = array<i32>} : memref<2x80x128xf32, #tpu.memory_space<vmem>>, vector<1x1x16xf32>,
      %get3A_2068 = vector.shape_cast %get3A_2067 : vector<1x1x16xf32> to vector<16xf32>
      %get3A_2069 = arith.constant 1 : i32
      %get3A_2070 = arith.index_cast %get3A_2069 : i32 to index
      %get3A_2071 = arith.index_cast %scan3A_1936 : i32 to index
      %get3A_2072 = arith.constant 112 : index
      %get3A_2073 = tpu.vector_load %arg29[%get3A_2070, %get3A_2071, %get3A_2072] {strides = array<i32>} : memref<2x80x128xf32, #tpu.memory_space<vmem>>, vector<1x1x16xf32>,
      %get3A_2074 = vector.shape_cast %get3A_2073 : vector<1x1x16xf32> to vector<16xf32>
      %add3A_2075 = arith.addf %get3A_2068, %get3A_2074 : vector<16xf32>
      %swap3A_2076 = arith.index_cast %scan3A_1936 : i32 to index
      %swap3A_2077 = arith.constant 112 : index
      %swap3A_2078 = tpu.vector_load %arg30[%swap3A_2076, %swap3A_2077] {strides = array<i32>} : memref<80x128xf32, #tpu.memory_space<vmem>>, vector<1x16xf32>,
      %swap3A_2079 = vector.shape_cast %swap3A_2078 : vector<1x16xf32> to vector<16xf32>
      %swap3A_2080 = vector.shape_cast %add3A_2075 : vector<16xf32> to vector<1x16xf32>
      tpu.vector_store %arg30[%swap3A_2076, %swap3A_2077], %swap3A_2080 {strides = array<i32>} : memref<80x128xf32, #tpu.memory_space<vmem>>, vector<1x16xf32>,
    }
    %scan3A_1837 = arith.constant 80 : i32
    %add3A_1838 = arith.constant 160 : i32
    %add3A_1839 = arith.addi %mul3A_2, %add3A_1838 : i32
    %dma_start3A_1840 = arith.constant 0 : i32
    %dma_start3A_1841 = tpu.memref_slice %arg9[%add3A_1839, %dma_start3A_1840] : memref<819200x128xf32, #tpu.memory_space<hbm>> -> memref<80x128xf32, #tpu.memory_space<hbm>>
    %dma_start3A_1842 = arith.constant 0 : i32
    %dma_start3A_1843 = tpu.memref_slice %arg9[%add3A_1839, %dma_start3A_1842] : memref<819200x128xf32, #tpu.memory_space<hbm>> -> memref<80x128xf32, #tpu.memory_space<hbm>>
    tpu.enqueue_dma source(%arg30 : memref<80x128xf32, #tpu.memory_space<vmem>>) target(%dma_start3A_1843 : memref<80x128xf32, #tpu.memory_space<hbm>>) target_semaphore(%arg33 : memref<!tpu.dma_semaphore, #tpu.memory_space<semaphore_mem>>)
    %scan3A_1844 = arith.constant 0 : i32
    %scan3A_1845 = arith.constant 1 : i32
    %scan3A_1846 = arith.constant 105 : i32
    %scan3A_1847 = arith.addi %scan3A_1845, %scan3A_1846 : i32
    %scan3A_1848 = arith.constant 1 : i32
    scf.for %scan3A_1936 = %scan3A_1845 to %scan3A_1847 step %scan3A_1848  : i32 {
      %mul3A_1937 = arith.constant 3 : i32
      %mul3A_1938 = arith.muli %mul3A_1937, %scan3A_1936 : i32
      %dma_wait3A_1939 = arith.constant 0 : i32
      %dma_wait3A_1940 = arith.constant 0 : i32
      %dma_wait3A_1941 = arith.constant 0 : i32
      %dma_wait3A_1942 = tpu.memref_slice %arg13[%dma_wait3A_1939, %dma_wait3A_1940, %dma_wait3A_1941] : memref<2x80x128xf32, #tpu.memory_space<vmem>> -> memref<1x80x128xf32, #tpu.memory_space<vmem>>
      %dma_wait3A_1943 = tpu.memref_squeeze %dma_wait3A_1942 : memref<1x80x128xf32, #tpu.memory_space<vmem>> -> memref<80x128xf32, #tpu.memory_space<vmem>>
      %dma_wait3A_1944 = arith.constant 0 : i32
      %dma_wait3A_1945 = arith.constant 0 : i32
      %dma_wait3A_1946 = tpu.memref_slice %arg7[%dma_wait3A_1944, %dma_wait3A_1945] : memref<178752x128xf32, #tpu.memory_space<hbm>> -> memref<178752x128xf32, #tpu.memory_space<hbm>>
      tpu.wait_indirect_dma semaphore(%arg16 : memref<!tpu.dma_semaphore, #tpu.memory_space<semaphore_mem>>) src(%dma_wait3A_1946 : memref<178752x128xf32, #tpu.memory_space<hbm>>) dst(%dma_wait3A_1943 : memref<80x128xf32, #tpu.memory_space<vmem>>)
      %dma_wait3A_1947 = arith.constant 1 : i32
      %dma_wait3A_1948 = arith.constant 0 : i32
      %dma_wait3A_1949 = arith.constant 0 : i32
      %dma_wait3A_1950 = tpu.memref_slice %arg13[%dma_wait3A_1947, %dma_wait3A_1948, %dma_wait3A_1949] : memref<2x80x128xf32, #tpu.memory_space<vmem>> -> memref<1x80x128xf32, #tpu.memory_space<vmem>>
      %dma_wait3A_1951 = tpu.memref_squeeze %dma_wait3A_1950 : memref<1x80x128xf32, #tpu.memory_space<vmem>> -> memref<80x128xf32, #tpu.memory_space<vmem>>
      %dma_wait3A_1952 = arith.constant 0 : i32
      %dma_wait3A_1953 = arith.constant 0 : i32
      %dma_wait3A_1954 = tpu.memref_slice %arg8[%dma_wait3A_1952, %dma_wait3A_1953] : memref<42016x128xf32, #tpu.memory_space<hbm>> -> memref<42016x128xf32, #tpu.memory_space<hbm>>
      tpu.wait_indirect_dma semaphore(%arg16 : memref<!tpu.dma_semaphore, #tpu.memory_space<semaphore_mem>>) src(%dma_wait3A_1954 : memref<42016x128xf32, #tpu.memory_space<hbm>>) dst(%dma_wait3A_1951 : memref<80x128xf32, #tpu.memory_space<vmem>>)
      %dma_wait3A_1955 = arith.constant 0 : i32
      %dma_wait3A_1956 = arith.constant 0 : i32
      %dma_wait3A_1957 = tpu.memref_slice %arg26[%dma_wait3A_1955, %dma_wait3A_1956] : memref<5x80xi32, #tpu.memory_space<vmem>> -> memref<1x80xi32, #tpu.memory_space<vmem>>
      %dma_wait3A_1958 = tpu.memref_squeeze %dma_wait3A_1957 : memref<1x80xi32, #tpu.memory_space<vmem>> -> memref<80xi32, #tpu.memory_space<vmem>>
      %dma_wait3A_1959 = arith.constant 0 : i32
      %dma_wait3A_1960 = tpu.memref_slice %arg2[%dma_wait3A_1959] : memref<819200xi32, #tpu.memory_space<hbm>> -> memref<80xi32, #tpu.memory_space<hbm>>
      %dma_wait3A_1961 = arith.constant 0 : i32
      %dma_wait3A_1962 = tpu.memref_slice %arg26[%dma_wait3A_1955, %dma_wait3A_1961] : memref<5x80xi32, #tpu.memory_space<vmem>> -> memref<1x80xi32, #tpu.memory_space<vmem>>
      %dma_wait3A_1963 = tpu.memref_squeeze %dma_wait3A_1962 : memref<1x80xi32, #tpu.memory_space<vmem>> -> memref<80xi32, #tpu.memory_space<vmem>>
      %dma_wait3A_1964 = arith.constant 0 : i32
      %dma_wait3A_1965 = tpu.memref_slice %arg2[%dma_wait3A_1964] : memref<819200xi32, #tpu.memory_space<hbm>> -> memref<80xi32, #tpu.memory_space<hbm>>
      tpu.wait_dma2 semaphore(%arg31 : memref<!tpu.dma_semaphore, #tpu.memory_space<semaphore_mem>>) src(%dma_wait3A_1965 : memref<80xi32, #tpu.memory_space<hbm>>) dst(%dma_wait3A_1963 : memref<80xi32, #tpu.memory_space<vmem>>)
      %dma_wait3A_1966 = arith.constant 1 : i32
      %dma_wait3A_1967 = arith.constant 0 : i32
      %dma_wait3A_1968 = tpu.memref_slice %arg26[%dma_wait3A_1966, %dma_wait3A_1967] : memref<5x80xi32, #tpu.memory_space<vmem>> -> memref<1x80xi32, #tpu.memory_space<vmem>>
      %dma_wait3A_1969 = tpu.memref_squeeze %dma_wait3A_1968 : memref<1x80xi32, #tpu.memory_space<vmem>> -> memref<80xi32, #tpu.memory_space<vmem>>
      %dma_wait3A_1970 = arith.constant 0 : i32
      %dma_wait3A_1971 = tpu.memref_slice %arg3[%dma_wait3A_1970] : memref<819200xi32, #tpu.memory_space<hbm>> -> memref<80xi32, #tpu.memory_space<hbm>>
      %dma_wait3A_1972 = arith.constant 0 : i32
      %dma_wait3A_1973 = tpu.memref_slice %arg26[%dma_wait3A_1966, %dma_wait3A_1972] : memref<5x80xi32, #tpu.memory_space<vmem>> -> memref<1x80xi32, #tpu.memory_space<vmem>>
      %dma_wait3A_1974 = tpu.memref_squeeze %dma_wait3A_1973 : memref<1x80xi32, #tpu.memory_space<vmem>> -> memref<80xi32, #tpu.memory_space<vmem>>
      %dma_wait3A_1975 = arith.constant 0 : i32
      %dma_wait3A_1976 = tpu.memref_slice %arg3[%dma_wait3A_1975] : memref<819200xi32, #tpu.memory_space<hbm>> -> memref<80xi32, #tpu.memory_space<hbm>>
      tpu.wait_dma2 semaphore(%arg31 : memref<!tpu.dma_semaphore, #tpu.memory_space<semaphore_mem>>) src(%dma_wait3A_1976 : memref<80xi32, #tpu.memory_space<hbm>>) dst(%dma_wait3A_1974 : memref<80xi32, #tpu.memory_space<vmem>>)
      %dma_wait3A_1977 = arith.constant 2 : i32
      %dma_wait3A_1978 = arith.constant 0 : i32
      %dma_wait3A_1979 = tpu.memref_slice %arg26[%dma_wait3A_1977, %dma_wait3A_1978] : memref<5x80xi32, #tpu.memory_space<vmem>> -> memref<1x80xi32, #tpu.memory_space<vmem>>
      %dma_wait3A_1980 = tpu.memref_squeeze %dma_wait3A_1979 : memref<1x80xi32, #tpu.memory_space<vmem>> -> memref<80xi32, #tpu.memory_space<vmem>>
      %dma_wait3A_1981 = arith.constant 0 : i32
      %dma_wait3A_1982 = tpu.memref_slice %arg4[%dma_wait3A_1981] : memref<819200xi32, #tpu.memory_space<hbm>> -> memref<80xi32, #tpu.memory_space<hbm>>
      %dma_wait3A_1983 = arith.constant 0 : i32
      %dma_wait3A_1984 = tpu.memref_slice %arg26[%dma_wait3A_1977, %dma_wait3A_1983] : memref<5x80xi32, #tpu.memory_space<vmem>> -> memref<1x80xi32, #tpu.memory_space<vmem>>
      %dma_wait3A_1985 = tpu.memref_squeeze %dma_wait3A_1984 : memref<1x80xi32, #tpu.memory_space<vmem>> -> memref<80xi32, #tpu.memory_space<vmem>>
      %dma_wait3A_1986 = arith.constant 0 : i32
      %dma_wait3A_1987 = tpu.memref_slice %arg4[%dma_wait3A_1986] : memref<819200xi32, #tpu.memory_space<hbm>> -> memref<80xi32, #tpu.memory_space<hbm>>
      tpu.wait_dma2 semaphore(%arg31 : memref<!tpu.dma_semaphore, #tpu.memory_space<semaphore_mem>>) src(%dma_wait3A_1987 : memref<80xi32, #tpu.memory_space<hbm>>) dst(%dma_wait3A_1985 : memref<80xi32, #tpu.memory_space<vmem>>)
      %dma_wait3A_1988 = arith.constant 3 : i32
      %dma_wait3A_1989 = arith.constant 0 : i32
      %dma_wait3A_1990 = tpu.memref_slice %arg26[%dma_wait3A_1988, %dma_wait3A_1989] : memref<5x80xi32, #tpu.memory_space<vmem>> -> memref<1x80xi32, #tpu.memory_space<vmem>>
      %dma_wait3A_1991 = tpu.memref_squeeze %dma_wait3A_1990 : memref<1x80xi32, #tpu.memory_space<vmem>> -> memref<80xi32, #tpu.memory_space<vmem>>
      %dma_wait3A_1992 = arith.constant 0 : i32
      %dma_wait3A_1993 = tpu.memref_slice %arg5[%dma_wait3A_1992] : memref<819200xi32, #tpu.memory_space<hbm>> -> memref<80xi32, #tpu.memory_space<hbm>>
      %dma_wait3A_1994 = arith.constant 0 : i32
      %dma_wait3A_1995 = tpu.memref_slice %arg26[%dma_wait3A_1988, %dma_wait3A_1994] : memref<5x80xi32, #tpu.memory_space<vmem>> -> memref<1x80xi32, #tpu.memory_space<vmem>>
      %dma_wait3A_1996 = tpu.memref_squeeze %dma_wait3A_1995 : memref<1x80xi32, #tpu.memory_space<vmem>> -> memref<80xi32, #tpu.memory_space<vmem>>
      %dma_wait3A_1997 = arith.constant 0 : i32
      %dma_wait3A_1998 = tpu.memref_slice %arg5[%dma_wait3A_1997] : memref<819200xi32, #tpu.memory_space<hbm>> -> memref<80xi32, #tpu.memory_space<hbm>>
      tpu.wait_dma2 semaphore(%arg31 : memref<!tpu.dma_semaphore, #tpu.memory_space<semaphore_mem>>) src(%dma_wait3A_1998 : memref<80xi32, #tpu.memory_space<hbm>>) dst(%dma_wait3A_1996 : memref<80xi32, #tpu.memory_space<vmem>>)
      %dma_wait3A_1999 = arith.constant 4 : i32
      %dma_wait3A_2000 = arith.constant 0 : i32
      %dma_wait3A_2001 = tpu.memref_slice %arg26[%dma_wait3A_1999, %dma_wait3A_2000] : memref<5x80xi32, #tpu.memory_space<vmem>> -> memref<1x80xi32, #tpu.memory_space<vmem>>
      %dma_wait3A_2002 = tpu.memref_squeeze %dma_wait3A_2001 : memref<1x80xi32, #tpu.memory_space<vmem>> -> memref<80xi32, #tpu.memory_space<vmem>>
      %dma_wait3A_2003 = arith.constant 0 : i32
      %dma_wait3A_2004 = tpu.memref_slice %arg6[%dma_wait3A_2003] : memref<819200xi32, #tpu.memory_space<hbm>> -> memref<80xi32, #tpu.memory_space<hbm>>
      %dma_wait3A_2005 = arith.constant 0 : i32
      %dma_wait3A_2006 = tpu.memref_slice %arg26[%dma_wait3A_1999, %dma_wait3A_2005] : memref<5x80xi32, #tpu.memory_space<vmem>> -> memref<1x80xi32, #tpu.memory_space<vmem>>
      %dma_wait3A_2007 = tpu.memref_squeeze %dma_wait3A_2006 : memref<1x80xi32, #tpu.memory_space<vmem>> -> memref<80xi32, #tpu.memory_space<vmem>>
      %dma_wait3A_2008 = arith.constant 0 : i32
      %dma_wait3A_2009 = tpu.memref_slice %arg6[%dma_wait3A_2008] : memref<819200xi32, #tpu.memory_space<hbm>> -> memref<80xi32, #tpu.memory_space<hbm>>
      tpu.wait_dma2 semaphore(%arg31 : memref<!tpu.dma_semaphore, #tpu.memory_space<semaphore_mem>>) src(%dma_wait3A_2009 : memref<80xi32, #tpu.memory_space<hbm>>) dst(%dma_wait3A_2007 : memref<80xi32, #tpu.memory_space<vmem>>)
      %get3A_2010 = arith.constant 0 : i32
      %get3A_2011 = arith.index_cast %get3A_2010 : i32 to index
      %get3A_2012 = arith.constant 0 : index
      %get3A_2013 = tpu.vector_load %arg26[%get3A_2011, %get3A_2012] {strides = array<i32>} : memref<5x80xi32, #tpu.memory_space<vmem>>, vector<1x16xi32>,
      %get3A_2014 = vector.shape_cast %get3A_2013 : vector<1x16xi32> to vector<16xi32>
      %get3A_2015 = arith.constant 1 : i32
      %get3A_2016 = arith.index_cast %get3A_2015 : i32 to index
      %get3A_2017 = arith.constant 0 : index
      %get3A_2018 = tpu.vector_load %arg26[%get3A_2016, %get3A_2017] {strides = array<i32>} : memref<5x80xi32, #tpu.memory_space<vmem>>, vector<1x16xi32>,
      %get3A_2019 = vector.shape_cast %get3A_2018 : vector<1x16xi32> to vector<16xi32>
      %get3A_2020 = arith.constant 2 : i32
      %get3A_2021 = arith.index_cast %get3A_2020 : i32 to index
      %get3A_2022 = arith.constant 0 : index
      %get3A_2023 = tpu.vector_load %arg26[%get3A_2021, %get3A_2022] {strides = array<i32>} : memref<5x80xi32, #tpu.memory_space<vmem>>, vector<1x16xi32>,
      %get3A_2024 = vector.shape_cast %get3A_2023 : vector<1x16xi32> to vector<16xi32>
      %get3A_2025 = arith.constant 3 : i32
      %get3A_2026 = arith.index_cast %get3A_2025 : i32 to index
      %get3A_2027 = arith.constant 0 : index
      %get3A_2028 = tpu.vector_load %arg26[%get3A_2026, %get3A_2027] {strides = array<i32>} : memref<5x80xi32, #tpu.memory_space<vmem>>, vector<1x16xi32>,
      %get3A_2029 = vector.shape_cast %get3A_2028 : vector<1x16xi32> to vector<16xi32>
      %get3A_2030 = arith.constant 4 : i32
      %get3A_2031 = arith.index_cast %get3A_2030 : i32 to index
      %get3A_2032 = arith.constant 0 : index
      %get3A_2033 = tpu.vector_load %arg26[%get3A_2031, %get3A_2032] {strides = array<i32>} : memref<5x80xi32, #tpu.memory_space<vmem>>, vector<1x16xi32>,
      %get3A_2034 = vector.shape_cast %get3A_2033 : vector<1x16xi32> to vector<16xi32>
      %mul3A_2035 = arith.constant 49 : i32
      %mul3A_2036 = vector.broadcast %mul3A_2035 : i32 to vector<16xi32>
      %mul3A_2037 = arith.muli %get3A_2014, %mul3A_2036 : vector<16xi32>
      %add3A_2038 = arith.addi %mul3A_2037, %get3A_2019 : vector<16xi32>
      %mul3A_2039 = arith.constant 48 : i32
      %mul3A_2040 = vector.broadcast %mul3A_2039 : i32 to vector<16xi32>
      %mul3A_2041 = arith.muli %add3A_2038, %mul3A_2040 : vector<16xi32>
      %add3A_2042 = arith.addi %mul3A_2041, %get3A_2034 : vector<16xi32>
      %swap3A_2043 = arith.constant 0 : index
      %swap3A_2044 = tpu.vector_load %arg27[%swap3A_2043] {strides = array<i32>} : memref<80xi32, #tpu.memory_space<vmem>>, vector<16xi32>,
      %swap3A_2045 = vector.shape_cast %swap3A_2044 : vector<16xi32> to vector<16xi32>
      %swap3A_2046 = vector.shape_cast %add3A_2042 : vector<16xi32> to vector<16xi32>
      tpu.vector_store %arg27[%swap3A_2043], %swap3A_2046 {strides = array<i32>} : memref<80xi32, #tpu.memory_space<vmem>>, vector<16xi32>,
      %mul3A_2047 = arith.constant 208 : i32
      %mul3A_2048 = vector.broadcast %mul3A_2047 : i32 to vector<16xi32>
      %mul3A_2049 = arith.muli %get3A_2024, %mul3A_2048 : vector<16xi32>
      %add3A_2050 = arith.addi %mul3A_2049, %get3A_2029 : vector<16xi32>
      %swap3A_2051 = arith.constant 0 : index
      %swap3A_2052 = tpu.vector_load %arg28[%swap3A_2051] {strides = array<i32>} : memref<80xi32, #tpu.memory_space<vmem>>, vector<16xi32>,
      %swap3A_2053 = vector.shape_cast %swap3A_2052 : vector<16xi32> to vector<16xi32>
      %swap3A_2054 = vector.shape_cast %add3A_2050 : vector<16xi32> to vector<16xi32>
      tpu.vector_store %arg28[%swap3A_2051], %swap3A_2054 {strides = array<i32>} : memref<80xi32, #tpu.memory_space<vmem>>, vector<16xi32>,
      %get3A_2055 = arith.constant 0 : i32
      %get3A_2056 = arith.index_cast %get3A_2055 : i32 to index
      %get3A_2057 = arith.constant 16 : index
      %get3A_2058 = tpu.vector_load %arg26[%get3A_2056, %get3A_2057] {strides = array<i32>} : memref<5x80xi32, #tpu.memory_space<vmem>>, vector<1x16xi32>,
      %get3A_2059 = vector.shape_cast %get3A_2058 : vector<1x16xi32> to vector<16xi32>
      %get3A_2060 = arith.constant 1 : i32
      %get3A_2061 = arith.index_cast %get3A_2060 : i32 to index
      %get3A_2062 = arith.constant 16 : index
      %get3A_2063 = tpu.vector_load %arg26[%get3A_2061, %get3A_2062] {strides = array<i32>} : memref<5x80xi32, #tpu.memory_space<vmem>>, vector<1x16xi32>,
      %get3A_2064 = vector.shape_cast %get3A_2063 : vector<1x16xi32> to vector<16xi32>
      %get3A_2065 = arith.constant 2 : i32
      %get3A_2066 = arith.index_cast %get3A_2065 : i32 to index
      %get3A_2067 = arith.constant 16 : index
      %get3A_2068 = tpu.vector_load %arg26[%get3A_2066, %get3A_2067] {strides = array<i32>} : memref<5x80xi32, #tpu.memory_space<vmem>>, vector<1x16xi32>,
      %get3A_2069 = vector.shape_cast %get3A_2068 : vector<1x16xi32> to vector<16xi32>
      %get3A_2070 = arith.constant 3 : i32
      %get3A_2071 = arith.index_cast %get3A_2070 : i32 to index
      %get3A_2072 = arith.constant 16 : index
      %get3A_2073 = tpu.vector_load %arg26[%get3A_2071, %get3A_2072] {strides = array<i32>} : memref<5x80xi32, #tpu.memory_space<vmem>>, vector<1x16xi32>,
      %get3A_2074 = vector.shape_cast %get3A_2073 : vector<1x16xi32> to vector<16xi32>
      %get3A_2075 = arith.constant 4 : i32
      %get3A_2076 = arith.index_cast %get3A_2075 : i32 to index
      %get3A_2077 = arith.constant 16 : index
      %get3A_2078 = tpu.vector_load %arg26[%get3A_2076, %get3A_2077] {strides = array<i32>} : memref<5x80xi32, #tpu.memory_space<vmem>>, vector<1x16xi32>,
      %get3A_2079 = vector.shape_cast %get3A_2078 : vector<1x16xi32> to vector<16xi32>
      %mul3A_2080 = arith.constant 49 : i32
      %mul3A_2081 = vector.broadcast %mul3A_2080 : i32 to vector<16xi32>
      %mul3A_2082 = arith.muli %get3A_2059, %mul3A_2081 : vector<16xi32>
      %add3A_2083 = arith.addi %mul3A_2082, %get3A_2064 : vector<16xi32>
      %mul3A_2084 = arith.constant 48 : i32
      %mul3A_2085 = vector.broadcast %mul3A_2084 : i32 to vector<16xi32>
      %mul3A_2086 = arith.muli %add3A_2083, %mul3A_2085 : vector<16xi32>
      %add3A_2087 = arith.addi %mul3A_2086, %get3A_2079 : vector<16xi32>
      %swap3A_2088 = arith.constant 16 : index
      %swap3A_2089 = tpu.vector_load %arg27[%swap3A_2088] {strides = array<i32>} : memref<80xi32, #tpu.memory_space<vmem>>, vector<16xi32>,
      %swap3A_2090 = vector.shape_cast %swap3A_2089 : vector<16xi32> to vector<16xi32>
      %swap3A_2091 = vector.shape_cast %add3A_2087 : vector<16xi32> to vector<16xi32>
      tpu.vector_store %arg27[%swap3A_2088], %swap3A_2091 {strides = array<i32>} : memref<80xi32, #tpu.memory_space<vmem>>, vector<16xi32>,
      %mul3A_2092 = arith.constant 208 : i32
      %mul3A_2093 = vector.broadcast %mul3A_2092 : i32 to vector<16xi32>
      %mul3A_2094 = arith.muli %get3A_2069, %mul3A_2093 : vector<16xi32>
      %add3A_2095 = arith.addi %mul3A_2094, %get3A_2074 : vector<16xi32>
      %swap3A_2096 = arith.constant 16 : index
      %swap3A_2097 = tpu.vector_load %arg28[%swap3A_2096] {strides = array<i32>} : memref<80xi32, #tpu.memory_space<vmem>>, vector<16xi32>,
      %swap3A_2098 = vector.shape_cast %swap3A_2097 : vector<16xi32> to vector<16xi32>
      %swap3A_2099 = vector.shape_cast %add3A_2095 : vector<16xi32> to vector<16xi32>
      tpu.vector_store %arg28[%swap3A_2096], %swap3A_2099 {strides = array<i32>} : memref<80xi32, #tpu.memory_space<vmem>>, vector<16xi32>,
      %get3A_2100 = arith.constant 0 : i32
      %get3A_2101 = arith.index_cast %get3A_2100 : i32 to index
      %get3A_2102 = arith.constant 32 : index
      %get3A_2103 = tpu.vector_load %arg26[%get3A_2101, %get3A_2102] {strides = array<i32>} : memref<5x80xi32, #tpu.memory_space<vmem>>, vector<1x16xi32>,
      %get3A_2104 = vector.shape_cast %get3A_2103 : vector<1x16xi32> to vector<16xi32>
      %get3A_2105 = arith.constant 1 : i32
      %get3A_2106 = arith.index_cast %get3A_2105 : i32 to index
      %get3A_2107 = arith.constant 32 : index
      %get3A_2108 = tpu.vector_load %arg26[%get3A_2106, %get3A_2107] {strides = array<i32>} : memref<5x80xi32, #tpu.memory_space<vmem>>, vector<1x16xi32>,
      %get3A_2109 = vector.shape_cast %get3A_2108 : vector<1x16xi32> to vector<16xi32>
      %get3A_2110 = arith.constant 2 : i32
      %get3A_2111 = arith.index_cast %get3A_2110 : i32 to index
      %get3A_2112 = arith.constant 32 : index
      %get3A_2113 = tpu.vector_load %arg26[%get3A_2111, %get3A_2112] {strides = array<i32>} : memref<5x80xi32, #tpu.memory_space<vmem>>, vector<1x16xi32>,
      %get3A_2114 = vector.shape_cast %get3A_2113 : vector<1x16xi32> to vector<16xi32>
      %get3A_2115 = arith.constant 3 : i32
      %get3A_2116 = arith.index_cast %get3A_2115 : i32 to index
      %get3A_2117 = arith.constant 32 : index
      %get3A_2118 = tpu.vector_load %arg26[%get3A_2116, %get3A_2117] {strides = array<i32>} : memref<5x80xi32, #tpu.memory_space<vmem>>, vector<1x16xi32>,
      %get3A_2119 = vector.shape_cast %get3A_2118 : vector<1x16xi32> to vector<16xi32>
      %get3A_2120 = arith.constant 4 : i32
      %get3A_2121 = arith.index_cast %get3A_2120 : i32 to index
      %get3A_2122 = arith.constant 32 : index
      %get3A_2123 = tpu.vector_load %arg26[%get3A_2121, %get3A_2122] {strides = array<i32>} : memref<5x80xi32, #tpu.memory_space<vmem>>, vector<1x16xi32>,
      %get3A_2124 = vector.shape_cast %get3A_2123 : vector<1x16xi32> to vector<16xi32>
      %mul3A_2125 = arith.constant 49 : i32
      %mul3A_2126 = vector.broadcast %mul3A_2125 : i32 to vector<16xi32>
      %mul3A_2127 = arith.muli %get3A_2104, %mul3A_2126 : vector<16xi32>
      %add3A_2128 = arith.addi %mul3A_2127, %get3A_2109 : vector<16xi32>
      %mul3A_2129 = arith.constant 48 : i32
      %mul3A_2130 = vector.broadcast %mul3A_2129 : i32 to vector<16xi32>
      %mul3A_2131 = arith.muli %add3A_2128, %mul3A_2130 : vector<16xi32>
      %add3A_2132 = arith.addi %mul3A_2131, %get3A_2124 : vector<16xi32>
      %swap3A_2133 = arith.constant 32 : index
      %swap3A_2134 = tpu.vector_load %arg27[%swap3A_2133] {strides = array<i32>} : memref<80xi32, #tpu.memory_space<vmem>>, vector<16xi32>,
      %swap3A_2135 = vector.shape_cast %swap3A_2134 : vector<16xi32> to vector<16xi32>
      %swap3A_2136 = vector.shape_cast %add3A_2132 : vector<16xi32> to vector<16xi32>
      tpu.vector_store %arg27[%swap3A_2133], %swap3A_2136 {strides = array<i32>} : memref<80xi32, #tpu.memory_space<vmem>>, vector<16xi32>,
      %mul3A_2137 = arith.constant 208 : i32
      %mul3A_2138 = vector.broadcast %mul3A_2137 : i32 to vector<16xi32>
      %mul3A_2139 = arith.muli %get3A_2114, %mul3A_2138 : vector<16xi32>
      %add3A_2140 = arith.addi %mul3A_2139, %get3A_2119 : vector<16xi32>
      %swap3A_2141 = arith.constant 32 : index
      %swap3A_2142 = tpu.vector_load %arg28[%swap3A_2141] {strides = array<i32>} : memref<80xi32, #tpu.memory_space<vmem>>, vector<16xi32>,
      %swap3A_2143 = vector.shape_cast %swap3A_2142 : vector<16xi32> to vector<16xi32>
      %swap3A_2144 = vector.shape_cast %add3A_2140 : vector<16xi32> to vector<16xi32>
      tpu.vector_store %arg28[%swap3A_2141], %swap3A_2144 {strides = array<i32>} : memref<80xi32, #tpu.memory_space<vmem>>, vector<16xi32>,
      %get3A_2145 = arith.constant 0 : i32
      %get3A_2146 = arith.index_cast %get3A_2145 : i32 to index
      %get3A_2147 = arith.constant 48 : index
      %get3A_2148 = tpu.vector_load %arg26[%get3A_2146, %get3A_2147] {strides = array<i32>} : memref<5x80xi32, #tpu.memory_space<vmem>>, vector<1x16xi32>,
      %get3A_2149 = vector.shape_cast %get3A_2148 : vector<1x16xi32> to vector<16xi32>
      %get3A_2150 = arith.constant 1 : i32
      %get3A_2151 = arith.index_cast %get3A_2150 : i32 to index
      %get3A_2152 = arith.constant 48 : index
      %get3A_2153 = tpu.vector_load %arg26[%get3A_2151, %get3A_2152] {strides = array<i32>} : memref<5x80xi32, #tpu.memory_space<vmem>>, vector<1x16xi32>,
      %get3A_2154 = vector.shape_cast %get3A_2153 : vector<1x16xi32> to vector<16xi32>
      %get3A_2155 = arith.constant 2 : i32
      %get3A_2156 = arith.index_cast %get3A_2155 : i32 to index
      %get3A_2157 = arith.constant 48 : index
      %get3A_2158 = tpu.vector_load %arg26[%get3A_2156, %get3A_2157] {strides = array<i32>} : memref<5x80xi32, #tpu.memory_space<vmem>>, vector<1x16xi32>,
      %get3A_2159 = vector.shape_cast %get3A_2158 : vector<1x16xi32> to vector<16xi32>
      %get3A_2160 = arith.constant 3 : i32
      %get3A_2161 = arith.index_cast %get3A_2160 : i32 to index
      %get3A_2162 = arith.constant 48 : index
      %get3A_2163 = tpu.vector_load %arg26[%get3A_2161, %get3A_2162] {strides = array<i32>} : memref<5x80xi32, #tpu.memory_space<vmem>>, vector<1x16xi32>,
      %get3A_2164 = vector.shape_cast %get3A_2163 : vector<1x16xi32> to vector<16xi32>
      %get3A_2165 = arith.constant 4 : i32
      %get3A_2166 = arith.index_cast %get3A_2165 : i32 to index
      %get3A_2167 = arith.constant 48 : index
      %get3A_2168 = tpu.vector_load %arg26[%get3A_2166, %get3A_2167] {strides = array<i32>} : memref<5x80xi32, #tpu.memory_space<vmem>>, vector<1x16xi32>,
      %get3A_2169 = vector.shape_cast %get3A_2168 : vector<1x16xi32> to vector<16xi32>
      %mul3A_2170 = arith.constant 49 : i32
      %mul3A_2171 = vector.broadcast %mul3A_2170 : i32 to vector<16xi32>
      %mul3A_2172 = arith.muli %get3A_2149, %mul3A_2171 : vector<16xi32>
      %add3A_2173 = arith.addi %mul3A_2172, %get3A_2154 : vector<16xi32>
      %mul3A_2174 = arith.constant 48 : i32
      %mul3A_2175 = vector.broadcast %mul3A_2174 : i32 to vector<16xi32>
      %mul3A_2176 = arith.muli %add3A_2173, %mul3A_2175 : vector<16xi32>
      %add3A_2177 = arith.addi %mul3A_2176, %get3A_2169 : vector<16xi32>
      %swap3A_2178 = arith.constant 48 : index
      %swap3A_2179 = tpu.vector_load %arg27[%swap3A_2178] {strides = array<i32>} : memref<80xi32, #tpu.memory_space<vmem>>, vector<16xi32>,
      %swap3A_2180 = vector.shape_cast %swap3A_2179 : vector<16xi32> to vector<16xi32>
      %swap3A_2181 = vector.shape_cast %add3A_2177 : vector<16xi32> to vector<16xi32>
      tpu.vector_store %arg27[%swap3A_2178], %swap3A_2181 {strides = array<i32>} : memref<80xi32, #tpu.memory_space<vmem>>, vector<16xi32>,
      %mul3A_2182 = arith.constant 208 : i32
      %mul3A_2183 = vector.broadcast %mul3A_2182 : i32 to vector<16xi32>
      %mul3A_2184 = arith.muli %get3A_2159, %mul3A_2183 : vector<16xi32>
      %add3A_2185 = arith.addi %mul3A_2184, %get3A_2164 : vector<16xi32>
      %swap3A_2186 = arith.constant 48 : index
      %swap3A_2187 = tpu.vector_load %arg28[%swap3A_2186] {strides = array<i32>} : memref<80xi32, #tpu.memory_space<vmem>>, vector<16xi32>,
      %swap3A_2188 = vector.shape_cast %swap3A_2187 : vector<16xi32> to vector<16xi32>
      %swap3A_2189 = vector.shape_cast %add3A_2185 : vector<16xi32> to vector<16xi32>
      tpu.vector_store %arg28[%swap3A_2186], %swap3A_2189 {strides = array<i32>} : memref<80xi32, #tpu.memory_space<vmem>>, vector<16xi32>,
      %get3A_2190 = arith.constant 0 : i32
      %get3A_2191 = arith.index_cast %get3A_2190 : i32 to index
      %get3A_2192 = arith.constant 64 : index
      %get3A_2193 = tpu.vector_load %arg26[%get3A_2191, %get3A_2192] {strides = array<i32>} : memref<5x80xi32, #tpu.memory_space<vmem>>, vector<1x16xi32>,
      %get3A_2194 = vector.shape_cast %get3A_2193 : vector<1x16xi32> to vector<16xi32>
      %get3A_2195 = arith.constant 1 : i32
      %get3A_2196 = arith.index_cast %get3A_2195 : i32 to index
      %get3A_2197 = arith.constant 64 : index
      %get3A_2198 = tpu.vector_load %arg26[%get3A_2196, %get3A_2197] {strides = array<i32>} : memref<5x80xi32, #tpu.memory_space<vmem>>, vector<1x16xi32>,
      %get3A_2199 = vector.shape_cast %get3A_2198 : vector<1x16xi32> to vector<16xi32>
      %get3A_2200 = arith.constant 2 : i32
      %get3A_2201 = arith.index_cast %get3A_2200 : i32 to index
      %get3A_2202 = arith.constant 64 : index
      %get3A_2203 = tpu.vector_load %arg26[%get3A_2201, %get3A_2202] {strides = array<i32>} : memref<5x80xi32, #tpu.memory_space<vmem>>, vector<1x16xi32>,
      %get3A_2204 = vector.shape_cast %get3A_2203 : vector<1x16xi32> to vector<16xi32>
      %get3A_2205 = arith.constant 3 : i32
      %get3A_2206 = arith.index_cast %get3A_2205 : i32 to index
      %get3A_2207 = arith.constant 64 : index
      %get3A_2208 = tpu.vector_load %arg26[%get3A_2206, %get3A_2207] {strides = array<i32>} : memref<5x80xi32, #tpu.memory_space<vmem>>, vector<1x16xi32>,
      %get3A_2209 = vector.shape_cast %get3A_2208 : vector<1x16xi32> to vector<16xi32>
      %get3A_2210 = arith.constant 4 : i32
      %get3A_2211 = arith.index_cast %get3A_2210 : i32 to index
      %get3A_2212 = arith.constant 64 : index
      %get3A_2213 = tpu.vector_load %arg26[%get3A_2211, %get3A_2212] {strides = array<i32>} : memref<5x80xi32, #tpu.memory_space<vmem>>, vector<1x16xi32>,
      %get3A_2214 = vector.shape_cast %get3A_2213 : vector<1x16xi32> to vector<16xi32>
      %mul3A_2215 = arith.constant 49 : i32
      %mul3A_2216 = vector.broadcast %mul3A_2215 : i32 to vector<16xi32>
      %mul3A_2217 = arith.muli %get3A_2194, %mul3A_2216 : vector<16xi32>
      %add3A_2218 = arith.addi %mul3A_2217, %get3A_2199 : vector<16xi32>
      %mul3A_2219 = arith.constant 48 : i32
      %mul3A_2220 = vector.broadcast %mul3A_2219 : i32 to vector<16xi32>
      %mul3A_2221 = arith.muli %add3A_2218, %mul3A_2220 : vector<16xi32>
      %add3A_2222 = arith.addi %mul3A_2221, %get3A_2214 : vector<16xi32>
      %swap3A_2223 = arith.constant 64 : index
      %swap3A_2224 = tpu.vector_load %arg27[%swap3A_2223] {strides = array<i32>} : memref<80xi32, #tpu.memory_space<vmem>>, vector<16xi32>,
      %swap3A_2225 = vector.shape_cast %swap3A_2224 : vector<16xi32> to vector<16xi32>
      %swap3A_2226 = vector.shape_cast %add3A_2222 : vector<16xi32> to vector<16xi32>
      tpu.vector_store %arg27[%swap3A_2223], %swap3A_2226 {strides = array<i32>} : memref<80xi32, #tpu.memory_space<vmem>>, vector<16xi32>,
      %mul3A_2227 = arith.constant 208 : i32
      %mul3A_2228 = vector.broadcast %mul3A_2227 : i32 to vector<16xi32>
      %mul3A_2229 = arith.muli %get3A_2204, %mul3A_2228 : vector<16xi32>
      %add3A_2230 = arith.addi %mul3A_2229, %get3A_2209 : vector<16xi32>
      %swap3A_2231 = arith.constant 64 : index
      %swap3A_2232 = tpu.vector_load %arg28[%swap3A_2231] {strides = array<i32>} : memref<80xi32, #tpu.memory_space<vmem>>, vector<16xi32>,
      %swap3A_2233 = vector.shape_cast %swap3A_2232 : vector<16xi32> to vector<16xi32>
      %swap3A_2234 = vector.shape_cast %add3A_2230 : vector<16xi32> to vector<16xi32>
      tpu.vector_store %arg28[%swap3A_2231], %swap3A_2234 {strides = array<i32>} : memref<80xi32, #tpu.memory_space<vmem>>, vector<16xi32>,
      %dma_start3A_2235 = arith.constant 0 : i32
      %dma_start3A_2236 = arith.constant 0 : i32
      %dma_start3A_2237 = arith.constant 0 : i32
      %dma_start3A_2238 = tpu.memref_slice %arg29[%dma_start3A_2235, %dma_start3A_2236, %dma_start3A_2237] : memref<2x80x128xf32, #tpu.memory_space<vmem>> -> memref<1x80x128xf32, #tpu.memory_space<vmem>>
      %dma_start3A_2239 = tpu.memref_squeeze %dma_start3A_2238 : memref<1x80x128xf32, #tpu.memory_space<vmem>> -> memref<80x128xf32, #tpu.memory_space<vmem>>
      %dma_start3A_2240 = arith.constant 0 : i32
      %dma_start3A_2241 = arith.constant 0 : i32
      %dma_start3A_2242 = tpu.memref_slice %arg7[%dma_start3A_2240, %dma_start3A_2241] : memref<178752x128xf32, #tpu.memory_space<hbm>> -> memref<178752x128xf32, #tpu.memory_space<hbm>>
      tpu.enqueue_indirect_dma source(%dma_start3A_2242 : memref<178752x128xf32, #tpu.memory_space<hbm>>) target(%dma_start3A_2239 : memref<80x128xf32, #tpu.memory_space<vmem>>) offsets(%arg27 : memref<80xi32, #tpu.memory_space<vmem>>) semaphore(%arg32 : memref<!tpu.dma_semaphore, #tpu.memory_space<semaphore_mem>>)
      %dma_start3A_2243 = arith.constant 1 : i32
      %dma_start3A_2244 = arith.constant 0 : i32
      %dma_start3A_2245 = arith.constant 0 : i32
      %dma_start3A_2246 = tpu.memref_slice %arg29[%dma_start3A_2243, %dma_start3A_2244, %dma_start3A_2245] : memref<2x80x128xf32, #tpu.memory_space<vmem>> -> memref<1x80x128xf32, #tpu.memory_space<vmem>>
      %dma_start3A_2247 = tpu.memref_squeeze %dma_start3A_2246 : memref<1x80x128xf32, #tpu.memory_space<vmem>> -> memref<80x128xf32, #tpu.memory_space<vmem>>
      %dma_start3A_2248 = arith.constant 0 : i32
      %dma_start3A_2249 = arith.constant 0 : i32
      %dma_start3A_2250 = tpu.memref_slice %arg8[%dma_start3A_2248, %dma_start3A_2249] : memref<42016x128xf32, #tpu.memory_space<hbm>> -> memref<42016x128xf32, #tpu.memory_space<hbm>>
      tpu.enqueue_indirect_dma source(%dma_start3A_2250 : memref<42016x128xf32, #tpu.memory_space<hbm>>) target(%dma_start3A_2247 : memref<80x128xf32, #tpu.memory_space<vmem>>) offsets(%arg28 : memref<80xi32, #tpu.memory_space<vmem>>) semaphore(%arg32 : memref<!tpu.dma_semaphore, #tpu.memory_space<semaphore_mem>>)
      %add3A_2251 = arith.constant 3 : i32
      %add3A_2252 = arith.addi %mul3A_1938, %add3A_2251 : i32
      %lt3A = arith.constant 320 : i32
      %lt3A_2253 = arith.cmpi slt, %add3A_2252, %lt3A : i32
      %convert_element_type3A = arith.extui %lt3A_2253 : i1 to i32
      %cond3A = arith.constant 0 : i32
      %cond3A_2254 = arith.cmpi ne, %convert_element_type3A, %cond3A : i32
      scf.if %cond3A_2254 {
        %add3A_2954 = arith.constant 3 : i32
        %add3A_2955 = arith.addi %mul3A_1938, %add3A_2954 : i32
        %mul3A_2956 = arith.constant 80 : i32
        %mul3A_2957 = arith.muli %add3A_2955, %mul3A_2956 : i32
        %add3A_2958 = arith.addi %mul3A_2, %mul3A_2957 : i32
        %dma_start3A_2959 = arith.constant 0 : i32
        %dma_start3A_2960 = arith.constant 0 : i32
        %dma_start3A_2961 = tpu.memref_slice %arg10[%dma_start3A_2959, %dma_start3A_2960] : memref<5x80xi32, #tpu.memory_space<vmem>> -> memref<1x80xi32, #tpu.memory_space<vmem>>
        %dma_start3A_2962 = tpu.memref_squeeze %dma_start3A_2961 : memref<1x80xi32, #tpu.memory_space<vmem>> -> memref<80xi32, #tpu.memory_space<vmem>>
        %dma_start3A_2963 = tpu.memref_slice %arg2[%add3A_2958] : memref<819200xi32, #tpu.memory_space<hbm>> -> memref<80xi32, #tpu.memory_space<hbm>>
        %dma_start3A_2964 = arith.constant 0 : i32
        %dma_start3A_2965 = tpu.memref_slice %arg10[%dma_start3A_2959, %dma_start3A_2964] : memref<5x80xi32, #tpu.memory_space<vmem>> -> memref<1x80xi32, #tpu.memory_space<vmem>>
        %dma_start3A_2966 = tpu.memref_squeeze %dma_start3A_2965 : memref<1x80xi32, #tpu.memory_space<vmem>> -> memref<80xi32, #tpu.memory_space<vmem>>
        %dma_start3A_2967 = tpu.memref_slice %arg2[%add3A_2958] : memref<819200xi32, #tpu.memory_space<hbm>> -> memref<80xi32, #tpu.memory_space<hbm>>
        tpu.enqueue_dma source(%dma_start3A_2967 : memref<80xi32, #tpu.memory_space<hbm>>) target(%dma_start3A_2966 : memref<80xi32, #tpu.memory_space<vmem>>) target_semaphore(%arg15 : memref<!tpu.dma_semaphore, #tpu.memory_space<semaphore_mem>>)
        %dma_start3A_2968 = arith.constant 1 : i32
        %dma_start3A_2969 = arith.constant 0 : i32
        %dma_start3A_2970 = tpu.memref_slice %arg10[%dma_start3A_2968, %dma_start3A_2969] : memref<5x80xi32, #tpu.memory_space<vmem>> -> memref<1x80xi32, #tpu.memory_space<vmem>>
        %dma_start3A_2971 = tpu.memref_squeeze %dma_start3A_2970 : memref<1x80xi32, #tpu.memory_space<vmem>> -> memref<80xi32, #tpu.memory_space<vmem>>
        %dma_start3A_2972 = tpu.memref_slice %arg3[%add3A_2958] : memref<819200xi32, #tpu.memory_space<hbm>> -> memref<80xi32, #tpu.memory_space<hbm>>
        %dma_start3A_2973 = arith.constant 0 : i32
        %dma_start3A_2974 = tpu.memref_slice %arg10[%dma_start3A_2968, %dma_start3A_2973] : memref<5x80xi32, #tpu.memory_space<vmem>> -> memref<1x80xi32, #tpu.memory_space<vmem>>
        %dma_start3A_2975 = tpu.memref_squeeze %dma_start3A_2974 : memref<1x80xi32, #tpu.memory_space<vmem>> -> memref<80xi32, #tpu.memory_space<vmem>>
        %dma_start3A_2976 = tpu.memref_slice %arg3[%add3A_2958] : memref<819200xi32, #tpu.memory_space<hbm>> -> memref<80xi32, #tpu.memory_space<hbm>>
        tpu.enqueue_dma source(%dma_start3A_2976 : memref<80xi32, #tpu.memory_space<hbm>>) target(%dma_start3A_2975 : memref<80xi32, #tpu.memory_space<vmem>>) target_semaphore(%arg15 : memref<!tpu.dma_semaphore, #tpu.memory_space<semaphore_mem>>)
        %dma_start3A_2977 = arith.constant 2 : i32
        %dma_start3A_2978 = arith.constant 0 : i32
        %dma_start3A_2979 = tpu.memref_slice %arg10[%dma_start3A_2977, %dma_start3A_2978] : memref<5x80xi32, #tpu.memory_space<vmem>> -> memref<1x80xi32, #tpu.memory_space<vmem>>
        %dma_start3A_2980 = tpu.memref_squeeze %dma_start3A_2979 : memref<1x80xi32, #tpu.memory_space<vmem>> -> memref<80xi32, #tpu.memory_space<vmem>>
        %dma_start3A_2981 = tpu.memref_slice %arg4[%add3A_2958] : memref<819200xi32, #tpu.memory_space<hbm>> -> memref<80xi32, #tpu.memory_space<hbm>>
        %dma_start3A_2982 = arith.constant 0 : i32
        %dma_start3A_2983 = tpu.memref_slice %arg10[%dma_start3A_2977, %dma_start3A_2982] : memref<5x80xi32, #tpu.memory_space<vmem>> -> memref<1x80xi32, #tpu.memory_space<vmem>>
        %dma_start3A_2984 = tpu.memref_squeeze %dma_start3A_2983 : memref<1x80xi32, #tpu.memory_space<vmem>> -> memref<80xi32, #tpu.memory_space<vmem>>
        %dma_start3A_2985 = tpu.memref_slice %arg4[%add3A_2958] : memref<819200xi32, #tpu.memory_space<hbm>> -> memref<80xi32, #tpu.memory_space<hbm>>
        tpu.enqueue_dma source(%dma_start3A_2985 : memref<80xi32, #tpu.memory_space<hbm>>) target(%dma_start3A_2984 : memref<80xi32, #tpu.memory_space<vmem>>) target_semaphore(%arg15 : memref<!tpu.dma_semaphore, #tpu.memory_space<semaphore_mem>>)
        %dma_start3A_2986 = arith.constant 3 : i32
        %dma_start3A_2987 = arith.constant 0 : i32
        %dma_start3A_2988 = tpu.memref_slice %arg10[%dma_start3A_2986, %dma_start3A_2987] : memref<5x80xi32, #tpu.memory_space<vmem>> -> memref<1x80xi32, #tpu.memory_space<vmem>>
        %dma_start3A_2989 = tpu.memref_squeeze %dma_start3A_2988 : memref<1x80xi32, #tpu.memory_space<vmem>> -> memref<80xi32, #tpu.memory_space<vmem>>
        %dma_start3A_2990 = tpu.memref_slice %arg5[%add3A_2958] : memref<819200xi32, #tpu.memory_space<hbm>> -> memref<80xi32, #tpu.memory_space<hbm>>
        %dma_start3A_2991 = arith.constant 0 : i32
        %dma_start3A_2992 = tpu.memref_slice %arg10[%dma_start3A_2986, %dma_start3A_2991] : memref<5x80xi32, #tpu.memory_space<vmem>> -> memref<1x80xi32, #tpu.memory_space<vmem>>
        %dma_start3A_2993 = tpu.memref_squeeze %dma_start3A_2992 : memref<1x80xi32, #tpu.memory_space<vmem>> -> memref<80xi32, #tpu.memory_space<vmem>>
        %dma_start3A_2994 = tpu.memref_slice %arg5[%add3A_2958] : memref<819200xi32, #tpu.memory_space<hbm>> -> memref<80xi32, #tpu.memory_space<hbm>>
        tpu.enqueue_dma source(%dma_start3A_2994 : memref<80xi32, #tpu.memory_space<hbm>>) target(%dma_start3A_2993 : memref<80xi32, #tpu.memory_space<vmem>>) target_semaphore(%arg15 : memref<!tpu.dma_semaphore, #tpu.memory_space<semaphore_mem>>)
        %dma_start3A_2995 = arith.constant 4 : i32
        %dma_start3A_2996 = arith.constant 0 : i32
        %dma_start3A_2997 = tpu.memref_slice %arg10[%dma_start3A_2995, %dma_start3A_2996] : memref<5x80xi32, #tpu.memory_space<vmem>> -> memref<1x80xi32, #tpu.memory_space<vmem>>
        %dma_start3A_2998 = tpu.memref_squeeze %dma_start3A_2997 : memref<1x80xi32, #tpu.memory_space<vmem>> -> memref<80xi32, #tpu.memory_space<vmem>>
        %dma_start3A_2999 = tpu.memref_slice %arg6[%add3A_2958] : memref<819200xi32, #tpu.memory_space<hbm>> -> memref<80xi32, #tpu.memory_space<hbm>>
        %dma_start3A_3000 = arith.constant 0 : i32
        %dma_start3A_3001 = tpu.memref_slice %arg10[%dma_start3A_2995, %dma_start3A_3000] : memref<5x80xi32, #tpu.memory_space<vmem>> -> memref<1x80xi32, #tpu.memory_space<vmem>>
        %dma_start3A_3002 = tpu.memref_squeeze %dma_start3A_3001 : memref<1x80xi32, #tpu.memory_space<vmem>> -> memref<80xi32, #tpu.memory_space<vmem>>
        %dma_start3A_3003 = tpu.memref_slice %arg6[%add3A_2958] : memref<819200xi32, #tpu.memory_space<hbm>> -> memref<80xi32, #tpu.memory_space<hbm>>
        tpu.enqueue_dma source(%dma_start3A_3003 : memref<80xi32, #tpu.memory_space<hbm>>) target(%dma_start3A_3002 : memref<80xi32, #tpu.memory_space<vmem>>) target_semaphore(%arg15 : memref<!tpu.dma_semaphore, #tpu.memory_space<semaphore_mem>>)
      } else {
      }
      %dma_wait3A_2255 = arith.constant 0 : i32
      %dma_wait3A_2256 = arith.constant 0 : i32
      %dma_wait3A_2257 = tpu.memref_slice %arg9[%dma_wait3A_2255, %dma_wait3A_2256] : memref<819200x128xf32, #tpu.memory_space<hbm>> -> memref<80x128xf32, #tpu.memory_space<hbm>>
      %dma_wait3A_2258 = arith.constant 0 : i32
      %dma_wait3A_2259 = arith.constant 0 : i32
      %dma_wait3A_2260 = tpu.memref_slice %arg9[%dma_wait3A_2258, %dma_wait3A_2259] : memref<819200x128xf32, #tpu.memory_space<hbm>> -> memref<80x128xf32, #tpu.memory_space<hbm>>
      tpu.wait_dma2 semaphore(%arg17 : memref<!tpu.dma_semaphore, #tpu.memory_space<semaphore_mem>>) src(%arg14 : memref<80x128xf32, #tpu.memory_space<vmem>>) dst(%dma_wait3A_2260 : memref<80x128xf32, #tpu.memory_space<hbm>>)
      %scan3A_2261 = arith.constant 0 : i32
      %scan3A_2262 = arith.constant 0 : i32
      %scan3A_2263 = arith.constant 80 : i32
      %scan3A_2264 = arith.addi %scan3A_2262, %scan3A_2263 : i32
      %scan3A_2265 = arith.constant 1 : i32
      scf.for %scan3A_2954 = %scan3A_2262 to %scan3A_2264 step %scan3A_2265  : i32 {
        %get3A_2955 = arith.constant 0 : i32
        %get3A_2956 = arith.index_cast %get3A_2955 : i32 to index
        %get3A_2957 = arith.index_cast %scan3A_2954 : i32 to index
        %get3A_2958 = arith.constant 0 : index
        %get3A_2959 = tpu.vector_load %arg13[%get3A_2956, %get3A_2957, %get3A_2958] {strides = array<i32>} : memref<2x80x128xf32, #tpu.memory_space<vmem>>, vector<1x1x16xf32>,
        %get3A_2960 = vector.shape_cast %get3A_2959 : vector<1x1x16xf32> to vector<16xf32>
        %get3A_2961 = arith.constant 1 : i32
        %get3A_2962 = arith.index_cast %get3A_2961 : i32 to index
        %get3A_2963 = arith.index_cast %scan3A_2954 : i32 to index
        %get3A_2964 = arith.constant 0 : index
        %get3A_2965 = tpu.vector_load %arg13[%get3A_2962, %get3A_2963, %get3A_2964] {strides = array<i32>} : memref<2x80x128xf32, #tpu.memory_space<vmem>>, vector<1x1x16xf32>,
        %get3A_2966 = vector.shape_cast %get3A_2965 : vector<1x1x16xf32> to vector<16xf32>
        %add3A_2967 = arith.addf %get3A_2960, %get3A_2966 : vector<16xf32>
        %swap3A_2968 = arith.index_cast %scan3A_2954 : i32 to index
        %swap3A_2969 = arith.constant 0 : index
        %swap3A_2970 = tpu.vector_load %arg14[%swap3A_2968, %swap3A_2969] {strides = array<i32>} : memref<80x128xf32, #tpu.memory_space<vmem>>, vector<1x16xf32>,
        %swap3A_2971 = vector.shape_cast %swap3A_2970 : vector<1x16xf32> to vector<16xf32>
        %swap3A_2972 = vector.shape_cast %add3A_2967 : vector<16xf32> to vector<1x16xf32>
        tpu.vector_store %arg14[%swap3A_2968, %swap3A_2969], %swap3A_2972 {strides = array<i32>} : memref<80x128xf32, #tpu.memory_space<vmem>>, vector<1x16xf32>,
        %get3A_2973 = arith.constant 0 : i32
        %get3A_2974 = arith.index_cast %get3A_2973 : i32 to index
        %get3A_2975 = arith.index_cast %scan3A_2954 : i32 to index
        %get3A_2976 = arith.constant 16 : index
        %get3A_2977 = tpu.vector_load %arg13[%get3A_2974, %get3A_2975, %get3A_2976] {strides = array<i32>} : memref<2x80x128xf32, #tpu.memory_space<vmem>>, vector<1x1x16xf32>,
        %get3A_2978 = vector.shape_cast %get3A_2977 : vector<1x1x16xf32> to vector<16xf32>
        %get3A_2979 = arith.constant 1 : i32
        %get3A_2980 = arith.index_cast %get3A_2979 : i32 to index
        %get3A_2981 = arith.index_cast %scan3A_2954 : i32 to index
        %get3A_2982 = arith.constant 16 : index
        %get3A_2983 = tpu.vector_load %arg13[%get3A_2980, %get3A_2981, %get3A_2982] {strides = array<i32>} : memref<2x80x128xf32, #tpu.memory_space<vmem>>, vector<1x1x16xf32>,
        %get3A_2984 = vector.shape_cast %get3A_2983 : vector<1x1x16xf32> to vector<16xf32>
        %add3A_2985 = arith.addf %get3A_2978, %get3A_2984 : vector<16xf32>
        %swap3A_2986 = arith.index_cast %scan3A_2954 : i32 to index
        %swap3A_2987 = arith.constant 16 : index
        %swap3A_2988 = tpu.vector_load %arg14[%swap3A_2986, %swap3A_2987] {strides = array<i32>} : memref<80x128xf32, #tpu.memory_space<vmem>>, vector<1x16xf32>,
        %swap3A_2989 = vector.shape_cast %swap3A_2988 : vector<1x16xf32> to vector<16xf32>
        %swap3A_2990 = vector.shape_cast %add3A_2985 : vector<16xf32> to vector<1x16xf32>
        tpu.vector_store %arg14[%swap3A_2986, %swap3A_2987], %swap3A_2990 {strides = array<i32>} : memref<80x128xf32, #tpu.memory_space<vmem>>, vector<1x16xf32>,
        %get3A_2991 = arith.constant 0 : i32
        %get3A_2992 = arith.index_cast %get3A_2991 : i32 to index
        %get3A_2993 = arith.index_cast %scan3A_2954 : i32 to index
        %get3A_2994 = arith.constant 32 : index
        %get3A_2995 = tpu.vector_load %arg13[%get3A_2992, %get3A_2993, %get3A_2994] {strides = array<i32>} : memref<2x80x128xf32, #tpu.memory_space<vmem>>, vector<1x1x16xf32>,
        %get3A_2996 = vector.shape_cast %get3A_2995 : vector<1x1x16xf32> to vector<16xf32>
        %get3A_2997 = arith.constant 1 : i32
        %get3A_2998 = arith.index_cast %get3A_2997 : i32 to index
        %get3A_2999 = arith.index_cast %scan3A_2954 : i32 to index
        %get3A_3000 = arith.constant 32 : index
        %get3A_3001 = tpu.vector_load %arg13[%get3A_2998, %get3A_2999, %get3A_3000] {strides = array<i32>} : memref<2x80x128xf32, #tpu.memory_space<vmem>>, vector<1x1x16xf32>,
        %get3A_3002 = vector.shape_cast %get3A_3001 : vector<1x1x16xf32> to vector<16xf32>
        %add3A_3003 = arith.addf %get3A_2996, %get3A_3002 : vector<16xf32>
        %swap3A_3004 = arith.index_cast %scan3A_2954 : i32 to index
        %swap3A_3005 = arith.constant 32 : index
        %swap3A_3006 = tpu.vector_load %arg14[%swap3A_3004, %swap3A_3005] {strides = array<i32>} : memref<80x128xf32, #tpu.memory_space<vmem>>, vector<1x16xf32>,
        %swap3A_3007 = vector.shape_cast %swap3A_3006 : vector<1x16xf32> to vector<16xf32>
        %swap3A_3008 = vector.shape_cast %add3A_3003 : vector<16xf32> to vector<1x16xf32>
        tpu.vector_store %arg14[%swap3A_3004, %swap3A_3005], %swap3A_3008 {strides = array<i32>} : memref<80x128xf32, #tpu.memory_space<vmem>>, vector<1x16xf32>,
        %get3A_3009 = arith.constant 0 : i32
        %get3A_3010 = arith.index_cast %get3A_3009 : i32 to index
        %get3A_3011 = arith.index_cast %scan3A_2954 : i32 to index
        %get3A_3012 = arith.constant 48 : index
        %get3A_3013 = tpu.vector_load %arg13[%get3A_3010, %get3A_3011, %get3A_3012] {strides = array<i32>} : memref<2x80x128xf32, #tpu.memory_space<vmem>>, vector<1x1x16xf32>,
        %get3A_3014 = vector.shape_cast %get3A_3013 : vector<1x1x16xf32> to vector<16xf32>
        %get3A_3015 = arith.constant 1 : i32
        %get3A_3016 = arith.index_cast %get3A_3015 : i32 to index
        %get3A_3017 = arith.index_cast %scan3A_2954 : i32 to index
        %get3A_3018 = arith.constant 48 : index
        %get3A_3019 = tpu.vector_load %arg13[%get3A_3016, %get3A_3017, %get3A_3018] {strides = array<i32>} : memref<2x80x128xf32, #tpu.memory_space<vmem>>, vector<1x1x16xf32>,
        %get3A_3020 = vector.shape_cast %get3A_3019 : vector<1x1x16xf32> to vector<16xf32>
        %add3A_3021 = arith.addf %get3A_3014, %get3A_3020 : vector<16xf32>
        %swap3A_3022 = arith.index_cast %scan3A_2954 : i32 to index
        %swap3A_3023 = arith.constant 48 : index
        %swap3A_3024 = tpu.vector_load %arg14[%swap3A_3022, %swap3A_3023] {strides = array<i32>} : memref<80x128xf32, #tpu.memory_space<vmem>>, vector<1x16xf32>,
        %swap3A_3025 = vector.shape_cast %swap3A_3024 : vector<1x16xf32> to vector<16xf32>
        %swap3A_3026 = vector.shape_cast %add3A_3021 : vector<16xf32> to vector<1x16xf32>
        tpu.vector_store %arg14[%swap3A_3022, %swap3A_3023], %swap3A_3026 {strides = array<i32>} : memref<80x128xf32, #tpu.memory_space<vmem>>, vector<1x16xf32>,
        %get3A_3027 = arith.constant 0 : i32
        %get3A_3028 = arith.index_cast %get3A_3027 : i32 to index
        %get3A_3029 = arith.index_cast %scan3A_2954 : i32 to index
        %get3A_3030 = arith.constant 64 : index
        %get3A_3031 = tpu.vector_load %arg13[%get3A_3028, %get3A_3029, %get3A_3030] {strides = array<i32>} : memref<2x80x128xf32, #tpu.memory_space<vmem>>, vector<1x1x16xf32>,
        %get3A_3032 = vector.shape_cast %get3A_3031 : vector<1x1x16xf32> to vector<16xf32>
        %get3A_3033 = arith.constant 1 : i32
        %get3A_3034 = arith.index_cast %get3A_3033 : i32 to index
        %get3A_3035 = arith.index_cast %scan3A_2954 : i32 to index
        %get3A_3036 = arith.constant 64 : index
        %get3A_3037 = tpu.vector_load %arg13[%get3A_3034, %get3A_3035, %get3A_3036] {strides = array<i32>} : memref<2x80x128xf32, #tpu.memory_space<vmem>>, vector<1x1x16xf32>,
        %get3A_3038 = vector.shape_cast %get3A_3037 : vector<1x1x16xf32> to vector<16xf32>
        %add3A_3039 = arith.addf %get3A_3032, %get3A_3038 : vector<16xf32>
        %swap3A_3040 = arith.index_cast %scan3A_2954 : i32 to index
        %swap3A_3041 = arith.constant 64 : index
        %swap3A_3042 = tpu.vector_load %arg14[%swap3A_3040, %swap3A_3041] {strides = array<i32>} : memref<80x128xf32, #tpu.memory_space<vmem>>, vector<1x16xf32>,
        %swap3A_3043 = vector.shape_cast %swap3A_3042 : vector<1x16xf32> to vector<16xf32>
        %swap3A_3044 = vector.shape_cast %add3A_3039 : vector<16xf32> to vector<1x16xf32>
        tpu.vector_store %arg14[%swap3A_3040, %swap3A_3041], %swap3A_3044 {strides = array<i32>} : memref<80x128xf32, #tpu.memory_space<vmem>>, vector<1x16xf32>,
        %get3A_3045 = arith.constant 0 : i32
        %get3A_3046 = arith.index_cast %get3A_3045 : i32 to index
        %get3A_3047 = arith.index_cast %scan3A_2954 : i32 to index
        %get3A_3048 = arith.constant 80 : index
        %get3A_3049 = tpu.vector_load %arg13[%get3A_3046, %get3A_3047, %get3A_3048] {strides = array<i32>} : memref<2x80x128xf32, #tpu.memory_space<vmem>>, vector<1x1x16xf32>,
        %get3A_3050 = vector.shape_cast %get3A_3049 : vector<1x1x16xf32> to vector<16xf32>
        %get3A_3051 = arith.constant 1 : i32
        %get3A_3052 = arith.index_cast %get3A_3051 : i32 to index
        %get3A_3053 = arith.index_cast %scan3A_2954 : i32 to index
        %get3A_3054 = arith.constant 80 : index
        %get3A_3055 = tpu.vector_load %arg13[%get3A_3052, %get3A_3053, %get3A_3054] {strides = array<i32>} : memref<2x80x128xf32, #tpu.memory_space<vmem>>, vector<1x1x16xf32>,
        %get3A_3056 = vector.shape_cast %get3A_3055 : vector<1x1x16xf32> to vector<16xf32>
        %add3A_3057 = arith.addf %get3A_3050, %get3A_3056 : vector<16xf32>
        %swap3A_3058 = arith.index_cast %scan3A_2954 : i32 to index
        %swap3A_3059 = arith.constant 80 : index
        %swap3A_3060 = tpu.vector_load %arg14[%swap3A_3058, %swap3A_3059] {strides = array<i32>} : memref<80x128xf32, #tpu.memory_space<vmem>>, vector<1x16xf32>,
        %swap3A_3061 = vector.shape_cast %swap3A_3060 : vector<1x16xf32> to vector<16xf32>
        %swap3A_3062 = vector.shape_cast %add3A_3057 : vector<16xf32> to vector<1x16xf32>
        tpu.vector_store %arg14[%swap3A_3058, %swap3A_3059], %swap3A_3062 {strides = array<i32>} : memref<80x128xf32, #tpu.memory_space<vmem>>, vector<1x16xf32>,
        %get3A_3063 = arith.constant 0 : i32
        %get3A_3064 = arith.index_cast %get3A_3063 : i32 to index
        %get3A_3065 = arith.index_cast %scan3A_2954 : i32 to index
        %get3A_3066 = arith.constant 96 : index
        %get3A_3067 = tpu.vector_load %arg13[%get3A_3064, %get3A_3065, %get3A_3066] {strides = array<i32>} : memref<2x80x128xf32, #tpu.memory_space<vmem>>, vector<1x1x16xf32>,
        %get3A_3068 = vector.shape_cast %get3A_3067 : vector<1x1x16xf32> to vector<16xf32>
        %get3A_3069 = arith.constant 1 : i32
        %get3A_3070 = arith.index_cast %get3A_3069 : i32 to index
        %get3A_3071 = arith.index_cast %scan3A_2954 : i32 to index
        %get3A_3072 = arith.constant 96 : index
        %get3A_3073 = tpu.vector_load %arg13[%get3A_3070, %get3A_3071, %get3A_3072] {strides = array<i32>} : memref<2x80x128xf32, #tpu.memory_space<vmem>>, vector<1x1x16xf32>,
        %get3A_3074 = vector.shape_cast %get3A_3073 : vector<1x1x16xf32> to vector<16xf32>
        %add3A_3075 = arith.addf %get3A_3068, %get3A_3074 : vector<16xf32>
        %swap3A_3076 = arith.index_cast %scan3A_2954 : i32 to index
        %swap3A_3077 = arith.constant 96 : index
        %swap3A_3078 = tpu.vector_load %arg14[%swap3A_3076, %swap3A_3077] {strides = array<i32>} : memref<80x128xf32, #tpu.memory_space<vmem>>, vector<1x16xf32>,
        %swap3A_3079 = vector.shape_cast %swap3A_3078 : vector<1x16xf32> to vector<16xf32>
        %swap3A_3080 = vector.shape_cast %add3A_3075 : vector<16xf32> to vector<1x16xf32>
        tpu.vector_store %arg14[%swap3A_3076, %swap3A_3077], %swap3A_3080 {strides = array<i32>} : memref<80x128xf32, #tpu.memory_space<vmem>>, vector<1x16xf32>,
        %get3A_3081 = arith.constant 0 : i32
        %get3A_3082 = arith.index_cast %get3A_3081 : i32 to index
        %get3A_3083 = arith.index_cast %scan3A_2954 : i32 to index
        %get3A_3084 = arith.constant 112 : index
        %get3A_3085 = tpu.vector_load %arg13[%get3A_3082, %get3A_3083, %get3A_3084] {strides = array<i32>} : memref<2x80x128xf32, #tpu.memory_space<vmem>>, vector<1x1x16xf32>,
        %get3A_3086 = vector.shape_cast %get3A_3085 : vector<1x1x16xf32> to vector<16xf32>
        %get3A_3087 = arith.constant 1 : i32
        %get3A_3088 = arith.index_cast %get3A_3087 : i32 to index
        %get3A_3089 = arith.index_cast %scan3A_2954 : i32 to index
        %get3A_3090 = arith.constant 112 : index
        %get3A_3091 = tpu.vector_load %arg13[%get3A_3088, %get3A_3089, %get3A_3090] {strides = array<i32>} : memref<2x80x128xf32, #tpu.memory_space<vmem>>, vector<1x1x16xf32>,
        %get3A_3092 = vector.shape_cast %get3A_3091 : vector<1x1x16xf32> to vector<16xf32>
        %add3A_3093 = arith.addf %get3A_3086, %get3A_3092 : vector<16xf32>
        %swap3A_3094 = arith.index_cast %scan3A_2954 : i32 to index
        %swap3A_3095 = arith.constant 112 : index
        %swap3A_3096 = tpu.vector_load %arg14[%swap3A_3094, %swap3A_3095] {strides = array<i32>} : memref<80x128xf32, #tpu.memory_space<vmem>>, vector<1x16xf32>,
        %swap3A_3097 = vector.shape_cast %swap3A_3096 : vector<1x16xf32> to vector<16xf32>
        %swap3A_3098 = vector.shape_cast %add3A_3093 : vector<16xf32> to vector<1x16xf32>
        tpu.vector_store %arg14[%swap3A_3094, %swap3A_3095], %swap3A_3098 {strides = array<i32>} : memref<80x128xf32, #tpu.memory_space<vmem>>, vector<1x16xf32>,
      }
      %scan3A_2266 = arith.constant 80 : i32
      %mul3A_2267 = arith.constant 80 : i32
      %mul3A_2268 = arith.muli %mul3A_1938, %mul3A_2267 : i32
      %add3A_2269 = arith.addi %mul3A_2, %mul3A_2268 : i32
      %dma_start3A_2270 = arith.constant 0 : i32
      %dma_start3A_2271 = tpu.memref_slice %arg9[%add3A_2269, %dma_start3A_2270] : memref<819200x128xf32, #tpu.memory_space<hbm>> -> memref<80x128xf32, #tpu.memory_space<hbm>>
      %dma_start3A_2272 = arith.constant 0 : i32
      %dma_start3A_2273 = tpu.memref_slice %arg9[%add3A_2269, %dma_start3A_2272] : memref<819200x128xf32, #tpu.memory_space<hbm>> -> memref<80x128xf32, #tpu.memory_space<hbm>>
      tpu.enqueue_dma source(%arg14 : memref<80x128xf32, #tpu.memory_space<vmem>>) target(%dma_start3A_2273 : memref<80x128xf32, #tpu.memory_space<hbm>>) target_semaphore(%arg17 : memref<!tpu.dma_semaphore, #tpu.memory_space<semaphore_mem>>)
      %add3A_2274 = arith.constant 1 : i32
      %add3A_2275 = arith.addi %mul3A_1938, %add3A_2274 : i32
      %dma_wait3A_2276 = arith.constant 0 : i32
      %dma_wait3A_2277 = arith.constant 0 : i32
      %dma_wait3A_2278 = arith.constant 0 : i32
      %dma_wait3A_2279 = tpu.memref_slice %arg21[%dma_wait3A_2276, %dma_wait3A_2277, %dma_wait3A_2278] : memref<2x80x128xf32, #tpu.memory_space<vmem>> -> memref<1x80x128xf32, #tpu.memory_space<vmem>>
      %dma_wait3A_2280 = tpu.memref_squeeze %dma_wait3A_2279 : memref<1x80x128xf32, #tpu.memory_space<vmem>> -> memref<80x128xf32, #tpu.memory_space<vmem>>
      %dma_wait3A_2281 = arith.constant 0 : i32
      %dma_wait3A_2282 = arith.constant 0 : i32
      %dma_wait3A_2283 = tpu.memref_slice %arg7[%dma_wait3A_2281, %dma_wait3A_2282] : memref<178752x128xf32, #tpu.memory_space<hbm>> -> memref<178752x128xf32, #tpu.memory_space<hbm>>
      tpu.wait_indirect_dma semaphore(%arg24 : memref<!tpu.dma_semaphore, #tpu.memory_space<semaphore_mem>>) src(%dma_wait3A_2283 : memref<178752x128xf32, #tpu.memory_space<hbm>>) dst(%dma_wait3A_2280 : memref<80x128xf32, #tpu.memory_space<vmem>>)
      %dma_wait3A_2284 = arith.constant 1 : i32
      %dma_wait3A_2285 = arith.constant 0 : i32
      %dma_wait3A_2286 = arith.constant 0 : i32
      %dma_wait3A_2287 = tpu.memref_slice %arg21[%dma_wait3A_2284, %dma_wait3A_2285, %dma_wait3A_2286] : memref<2x80x128xf32, #tpu.memory_space<vmem>> -> memref<1x80x128xf32, #tpu.memory_space<vmem>>
      %dma_wait3A_2288 = tpu.memref_squeeze %dma_wait3A_2287 : memref<1x80x128xf32, #tpu.memory_space<vmem>> -> memref<80x128xf32, #tpu.memory_space<vmem>>
      %dma_wait3A_2289 = arith.constant 0 : i32
      %dma_wait3A_2290 = arith.constant 0 : i32
      %dma_wait3A_2291 = tpu.memref_slice %arg8[%dma_wait3A_2289, %dma_wait3A_2290] : memref<42016x128xf32, #tpu.memory_space<hbm>> -> memref<42016x128xf32, #tpu.memory_space<hbm>>
      tpu.wait_indirect_dma semaphore(%arg24 : memref<!tpu.dma_semaphore, #tpu.memory_space<semaphore_mem>>) src(%dma_wait3A_2291 : memref<42016x128xf32, #tpu.memory_space<hbm>>) dst(%dma_wait3A_2288 : memref<80x128xf32, #tpu.memory_space<vmem>>)
      %dma_wait3A_2292 = arith.constant 0 : i32
      %dma_wait3A_2293 = arith.constant 0 : i32
      %dma_wait3A_2294 = tpu.memref_slice %arg10[%dma_wait3A_2292, %dma_wait3A_2293] : memref<5x80xi32, #tpu.memory_space<vmem>> -> memref<1x80xi32, #tpu.memory_space<vmem>>
      %dma_wait3A_2295 = tpu.memref_squeeze %dma_wait3A_2294 : memref<1x80xi32, #tpu.memory_space<vmem>> -> memref<80xi32, #tpu.memory_space<vmem>>
      %dma_wait3A_2296 = arith.constant 0 : i32
      %dma_wait3A_2297 = tpu.memref_slice %arg2[%dma_wait3A_2296] : memref<819200xi32, #tpu.memory_space<hbm>> -> memref<80xi32, #tpu.memory_space<hbm>>
      %dma_wait3A_2298 = arith.constant 0 : i32
      %dma_wait3A_2299 = tpu.memref_slice %arg10[%dma_wait3A_2292, %dma_wait3A_2298] : memref<5x80xi32, #tpu.memory_space<vmem>> -> memref<1x80xi32, #tpu.memory_space<vmem>>
      %dma_wait3A_2300 = tpu.memref_squeeze %dma_wait3A_2299 : memref<1x80xi32, #tpu.memory_space<vmem>> -> memref<80xi32, #tpu.memory_space<vmem>>
      %dma_wait3A_2301 = arith.constant 0 : i32
      %dma_wait3A_2302 = tpu.memref_slice %arg2[%dma_wait3A_2301] : memref<819200xi32, #tpu.memory_space<hbm>> -> memref<80xi32, #tpu.memory_space<hbm>>
      tpu.wait_dma2 semaphore(%arg15 : memref<!tpu.dma_semaphore, #tpu.memory_space<semaphore_mem>>) src(%dma_wait3A_2302 : memref<80xi32, #tpu.memory_space<hbm>>) dst(%dma_wait3A_2300 : memref<80xi32, #tpu.memory_space<vmem>>)
      %dma_wait3A_2303 = arith.constant 1 : i32
      %dma_wait3A_2304 = arith.constant 0 : i32
      %dma_wait3A_2305 = tpu.memref_slice %arg10[%dma_wait3A_2303, %dma_wait3A_2304] : memref<5x80xi32, #tpu.memory_space<vmem>> -> memref<1x80xi32, #tpu.memory_space<vmem>>
      %dma_wait3A_2306 = tpu.memref_squeeze %dma_wait3A_2305 : memref<1x80xi32, #tpu.memory_space<vmem>> -> memref<80xi32, #tpu.memory_space<vmem>>
      %dma_wait3A_2307 = arith.constant 0 : i32
      %dma_wait3A_2308 = tpu.memref_slice %arg3[%dma_wait3A_2307] : memref<819200xi32, #tpu.memory_space<hbm>> -> memref<80xi32, #tpu.memory_space<hbm>>
      %dma_wait3A_2309 = arith.constant 0 : i32
      %dma_wait3A_2310 = tpu.memref_slice %arg10[%dma_wait3A_2303, %dma_wait3A_2309] : memref<5x80xi32, #tpu.memory_space<vmem>> -> memref<1x80xi32, #tpu.memory_space<vmem>>
      %dma_wait3A_2311 = tpu.memref_squeeze %dma_wait3A_2310 : memref<1x80xi32, #tpu.memory_space<vmem>> -> memref<80xi32, #tpu.memory_space<vmem>>
      %dma_wait3A_2312 = arith.constant 0 : i32
      %dma_wait3A_2313 = tpu.memref_slice %arg3[%dma_wait3A_2312] : memref<819200xi32, #tpu.memory_space<hbm>> -> memref<80xi32, #tpu.memory_space<hbm>>
      tpu.wait_dma2 semaphore(%arg15 : memref<!tpu.dma_semaphore, #tpu.memory_space<semaphore_mem>>) src(%dma_wait3A_2313 : memref<80xi32, #tpu.memory_space<hbm>>) dst(%dma_wait3A_2311 : memref<80xi32, #tpu.memory_space<vmem>>)
      %dma_wait3A_2314 = arith.constant 2 : i32
      %dma_wait3A_2315 = arith.constant 0 : i32
      %dma_wait3A_2316 = tpu.memref_slice %arg10[%dma_wait3A_2314, %dma_wait3A_2315] : memref<5x80xi32, #tpu.memory_space<vmem>> -> memref<1x80xi32, #tpu.memory_space<vmem>>
      %dma_wait3A_2317 = tpu.memref_squeeze %dma_wait3A_2316 : memref<1x80xi32, #tpu.memory_space<vmem>> -> memref<80xi32, #tpu.memory_space<vmem>>
      %dma_wait3A_2318 = arith.constant 0 : i32
      %dma_wait3A_2319 = tpu.memref_slice %arg4[%dma_wait3A_2318] : memref<819200xi32, #tpu.memory_space<hbm>> -> memref<80xi32, #tpu.memory_space<hbm>>
      %dma_wait3A_2320 = arith.constant 0 : i32
      %dma_wait3A_2321 = tpu.memref_slice %arg10[%dma_wait3A_2314, %dma_wait3A_2320] : memref<5x80xi32, #tpu.memory_space<vmem>> -> memref<1x80xi32, #tpu.memory_space<vmem>>
      %dma_wait3A_2322 = tpu.memref_squeeze %dma_wait3A_2321 : memref<1x80xi32, #tpu.memory_space<vmem>> -> memref<80xi32, #tpu.memory_space<vmem>>
      %dma_wait3A_2323 = arith.constant 0 : i32
      %dma_wait3A_2324 = tpu.memref_slice %arg4[%dma_wait3A_2323] : memref<819200xi32, #tpu.memory_space<hbm>> -> memref<80xi32, #tpu.memory_space<hbm>>
      tpu.wait_dma2 semaphore(%arg15 : memref<!tpu.dma_semaphore, #tpu.memory_space<semaphore_mem>>) src(%dma_wait3A_2324 : memref<80xi32, #tpu.memory_space<hbm>>) dst(%dma_wait3A_2322 : memref<80xi32, #tpu.memory_space<vmem>>)
      %dma_wait3A_2325 = arith.constant 3 : i32
      %dma_wait3A_2326 = arith.constant 0 : i32
      %dma_wait3A_2327 = tpu.memref_slice %arg10[%dma_wait3A_2325, %dma_wait3A_2326] : memref<5x80xi32, #tpu.memory_space<vmem>> -> memref<1x80xi32, #tpu.memory_space<vmem>>
      %dma_wait3A_2328 = tpu.memref_squeeze %dma_wait3A_2327 : memref<1x80xi32, #tpu.memory_space<vmem>> -> memref<80xi32, #tpu.memory_space<vmem>>
      %dma_wait3A_2329 = arith.constant 0 : i32
      %dma_wait3A_2330 = tpu.memref_slice %arg5[%dma_wait3A_2329] : memref<819200xi32, #tpu.memory_space<hbm>> -> memref<80xi32, #tpu.memory_space<hbm>>
      %dma_wait3A_2331 = arith.constant 0 : i32
      %dma_wait3A_2332 = tpu.memref_slice %arg10[%dma_wait3A_2325, %dma_wait3A_2331] : memref<5x80xi32, #tpu.memory_space<vmem>> -> memref<1x80xi32, #tpu.memory_space<vmem>>
      %dma_wait3A_2333 = tpu.memref_squeeze %dma_wait3A_2332 : memref<1x80xi32, #tpu.memory_space<vmem>> -> memref<80xi32, #tpu.memory_space<vmem>>
      %dma_wait3A_2334 = arith.constant 0 : i32
      %dma_wait3A_2335 = tpu.memref_slice %arg5[%dma_wait3A_2334] : memref<819200xi32, #tpu.memory_space<hbm>> -> memref<80xi32, #tpu.memory_space<hbm>>
      tpu.wait_dma2 semaphore(%arg15 : memref<!tpu.dma_semaphore, #tpu.memory_space<semaphore_mem>>) src(%dma_wait3A_2335 : memref<80xi32, #tpu.memory_space<hbm>>) dst(%dma_wait3A_2333 : memref<80xi32, #tpu.memory_space<vmem>>)
      %dma_wait3A_2336 = arith.constant 4 : i32
      %dma_wait3A_2337 = arith.constant 0 : i32
      %dma_wait3A_2338 = tpu.memref_slice %arg10[%dma_wait3A_2336, %dma_wait3A_2337] : memref<5x80xi32, #tpu.memory_space<vmem>> -> memref<1x80xi32, #tpu.memory_space<vmem>>
      %dma_wait3A_2339 = tpu.memref_squeeze %dma_wait3A_2338 : memref<1x80xi32, #tpu.memory_space<vmem>> -> memref<80xi32, #tpu.memory_space<vmem>>
      %dma_wait3A_2340 = arith.constant 0 : i32
      %dma_wait3A_2341 = tpu.memref_slice %arg6[%dma_wait3A_2340] : memref<819200xi32, #tpu.memory_space<hbm>> -> memref<80xi32, #tpu.memory_space<hbm>>
      %dma_wait3A_2342 = arith.constant 0 : i32
      %dma_wait3A_2343 = tpu.memref_slice %arg10[%dma_wait3A_2336, %dma_wait3A_2342] : memref<5x80xi32, #tpu.memory_space<vmem>> -> memref<1x80xi32, #tpu.memory_space<vmem>>
      %dma_wait3A_2344 = tpu.memref_squeeze %dma_wait3A_2343 : memref<1x80xi32, #tpu.memory_space<vmem>> -> memref<80xi32, #tpu.memory_space<vmem>>
      %dma_wait3A_2345 = arith.constant 0 : i32
      %dma_wait3A_2346 = tpu.memref_slice %arg6[%dma_wait3A_2345] : memref<819200xi32, #tpu.memory_space<hbm>> -> memref<80xi32, #tpu.memory_space<hbm>>
      tpu.wait_dma2 semaphore(%arg15 : memref<!tpu.dma_semaphore, #tpu.memory_space<semaphore_mem>>) src(%dma_wait3A_2346 : memref<80xi32, #tpu.memory_space<hbm>>) dst(%dma_wait3A_2344 : memref<80xi32, #tpu.memory_space<vmem>>)
      %get3A_2347 = arith.constant 0 : i32
      %get3A_2348 = arith.index_cast %get3A_2347 : i32 to index
      %get3A_2349 = arith.constant 0 : index
      %get3A_2350 = tpu.vector_load %arg10[%get3A_2348, %get3A_2349] {strides = array<i32>} : memref<5x80xi32, #tpu.memory_space<vmem>>, vector<1x16xi32>,
      %get3A_2351 = vector.shape_cast %get3A_2350 : vector<1x16xi32> to vector<16xi32>
      %get3A_2352 = arith.constant 1 : i32
      %get3A_2353 = arith.index_cast %get3A_2352 : i32 to index
      %get3A_2354 = arith.constant 0 : index
      %get3A_2355 = tpu.vector_load %arg10[%get3A_2353, %get3A_2354] {strides = array<i32>} : memref<5x80xi32, #tpu.memory_space<vmem>>, vector<1x16xi32>,
      %get3A_2356 = vector.shape_cast %get3A_2355 : vector<1x16xi32> to vector<16xi32>
      %get3A_2357 = arith.constant 2 : i32
      %get3A_2358 = arith.index_cast %get3A_2357 : i32 to index
      %get3A_2359 = arith.constant 0 : index
      %get3A_2360 = tpu.vector_load %arg10[%get3A_2358, %get3A_2359] {strides = array<i32>} : memref<5x80xi32, #tpu.memory_space<vmem>>, vector<1x16xi32>,
      %get3A_2361 = vector.shape_cast %get3A_2360 : vector<1x16xi32> to vector<16xi32>
      %get3A_2362 = arith.constant 3 : i32
      %get3A_2363 = arith.index_cast %get3A_2362 : i32 to index
      %get3A_2364 = arith.constant 0 : index
      %get3A_2365 = tpu.vector_load %arg10[%get3A_2363, %get3A_2364] {strides = array<i32>} : memref<5x80xi32, #tpu.memory_space<vmem>>, vector<1x16xi32>,
      %get3A_2366 = vector.shape_cast %get3A_2365 : vector<1x16xi32> to vector<16xi32>
      %get3A_2367 = arith.constant 4 : i32
      %get3A_2368 = arith.index_cast %get3A_2367 : i32 to index
      %get3A_2369 = arith.constant 0 : index
      %get3A_2370 = tpu.vector_load %arg10[%get3A_2368, %get3A_2369] {strides = array<i32>} : memref<5x80xi32, #tpu.memory_space<vmem>>, vector<1x16xi32>,
      %get3A_2371 = vector.shape_cast %get3A_2370 : vector<1x16xi32> to vector<16xi32>
      %mul3A_2372 = arith.constant 49 : i32
      %mul3A_2373 = vector.broadcast %mul3A_2372 : i32 to vector<16xi32>
      %mul3A_2374 = arith.muli %get3A_2351, %mul3A_2373 : vector<16xi32>
      %add3A_2375 = arith.addi %mul3A_2374, %get3A_2356 : vector<16xi32>
      %mul3A_2376 = arith.constant 48 : i32
      %mul3A_2377 = vector.broadcast %mul3A_2376 : i32 to vector<16xi32>
      %mul3A_2378 = arith.muli %add3A_2375, %mul3A_2377 : vector<16xi32>
      %add3A_2379 = arith.addi %mul3A_2378, %get3A_2371 : vector<16xi32>
      %swap3A_2380 = arith.constant 0 : index
      %swap3A_2381 = tpu.vector_load %arg11[%swap3A_2380] {strides = array<i32>} : memref<80xi32, #tpu.memory_space<vmem>>, vector<16xi32>,
      %swap3A_2382 = vector.shape_cast %swap3A_2381 : vector<16xi32> to vector<16xi32>
      %swap3A_2383 = vector.shape_cast %add3A_2379 : vector<16xi32> to vector<16xi32>
      tpu.vector_store %arg11[%swap3A_2380], %swap3A_2383 {strides = array<i32>} : memref<80xi32, #tpu.memory_space<vmem>>, vector<16xi32>,
      %mul3A_2384 = arith.constant 208 : i32
      %mul3A_2385 = vector.broadcast %mul3A_2384 : i32 to vector<16xi32>
      %mul3A_2386 = arith.muli %get3A_2361, %mul3A_2385 : vector<16xi32>
      %add3A_2387 = arith.addi %mul3A_2386, %get3A_2366 : vector<16xi32>
      %swap3A_2388 = arith.constant 0 : index
      %swap3A_2389 = tpu.vector_load %arg12[%swap3A_2388] {strides = array<i32>} : memref<80xi32, #tpu.memory_space<vmem>>, vector<16xi32>,
      %swap3A_2390 = vector.shape_cast %swap3A_2389 : vector<16xi32> to vector<16xi32>
      %swap3A_2391 = vector.shape_cast %add3A_2387 : vector<16xi32> to vector<16xi32>
      tpu.vector_store %arg12[%swap3A_2388], %swap3A_2391 {strides = array<i32>} : memref<80xi32, #tpu.memory_space<vmem>>, vector<16xi32>,
      %get3A_2392 = arith.constant 0 : i32
      %get3A_2393 = arith.index_cast %get3A_2392 : i32 to index
      %get3A_2394 = arith.constant 16 : index
      %get3A_2395 = tpu.vector_load %arg10[%get3A_2393, %get3A_2394] {strides = array<i32>} : memref<5x80xi32, #tpu.memory_space<vmem>>, vector<1x16xi32>,
      %get3A_2396 = vector.shape_cast %get3A_2395 : vector<1x16xi32> to vector<16xi32>
      %get3A_2397 = arith.constant 1 : i32
      %get3A_2398 = arith.index_cast %get3A_2397 : i32 to index
      %get3A_2399 = arith.constant 16 : index
      %get3A_2400 = tpu.vector_load %arg10[%get3A_2398, %get3A_2399] {strides = array<i32>} : memref<5x80xi32, #tpu.memory_space<vmem>>, vector<1x16xi32>,
      %get3A_2401 = vector.shape_cast %get3A_2400 : vector<1x16xi32> to vector<16xi32>
      %get3A_2402 = arith.constant 2 : i32
      %get3A_2403 = arith.index_cast %get3A_2402 : i32 to index
      %get3A_2404 = arith.constant 16 : index
      %get3A_2405 = tpu.vector_load %arg10[%get3A_2403, %get3A_2404] {strides = array<i32>} : memref<5x80xi32, #tpu.memory_space<vmem>>, vector<1x16xi32>,
      %get3A_2406 = vector.shape_cast %get3A_2405 : vector<1x16xi32> to vector<16xi32>
      %get3A_2407 = arith.constant 3 : i32
      %get3A_2408 = arith.index_cast %get3A_2407 : i32 to index
      %get3A_2409 = arith.constant 16 : index
      %get3A_2410 = tpu.vector_load %arg10[%get3A_2408, %get3A_2409] {strides = array<i32>} : memref<5x80xi32, #tpu.memory_space<vmem>>, vector<1x16xi32>,
      %get3A_2411 = vector.shape_cast %get3A_2410 : vector<1x16xi32> to vector<16xi32>
      %get3A_2412 = arith.constant 4 : i32
      %get3A_2413 = arith.index_cast %get3A_2412 : i32 to index
      %get3A_2414 = arith.constant 16 : index
      %get3A_2415 = tpu.vector_load %arg10[%get3A_2413, %get3A_2414] {strides = array<i32>} : memref<5x80xi32, #tpu.memory_space<vmem>>, vector<1x16xi32>,
      %get3A_2416 = vector.shape_cast %get3A_2415 : vector<1x16xi32> to vector<16xi32>
      %mul3A_2417 = arith.constant 49 : i32
      %mul3A_2418 = vector.broadcast %mul3A_2417 : i32 to vector<16xi32>
      %mul3A_2419 = arith.muli %get3A_2396, %mul3A_2418 : vector<16xi32>
      %add3A_2420 = arith.addi %mul3A_2419, %get3A_2401 : vector<16xi32>
      %mul3A_2421 = arith.constant 48 : i32
      %mul3A_2422 = vector.broadcast %mul3A_2421 : i32 to vector<16xi32>
      %mul3A_2423 = arith.muli %add3A_2420, %mul3A_2422 : vector<16xi32>
      %add3A_2424 = arith.addi %mul3A_2423, %get3A_2416 : vector<16xi32>
      %swap3A_2425 = arith.constant 16 : index
      %swap3A_2426 = tpu.vector_load %arg11[%swap3A_2425] {strides = array<i32>} : memref<80xi32, #tpu.memory_space<vmem>>, vector<16xi32>,
      %swap3A_2427 = vector.shape_cast %swap3A_2426 : vector<16xi32> to vector<16xi32>
      %swap3A_2428 = vector.shape_cast %add3A_2424 : vector<16xi32> to vector<16xi32>
      tpu.vector_store %arg11[%swap3A_2425], %swap3A_2428 {strides = array<i32>} : memref<80xi32, #tpu.memory_space<vmem>>, vector<16xi32>,
      %mul3A_2429 = arith.constant 208 : i32
      %mul3A_2430 = vector.broadcast %mul3A_2429 : i32 to vector<16xi32>
      %mul3A_2431 = arith.muli %get3A_2406, %mul3A_2430 : vector<16xi32>
      %add3A_2432 = arith.addi %mul3A_2431, %get3A_2411 : vector<16xi32>
      %swap3A_2433 = arith.constant 16 : index
      %swap3A_2434 = tpu.vector_load %arg12[%swap3A_2433] {strides = array<i32>} : memref<80xi32, #tpu.memory_space<vmem>>, vector<16xi32>,
      %swap3A_2435 = vector.shape_cast %swap3A_2434 : vector<16xi32> to vector<16xi32>
      %swap3A_2436 = vector.shape_cast %add3A_2432 : vector<16xi32> to vector<16xi32>
      tpu.vector_store %arg12[%swap3A_2433], %swap3A_2436 {strides = array<i32>} : memref<80xi32, #tpu.memory_space<vmem>>, vector<16xi32>,
      %get3A_2437 = arith.constant 0 : i32
      %get3A_2438 = arith.index_cast %get3A_2437 : i32 to index
      %get3A_2439 = arith.constant 32 : index
      %get3A_2440 = tpu.vector_load %arg10[%get3A_2438, %get3A_2439] {strides = array<i32>} : memref<5x80xi32, #tpu.memory_space<vmem>>, vector<1x16xi32>,
      %get3A_2441 = vector.shape_cast %get3A_2440 : vector<1x16xi32> to vector<16xi32>
      %get3A_2442 = arith.constant 1 : i32
      %get3A_2443 = arith.index_cast %get3A_2442 : i32 to index
      %get3A_2444 = arith.constant 32 : index
      %get3A_2445 = tpu.vector_load %arg10[%get3A_2443, %get3A_2444] {strides = array<i32>} : memref<5x80xi32, #tpu.memory_space<vmem>>, vector<1x16xi32>,
      %get3A_2446 = vector.shape_cast %get3A_2445 : vector<1x16xi32> to vector<16xi32>
      %get3A_2447 = arith.constant 2 : i32
      %get3A_2448 = arith.index_cast %get3A_2447 : i32 to index
      %get3A_2449 = arith.constant 32 : index
      %get3A_2450 = tpu.vector_load %arg10[%get3A_2448, %get3A_2449] {strides = array<i32>} : memref<5x80xi32, #tpu.memory_space<vmem>>, vector<1x16xi32>,
      %get3A_2451 = vector.shape_cast %get3A_2450 : vector<1x16xi32> to vector<16xi32>
      %get3A_2452 = arith.constant 3 : i32
      %get3A_2453 = arith.index_cast %get3A_2452 : i32 to index
      %get3A_2454 = arith.constant 32 : index
      %get3A_2455 = tpu.vector_load %arg10[%get3A_2453, %get3A_2454] {strides = array<i32>} : memref<5x80xi32, #tpu.memory_space<vmem>>, vector<1x16xi32>,
      %get3A_2456 = vector.shape_cast %get3A_2455 : vector<1x16xi32> to vector<16xi32>
      %get3A_2457 = arith.constant 4 : i32
      %get3A_2458 = arith.index_cast %get3A_2457 : i32 to index
      %get3A_2459 = arith.constant 32 : index
      %get3A_2460 = tpu.vector_load %arg10[%get3A_2458, %get3A_2459] {strides = array<i32>} : memref<5x80xi32, #tpu.memory_space<vmem>>, vector<1x16xi32>,
      %get3A_2461 = vector.shape_cast %get3A_2460 : vector<1x16xi32> to vector<16xi32>
      %mul3A_2462 = arith.constant 49 : i32
      %mul3A_2463 = vector.broadcast %mul3A_2462 : i32 to vector<16xi32>
      %mul3A_2464 = arith.muli %get3A_2441, %mul3A_2463 : vector<16xi32>
      %add3A_2465 = arith.addi %mul3A_2464, %get3A_2446 : vector<16xi32>
      %mul3A_2466 = arith.constant 48 : i32
      %mul3A_2467 = vector.broadcast %mul3A_2466 : i32 to vector<16xi32>
      %mul3A_2468 = arith.muli %add3A_2465, %mul3A_2467 : vector<16xi32>
      %add3A_2469 = arith.addi %mul3A_2468, %get3A_2461 : vector<16xi32>
      %swap3A_2470 = arith.constant 32 : index
      %swap3A_2471 = tpu.vector_load %arg11[%swap3A_2470] {strides = array<i32>} : memref<80xi32, #tpu.memory_space<vmem>>, vector<16xi32>,
      %swap3A_2472 = vector.shape_cast %swap3A_2471 : vector<16xi32> to vector<16xi32>
      %swap3A_2473 = vector.shape_cast %add3A_2469 : vector<16xi32> to vector<16xi32>
      tpu.vector_store %arg11[%swap3A_2470], %swap3A_2473 {strides = array<i32>} : memref<80xi32, #tpu.memory_space<vmem>>, vector<16xi32>,
      %mul3A_2474 = arith.constant 208 : i32
      %mul3A_2475 = vector.broadcast %mul3A_2474 : i32 to vector<16xi32>
      %mul3A_2476 = arith.muli %get3A_2451, %mul3A_2475 : vector<16xi32>
      %add3A_2477 = arith.addi %mul3A_2476, %get3A_2456 : vector<16xi32>
      %swap3A_2478 = arith.constant 32 : index
      %swap3A_2479 = tpu.vector_load %arg12[%swap3A_2478] {strides = array<i32>} : memref<80xi32, #tpu.memory_space<vmem>>, vector<16xi32>,
      %swap3A_2480 = vector.shape_cast %swap3A_2479 : vector<16xi32> to vector<16xi32>
      %swap3A_2481 = vector.shape_cast %add3A_2477 : vector<16xi32> to vector<16xi32>
      tpu.vector_store %arg12[%swap3A_2478], %swap3A_2481 {strides = array<i32>} : memref<80xi32, #tpu.memory_space<vmem>>, vector<16xi32>,
      %get3A_2482 = arith.constant 0 : i32
      %get3A_2483 = arith.index_cast %get3A_2482 : i32 to index
      %get3A_2484 = arith.constant 48 : index
      %get3A_2485 = tpu.vector_load %arg10[%get3A_2483, %get3A_2484] {strides = array<i32>} : memref<5x80xi32, #tpu.memory_space<vmem>>, vector<1x16xi32>,
      %get3A_2486 = vector.shape_cast %get3A_2485 : vector<1x16xi32> to vector<16xi32>
      %get3A_2487 = arith.constant 1 : i32
      %get3A_2488 = arith.index_cast %get3A_2487 : i32 to index
      %get3A_2489 = arith.constant 48 : index
      %get3A_2490 = tpu.vector_load %arg10[%get3A_2488, %get3A_2489] {strides = array<i32>} : memref<5x80xi32, #tpu.memory_space<vmem>>, vector<1x16xi32>,
      %get3A_2491 = vector.shape_cast %get3A_2490 : vector<1x16xi32> to vector<16xi32>
      %get3A_2492 = arith.constant 2 : i32
      %get3A_2493 = arith.index_cast %get3A_2492 : i32 to index
      %get3A_2494 = arith.constant 48 : index
      %get3A_2495 = tpu.vector_load %arg10[%get3A_2493, %get3A_2494] {strides = array<i32>} : memref<5x80xi32, #tpu.memory_space<vmem>>, vector<1x16xi32>,
      %get3A_2496 = vector.shape_cast %get3A_2495 : vector<1x16xi32> to vector<16xi32>
      %get3A_2497 = arith.constant 3 : i32
      %get3A_2498 = arith.index_cast %get3A_2497 : i32 to index
      %get3A_2499 = arith.constant 48 : index
      %get3A_2500 = tpu.vector_load %arg10[%get3A_2498, %get3A_2499] {strides = array<i32>} : memref<5x80xi32, #tpu.memory_space<vmem>>, vector<1x16xi32>,
      %get3A_2501 = vector.shape_cast %get3A_2500 : vector<1x16xi32> to vector<16xi32>
      %get3A_2502 = arith.constant 4 : i32
      %get3A_2503 = arith.index_cast %get3A_2502 : i32 to index
      %get3A_2504 = arith.constant 48 : index
      %get3A_2505 = tpu.vector_load %arg10[%get3A_2503, %get3A_2504] {strides = array<i32>} : memref<5x80xi32, #tpu.memory_space<vmem>>, vector<1x16xi32>,
      %get3A_2506 = vector.shape_cast %get3A_2505 : vector<1x16xi32> to vector<16xi32>
      %mul3A_2507 = arith.constant 49 : i32
      %mul3A_2508 = vector.broadcast %mul3A_2507 : i32 to vector<16xi32>
      %mul3A_2509 = arith.muli %get3A_2486, %mul3A_2508 : vector<16xi32>
      %add3A_2510 = arith.addi %mul3A_2509, %get3A_2491 : vector<16xi32>
      %mul3A_2511 = arith.constant 48 : i32
      %mul3A_2512 = vector.broadcast %mul3A_2511 : i32 to vector<16xi32>
      %mul3A_2513 = arith.muli %add3A_2510, %mul3A_2512 : vector<16xi32>
      %add3A_2514 = arith.addi %mul3A_2513, %get3A_2506 : vector<16xi32>
      %swap3A_2515 = arith.constant 48 : index
      %swap3A_2516 = tpu.vector_load %arg11[%swap3A_2515] {strides = array<i32>} : memref<80xi32, #tpu.memory_space<vmem>>, vector<16xi32>,
      %swap3A_2517 = vector.shape_cast %swap3A_2516 : vector<16xi32> to vector<16xi32>
      %swap3A_2518 = vector.shape_cast %add3A_2514 : vector<16xi32> to vector<16xi32>
      tpu.vector_store %arg11[%swap3A_2515], %swap3A_2518 {strides = array<i32>} : memref<80xi32, #tpu.memory_space<vmem>>, vector<16xi32>,
      %mul3A_2519 = arith.constant 208 : i32
      %mul3A_2520 = vector.broadcast %mul3A_2519 : i32 to vector<16xi32>
      %mul3A_2521 = arith.muli %get3A_2496, %mul3A_2520 : vector<16xi32>
      %add3A_2522 = arith.addi %mul3A_2521, %get3A_2501 : vector<16xi32>
      %swap3A_2523 = arith.constant 48 : index
      %swap3A_2524 = tpu.vector_load %arg12[%swap3A_2523] {strides = array<i32>} : memref<80xi32, #tpu.memory_space<vmem>>, vector<16xi32>,
      %swap3A_2525 = vector.shape_cast %swap3A_2524 : vector<16xi32> to vector<16xi32>
      %swap3A_2526 = vector.shape_cast %add3A_2522 : vector<16xi32> to vector<16xi32>
      tpu.vector_store %arg12[%swap3A_2523], %swap3A_2526 {strides = array<i32>} : memref<80xi32, #tpu.memory_space<vmem>>, vector<16xi32>,
      %get3A_2527 = arith.constant 0 : i32
      %get3A_2528 = arith.index_cast %get3A_2527 : i32 to index
      %get3A_2529 = arith.constant 64 : index
      %get3A_2530 = tpu.vector_load %arg10[%get3A_2528, %get3A_2529] {strides = array<i32>} : memref<5x80xi32, #tpu.memory_space<vmem>>, vector<1x16xi32>,
      %get3A_2531 = vector.shape_cast %get3A_2530 : vector<1x16xi32> to vector<16xi32>
      %get3A_2532 = arith.constant 1 : i32
      %get3A_2533 = arith.index_cast %get3A_2532 : i32 to index
      %get3A_2534 = arith.constant 64 : index
      %get3A_2535 = tpu.vector_load %arg10[%get3A_2533, %get3A_2534] {strides = array<i32>} : memref<5x80xi32, #tpu.memory_space<vmem>>, vector<1x16xi32>,
      %get3A_2536 = vector.shape_cast %get3A_2535 : vector<1x16xi32> to vector<16xi32>
      %get3A_2537 = arith.constant 2 : i32
      %get3A_2538 = arith.index_cast %get3A_2537 : i32 to index
      %get3A_2539 = arith.constant 64 : index
      %get3A_2540 = tpu.vector_load %arg10[%get3A_2538, %get3A_2539] {strides = array<i32>} : memref<5x80xi32, #tpu.memory_space<vmem>>, vector<1x16xi32>,
      %get3A_2541 = vector.shape_cast %get3A_2540 : vector<1x16xi32> to vector<16xi32>
      %get3A_2542 = arith.constant 3 : i32
      %get3A_2543 = arith.index_cast %get3A_2542 : i32 to index
      %get3A_2544 = arith.constant 64 : index
      %get3A_2545 = tpu.vector_load %arg10[%get3A_2543, %get3A_2544] {strides = array<i32>} : memref<5x80xi32, #tpu.memory_space<vmem>>, vector<1x16xi32>,
      %get3A_2546 = vector.shape_cast %get3A_2545 : vector<1x16xi32> to vector<16xi32>
      %get3A_2547 = arith.constant 4 : i32
      %get3A_2548 = arith.index_cast %get3A_2547 : i32 to index
      %get3A_2549 = arith.constant 64 : index
      %get3A_2550 = tpu.vector_load %arg10[%get3A_2548, %get3A_2549] {strides = array<i32>} : memref<5x80xi32, #tpu.memory_space<vmem>>, vector<1x16xi32>,
      %get3A_2551 = vector.shape_cast %get3A_2550 : vector<1x16xi32> to vector<16xi32>
      %mul3A_2552 = arith.constant 49 : i32
      %mul3A_2553 = vector.broadcast %mul3A_2552 : i32 to vector<16xi32>
      %mul3A_2554 = arith.muli %get3A_2531, %mul3A_2553 : vector<16xi32>
      %add3A_2555 = arith.addi %mul3A_2554, %get3A_2536 : vector<16xi32>
      %mul3A_2556 = arith.constant 48 : i32
      %mul3A_2557 = vector.broadcast %mul3A_2556 : i32 to vector<16xi32>
      %mul3A_2558 = arith.muli %add3A_2555, %mul3A_2557 : vector<16xi32>
      %add3A_2559 = arith.addi %mul3A_2558, %get3A_2551 : vector<16xi32>
      %swap3A_2560 = arith.constant 64 : index
      %swap3A_2561 = tpu.vector_load %arg11[%swap3A_2560] {strides = array<i32>} : memref<80xi32, #tpu.memory_space<vmem>>, vector<16xi32>,
      %swap3A_2562 = vector.shape_cast %swap3A_2561 : vector<16xi32> to vector<16xi32>
      %swap3A_2563 = vector.shape_cast %add3A_2559 : vector<16xi32> to vector<16xi32>
      tpu.vector_store %arg11[%swap3A_2560], %swap3A_2563 {strides = array<i32>} : memref<80xi32, #tpu.memory_space<vmem>>, vector<16xi32>,
      %mul3A_2564 = arith.constant 208 : i32
      %mul3A_2565 = vector.broadcast %mul3A_2564 : i32 to vector<16xi32>
      %mul3A_2566 = arith.muli %get3A_2541, %mul3A_2565 : vector<16xi32>
      %add3A_2567 = arith.addi %mul3A_2566, %get3A_2546 : vector<16xi32>
      %swap3A_2568 = arith.constant 64 : index
      %swap3A_2569 = tpu.vector_load %arg12[%swap3A_2568] {strides = array<i32>} : memref<80xi32, #tpu.memory_space<vmem>>, vector<16xi32>,
      %swap3A_2570 = vector.shape_cast %swap3A_2569 : vector<16xi32> to vector<16xi32>
      %swap3A_2571 = vector.shape_cast %add3A_2567 : vector<16xi32> to vector<16xi32>
      tpu.vector_store %arg12[%swap3A_2568], %swap3A_2571 {strides = array<i32>} : memref<80xi32, #tpu.memory_space<vmem>>, vector<16xi32>,
      %dma_start3A_2572 = arith.constant 0 : i32
      %dma_start3A_2573 = arith.constant 0 : i32
      %dma_start3A_2574 = arith.constant 0 : i32
      %dma_start3A_2575 = tpu.memref_slice %arg13[%dma_start3A_2572, %dma_start3A_2573, %dma_start3A_2574] : memref<2x80x128xf32, #tpu.memory_space<vmem>> -> memref<1x80x128xf32, #tpu.memory_space<vmem>>
      %dma_start3A_2576 = tpu.memref_squeeze %dma_start3A_2575 : memref<1x80x128xf32, #tpu.memory_space<vmem>> -> memref<80x128xf32, #tpu.memory_space<vmem>>
      %dma_start3A_2577 = arith.constant 0 : i32
      %dma_start3A_2578 = arith.constant 0 : i32
      %dma_start3A_2579 = tpu.memref_slice %arg7[%dma_start3A_2577, %dma_start3A_2578] : memref<178752x128xf32, #tpu.memory_space<hbm>> -> memref<178752x128xf32, #tpu.memory_space<hbm>>
      tpu.enqueue_indirect_dma source(%dma_start3A_2579 : memref<178752x128xf32, #tpu.memory_space<hbm>>) target(%dma_start3A_2576 : memref<80x128xf32, #tpu.memory_space<vmem>>) offsets(%arg11 : memref<80xi32, #tpu.memory_space<vmem>>) semaphore(%arg16 : memref<!tpu.dma_semaphore, #tpu.memory_space<semaphore_mem>>)
      %dma_start3A_2580 = arith.constant 1 : i32
      %dma_start3A_2581 = arith.constant 0 : i32
      %dma_start3A_2582 = arith.constant 0 : i32
      %dma_start3A_2583 = tpu.memref_slice %arg13[%dma_start3A_2580, %dma_start3A_2581, %dma_start3A_2582] : memref<2x80x128xf32, #tpu.memory_space<vmem>> -> memref<1x80x128xf32, #tpu.memory_space<vmem>>
      %dma_start3A_2584 = tpu.memref_squeeze %dma_start3A_2583 : memref<1x80x128xf32, #tpu.memory_space<vmem>> -> memref<80x128xf32, #tpu.memory_space<vmem>>
      %dma_start3A_2585 = arith.constant 0 : i32
      %dma_start3A_2586 = arith.constant 0 : i32
      %dma_start3A_2587 = tpu.memref_slice %arg8[%dma_start3A_2585, %dma_start3A_2586] : memref<42016x128xf32, #tpu.memory_space<hbm>> -> memref<42016x128xf32, #tpu.memory_space<hbm>>
      tpu.enqueue_indirect_dma source(%dma_start3A_2587 : memref<42016x128xf32, #tpu.memory_space<hbm>>) target(%dma_start3A_2584 : memref<80x128xf32, #tpu.memory_space<vmem>>) offsets(%arg12 : memref<80xi32, #tpu.memory_space<vmem>>) semaphore(%arg16 : memref<!tpu.dma_semaphore, #tpu.memory_space<semaphore_mem>>)
      %add3A_2588 = arith.constant 3 : i32
      %add3A_2589 = arith.addi %add3A_2275, %add3A_2588 : i32
      %lt3A_2590 = arith.constant 320 : i32
      %lt3A_2591 = arith.cmpi slt, %add3A_2589, %lt3A_2590 : i32
      %convert_element_type3A_2592 = arith.extui %lt3A_2591 : i1 to i32
      %cond3A_2593 = arith.constant 0 : i32
      %cond3A_2594 = arith.cmpi ne, %convert_element_type3A_2592, %cond3A_2593 : i32
      scf.if %cond3A_2594 {
        %add3A_2954 = arith.constant 3 : i32
        %add3A_2955 = arith.addi %add3A_2275, %add3A_2954 : i32
        %mul3A_2956 = arith.constant 80 : i32
        %mul3A_2957 = arith.muli %add3A_2955, %mul3A_2956 : i32
        %add3A_2958 = arith.addi %mul3A_2, %mul3A_2957 : i32
        %dma_start3A_2959 = arith.constant 0 : i32
        %dma_start3A_2960 = arith.constant 0 : i32
        %dma_start3A_2961 = tpu.memref_slice %arg18[%dma_start3A_2959, %dma_start3A_2960] : memref<5x80xi32, #tpu.memory_space<vmem>> -> memref<1x80xi32, #tpu.memory_space<vmem>>
        %dma_start3A_2962 = tpu.memref_squeeze %dma_start3A_2961 : memref<1x80xi32, #tpu.memory_space<vmem>> -> memref<80xi32, #tpu.memory_space<vmem>>
        %dma_start3A_2963 = tpu.memref_slice %arg2[%add3A_2958] : memref<819200xi32, #tpu.memory_space<hbm>> -> memref<80xi32, #tpu.memory_space<hbm>>
        %dma_start3A_2964 = arith.constant 0 : i32
        %dma_start3A_2965 = tpu.memref_slice %arg18[%dma_start3A_2959, %dma_start3A_2964] : memref<5x80xi32, #tpu.memory_space<vmem>> -> memref<1x80xi32, #tpu.memory_space<vmem>>
        %dma_start3A_2966 = tpu.memref_squeeze %dma_start3A_2965 : memref<1x80xi32, #tpu.memory_space<vmem>> -> memref<80xi32, #tpu.memory_space<vmem>>
        %dma_start3A_2967 = tpu.memref_slice %arg2[%add3A_2958] : memref<819200xi32, #tpu.memory_space<hbm>> -> memref<80xi32, #tpu.memory_space<hbm>>
        tpu.enqueue_dma source(%dma_start3A_2967 : memref<80xi32, #tpu.memory_space<hbm>>) target(%dma_start3A_2966 : memref<80xi32, #tpu.memory_space<vmem>>) target_semaphore(%arg23 : memref<!tpu.dma_semaphore, #tpu.memory_space<semaphore_mem>>)
        %dma_start3A_2968 = arith.constant 1 : i32
        %dma_start3A_2969 = arith.constant 0 : i32
        %dma_start3A_2970 = tpu.memref_slice %arg18[%dma_start3A_2968, %dma_start3A_2969] : memref<5x80xi32, #tpu.memory_space<vmem>> -> memref<1x80xi32, #tpu.memory_space<vmem>>
        %dma_start3A_2971 = tpu.memref_squeeze %dma_start3A_2970 : memref<1x80xi32, #tpu.memory_space<vmem>> -> memref<80xi32, #tpu.memory_space<vmem>>
        %dma_start3A_2972 = tpu.memref_slice %arg3[%add3A_2958] : memref<819200xi32, #tpu.memory_space<hbm>> -> memref<80xi32, #tpu.memory_space<hbm>>
        %dma_start3A_2973 = arith.constant 0 : i32
        %dma_start3A_2974 = tpu.memref_slice %arg18[%dma_start3A_2968, %dma_start3A_2973] : memref<5x80xi32, #tpu.memory_space<vmem>> -> memref<1x80xi32, #tpu.memory_space<vmem>>
        %dma_start3A_2975 = tpu.memref_squeeze %dma_start3A_2974 : memref<1x80xi32, #tpu.memory_space<vmem>> -> memref<80xi32, #tpu.memory_space<vmem>>
        %dma_start3A_2976 = tpu.memref_slice %arg3[%add3A_2958] : memref<819200xi32, #tpu.memory_space<hbm>> -> memref<80xi32, #tpu.memory_space<hbm>>
        tpu.enqueue_dma source(%dma_start3A_2976 : memref<80xi32, #tpu.memory_space<hbm>>) target(%dma_start3A_2975 : memref<80xi32, #tpu.memory_space<vmem>>) target_semaphore(%arg23 : memref<!tpu.dma_semaphore, #tpu.memory_space<semaphore_mem>>)
        %dma_start3A_2977 = arith.constant 2 : i32
        %dma_start3A_2978 = arith.constant 0 : i32
        %dma_start3A_2979 = tpu.memref_slice %arg18[%dma_start3A_2977, %dma_start3A_2978] : memref<5x80xi32, #tpu.memory_space<vmem>> -> memref<1x80xi32, #tpu.memory_space<vmem>>
        %dma_start3A_2980 = tpu.memref_squeeze %dma_start3A_2979 : memref<1x80xi32, #tpu.memory_space<vmem>> -> memref<80xi32, #tpu.memory_space<vmem>>
        %dma_start3A_2981 = tpu.memref_slice %arg4[%add3A_2958] : memref<819200xi32, #tpu.memory_space<hbm>> -> memref<80xi32, #tpu.memory_space<hbm>>
        %dma_start3A_2982 = arith.constant 0 : i32
        %dma_start3A_2983 = tpu.memref_slice %arg18[%dma_start3A_2977, %dma_start3A_2982] : memref<5x80xi32, #tpu.memory_space<vmem>> -> memref<1x80xi32, #tpu.memory_space<vmem>>
        %dma_start3A_2984 = tpu.memref_squeeze %dma_start3A_2983 : memref<1x80xi32, #tpu.memory_space<vmem>> -> memref<80xi32, #tpu.memory_space<vmem>>
        %dma_start3A_2985 = tpu.memref_slice %arg4[%add3A_2958] : memref<819200xi32, #tpu.memory_space<hbm>> -> memref<80xi32, #tpu.memory_space<hbm>>
        tpu.enqueue_dma source(%dma_start3A_2985 : memref<80xi32, #tpu.memory_space<hbm>>) target(%dma_start3A_2984 : memref<80xi32, #tpu.memory_space<vmem>>) target_semaphore(%arg23 : memref<!tpu.dma_semaphore, #tpu.memory_space<semaphore_mem>>)
        %dma_start3A_2986 = arith.constant 3 : i32
        %dma_start3A_2987 = arith.constant 0 : i32
        %dma_start3A_2988 = tpu.memref_slice %arg18[%dma_start3A_2986, %dma_start3A_2987] : memref<5x80xi32, #tpu.memory_space<vmem>> -> memref<1x80xi32, #tpu.memory_space<vmem>>
        %dma_start3A_2989 = tpu.memref_squeeze %dma_start3A_2988 : memref<1x80xi32, #tpu.memory_space<vmem>> -> memref<80xi32, #tpu.memory_space<vmem>>
        %dma_start3A_2990 = tpu.memref_slice %arg5[%add3A_2958] : memref<819200xi32, #tpu.memory_space<hbm>> -> memref<80xi32, #tpu.memory_space<hbm>>
        %dma_start3A_2991 = arith.constant 0 : i32
        %dma_start3A_2992 = tpu.memref_slice %arg18[%dma_start3A_2986, %dma_start3A_2991] : memref<5x80xi32, #tpu.memory_space<vmem>> -> memref<1x80xi32, #tpu.memory_space<vmem>>
        %dma_start3A_2993 = tpu.memref_squeeze %dma_start3A_2992 : memref<1x80xi32, #tpu.memory_space<vmem>> -> memref<80xi32, #tpu.memory_space<vmem>>
        %dma_start3A_2994 = tpu.memref_slice %arg5[%add3A_2958] : memref<819200xi32, #tpu.memory_space<hbm>> -> memref<80xi32, #tpu.memory_space<hbm>>
        tpu.enqueue_dma source(%dma_start3A_2994 : memref<80xi32, #tpu.memory_space<hbm>>) target(%dma_start3A_2993 : memref<80xi32, #tpu.memory_space<vmem>>) target_semaphore(%arg23 : memref<!tpu.dma_semaphore, #tpu.memory_space<semaphore_mem>>)
        %dma_start3A_2995 = arith.constant 4 : i32
        %dma_start3A_2996 = arith.constant 0 : i32
        %dma_start3A_2997 = tpu.memref_slice %arg18[%dma_start3A_2995, %dma_start3A_2996] : memref<5x80xi32, #tpu.memory_space<vmem>> -> memref<1x80xi32, #tpu.memory_space<vmem>>
        %dma_start3A_2998 = tpu.memref_squeeze %dma_start3A_2997 : memref<1x80xi32, #tpu.memory_space<vmem>> -> memref<80xi32, #tpu.memory_space<vmem>>
        %dma_start3A_2999 = tpu.memref_slice %arg6[%add3A_2958] : memref<819200xi32, #tpu.memory_space<hbm>> -> memref<80xi32, #tpu.memory_space<hbm>>
        %dma_start3A_3000 = arith.constant 0 : i32
        %dma_start3A_3001 = tpu.memref_slice %arg18[%dma_start3A_2995, %dma_start3A_3000] : memref<5x80xi32, #tpu.memory_space<vmem>> -> memref<1x80xi32, #tpu.memory_space<vmem>>
        %dma_start3A_3002 = tpu.memref_squeeze %dma_start3A_3001 : memref<1x80xi32, #tpu.memory_space<vmem>> -> memref<80xi32, #tpu.memory_space<vmem>>
        %dma_start3A_3003 = tpu.memref_slice %arg6[%add3A_2958] : memref<819200xi32, #tpu.memory_space<hbm>> -> memref<80xi32, #tpu.memory_space<hbm>>
        tpu.enqueue_dma source(%dma_start3A_3003 : memref<80xi32, #tpu.memory_space<hbm>>) target(%dma_start3A_3002 : memref<80xi32, #tpu.memory_space<vmem>>) target_semaphore(%arg23 : memref<!tpu.dma_semaphore, #tpu.memory_space<semaphore_mem>>)
      } else {
      }
      %dma_wait3A_2595 = arith.constant 0 : i32
      %dma_wait3A_2596 = arith.constant 0 : i32
      %dma_wait3A_2597 = tpu.memref_slice %arg9[%dma_wait3A_2595, %dma_wait3A_2596] : memref<819200x128xf32, #tpu.memory_space<hbm>> -> memref<80x128xf32, #tpu.memory_space<hbm>>
      %dma_wait3A_2598 = arith.constant 0 : i32
      %dma_wait3A_2599 = arith.constant 0 : i32
      %dma_wait3A_2600 = tpu.memref_slice %arg9[%dma_wait3A_2598, %dma_wait3A_2599] : memref<819200x128xf32, #tpu.memory_space<hbm>> -> memref<80x128xf32, #tpu.memory_space<hbm>>
      tpu.wait_dma2 semaphore(%arg25 : memref<!tpu.dma_semaphore, #tpu.memory_space<semaphore_mem>>) src(%arg22 : memref<80x128xf32, #tpu.memory_space<vmem>>) dst(%dma_wait3A_2600 : memref<80x128xf32, #tpu.memory_space<hbm>>)
      %scan3A_2601 = arith.constant 0 : i32
      %scan3A_2602 = arith.constant 0 : i32
      %scan3A_2603 = arith.constant 80 : i32
      %scan3A_2604 = arith.addi %scan3A_2602, %scan3A_2603 : i32
      %scan3A_2605 = arith.constant 1 : i32
      scf.for %scan3A_2954 = %scan3A_2602 to %scan3A_2604 step %scan3A_2605  : i32 {
        %get3A_2955 = arith.constant 0 : i32
        %get3A_2956 = arith.index_cast %get3A_2955 : i32 to index
        %get3A_2957 = arith.index_cast %scan3A_2954 : i32 to index
        %get3A_2958 = arith.constant 0 : index
        %get3A_2959 = tpu.vector_load %arg21[%get3A_2956, %get3A_2957, %get3A_2958] {strides = array<i32>} : memref<2x80x128xf32, #tpu.memory_space<vmem>>, vector<1x1x16xf32>,
        %get3A_2960 = vector.shape_cast %get3A_2959 : vector<1x1x16xf32> to vector<16xf32>
        %get3A_2961 = arith.constant 1 : i32
        %get3A_2962 = arith.index_cast %get3A_2961 : i32 to index
        %get3A_2963 = arith.index_cast %scan3A_2954 : i32 to index
        %get3A_2964 = arith.constant 0 : index
        %get3A_2965 = tpu.vector_load %arg21[%get3A_2962, %get3A_2963, %get3A_2964] {strides = array<i32>} : memref<2x80x128xf32, #tpu.memory_space<vmem>>, vector<1x1x16xf32>,
        %get3A_2966 = vector.shape_cast %get3A_2965 : vector<1x1x16xf32> to vector<16xf32>
        %add3A_2967 = arith.addf %get3A_2960, %get3A_2966 : vector<16xf32>
        %swap3A_2968 = arith.index_cast %scan3A_2954 : i32 to index
        %swap3A_2969 = arith.constant 0 : index
        %swap3A_2970 = tpu.vector_load %arg22[%swap3A_2968, %swap3A_2969] {strides = array<i32>} : memref<80x128xf32, #tpu.memory_space<vmem>>, vector<1x16xf32>,
        %swap3A_2971 = vector.shape_cast %swap3A_2970 : vector<1x16xf32> to vector<16xf32>
        %swap3A_2972 = vector.shape_cast %add3A_2967 : vector<16xf32> to vector<1x16xf32>
        tpu.vector_store %arg22[%swap3A_2968, %swap3A_2969], %swap3A_2972 {strides = array<i32>} : memref<80x128xf32, #tpu.memory_space<vmem>>, vector<1x16xf32>,
        %get3A_2973 = arith.constant 0 : i32
        %get3A_2974 = arith.index_cast %get3A_2973 : i32 to index
        %get3A_2975 = arith.index_cast %scan3A_2954 : i32 to index
        %get3A_2976 = arith.constant 16 : index
        %get3A_2977 = tpu.vector_load %arg21[%get3A_2974, %get3A_2975, %get3A_2976] {strides = array<i32>} : memref<2x80x128xf32, #tpu.memory_space<vmem>>, vector<1x1x16xf32>,
        %get3A_2978 = vector.shape_cast %get3A_2977 : vector<1x1x16xf32> to vector<16xf32>
        %get3A_2979 = arith.constant 1 : i32
        %get3A_2980 = arith.index_cast %get3A_2979 : i32 to index
        %get3A_2981 = arith.index_cast %scan3A_2954 : i32 to index
        %get3A_2982 = arith.constant 16 : index
        %get3A_2983 = tpu.vector_load %arg21[%get3A_2980, %get3A_2981, %get3A_2982] {strides = array<i32>} : memref<2x80x128xf32, #tpu.memory_space<vmem>>, vector<1x1x16xf32>,
        %get3A_2984 = vector.shape_cast %get3A_2983 : vector<1x1x16xf32> to vector<16xf32>
        %add3A_2985 = arith.addf %get3A_2978, %get3A_2984 : vector<16xf32>
        %swap3A_2986 = arith.index_cast %scan3A_2954 : i32 to index
        %swap3A_2987 = arith.constant 16 : index
        %swap3A_2988 = tpu.vector_load %arg22[%swap3A_2986, %swap3A_2987] {strides = array<i32>} : memref<80x128xf32, #tpu.memory_space<vmem>>, vector<1x16xf32>,
        %swap3A_2989 = vector.shape_cast %swap3A_2988 : vector<1x16xf32> to vector<16xf32>
        %swap3A_2990 = vector.shape_cast %add3A_2985 : vector<16xf32> to vector<1x16xf32>
        tpu.vector_store %arg22[%swap3A_2986, %swap3A_2987], %swap3A_2990 {strides = array<i32>} : memref<80x128xf32, #tpu.memory_space<vmem>>, vector<1x16xf32>,
        %get3A_2991 = arith.constant 0 : i32
        %get3A_2992 = arith.index_cast %get3A_2991 : i32 to index
        %get3A_2993 = arith.index_cast %scan3A_2954 : i32 to index
        %get3A_2994 = arith.constant 32 : index
        %get3A_2995 = tpu.vector_load %arg21[%get3A_2992, %get3A_2993, %get3A_2994] {strides = array<i32>} : memref<2x80x128xf32, #tpu.memory_space<vmem>>, vector<1x1x16xf32>,
        %get3A_2996 = vector.shape_cast %get3A_2995 : vector<1x1x16xf32> to vector<16xf32>
        %get3A_2997 = arith.constant 1 : i32
        %get3A_2998 = arith.index_cast %get3A_2997 : i32 to index
        %get3A_2999 = arith.index_cast %scan3A_2954 : i32 to index
        %get3A_3000 = arith.constant 32 : index
        %get3A_3001 = tpu.vector_load %arg21[%get3A_2998, %get3A_2999, %get3A_3000] {strides = array<i32>} : memref<2x80x128xf32, #tpu.memory_space<vmem>>, vector<1x1x16xf32>,
        %get3A_3002 = vector.shape_cast %get3A_3001 : vector<1x1x16xf32> to vector<16xf32>
        %add3A_3003 = arith.addf %get3A_2996, %get3A_3002 : vector<16xf32>
        %swap3A_3004 = arith.index_cast %scan3A_2954 : i32 to index
        %swap3A_3005 = arith.constant 32 : index
        %swap3A_3006 = tpu.vector_load %arg22[%swap3A_3004, %swap3A_3005] {strides = array<i32>} : memref<80x128xf32, #tpu.memory_space<vmem>>, vector<1x16xf32>,
        %swap3A_3007 = vector.shape_cast %swap3A_3006 : vector<1x16xf32> to vector<16xf32>
        %swap3A_3008 = vector.shape_cast %add3A_3003 : vector<16xf32> to vector<1x16xf32>
        tpu.vector_store %arg22[%swap3A_3004, %swap3A_3005], %swap3A_3008 {strides = array<i32>} : memref<80x128xf32, #tpu.memory_space<vmem>>, vector<1x16xf32>,
        %get3A_3009 = arith.constant 0 : i32
        %get3A_3010 = arith.index_cast %get3A_3009 : i32 to index
        %get3A_3011 = arith.index_cast %scan3A_2954 : i32 to index
        %get3A_3012 = arith.constant 48 : index
        %get3A_3013 = tpu.vector_load %arg21[%get3A_3010, %get3A_3011, %get3A_3012] {strides = array<i32>} : memref<2x80x128xf32, #tpu.memory_space<vmem>>, vector<1x1x16xf32>,
        %get3A_3014 = vector.shape_cast %get3A_3013 : vector<1x1x16xf32> to vector<16xf32>
        %get3A_3015 = arith.constant 1 : i32
        %get3A_3016 = arith.index_cast %get3A_3015 : i32 to index
        %get3A_3017 = arith.index_cast %scan3A_2954 : i32 to index
        %get3A_3018 = arith.constant 48 : index
        %get3A_3019 = tpu.vector_load %arg21[%get3A_3016, %get3A_3017, %get3A_3018] {strides = array<i32>} : memref<2x80x128xf32, #tpu.memory_space<vmem>>, vector<1x1x16xf32>,
        %get3A_3020 = vector.shape_cast %get3A_3019 : vector<1x1x16xf32> to vector<16xf32>
        %add3A_3021 = arith.addf %get3A_3014, %get3A_3020 : vector<16xf32>
        %swap3A_3022 = arith.index_cast %scan3A_2954 : i32 to index
        %swap3A_3023 = arith.constant 48 : index
        %swap3A_3024 = tpu.vector_load %arg22[%swap3A_3022, %swap3A_3023] {strides = array<i32>} : memref<80x128xf32, #tpu.memory_space<vmem>>, vector<1x16xf32>,
        %swap3A_3025 = vector.shape_cast %swap3A_3024 : vector<1x16xf32> to vector<16xf32>
        %swap3A_3026 = vector.shape_cast %add3A_3021 : vector<16xf32> to vector<1x16xf32>
        tpu.vector_store %arg22[%swap3A_3022, %swap3A_3023], %swap3A_3026 {strides = array<i32>} : memref<80x128xf32, #tpu.memory_space<vmem>>, vector<1x16xf32>,
        %get3A_3027 = arith.constant 0 : i32
        %get3A_3028 = arith.index_cast %get3A_3027 : i32 to index
        %get3A_3029 = arith.index_cast %scan3A_2954 : i32 to index
        %get3A_3030 = arith.constant 64 : index
        %get3A_3031 = tpu.vector_load %arg21[%get3A_3028, %get3A_3029, %get3A_3030] {strides = array<i32>} : memref<2x80x128xf32, #tpu.memory_space<vmem>>, vector<1x1x16xf32>,
        %get3A_3032 = vector.shape_cast %get3A_3031 : vector<1x1x16xf32> to vector<16xf32>
        %get3A_3033 = arith.constant 1 : i32
        %get3A_3034 = arith.index_cast %get3A_3033 : i32 to index
        %get3A_3035 = arith.index_cast %scan3A_2954 : i32 to index
        %get3A_3036 = arith.constant 64 : index
        %get3A_3037 = tpu.vector_load %arg21[%get3A_3034, %get3A_3035, %get3A_3036] {strides = array<i32>} : memref<2x80x128xf32, #tpu.memory_space<vmem>>, vector<1x1x16xf32>,
        %get3A_3038 = vector.shape_cast %get3A_3037 : vector<1x1x16xf32> to vector<16xf32>
        %add3A_3039 = arith.addf %get3A_3032, %get3A_3038 : vector<16xf32>
        %swap3A_3040 = arith.index_cast %scan3A_2954 : i32 to index
        %swap3A_3041 = arith.constant 64 : index
        %swap3A_3042 = tpu.vector_load %arg22[%swap3A_3040, %swap3A_3041] {strides = array<i32>} : memref<80x128xf32, #tpu.memory_space<vmem>>, vector<1x16xf32>,
        %swap3A_3043 = vector.shape_cast %swap3A_3042 : vector<1x16xf32> to vector<16xf32>
        %swap3A_3044 = vector.shape_cast %add3A_3039 : vector<16xf32> to vector<1x16xf32>
        tpu.vector_store %arg22[%swap3A_3040, %swap3A_3041], %swap3A_3044 {strides = array<i32>} : memref<80x128xf32, #tpu.memory_space<vmem>>, vector<1x16xf32>,
        %get3A_3045 = arith.constant 0 : i32
        %get3A_3046 = arith.index_cast %get3A_3045 : i32 to index
        %get3A_3047 = arith.index_cast %scan3A_2954 : i32 to index
        %get3A_3048 = arith.constant 80 : index
        %get3A_3049 = tpu.vector_load %arg21[%get3A_3046, %get3A_3047, %get3A_3048] {strides = array<i32>} : memref<2x80x128xf32, #tpu.memory_space<vmem>>, vector<1x1x16xf32>,
        %get3A_3050 = vector.shape_cast %get3A_3049 : vector<1x1x16xf32> to vector<16xf32>
        %get3A_3051 = arith.constant 1 : i32
        %get3A_3052 = arith.index_cast %get3A_3051 : i32 to index
        %get3A_3053 = arith.index_cast %scan3A_2954 : i32 to index
        %get3A_3054 = arith.constant 80 : index
        %get3A_3055 = tpu.vector_load %arg21[%get3A_3052, %get3A_3053, %get3A_3054] {strides = array<i32>} : memref<2x80x128xf32, #tpu.memory_space<vmem>>, vector<1x1x16xf32>,
        %get3A_3056 = vector.shape_cast %get3A_3055 : vector<1x1x16xf32> to vector<16xf32>
        %add3A_3057 = arith.addf %get3A_3050, %get3A_3056 : vector<16xf32>
        %swap3A_3058 = arith.index_cast %scan3A_2954 : i32 to index
        %swap3A_3059 = arith.constant 80 : index
        %swap3A_3060 = tpu.vector_load %arg22[%swap3A_3058, %swap3A_3059] {strides = array<i32>} : memref<80x128xf32, #tpu.memory_space<vmem>>, vector<1x16xf32>,
        %swap3A_3061 = vector.shape_cast %swap3A_3060 : vector<1x16xf32> to vector<16xf32>
        %swap3A_3062 = vector.shape_cast %add3A_3057 : vector<16xf32> to vector<1x16xf32>
        tpu.vector_store %arg22[%swap3A_3058, %swap3A_3059], %swap3A_3062 {strides = array<i32>} : memref<80x128xf32, #tpu.memory_space<vmem>>, vector<1x16xf32>,
        %get3A_3063 = arith.constant 0 : i32
        %get3A_3064 = arith.index_cast %get3A_3063 : i32 to index
        %get3A_3065 = arith.index_cast %scan3A_2954 : i32 to index
        %get3A_3066 = arith.constant 96 : index
        %get3A_3067 = tpu.vector_load %arg21[%get3A_3064, %get3A_3065, %get3A_3066] {strides = array<i32>} : memref<2x80x128xf32, #tpu.memory_space<vmem>>, vector<1x1x16xf32>,
        %get3A_3068 = vector.shape_cast %get3A_3067 : vector<1x1x16xf32> to vector<16xf32>
        %get3A_3069 = arith.constant 1 : i32
        %get3A_3070 = arith.index_cast %get3A_3069 : i32 to index
        %get3A_3071 = arith.index_cast %scan3A_2954 : i32 to index
        %get3A_3072 = arith.constant 96 : index
        %get3A_3073 = tpu.vector_load %arg21[%get3A_3070, %get3A_3071, %get3A_3072] {strides = array<i32>} : memref<2x80x128xf32, #tpu.memory_space<vmem>>, vector<1x1x16xf32>,
        %get3A_3074 = vector.shape_cast %get3A_3073 : vector<1x1x16xf32> to vector<16xf32>
        %add3A_3075 = arith.addf %get3A_3068, %get3A_3074 : vector<16xf32>
        %swap3A_3076 = arith.index_cast %scan3A_2954 : i32 to index
        %swap3A_3077 = arith.constant 96 : index
        %swap3A_3078 = tpu.vector_load %arg22[%swap3A_3076, %swap3A_3077] {strides = array<i32>} : memref<80x128xf32, #tpu.memory_space<vmem>>, vector<1x16xf32>,
        %swap3A_3079 = vector.shape_cast %swap3A_3078 : vector<1x16xf32> to vector<16xf32>
        %swap3A_3080 = vector.shape_cast %add3A_3075 : vector<16xf32> to vector<1x16xf32>
        tpu.vector_store %arg22[%swap3A_3076, %swap3A_3077], %swap3A_3080 {strides = array<i32>} : memref<80x128xf32, #tpu.memory_space<vmem>>, vector<1x16xf32>,
        %get3A_3081 = arith.constant 0 : i32
        %get3A_3082 = arith.index_cast %get3A_3081 : i32 to index
        %get3A_3083 = arith.index_cast %scan3A_2954 : i32 to index
        %get3A_3084 = arith.constant 112 : index
        %get3A_3085 = tpu.vector_load %arg21[%get3A_3082, %get3A_3083, %get3A_3084] {strides = array<i32>} : memref<2x80x128xf32, #tpu.memory_space<vmem>>, vector<1x1x16xf32>,
        %get3A_3086 = vector.shape_cast %get3A_3085 : vector<1x1x16xf32> to vector<16xf32>
        %get3A_3087 = arith.constant 1 : i32
        %get3A_3088 = arith.index_cast %get3A_3087 : i32 to index
        %get3A_3089 = arith.index_cast %scan3A_2954 : i32 to index
        %get3A_3090 = arith.constant 112 : index
        %get3A_3091 = tpu.vector_load %arg21[%get3A_3088, %get3A_3089, %get3A_3090] {strides = array<i32>} : memref<2x80x128xf32, #tpu.memory_space<vmem>>, vector<1x1x16xf32>,
        %get3A_3092 = vector.shape_cast %get3A_3091 : vector<1x1x16xf32> to vector<16xf32>
        %add3A_3093 = arith.addf %get3A_3086, %get3A_3092 : vector<16xf32>
        %swap3A_3094 = arith.index_cast %scan3A_2954 : i32 to index
        %swap3A_3095 = arith.constant 112 : index
        %swap3A_3096 = tpu.vector_load %arg22[%swap3A_3094, %swap3A_3095] {strides = array<i32>} : memref<80x128xf32, #tpu.memory_space<vmem>>, vector<1x16xf32>,
        %swap3A_3097 = vector.shape_cast %swap3A_3096 : vector<1x16xf32> to vector<16xf32>
        %swap3A_3098 = vector.shape_cast %add3A_3093 : vector<16xf32> to vector<1x16xf32>
        tpu.vector_store %arg22[%swap3A_3094, %swap3A_3095], %swap3A_3098 {strides = array<i32>} : memref<80x128xf32, #tpu.memory_space<vmem>>, vector<1x16xf32>,
      }
      %scan3A_2606 = arith.constant 80 : i32
      %mul3A_2607 = arith.constant 80 : i32
      %mul3A_2608 = arith.muli %add3A_2275, %mul3A_2607 : i32
      %add3A_2609 = arith.addi %mul3A_2, %mul3A_2608 : i32
      %dma_start3A_2610 = arith.constant 0 : i32
      %dma_start3A_2611 = tpu.memref_slice %arg9[%add3A_2609, %dma_start3A_2610] : memref<819200x128xf32, #tpu.memory_space<hbm>> -> memref<80x128xf32, #tpu.memory_space<hbm>>
      %dma_start3A_2612 = arith.constant 0 : i32
      %dma_start3A_2613 = tpu.memref_slice %arg9[%add3A_2609, %dma_start3A_2612] : memref<819200x128xf32, #tpu.memory_space<hbm>> -> memref<80x128xf32, #tpu.memory_space<hbm>>
      tpu.enqueue_dma source(%arg22 : memref<80x128xf32, #tpu.memory_space<vmem>>) target(%dma_start3A_2613 : memref<80x128xf32, #tpu.memory_space<hbm>>) target_semaphore(%arg25 : memref<!tpu.dma_semaphore, #tpu.memory_space<semaphore_mem>>)
      %add3A_2614 = arith.constant 2 : i32
      %add3A_2615 = arith.addi %mul3A_1938, %add3A_2614 : i32
      %dma_wait3A_2616 = arith.constant 0 : i32
      %dma_wait3A_2617 = arith.constant 0 : i32
      %dma_wait3A_2618 = arith.constant 0 : i32
      %dma_wait3A_2619 = tpu.memref_slice %arg29[%dma_wait3A_2616, %dma_wait3A_2617, %dma_wait3A_2618] : memref<2x80x128xf32, #tpu.memory_space<vmem>> -> memref<1x80x128xf32, #tpu.memory_space<vmem>>
      %dma_wait3A_2620 = tpu.memref_squeeze %dma_wait3A_2619 : memref<1x80x128xf32, #tpu.memory_space<vmem>> -> memref<80x128xf32, #tpu.memory_space<vmem>>
      %dma_wait3A_2621 = arith.constant 0 : i32
      %dma_wait3A_2622 = arith.constant 0 : i32
      %dma_wait3A_2623 = tpu.memref_slice %arg7[%dma_wait3A_2621, %dma_wait3A_2622] : memref<178752x128xf32, #tpu.memory_space<hbm>> -> memref<178752x128xf32, #tpu.memory_space<hbm>>
      tpu.wait_indirect_dma semaphore(%arg32 : memref<!tpu.dma_semaphore, #tpu.memory_space<semaphore_mem>>) src(%dma_wait3A_2623 : memref<178752x128xf32, #tpu.memory_space<hbm>>) dst(%dma_wait3A_2620 : memref<80x128xf32, #tpu.memory_space<vmem>>)
      %dma_wait3A_2624 = arith.constant 1 : i32
      %dma_wait3A_2625 = arith.constant 0 : i32
      %dma_wait3A_2626 = arith.constant 0 : i32
      %dma_wait3A_2627 = tpu.memref_slice %arg29[%dma_wait3A_2624, %dma_wait3A_2625, %dma_wait3A_2626] : memref<2x80x128xf32, #tpu.memory_space<vmem>> -> memref<1x80x128xf32, #tpu.memory_space<vmem>>
      %dma_wait3A_2628 = tpu.memref_squeeze %dma_wait3A_2627 : memref<1x80x128xf32, #tpu.memory_space<vmem>> -> memref<80x128xf32, #tpu.memory_space<vmem>>
      %dma_wait3A_2629 = arith.constant 0 : i32
      %dma_wait3A_2630 = arith.constant 0 : i32
      %dma_wait3A_2631 = tpu.memref_slice %arg8[%dma_wait3A_2629, %dma_wait3A_2630] : memref<42016x128xf32, #tpu.memory_space<hbm>> -> memref<42016x128xf32, #tpu.memory_space<hbm>>
      tpu.wait_indirect_dma semaphore(%arg32 : memref<!tpu.dma_semaphore, #tpu.memory_space<semaphore_mem>>) src(%dma_wait3A_2631 : memref<42016x128xf32, #tpu.memory_space<hbm>>) dst(%dma_wait3A_2628 : memref<80x128xf32, #tpu.memory_space<vmem>>)
      %dma_wait3A_2632 = arith.constant 0 : i32
      %dma_wait3A_2633 = arith.constant 0 : i32
      %dma_wait3A_2634 = tpu.memref_slice %arg18[%dma_wait3A_2632, %dma_wait3A_2633] : memref<5x80xi32, #tpu.memory_space<vmem>> -> memref<1x80xi32, #tpu.memory_space<vmem>>
      %dma_wait3A_2635 = tpu.memref_squeeze %dma_wait3A_2634 : memref<1x80xi32, #tpu.memory_space<vmem>> -> memref<80xi32, #tpu.memory_space<vmem>>
      %dma_wait3A_2636 = arith.constant 0 : i32
      %dma_wait3A_2637 = tpu.memref_slice %arg2[%dma_wait3A_2636] : memref<819200xi32, #tpu.memory_space<hbm>> -> memref<80xi32, #tpu.memory_space<hbm>>
      %dma_wait3A_2638 = arith.constant 0 : i32
      %dma_wait3A_2639 = tpu.memref_slice %arg18[%dma_wait3A_2632, %dma_wait3A_2638] : memref<5x80xi32, #tpu.memory_space<vmem>> -> memref<1x80xi32, #tpu.memory_space<vmem>>
      %dma_wait3A_2640 = tpu.memref_squeeze %dma_wait3A_2639 : memref<1x80xi32, #tpu.memory_space<vmem>> -> memref<80xi32, #tpu.memory_space<vmem>>
      %dma_wait3A_2641 = arith.constant 0 : i32
      %dma_wait3A_2642 = tpu.memref_slice %arg2[%dma_wait3A_2641] : memref<819200xi32, #tpu.memory_space<hbm>> -> memref<80xi32, #tpu.memory_space<hbm>>
      tpu.wait_dma2 semaphore(%arg23 : memref<!tpu.dma_semaphore, #tpu.memory_space<semaphore_mem>>) src(%dma_wait3A_2642 : memref<80xi32, #tpu.memory_space<hbm>>) dst(%dma_wait3A_2640 : memref<80xi32, #tpu.memory_space<vmem>>)
      %dma_wait3A_2643 = arith.constant 1 : i32
      %dma_wait3A_2644 = arith.constant 0 : i32
      %dma_wait3A_2645 = tpu.memref_slice %arg18[%dma_wait3A_2643, %dma_wait3A_2644] : memref<5x80xi32, #tpu.memory_space<vmem>> -> memref<1x80xi32, #tpu.memory_space<vmem>>
      %dma_wait3A_2646 = tpu.memref_squeeze %dma_wait3A_2645 : memref<1x80xi32, #tpu.memory_space<vmem>> -> memref<80xi32, #tpu.memory_space<vmem>>
      %dma_wait3A_2647 = arith.constant 0 : i32
      %dma_wait3A_2648 = tpu.memref_slice %arg3[%dma_wait3A_2647] : memref<819200xi32, #tpu.memory_space<hbm>> -> memref<80xi32, #tpu.memory_space<hbm>>
      %dma_wait3A_2649 = arith.constant 0 : i32
      %dma_wait3A_2650 = tpu.memref_slice %arg18[%dma_wait3A_2643, %dma_wait3A_2649] : memref<5x80xi32, #tpu.memory_space<vmem>> -> memref<1x80xi32, #tpu.memory_space<vmem>>
      %dma_wait3A_2651 = tpu.memref_squeeze %dma_wait3A_2650 : memref<1x80xi32, #tpu.memory_space<vmem>> -> memref<80xi32, #tpu.memory_space<vmem>>
      %dma_wait3A_2652 = arith.constant 0 : i32
      %dma_wait3A_2653 = tpu.memref_slice %arg3[%dma_wait3A_2652] : memref<819200xi32, #tpu.memory_space<hbm>> -> memref<80xi32, #tpu.memory_space<hbm>>
      tpu.wait_dma2 semaphore(%arg23 : memref<!tpu.dma_semaphore, #tpu.memory_space<semaphore_mem>>) src(%dma_wait3A_2653 : memref<80xi32, #tpu.memory_space<hbm>>) dst(%dma_wait3A_2651 : memref<80xi32, #tpu.memory_space<vmem>>)
      %dma_wait3A_2654 = arith.constant 2 : i32
      %dma_wait3A_2655 = arith.constant 0 : i32
      %dma_wait3A_2656 = tpu.memref_slice %arg18[%dma_wait3A_2654, %dma_wait3A_2655] : memref<5x80xi32, #tpu.memory_space<vmem>> -> memref<1x80xi32, #tpu.memory_space<vmem>>
      %dma_wait3A_2657 = tpu.memref_squeeze %dma_wait3A_2656 : memref<1x80xi32, #tpu.memory_space<vmem>> -> memref<80xi32, #tpu.memory_space<vmem>>
      %dma_wait3A_2658 = arith.constant 0 : i32
      %dma_wait3A_2659 = tpu.memref_slice %arg4[%dma_wait3A_2658] : memref<819200xi32, #tpu.memory_space<hbm>> -> memref<80xi32, #tpu.memory_space<hbm>>
      %dma_wait3A_2660 = arith.constant 0 : i32
      %dma_wait3A_2661 = tpu.memref_slice %arg18[%dma_wait3A_2654, %dma_wait3A_2660] : memref<5x80xi32, #tpu.memory_space<vmem>> -> memref<1x80xi32, #tpu.memory_space<vmem>>
      %dma_wait3A_2662 = tpu.memref_squeeze %dma_wait3A_2661 : memref<1x80xi32, #tpu.memory_space<vmem>> -> memref<80xi32, #tpu.memory_space<vmem>>
      %dma_wait3A_2663 = arith.constant 0 : i32
      %dma_wait3A_2664 = tpu.memref_slice %arg4[%dma_wait3A_2663] : memref<819200xi32, #tpu.memory_space<hbm>> -> memref<80xi32, #tpu.memory_space<hbm>>
      tpu.wait_dma2 semaphore(%arg23 : memref<!tpu.dma_semaphore, #tpu.memory_space<semaphore_mem>>) src(%dma_wait3A_2664 : memref<80xi32, #tpu.memory_space<hbm>>) dst(%dma_wait3A_2662 : memref<80xi32, #tpu.memory_space<vmem>>)
      %dma_wait3A_2665 = arith.constant 3 : i32
      %dma_wait3A_2666 = arith.constant 0 : i32
      %dma_wait3A_2667 = tpu.memref_slice %arg18[%dma_wait3A_2665, %dma_wait3A_2666] : memref<5x80xi32, #tpu.memory_space<vmem>> -> memref<1x80xi32, #tpu.memory_space<vmem>>
      %dma_wait3A_2668 = tpu.memref_squeeze %dma_wait3A_2667 : memref<1x80xi32, #tpu.memory_space<vmem>> -> memref<80xi32, #tpu.memory_space<vmem>>
      %dma_wait3A_2669 = arith.constant 0 : i32
      %dma_wait3A_2670 = tpu.memref_slice %arg5[%dma_wait3A_2669] : memref<819200xi32, #tpu.memory_space<hbm>> -> memref<80xi32, #tpu.memory_space<hbm>>
      %dma_wait3A_2671 = arith.constant 0 : i32
      %dma_wait3A_2672 = tpu.memref_slice %arg18[%dma_wait3A_2665, %dma_wait3A_2671] : memref<5x80xi32, #tpu.memory_space<vmem>> -> memref<1x80xi32, #tpu.memory_space<vmem>>
      %dma_wait3A_2673 = tpu.memref_squeeze %dma_wait3A_2672 : memref<1x80xi32, #tpu.memory_space<vmem>> -> memref<80xi32, #tpu.memory_space<vmem>>
      %dma_wait3A_2674 = arith.constant 0 : i32
      %dma_wait3A_2675 = tpu.memref_slice %arg5[%dma_wait3A_2674] : memref<819200xi32, #tpu.memory_space<hbm>> -> memref<80xi32, #tpu.memory_space<hbm>>
      tpu.wait_dma2 semaphore(%arg23 : memref<!tpu.dma_semaphore, #tpu.memory_space<semaphore_mem>>) src(%dma_wait3A_2675 : memref<80xi32, #tpu.memory_space<hbm>>) dst(%dma_wait3A_2673 : memref<80xi32, #tpu.memory_space<vmem>>)
      %dma_wait3A_2676 = arith.constant 4 : i32
      %dma_wait3A_2677 = arith.constant 0 : i32
      %dma_wait3A_2678 = tpu.memref_slice %arg18[%dma_wait3A_2676, %dma_wait3A_2677] : memref<5x80xi32, #tpu.memory_space<vmem>> -> memref<1x80xi32, #tpu.memory_space<vmem>>
      %dma_wait3A_2679 = tpu.memref_squeeze %dma_wait3A_2678 : memref<1x80xi32, #tpu.memory_space<vmem>> -> memref<80xi32, #tpu.memory_space<vmem>>
      %dma_wait3A_2680 = arith.constant 0 : i32
      %dma_wait3A_2681 = tpu.memref_slice %arg6[%dma_wait3A_2680] : memref<819200xi32, #tpu.memory_space<hbm>> -> memref<80xi32, #tpu.memory_space<hbm>>
      %dma_wait3A_2682 = arith.constant 0 : i32
      %dma_wait3A_2683 = tpu.memref_slice %arg18[%dma_wait3A_2676, %dma_wait3A_2682] : memref<5x80xi32, #tpu.memory_space<vmem>> -> memref<1x80xi32, #tpu.memory_space<vmem>>
      %dma_wait3A_2684 = tpu.memref_squeeze %dma_wait3A_2683 : memref<1x80xi32, #tpu.memory_space<vmem>> -> memref<80xi32, #tpu.memory_space<vmem>>
      %dma_wait3A_2685 = arith.constant 0 : i32
      %dma_wait3A_2686 = tpu.memref_slice %arg6[%dma_wait3A_2685] : memref<819200xi32, #tpu.memory_space<hbm>> -> memref<80xi32, #tpu.memory_space<hbm>>
      tpu.wait_dma2 semaphore(%arg23 : memref<!tpu.dma_semaphore, #tpu.memory_space<semaphore_mem>>) src(%dma_wait3A_2686 : memref<80xi32, #tpu.memory_space<hbm>>) dst(%dma_wait3A_2684 : memref<80xi32, #tpu.memory_space<vmem>>)
      %get3A_2687 = arith.constant 0 : i32
      %get3A_2688 = arith.index_cast %get3A_2687 : i32 to index
      %get3A_2689 = arith.constant 0 : index
      %get3A_2690 = tpu.vector_load %arg18[%get3A_2688, %get3A_2689] {strides = array<i32>} : memref<5x80xi32, #tpu.memory_space<vmem>>, vector<1x16xi32>,
      %get3A_2691 = vector.shape_cast %get3A_2690 : vector<1x16xi32> to vector<16xi32>
      %get3A_2692 = arith.constant 1 : i32
      %get3A_2693 = arith.index_cast %get3A_2692 : i32 to index
      %get3A_2694 = arith.constant 0 : index
      %get3A_2695 = tpu.vector_load %arg18[%get3A_2693, %get3A_2694] {strides = array<i32>} : memref<5x80xi32, #tpu.memory_space<vmem>>, vector<1x16xi32>,
      %get3A_2696 = vector.shape_cast %get3A_2695 : vector<1x16xi32> to vector<16xi32>
      %get3A_2697 = arith.constant 2 : i32
      %get3A_2698 = arith.index_cast %get3A_2697 : i32 to index
      %get3A_2699 = arith.constant 0 : index
      %get3A_2700 = tpu.vector_load %arg18[%get3A_2698, %get3A_2699] {strides = array<i32>} : memref<5x80xi32, #tpu.memory_space<vmem>>, vector<1x16xi32>,
      %get3A_2701 = vector.shape_cast %get3A_2700 : vector<1x16xi32> to vector<16xi32>
      %get3A_2702 = arith.constant 3 : i32
      %get3A_2703 = arith.index_cast %get3A_2702 : i32 to index
      %get3A_2704 = arith.constant 0 : index
      %get3A_2705 = tpu.vector_load %arg18[%get3A_2703, %get3A_2704] {strides = array<i32>} : memref<5x80xi32, #tpu.memory_space<vmem>>, vector<1x16xi32>,
      %get3A_2706 = vector.shape_cast %get3A_2705 : vector<1x16xi32> to vector<16xi32>
      %get3A_2707 = arith.constant 4 : i32
      %get3A_2708 = arith.index_cast %get3A_2707 : i32 to index
      %get3A_2709 = arith.constant 0 : index
      %get3A_2710 = tpu.vector_load %arg18[%get3A_2708, %get3A_2709] {strides = array<i32>} : memref<5x80xi32, #tpu.memory_space<vmem>>, vector<1x16xi32>,
      %get3A_2711 = vector.shape_cast %get3A_2710 : vector<1x16xi32> to vector<16xi32>
      %mul3A_2712 = arith.constant 49 : i32
      %mul3A_2713 = vector.broadcast %mul3A_2712 : i32 to vector<16xi32>
      %mul3A_2714 = arith.muli %get3A_2691, %mul3A_2713 : vector<16xi32>
      %add3A_2715 = arith.addi %mul3A_2714, %get3A_2696 : vector<16xi32>
      %mul3A_2716 = arith.constant 48 : i32
      %mul3A_2717 = vector.broadcast %mul3A_2716 : i32 to vector<16xi32>
      %mul3A_2718 = arith.muli %add3A_2715, %mul3A_2717 : vector<16xi32>
      %add3A_2719 = arith.addi %mul3A_2718, %get3A_2711 : vector<16xi32>
      %swap3A_2720 = arith.constant 0 : index
      %swap3A_2721 = tpu.vector_load %arg19[%swap3A_2720] {strides = array<i32>} : memref<80xi32, #tpu.memory_space<vmem>>, vector<16xi32>,
      %swap3A_2722 = vector.shape_cast %swap3A_2721 : vector<16xi32> to vector<16xi32>
      %swap3A_2723 = vector.shape_cast %add3A_2719 : vector<16xi32> to vector<16xi32>
      tpu.vector_store %arg19[%swap3A_2720], %swap3A_2723 {strides = array<i32>} : memref<80xi32, #tpu.memory_space<vmem>>, vector<16xi32>,
      %mul3A_2724 = arith.constant 208 : i32
      %mul3A_2725 = vector.broadcast %mul3A_2724 : i32 to vector<16xi32>
      %mul3A_2726 = arith.muli %get3A_2701, %mul3A_2725 : vector<16xi32>
      %add3A_2727 = arith.addi %mul3A_2726, %get3A_2706 : vector<16xi32>
      %swap3A_2728 = arith.constant 0 : index
      %swap3A_2729 = tpu.vector_load %arg20[%swap3A_2728] {strides = array<i32>} : memref<80xi32, #tpu.memory_space<vmem>>, vector<16xi32>,
      %swap3A_2730 = vector.shape_cast %swap3A_2729 : vector<16xi32> to vector<16xi32>
      %swap3A_2731 = vector.shape_cast %add3A_2727 : vector<16xi32> to vector<16xi32>
      tpu.vector_store %arg20[%swap3A_2728], %swap3A_2731 {strides = array<i32>} : memref<80xi32, #tpu.memory_space<vmem>>, vector<16xi32>,
      %get3A_2732 = arith.constant 0 : i32
      %get3A_2733 = arith.index_cast %get3A_2732 : i32 to index
      %get3A_2734 = arith.constant 16 : index
      %get3A_2735 = tpu.vector_load %arg18[%get3A_2733, %get3A_2734] {strides = array<i32>} : memref<5x80xi32, #tpu.memory_space<vmem>>, vector<1x16xi32>,
      %get3A_2736 = vector.shape_cast %get3A_2735 : vector<1x16xi32> to vector<16xi32>
      %get3A_2737 = arith.constant 1 : i32
      %get3A_2738 = arith.index_cast %get3A_2737 : i32 to index
      %get3A_2739 = arith.constant 16 : index
      %get3A_2740 = tpu.vector_load %arg18[%get3A_2738, %get3A_2739] {strides = array<i32>} : memref<5x80xi32, #tpu.memory_space<vmem>>, vector<1x16xi32>,
      %get3A_2741 = vector.shape_cast %get3A_2740 : vector<1x16xi32> to vector<16xi32>
      %get3A_2742 = arith.constant 2 : i32
      %get3A_2743 = arith.index_cast %get3A_2742 : i32 to index
      %get3A_2744 = arith.constant 16 : index
      %get3A_2745 = tpu.vector_load %arg18[%get3A_2743, %get3A_2744] {strides = array<i32>} : memref<5x80xi32, #tpu.memory_space<vmem>>, vector<1x16xi32>,
      %get3A_2746 = vector.shape_cast %get3A_2745 : vector<1x16xi32> to vector<16xi32>
      %get3A_2747 = arith.constant 3 : i32
      %get3A_2748 = arith.index_cast %get3A_2747 : i32 to index
      %get3A_2749 = arith.constant 16 : index
      %get3A_2750 = tpu.vector_load %arg18[%get3A_2748, %get3A_2749] {strides = array<i32>} : memref<5x80xi32, #tpu.memory_space<vmem>>, vector<1x16xi32>,
      %get3A_2751 = vector.shape_cast %get3A_2750 : vector<1x16xi32> to vector<16xi32>
      %get3A_2752 = arith.constant 4 : i32
      %get3A_2753 = arith.index_cast %get3A_2752 : i32 to index
      %get3A_2754 = arith.constant 16 : index
      %get3A_2755 = tpu.vector_load %arg18[%get3A_2753, %get3A_2754] {strides = array<i32>} : memref<5x80xi32, #tpu.memory_space<vmem>>, vector<1x16xi32>,
      %get3A_2756 = vector.shape_cast %get3A_2755 : vector<1x16xi32> to vector<16xi32>
      %mul3A_2757 = arith.constant 49 : i32
      %mul3A_2758 = vector.broadcast %mul3A_2757 : i32 to vector<16xi32>
      %mul3A_2759 = arith.muli %get3A_2736, %mul3A_2758 : vector<16xi32>
      %add3A_2760 = arith.addi %mul3A_2759, %get3A_2741 : vector<16xi32>
      %mul3A_2761 = arith.constant 48 : i32
      %mul3A_2762 = vector.broadcast %mul3A_2761 : i32 to vector<16xi32>
      %mul3A_2763 = arith.muli %add3A_2760, %mul3A_2762 : vector<16xi32>
      %add3A_2764 = arith.addi %mul3A_2763, %get3A_2756 : vector<16xi32>
      %swap3A_2765 = arith.constant 16 : index
      %swap3A_2766 = tpu.vector_load %arg19[%swap3A_2765] {strides = array<i32>} : memref<80xi32, #tpu.memory_space<vmem>>, vector<16xi32>,
      %swap3A_2767 = vector.shape_cast %swap3A_2766 : vector<16xi32> to vector<16xi32>
      %swap3A_2768 = vector.shape_cast %add3A_2764 : vector<16xi32> to vector<16xi32>
      tpu.vector_store %arg19[%swap3A_2765], %swap3A_2768 {strides = array<i32>} : memref<80xi32, #tpu.memory_space<vmem>>, vector<16xi32>,
      %mul3A_2769 = arith.constant 208 : i32
      %mul3A_2770 = vector.broadcast %mul3A_2769 : i32 to vector<16xi32>
      %mul3A_2771 = arith.muli %get3A_2746, %mul3A_2770 : vector<16xi32>
      %add3A_2772 = arith.addi %mul3A_2771, %get3A_2751 : vector<16xi32>
      %swap3A_2773 = arith.constant 16 : index
      %swap3A_2774 = tpu.vector_load %arg20[%swap3A_2773] {strides = array<i32>} : memref<80xi32, #tpu.memory_space<vmem>>, vector<16xi32>,
      %swap3A_2775 = vector.shape_cast %swap3A_2774 : vector<16xi32> to vector<16xi32>
      %swap3A_2776 = vector.shape_cast %add3A_2772 : vector<16xi32> to vector<16xi32>
      tpu.vector_store %arg20[%swap3A_2773], %swap3A_2776 {strides = array<i32>} : memref<80xi32, #tpu.memory_space<vmem>>, vector<16xi32>,
      %get3A_2777 = arith.constant 0 : i32
      %get3A_2778 = arith.index_cast %get3A_2777 : i32 to index
      %get3A_2779 = arith.constant 32 : index
      %get3A_2780 = tpu.vector_load %arg18[%get3A_2778, %get3A_2779] {strides = array<i32>} : memref<5x80xi32, #tpu.memory_space<vmem>>, vector<1x16xi32>,
      %get3A_2781 = vector.shape_cast %get3A_2780 : vector<1x16xi32> to vector<16xi32>
      %get3A_2782 = arith.constant 1 : i32
      %get3A_2783 = arith.index_cast %get3A_2782 : i32 to index
      %get3A_2784 = arith.constant 32 : index
      %get3A_2785 = tpu.vector_load %arg18[%get3A_2783, %get3A_2784] {strides = array<i32>} : memref<5x80xi32, #tpu.memory_space<vmem>>, vector<1x16xi32>,
      %get3A_2786 = vector.shape_cast %get3A_2785 : vector<1x16xi32> to vector<16xi32>
      %get3A_2787 = arith.constant 2 : i32
      %get3A_2788 = arith.index_cast %get3A_2787 : i32 to index
      %get3A_2789 = arith.constant 32 : index
      %get3A_2790 = tpu.vector_load %arg18[%get3A_2788, %get3A_2789] {strides = array<i32>} : memref<5x80xi32, #tpu.memory_space<vmem>>, vector<1x16xi32>,
      %get3A_2791 = vector.shape_cast %get3A_2790 : vector<1x16xi32> to vector<16xi32>
      %get3A_2792 = arith.constant 3 : i32
      %get3A_2793 = arith.index_cast %get3A_2792 : i32 to index
      %get3A_2794 = arith.constant 32 : index
      %get3A_2795 = tpu.vector_load %arg18[%get3A_2793, %get3A_2794] {strides = array<i32>} : memref<5x80xi32, #tpu.memory_space<vmem>>, vector<1x16xi32>,
      %get3A_2796 = vector.shape_cast %get3A_2795 : vector<1x16xi32> to vector<16xi32>
      %get3A_2797 = arith.constant 4 : i32
      %get3A_2798 = arith.index_cast %get3A_2797 : i32 to index
      %get3A_2799 = arith.constant 32 : index
      %get3A_2800 = tpu.vector_load %arg18[%get3A_2798, %get3A_2799] {strides = array<i32>} : memref<5x80xi32, #tpu.memory_space<vmem>>, vector<1x16xi32>,
      %get3A_2801 = vector.shape_cast %get3A_2800 : vector<1x16xi32> to vector<16xi32>
      %mul3A_2802 = arith.constant 49 : i32
      %mul3A_2803 = vector.broadcast %mul3A_2802 : i32 to vector<16xi32>
      %mul3A_2804 = arith.muli %get3A_2781, %mul3A_2803 : vector<16xi32>
      %add3A_2805 = arith.addi %mul3A_2804, %get3A_2786 : vector<16xi32>
      %mul3A_2806 = arith.constant 48 : i32
      %mul3A_2807 = vector.broadcast %mul3A_2806 : i32 to vector<16xi32>
      %mul3A_2808 = arith.muli %add3A_2805, %mul3A_2807 : vector<16xi32>
      %add3A_2809 = arith.addi %mul3A_2808, %get3A_2801 : vector<16xi32>
      %swap3A_2810 = arith.constant 32 : index
      %swap3A_2811 = tpu.vector_load %arg19[%swap3A_2810] {strides = array<i32>} : memref<80xi32, #tpu.memory_space<vmem>>, vector<16xi32>,
      %swap3A_2812 = vector.shape_cast %swap3A_2811 : vector<16xi32> to vector<16xi32>
      %swap3A_2813 = vector.shape_cast %add3A_2809 : vector<16xi32> to vector<16xi32>
      tpu.vector_store %arg19[%swap3A_2810], %swap3A_2813 {strides = array<i32>} : memref<80xi32, #tpu.memory_space<vmem>>, vector<16xi32>,
      %mul3A_2814 = arith.constant 208 : i32
      %mul3A_2815 = vector.broadcast %mul3A_2814 : i32 to vector<16xi32>
      %mul3A_2816 = arith.muli %get3A_2791, %mul3A_2815 : vector<16xi32>
      %add3A_2817 = arith.addi %mul3A_2816, %get3A_2796 : vector<16xi32>
      %swap3A_2818 = arith.constant 32 : index
      %swap3A_2819 = tpu.vector_load %arg20[%swap3A_2818] {strides = array<i32>} : memref<80xi32, #tpu.memory_space<vmem>>, vector<16xi32>,
      %swap3A_2820 = vector.shape_cast %swap3A_2819 : vector<16xi32> to vector<16xi32>
      %swap3A_2821 = vector.shape_cast %add3A_2817 : vector<16xi32> to vector<16xi32>
      tpu.vector_store %arg20[%swap3A_2818], %swap3A_2821 {strides = array<i32>} : memref<80xi32, #tpu.memory_space<vmem>>, vector<16xi32>,
      %get3A_2822 = arith.constant 0 : i32
      %get3A_2823 = arith.index_cast %get3A_2822 : i32 to index
      %get3A_2824 = arith.constant 48 : index
      %get3A_2825 = tpu.vector_load %arg18[%get3A_2823, %get3A_2824] {strides = array<i32>} : memref<5x80xi32, #tpu.memory_space<vmem>>, vector<1x16xi32>,
      %get3A_2826 = vector.shape_cast %get3A_2825 : vector<1x16xi32> to vector<16xi32>
      %get3A_2827 = arith.constant 1 : i32
      %get3A_2828 = arith.index_cast %get3A_2827 : i32 to index
      %get3A_2829 = arith.constant 48 : index
      %get3A_2830 = tpu.vector_load %arg18[%get3A_2828, %get3A_2829] {strides = array<i32>} : memref<5x80xi32, #tpu.memory_space<vmem>>, vector<1x16xi32>,
      %get3A_2831 = vector.shape_cast %get3A_2830 : vector<1x16xi32> to vector<16xi32>
      %get3A_2832 = arith.constant 2 : i32
      %get3A_2833 = arith.index_cast %get3A_2832 : i32 to index
      %get3A_2834 = arith.constant 48 : index
      %get3A_2835 = tpu.vector_load %arg18[%get3A_2833, %get3A_2834] {strides = array<i32>} : memref<5x80xi32, #tpu.memory_space<vmem>>, vector<1x16xi32>,
      %get3A_2836 = vector.shape_cast %get3A_2835 : vector<1x16xi32> to vector<16xi32>
      %get3A_2837 = arith.constant 3 : i32
      %get3A_2838 = arith.index_cast %get3A_2837 : i32 to index
      %get3A_2839 = arith.constant 48 : index
      %get3A_2840 = tpu.vector_load %arg18[%get3A_2838, %get3A_2839] {strides = array<i32>} : memref<5x80xi32, #tpu.memory_space<vmem>>, vector<1x16xi32>,
      %get3A_2841 = vector.shape_cast %get3A_2840 : vector<1x16xi32> to vector<16xi32>
      %get3A_2842 = arith.constant 4 : i32
      %get3A_2843 = arith.index_cast %get3A_2842 : i32 to index
      %get3A_2844 = arith.constant 48 : index
      %get3A_2845 = tpu.vector_load %arg18[%get3A_2843, %get3A_2844] {strides = array<i32>} : memref<5x80xi32, #tpu.memory_space<vmem>>, vector<1x16xi32>,
      %get3A_2846 = vector.shape_cast %get3A_2845 : vector<1x16xi32> to vector<16xi32>
      %mul3A_2847 = arith.constant 49 : i32
      %mul3A_2848 = vector.broadcast %mul3A_2847 : i32 to vector<16xi32>
      %mul3A_2849 = arith.muli %get3A_2826, %mul3A_2848 : vector<16xi32>
      %add3A_2850 = arith.addi %mul3A_2849, %get3A_2831 : vector<16xi32>
      %mul3A_2851 = arith.constant 48 : i32
      %mul3A_2852 = vector.broadcast %mul3A_2851 : i32 to vector<16xi32>
      %mul3A_2853 = arith.muli %add3A_2850, %mul3A_2852 : vector<16xi32>
      %add3A_2854 = arith.addi %mul3A_2853, %get3A_2846 : vector<16xi32>
      %swap3A_2855 = arith.constant 48 : index
      %swap3A_2856 = tpu.vector_load %arg19[%swap3A_2855] {strides = array<i32>} : memref<80xi32, #tpu.memory_space<vmem>>, vector<16xi32>,
      %swap3A_2857 = vector.shape_cast %swap3A_2856 : vector<16xi32> to vector<16xi32>
      %swap3A_2858 = vector.shape_cast %add3A_2854 : vector<16xi32> to vector<16xi32>
      tpu.vector_store %arg19[%swap3A_2855], %swap3A_2858 {strides = array<i32>} : memref<80xi32, #tpu.memory_space<vmem>>, vector<16xi32>,
      %mul3A_2859 = arith.constant 208 : i32
      %mul3A_2860 = vector.broadcast %mul3A_2859 : i32 to vector<16xi32>
      %mul3A_2861 = arith.muli %get3A_2836, %mul3A_2860 : vector<16xi32>
      %add3A_2862 = arith.addi %mul3A_2861, %get3A_2841 : vector<16xi32>
      %swap3A_2863 = arith.constant 48 : index
      %swap3A_2864 = tpu.vector_load %arg20[%swap3A_2863] {strides = array<i32>} : memref<80xi32, #tpu.memory_space<vmem>>, vector<16xi32>,
      %swap3A_2865 = vector.shape_cast %swap3A_2864 : vector<16xi32> to vector<16xi32>
      %swap3A_2866 = vector.shape_cast %add3A_2862 : vector<16xi32> to vector<16xi32>
      tpu.vector_store %arg20[%swap3A_2863], %swap3A_2866 {strides = array<i32>} : memref<80xi32, #tpu.memory_space<vmem>>, vector<16xi32>,
      %get3A_2867 = arith.constant 0 : i32
      %get3A_2868 = arith.index_cast %get3A_2867 : i32 to index
      %get3A_2869 = arith.constant 64 : index
      %get3A_2870 = tpu.vector_load %arg18[%get3A_2868, %get3A_2869] {strides = array<i32>} : memref<5x80xi32, #tpu.memory_space<vmem>>, vector<1x16xi32>,
      %get3A_2871 = vector.shape_cast %get3A_2870 : vector<1x16xi32> to vector<16xi32>
      %get3A_2872 = arith.constant 1 : i32
      %get3A_2873 = arith.index_cast %get3A_2872 : i32 to index
      %get3A_2874 = arith.constant 64 : index
      %get3A_2875 = tpu.vector_load %arg18[%get3A_2873, %get3A_2874] {strides = array<i32>} : memref<5x80xi32, #tpu.memory_space<vmem>>, vector<1x16xi32>,
      %get3A_2876 = vector.shape_cast %get3A_2875 : vector<1x16xi32> to vector<16xi32>
      %get3A_2877 = arith.constant 2 : i32
      %get3A_2878 = arith.index_cast %get3A_2877 : i32 to index
      %get3A_2879 = arith.constant 64 : index
      %get3A_2880 = tpu.vector_load %arg18[%get3A_2878, %get3A_2879] {strides = array<i32>} : memref<5x80xi32, #tpu.memory_space<vmem>>, vector<1x16xi32>,
      %get3A_2881 = vector.shape_cast %get3A_2880 : vector<1x16xi32> to vector<16xi32>
      %get3A_2882 = arith.constant 3 : i32
      %get3A_2883 = arith.index_cast %get3A_2882 : i32 to index
      %get3A_2884 = arith.constant 64 : index
      %get3A_2885 = tpu.vector_load %arg18[%get3A_2883, %get3A_2884] {strides = array<i32>} : memref<5x80xi32, #tpu.memory_space<vmem>>, vector<1x16xi32>,
      %get3A_2886 = vector.shape_cast %get3A_2885 : vector<1x16xi32> to vector<16xi32>
      %get3A_2887 = arith.constant 4 : i32
      %get3A_2888 = arith.index_cast %get3A_2887 : i32 to index
      %get3A_2889 = arith.constant 64 : index
      %get3A_2890 = tpu.vector_load %arg18[%get3A_2888, %get3A_2889] {strides = array<i32>} : memref<5x80xi32, #tpu.memory_space<vmem>>, vector<1x16xi32>,
      %get3A_2891 = vector.shape_cast %get3A_2890 : vector<1x16xi32> to vector<16xi32>
      %mul3A_2892 = arith.constant 49 : i32
      %mul3A_2893 = vector.broadcast %mul3A_2892 : i32 to vector<16xi32>
      %mul3A_2894 = arith.muli %get3A_2871, %mul3A_2893 : vector<16xi32>
      %add3A_2895 = arith.addi %mul3A_2894, %get3A_2876 : vector<16xi32>
      %mul3A_2896 = arith.constant 48 : i32
      %mul3A_2897 = vector.broadcast %mul3A_2896 : i32 to vector<16xi32>
      %mul3A_2898 = arith.muli %add3A_2895, %mul3A_2897 : vector<16xi32>
      %add3A_2899 = arith.addi %mul3A_2898, %get3A_2891 : vector<16xi32>
      %swap3A_2900 = arith.constant 64 : index
      %swap3A_2901 = tpu.vector_load %arg19[%swap3A_2900] {strides = array<i32>} : memref<80xi32, #tpu.memory_space<vmem>>, vector<16xi32>,
      %swap3A_2902 = vector.shape_cast %swap3A_2901 : vector<16xi32> to vector<16xi32>
      %swap3A_2903 = vector.shape_cast %add3A_2899 : vector<16xi32> to vector<16xi32>
      tpu.vector_store %arg19[%swap3A_2900], %swap3A_2903 {strides = array<i32>} : memref<80xi32, #tpu.memory_space<vmem>>, vector<16xi32>,
      %mul3A_2904 = arith.constant 208 : i32
      %mul3A_2905 = vector.broadcast %mul3A_2904 : i32 to vector<16xi32>
      %mul3A_2906 = arith.muli %get3A_2881, %mul3A_2905 : vector<16xi32>
      %add3A_2907 = arith.addi %mul3A_2906, %get3A_2886 : vector<16xi32>
      %swap3A_2908 = arith.constant 64 : index
      %swap3A_2909 = tpu.vector_load %arg20[%swap3A_2908] {strides = array<i32>} : memref<80xi32, #tpu.memory_space<vmem>>, vector<16xi32>,
      %swap3A_2910 = vector.shape_cast %swap3A_2909 : vector<16xi32> to vector<16xi32>
      %swap3A_2911 = vector.shape_cast %add3A_2907 : vector<16xi32> to vector<16xi32>
      tpu.vector_store %arg20[%swap3A_2908], %swap3A_2911 {strides = array<i32>} : memref<80xi32, #tpu.memory_space<vmem>>, vector<16xi32>,
      %dma_start3A_2912 = arith.constant 0 : i32
      %dma_start3A_2913 = arith.constant 0 : i32
      %dma_start3A_2914 = arith.constant 0 : i32
      %dma_start3A_2915 = tpu.memref_slice %arg21[%dma_start3A_2912, %dma_start3A_2913, %dma_start3A_2914] : memref<2x80x128xf32, #tpu.memory_space<vmem>> -> memref<1x80x128xf32, #tpu.memory_space<vmem>>
      %dma_start3A_2916 = tpu.memref_squeeze %dma_start3A_2915 : memref<1x80x128xf32, #tpu.memory_space<vmem>> -> memref<80x128xf32, #tpu.memory_space<vmem>>
      %dma_start3A_2917 = arith.constant 0 : i32
      %dma_start3A_2918 = arith.constant 0 : i32
      %dma_start3A_2919 = tpu.memref_slice %arg7[%dma_start3A_2917, %dma_start3A_2918] : memref<178752x128xf32, #tpu.memory_space<hbm>> -> memref<178752x128xf32, #tpu.memory_space<hbm>>
      tpu.enqueue_indirect_dma source(%dma_start3A_2919 : memref<178752x128xf32, #tpu.memory_space<hbm>>) target(%dma_start3A_2916 : memref<80x128xf32, #tpu.memory_space<vmem>>) offsets(%arg19 : memref<80xi32, #tpu.memory_space<vmem>>) semaphore(%arg24 : memref<!tpu.dma_semaphore, #tpu.memory_space<semaphore_mem>>)
      %dma_start3A_2920 = arith.constant 1 : i32
      %dma_start3A_2921 = arith.constant 0 : i32
      %dma_start3A_2922 = arith.constant 0 : i32
      %dma_start3A_2923 = tpu.memref_slice %arg21[%dma_start3A_2920, %dma_start3A_2921, %dma_start3A_2922] : memref<2x80x128xf32, #tpu.memory_space<vmem>> -> memref<1x80x128xf32, #tpu.memory_space<vmem>>
      %dma_start3A_2924 = tpu.memref_squeeze %dma_start3A_2923 : memref<1x80x128xf32, #tpu.memory_space<vmem>> -> memref<80x128xf32, #tpu.memory_space<vmem>>
      %dma_start3A_2925 = arith.constant 0 : i32
      %dma_start3A_2926 = arith.constant 0 : i32
      %dma_start3A_2927 = tpu.memref_slice %arg8[%dma_start3A_2925, %dma_start3A_2926] : memref<42016x128xf32, #tpu.memory_space<hbm>> -> memref<42016x128xf32, #tpu.memory_space<hbm>>
      tpu.enqueue_indirect_dma source(%dma_start3A_2927 : memref<42016x128xf32, #tpu.memory_space<hbm>>) target(%dma_start3A_2924 : memref<80x128xf32, #tpu.memory_space<vmem>>) offsets(%arg20 : memref<80xi32, #tpu.memory_space<vmem>>) semaphore(%arg24 : memref<!tpu.dma_semaphore, #tpu.memory_space<semaphore_mem>>)
      %add3A_2928 = arith.constant 3 : i32
      %add3A_2929 = arith.addi %add3A_2615, %add3A_2928 : i32
      %lt3A_2930 = arith.constant 320 : i32
      %lt3A_2931 = arith.cmpi slt, %add3A_2929, %lt3A_2930 : i32
      %convert_element_type3A_2932 = arith.extui %lt3A_2931 : i1 to i32
      %cond3A_2933 = arith.constant 0 : i32
      %cond3A_2934 = arith.cmpi ne, %convert_element_type3A_2932, %cond3A_2933 : i32
      scf.if %cond3A_2934 {
        %add3A_2954 = arith.constant 3 : i32
        %add3A_2955 = arith.addi %add3A_2615, %add3A_2954 : i32
        %mul3A_2956 = arith.constant 80 : i32
        %mul3A_2957 = arith.muli %add3A_2955, %mul3A_2956 : i32
        %add3A_2958 = arith.addi %mul3A_2, %mul3A_2957 : i32
        %dma_start3A_2959 = arith.constant 0 : i32
        %dma_start3A_2960 = arith.constant 0 : i32
        %dma_start3A_2961 = tpu.memref_slice %arg26[%dma_start3A_2959, %dma_start3A_2960] : memref<5x80xi32, #tpu.memory_space<vmem>> -> memref<1x80xi32, #tpu.memory_space<vmem>>
        %dma_start3A_2962 = tpu.memref_squeeze %dma_start3A_2961 : memref<1x80xi32, #tpu.memory_space<vmem>> -> memref<80xi32, #tpu.memory_space<vmem>>
        %dma_start3A_2963 = tpu.memref_slice %arg2[%add3A_2958] : memref<819200xi32, #tpu.memory_space<hbm>> -> memref<80xi32, #tpu.memory_space<hbm>>
        %dma_start3A_2964 = arith.constant 0 : i32
        %dma_start3A_2965 = tpu.memref_slice %arg26[%dma_start3A_2959, %dma_start3A_2964] : memref<5x80xi32, #tpu.memory_space<vmem>> -> memref<1x80xi32, #tpu.memory_space<vmem>>
        %dma_start3A_2966 = tpu.memref_squeeze %dma_start3A_2965 : memref<1x80xi32, #tpu.memory_space<vmem>> -> memref<80xi32, #tpu.memory_space<vmem>>
        %dma_start3A_2967 = tpu.memref_slice %arg2[%add3A_2958] : memref<819200xi32, #tpu.memory_space<hbm>> -> memref<80xi32, #tpu.memory_space<hbm>>
        tpu.enqueue_dma source(%dma_start3A_2967 : memref<80xi32, #tpu.memory_space<hbm>>) target(%dma_start3A_2966 : memref<80xi32, #tpu.memory_space<vmem>>) target_semaphore(%arg31 : memref<!tpu.dma_semaphore, #tpu.memory_space<semaphore_mem>>)
        %dma_start3A_2968 = arith.constant 1 : i32
        %dma_start3A_2969 = arith.constant 0 : i32
        %dma_start3A_2970 = tpu.memref_slice %arg26[%dma_start3A_2968, %dma_start3A_2969] : memref<5x80xi32, #tpu.memory_space<vmem>> -> memref<1x80xi32, #tpu.memory_space<vmem>>
        %dma_start3A_2971 = tpu.memref_squeeze %dma_start3A_2970 : memref<1x80xi32, #tpu.memory_space<vmem>> -> memref<80xi32, #tpu.memory_space<vmem>>
        %dma_start3A_2972 = tpu.memref_slice %arg3[%add3A_2958] : memref<819200xi32, #tpu.memory_space<hbm>> -> memref<80xi32, #tpu.memory_space<hbm>>
        %dma_start3A_2973 = arith.constant 0 : i32
        %dma_start3A_2974 = tpu.memref_slice %arg26[%dma_start3A_2968, %dma_start3A_2973] : memref<5x80xi32, #tpu.memory_space<vmem>> -> memref<1x80xi32, #tpu.memory_space<vmem>>
        %dma_start3A_2975 = tpu.memref_squeeze %dma_start3A_2974 : memref<1x80xi32, #tpu.memory_space<vmem>> -> memref<80xi32, #tpu.memory_space<vmem>>
        %dma_start3A_2976 = tpu.memref_slice %arg3[%add3A_2958] : memref<819200xi32, #tpu.memory_space<hbm>> -> memref<80xi32, #tpu.memory_space<hbm>>
        tpu.enqueue_dma source(%dma_start3A_2976 : memref<80xi32, #tpu.memory_space<hbm>>) target(%dma_start3A_2975 : memref<80xi32, #tpu.memory_space<vmem>>) target_semaphore(%arg31 : memref<!tpu.dma_semaphore, #tpu.memory_space<semaphore_mem>>)
        %dma_start3A_2977 = arith.constant 2 : i32
        %dma_start3A_2978 = arith.constant 0 : i32
        %dma_start3A_2979 = tpu.memref_slice %arg26[%dma_start3A_2977, %dma_start3A_2978] : memref<5x80xi32, #tpu.memory_space<vmem>> -> memref<1x80xi32, #tpu.memory_space<vmem>>
        %dma_start3A_2980 = tpu.memref_squeeze %dma_start3A_2979 : memref<1x80xi32, #tpu.memory_space<vmem>> -> memref<80xi32, #tpu.memory_space<vmem>>
        %dma_start3A_2981 = tpu.memref_slice %arg4[%add3A_2958] : memref<819200xi32, #tpu.memory_space<hbm>> -> memref<80xi32, #tpu.memory_space<hbm>>
        %dma_start3A_2982 = arith.constant 0 : i32
        %dma_start3A_2983 = tpu.memref_slice %arg26[%dma_start3A_2977, %dma_start3A_2982] : memref<5x80xi32, #tpu.memory_space<vmem>> -> memref<1x80xi32, #tpu.memory_space<vmem>>
        %dma_start3A_2984 = tpu.memref_squeeze %dma_start3A_2983 : memref<1x80xi32, #tpu.memory_space<vmem>> -> memref<80xi32, #tpu.memory_space<vmem>>
        %dma_start3A_2985 = tpu.memref_slice %arg4[%add3A_2958] : memref<819200xi32, #tpu.memory_space<hbm>> -> memref<80xi32, #tpu.memory_space<hbm>>
        tpu.enqueue_dma source(%dma_start3A_2985 : memref<80xi32, #tpu.memory_space<hbm>>) target(%dma_start3A_2984 : memref<80xi32, #tpu.memory_space<vmem>>) target_semaphore(%arg31 : memref<!tpu.dma_semaphore, #tpu.memory_space<semaphore_mem>>)
        %dma_start3A_2986 = arith.constant 3 : i32
        %dma_start3A_2987 = arith.constant 0 : i32
        %dma_start3A_2988 = tpu.memref_slice %arg26[%dma_start3A_2986, %dma_start3A_2987] : memref<5x80xi32, #tpu.memory_space<vmem>> -> memref<1x80xi32, #tpu.memory_space<vmem>>
        %dma_start3A_2989 = tpu.memref_squeeze %dma_start3A_2988 : memref<1x80xi32, #tpu.memory_space<vmem>> -> memref<80xi32, #tpu.memory_space<vmem>>
        %dma_start3A_2990 = tpu.memref_slice %arg5[%add3A_2958] : memref<819200xi32, #tpu.memory_space<hbm>> -> memref<80xi32, #tpu.memory_space<hbm>>
        %dma_start3A_2991 = arith.constant 0 : i32
        %dma_start3A_2992 = tpu.memref_slice %arg26[%dma_start3A_2986, %dma_start3A_2991] : memref<5x80xi32, #tpu.memory_space<vmem>> -> memref<1x80xi32, #tpu.memory_space<vmem>>
        %dma_start3A_2993 = tpu.memref_squeeze %dma_start3A_2992 : memref<1x80xi32, #tpu.memory_space<vmem>> -> memref<80xi32, #tpu.memory_space<vmem>>
        %dma_start3A_2994 = tpu.memref_slice %arg5[%add3A_2958] : memref<819200xi32, #tpu.memory_space<hbm>> -> memref<80xi32, #tpu.memory_space<hbm>>
        tpu.enqueue_dma source(%dma_start3A_2994 : memref<80xi32, #tpu.memory_space<hbm>>) target(%dma_start3A_2993 : memref<80xi32, #tpu.memory_space<vmem>>) target_semaphore(%arg31 : memref<!tpu.dma_semaphore, #tpu.memory_space<semaphore_mem>>)
        %dma_start3A_2995 = arith.constant 4 : i32
        %dma_start3A_2996 = arith.constant 0 : i32
        %dma_start3A_2997 = tpu.memref_slice %arg26[%dma_start3A_2995, %dma_start3A_2996] : memref<5x80xi32, #tpu.memory_space<vmem>> -> memref<1x80xi32, #tpu.memory_space<vmem>>
        %dma_start3A_2998 = tpu.memref_squeeze %dma_start3A_2997 : memref<1x80xi32, #tpu.memory_space<vmem>> -> memref<80xi32, #tpu.memory_space<vmem>>
        %dma_start3A_2999 = tpu.memref_slice %arg6[%add3A_2958] : memref<819200xi32, #tpu.memory_space<hbm>> -> memref<80xi32, #tpu.memory_space<hbm>>
        %dma_start3A_3000 = arith.constant 0 : i32
        %dma_start3A_3001 = tpu.memref_slice %arg26[%dma_start3A_2995, %dma_start3A_3000] : memref<5x80xi32, #tpu.memory_space<vmem>> -> memref<1x80xi32, #tpu.memory_space<vmem>>
        %dma_start3A_3002 = tpu.memref_squeeze %dma_start3A_3001 : memref<1x80xi32, #tpu.memory_space<vmem>> -> memref<80xi32, #tpu.memory_space<vmem>>
        %dma_start3A_3003 = tpu.memref_slice %arg6[%add3A_2958] : memref<819200xi32, #tpu.memory_space<hbm>> -> memref<80xi32, #tpu.memory_space<hbm>>
        tpu.enqueue_dma source(%dma_start3A_3003 : memref<80xi32, #tpu.memory_space<hbm>>) target(%dma_start3A_3002 : memref<80xi32, #tpu.memory_space<vmem>>) target_semaphore(%arg31 : memref<!tpu.dma_semaphore, #tpu.memory_space<semaphore_mem>>)
      } else {
      }
      %dma_wait3A_2935 = arith.constant 0 : i32
      %dma_wait3A_2936 = arith.constant 0 : i32
      %dma_wait3A_2937 = tpu.memref_slice %arg9[%dma_wait3A_2935, %dma_wait3A_2936] : memref<819200x128xf32, #tpu.memory_space<hbm>> -> memref<80x128xf32, #tpu.memory_space<hbm>>
      %dma_wait3A_2938 = arith.constant 0 : i32
      %dma_wait3A_2939 = arith.constant 0 : i32
      %dma_wait3A_2940 = tpu.memref_slice %arg9[%dma_wait3A_2938, %dma_wait3A_2939] : memref<819200x128xf32, #tpu.memory_space<hbm>> -> memref<80x128xf32, #tpu.memory_space<hbm>>
      tpu.wait_dma2 semaphore(%arg33 : memref<!tpu.dma_semaphore, #tpu.memory_space<semaphore_mem>>) src(%arg30 : memref<80x128xf32, #tpu.memory_space<vmem>>) dst(%dma_wait3A_2940 : memref<80x128xf32, #tpu.memory_space<hbm>>)
      %scan3A_2941 = arith.constant 0 : i32
      %scan3A_2942 = arith.constant 0 : i32
      %scan3A_2943 = arith.constant 80 : i32
      %scan3A_2944 = arith.addi %scan3A_2942, %scan3A_2943 : i32
      %scan3A_2945 = arith.constant 1 : i32
      scf.for %scan3A_2954 = %scan3A_2942 to %scan3A_2944 step %scan3A_2945  : i32 {
        %get3A_2955 = arith.constant 0 : i32
        %get3A_2956 = arith.index_cast %get3A_2955 : i32 to index
        %get3A_2957 = arith.index_cast %scan3A_2954 : i32 to index
        %get3A_2958 = arith.constant 0 : index
        %get3A_2959 = tpu.vector_load %arg29[%get3A_2956, %get3A_2957, %get3A_2958] {strides = array<i32>} : memref<2x80x128xf32, #tpu.memory_space<vmem>>, vector<1x1x16xf32>,
        %get3A_2960 = vector.shape_cast %get3A_2959 : vector<1x1x16xf32> to vector<16xf32>
        %get3A_2961 = arith.constant 1 : i32
        %get3A_2962 = arith.index_cast %get3A_2961 : i32 to index
        %get3A_2963 = arith.index_cast %scan3A_2954 : i32 to index
        %get3A_2964 = arith.constant 0 : index
        %get3A_2965 = tpu.vector_load %arg29[%get3A_2962, %get3A_2963, %get3A_2964] {strides = array<i32>} : memref<2x80x128xf32, #tpu.memory_space<vmem>>, vector<1x1x16xf32>,
        %get3A_2966 = vector.shape_cast %get3A_2965 : vector<1x1x16xf32> to vector<16xf32>
        %add3A_2967 = arith.addf %get3A_2960, %get3A_2966 : vector<16xf32>
        %swap3A_2968 = arith.index_cast %scan3A_2954 : i32 to index
        %swap3A_2969 = arith.constant 0 : index
        %swap3A_2970 = tpu.vector_load %arg30[%swap3A_2968, %swap3A_2969] {strides = array<i32>} : memref<80x128xf32, #tpu.memory_space<vmem>>, vector<1x16xf32>,
        %swap3A_2971 = vector.shape_cast %swap3A_2970 : vector<1x16xf32> to vector<16xf32>
        %swap3A_2972 = vector.shape_cast %add3A_2967 : vector<16xf32> to vector<1x16xf32>
        tpu.vector_store %arg30[%swap3A_2968, %swap3A_2969], %swap3A_2972 {strides = array<i32>} : memref<80x128xf32, #tpu.memory_space<vmem>>, vector<1x16xf32>,
        %get3A_2973 = arith.constant 0 : i32
        %get3A_2974 = arith.index_cast %get3A_2973 : i32 to index
        %get3A_2975 = arith.index_cast %scan3A_2954 : i32 to index
        %get3A_2976 = arith.constant 16 : index
        %get3A_2977 = tpu.vector_load %arg29[%get3A_2974, %get3A_2975, %get3A_2976] {strides = array<i32>} : memref<2x80x128xf32, #tpu.memory_space<vmem>>, vector<1x1x16xf32>,
        %get3A_2978 = vector.shape_cast %get3A_2977 : vector<1x1x16xf32> to vector<16xf32>
        %get3A_2979 = arith.constant 1 : i32
        %get3A_2980 = arith.index_cast %get3A_2979 : i32 to index
        %get3A_2981 = arith.index_cast %scan3A_2954 : i32 to index
        %get3A_2982 = arith.constant 16 : index
        %get3A_2983 = tpu.vector_load %arg29[%get3A_2980, %get3A_2981, %get3A_2982] {strides = array<i32>} : memref<2x80x128xf32, #tpu.memory_space<vmem>>, vector<1x1x16xf32>,
        %get3A_2984 = vector.shape_cast %get3A_2983 : vector<1x1x16xf32> to vector<16xf32>
        %add3A_2985 = arith.addf %get3A_2978, %get3A_2984 : vector<16xf32>
        %swap3A_2986 = arith.index_cast %scan3A_2954 : i32 to index
        %swap3A_2987 = arith.constant 16 : index
        %swap3A_2988 = tpu.vector_load %arg30[%swap3A_2986, %swap3A_2987] {strides = array<i32>} : memref<80x128xf32, #tpu.memory_space<vmem>>, vector<1x16xf32>,
        %swap3A_2989 = vector.shape_cast %swap3A_2988 : vector<1x16xf32> to vector<16xf32>
        %swap3A_2990 = vector.shape_cast %add3A_2985 : vector<16xf32> to vector<1x16xf32>
        tpu.vector_store %arg30[%swap3A_2986, %swap3A_2987], %swap3A_2990 {strides = array<i32>} : memref<80x128xf32, #tpu.memory_space<vmem>>, vector<1x16xf32>,
        %get3A_2991 = arith.constant 0 : i32
        %get3A_2992 = arith.index_cast %get3A_2991 : i32 to index
        %get3A_2993 = arith.index_cast %scan3A_2954 : i32 to index
        %get3A_2994 = arith.constant 32 : index
        %get3A_2995 = tpu.vector_load %arg29[%get3A_2992, %get3A_2993, %get3A_2994] {strides = array<i32>} : memref<2x80x128xf32, #tpu.memory_space<vmem>>, vector<1x1x16xf32>,
        %get3A_2996 = vector.shape_cast %get3A_2995 : vector<1x1x16xf32> to vector<16xf32>
        %get3A_2997 = arith.constant 1 : i32
        %get3A_2998 = arith.index_cast %get3A_2997 : i32 to index
        %get3A_2999 = arith.index_cast %scan3A_2954 : i32 to index
        %get3A_3000 = arith.constant 32 : index
        %get3A_3001 = tpu.vector_load %arg29[%get3A_2998, %get3A_2999, %get3A_3000] {strides = array<i32>} : memref<2x80x128xf32, #tpu.memory_space<vmem>>, vector<1x1x16xf32>,
        %get3A_3002 = vector.shape_cast %get3A_3001 : vector<1x1x16xf32> to vector<16xf32>
        %add3A_3003 = arith.addf %get3A_2996, %get3A_3002 : vector<16xf32>
        %swap3A_3004 = arith.index_cast %scan3A_2954 : i32 to index
        %swap3A_3005 = arith.constant 32 : index
        %swap3A_3006 = tpu.vector_load %arg30[%swap3A_3004, %swap3A_3005] {strides = array<i32>} : memref<80x128xf32, #tpu.memory_space<vmem>>, vector<1x16xf32>,
        %swap3A_3007 = vector.shape_cast %swap3A_3006 : vector<1x16xf32> to vector<16xf32>
        %swap3A_3008 = vector.shape_cast %add3A_3003 : vector<16xf32> to vector<1x16xf32>
        tpu.vector_store %arg30[%swap3A_3004, %swap3A_3005], %swap3A_3008 {strides = array<i32>} : memref<80x128xf32, #tpu.memory_space<vmem>>, vector<1x16xf32>,
        %get3A_3009 = arith.constant 0 : i32
        %get3A_3010 = arith.index_cast %get3A_3009 : i32 to index
        %get3A_3011 = arith.index_cast %scan3A_2954 : i32 to index
        %get3A_3012 = arith.constant 48 : index
        %get3A_3013 = tpu.vector_load %arg29[%get3A_3010, %get3A_3011, %get3A_3012] {strides = array<i32>} : memref<2x80x128xf32, #tpu.memory_space<vmem>>, vector<1x1x16xf32>,
        %get3A_3014 = vector.shape_cast %get3A_3013 : vector<1x1x16xf32> to vector<16xf32>
        %get3A_3015 = arith.constant 1 : i32
        %get3A_3016 = arith.index_cast %get3A_3015 : i32 to index
        %get3A_3017 = arith.index_cast %scan3A_2954 : i32 to index
        %get3A_3018 = arith.constant 48 : index
        %get3A_3019 = tpu.vector_load %arg29[%get3A_3016, %get3A_3017, %get3A_3018] {strides = array<i32>} : memref<2x80x128xf32, #tpu.memory_space<vmem>>, vector<1x1x16xf32>,
        %get3A_3020 = vector.shape_cast %get3A_3019 : vector<1x1x16xf32> to vector<16xf32>
        %add3A_3021 = arith.addf %get3A_3014, %get3A_3020 : vector<16xf32>
        %swap3A_3022 = arith.index_cast %scan3A_2954 : i32 to index
        %swap3A_3023 = arith.constant 48 : index
        %swap3A_3024 = tpu.vector_load %arg30[%swap3A_3022, %swap3A_3023] {strides = array<i32>} : memref<80x128xf32, #tpu.memory_space<vmem>>, vector<1x16xf32>,
        %swap3A_3025 = vector.shape_cast %swap3A_3024 : vector<1x16xf32> to vector<16xf32>
        %swap3A_3026 = vector.shape_cast %add3A_3021 : vector<16xf32> to vector<1x16xf32>
        tpu.vector_store %arg30[%swap3A_3022, %swap3A_3023], %swap3A_3026 {strides = array<i32>} : memref<80x128xf32, #tpu.memory_space<vmem>>, vector<1x16xf32>,
        %get3A_3027 = arith.constant 0 : i32
        %get3A_3028 = arith.index_cast %get3A_3027 : i32 to index
        %get3A_3029 = arith.index_cast %scan3A_2954 : i32 to index
        %get3A_3030 = arith.constant 64 : index
        %get3A_3031 = tpu.vector_load %arg29[%get3A_3028, %get3A_3029, %get3A_3030] {strides = array<i32>} : memref<2x80x128xf32, #tpu.memory_space<vmem>>, vector<1x1x16xf32>,
        %get3A_3032 = vector.shape_cast %get3A_3031 : vector<1x1x16xf32> to vector<16xf32>
        %get3A_3033 = arith.constant 1 : i32
        %get3A_3034 = arith.index_cast %get3A_3033 : i32 to index
        %get3A_3035 = arith.index_cast %scan3A_2954 : i32 to index
        %get3A_3036 = arith.constant 64 : index
        %get3A_3037 = tpu.vector_load %arg29[%get3A_3034, %get3A_3035, %get3A_3036] {strides = array<i32>} : memref<2x80x128xf32, #tpu.memory_space<vmem>>, vector<1x1x16xf32>,
        %get3A_3038 = vector.shape_cast %get3A_3037 : vector<1x1x16xf32> to vector<16xf32>
        %add3A_3039 = arith.addf %get3A_3032, %get3A_3038 : vector<16xf32>
        %swap3A_3040 = arith.index_cast %scan3A_2954 : i32 to index
        %swap3A_3041 = arith.constant 64 : index
        %swap3A_3042 = tpu.vector_load %arg30[%swap3A_3040, %swap3A_3041] {strides = array<i32>} : memref<80x128xf32, #tpu.memory_space<vmem>>, vector<1x16xf32>,
        %swap3A_3043 = vector.shape_cast %swap3A_3042 : vector<1x16xf32> to vector<16xf32>
        %swap3A_3044 = vector.shape_cast %add3A_3039 : vector<16xf32> to vector<1x16xf32>
        tpu.vector_store %arg30[%swap3A_3040, %swap3A_3041], %swap3A_3044 {strides = array<i32>} : memref<80x128xf32, #tpu.memory_space<vmem>>, vector<1x16xf32>,
        %get3A_3045 = arith.constant 0 : i32
        %get3A_3046 = arith.index_cast %get3A_3045 : i32 to index
        %get3A_3047 = arith.index_cast %scan3A_2954 : i32 to index
        %get3A_3048 = arith.constant 80 : index
        %get3A_3049 = tpu.vector_load %arg29[%get3A_3046, %get3A_3047, %get3A_3048] {strides = array<i32>} : memref<2x80x128xf32, #tpu.memory_space<vmem>>, vector<1x1x16xf32>,
        %get3A_3050 = vector.shape_cast %get3A_3049 : vector<1x1x16xf32> to vector<16xf32>
        %get3A_3051 = arith.constant 1 : i32
        %get3A_3052 = arith.index_cast %get3A_3051 : i32 to index
        %get3A_3053 = arith.index_cast %scan3A_2954 : i32 to index
        %get3A_3054 = arith.constant 80 : index
        %get3A_3055 = tpu.vector_load %arg29[%get3A_3052, %get3A_3053, %get3A_3054] {strides = array<i32>} : memref<2x80x128xf32, #tpu.memory_space<vmem>>, vector<1x1x16xf32>,
        %get3A_3056 = vector.shape_cast %get3A_3055 : vector<1x1x16xf32> to vector<16xf32>
        %add3A_3057 = arith.addf %get3A_3050, %get3A_3056 : vector<16xf32>
        %swap3A_3058 = arith.index_cast %scan3A_2954 : i32 to index
        %swap3A_3059 = arith.constant 80 : index
        %swap3A_3060 = tpu.vector_load %arg30[%swap3A_3058, %swap3A_3059] {strides = array<i32>} : memref<80x128xf32, #tpu.memory_space<vmem>>, vector<1x16xf32>,
        %swap3A_3061 = vector.shape_cast %swap3A_3060 : vector<1x16xf32> to vector<16xf32>
        %swap3A_3062 = vector.shape_cast %add3A_3057 : vector<16xf32> to vector<1x16xf32>
        tpu.vector_store %arg30[%swap3A_3058, %swap3A_3059], %swap3A_3062 {strides = array<i32>} : memref<80x128xf32, #tpu.memory_space<vmem>>, vector<1x16xf32>,
        %get3A_3063 = arith.constant 0 : i32
        %get3A_3064 = arith.index_cast %get3A_3063 : i32 to index
        %get3A_3065 = arith.index_cast %scan3A_2954 : i32 to index
        %get3A_3066 = arith.constant 96 : index
        %get3A_3067 = tpu.vector_load %arg29[%get3A_3064, %get3A_3065, %get3A_3066] {strides = array<i32>} : memref<2x80x128xf32, #tpu.memory_space<vmem>>, vector<1x1x16xf32>,
        %get3A_3068 = vector.shape_cast %get3A_3067 : vector<1x1x16xf32> to vector<16xf32>
        %get3A_3069 = arith.constant 1 : i32
        %get3A_3070 = arith.index_cast %get3A_3069 : i32 to index
        %get3A_3071 = arith.index_cast %scan3A_2954 : i32 to index
        %get3A_3072 = arith.constant 96 : index
        %get3A_3073 = tpu.vector_load %arg29[%get3A_3070, %get3A_3071, %get3A_3072] {strides = array<i32>} : memref<2x80x128xf32, #tpu.memory_space<vmem>>, vector<1x1x16xf32>,
        %get3A_3074 = vector.shape_cast %get3A_3073 : vector<1x1x16xf32> to vector<16xf32>
        %add3A_3075 = arith.addf %get3A_3068, %get3A_3074 : vector<16xf32>
        %swap3A_3076 = arith.index_cast %scan3A_2954 : i32 to index
        %swap3A_3077 = arith.constant 96 : index
        %swap3A_3078 = tpu.vector_load %arg30[%swap3A_3076, %swap3A_3077] {strides = array<i32>} : memref<80x128xf32, #tpu.memory_space<vmem>>, vector<1x16xf32>,
        %swap3A_3079 = vector.shape_cast %swap3A_3078 : vector<1x16xf32> to vector<16xf32>
        %swap3A_3080 = vector.shape_cast %add3A_3075 : vector<16xf32> to vector<1x16xf32>
        tpu.vector_store %arg30[%swap3A_3076, %swap3A_3077], %swap3A_3080 {strides = array<i32>} : memref<80x128xf32, #tpu.memory_space<vmem>>, vector<1x16xf32>,
        %get3A_3081 = arith.constant 0 : i32
        %get3A_3082 = arith.index_cast %get3A_3081 : i32 to index
        %get3A_3083 = arith.index_cast %scan3A_2954 : i32 to index
        %get3A_3084 = arith.constant 112 : index
        %get3A_3085 = tpu.vector_load %arg29[%get3A_3082, %get3A_3083, %get3A_3084] {strides = array<i32>} : memref<2x80x128xf32, #tpu.memory_space<vmem>>, vector<1x1x16xf32>,
        %get3A_3086 = vector.shape_cast %get3A_3085 : vector<1x1x16xf32> to vector<16xf32>
        %get3A_3087 = arith.constant 1 : i32
        %get3A_3088 = arith.index_cast %get3A_3087 : i32 to index
        %get3A_3089 = arith.index_cast %scan3A_2954 : i32 to index
        %get3A_3090 = arith.constant 112 : index
        %get3A_3091 = tpu.vector_load %arg29[%get3A_3088, %get3A_3089, %get3A_3090] {strides = array<i32>} : memref<2x80x128xf32, #tpu.memory_space<vmem>>, vector<1x1x16xf32>,
        %get3A_3092 = vector.shape_cast %get3A_3091 : vector<1x1x16xf32> to vector<16xf32>
        %add3A_3093 = arith.addf %get3A_3086, %get3A_3092 : vector<16xf32>
        %swap3A_3094 = arith.index_cast %scan3A_2954 : i32 to index
        %swap3A_3095 = arith.constant 112 : index
        %swap3A_3096 = tpu.vector_load %arg30[%swap3A_3094, %swap3A_3095] {strides = array<i32>} : memref<80x128xf32, #tpu.memory_space<vmem>>, vector<1x16xf32>,
        %swap3A_3097 = vector.shape_cast %swap3A_3096 : vector<1x16xf32> to vector<16xf32>
        %swap3A_3098 = vector.shape_cast %add3A_3093 : vector<16xf32> to vector<1x16xf32>
        tpu.vector_store %arg30[%swap3A_3094, %swap3A_3095], %swap3A_3098 {strides = array<i32>} : memref<80x128xf32, #tpu.memory_space<vmem>>, vector<1x16xf32>,
      }
      %scan3A_2946 = arith.constant 80 : i32
      %mul3A_2947 = arith.constant 80 : i32
      %mul3A_2948 = arith.muli %add3A_2615, %mul3A_2947 : i32
      %add3A_2949 = arith.addi %mul3A_2, %mul3A_2948 : i32
      %dma_start3A_2950 = arith.constant 0 : i32
      %dma_start3A_2951 = tpu.memref_slice %arg9[%add3A_2949, %dma_start3A_2950] : memref<819200x128xf32, #tpu.memory_space<hbm>> -> memref<80x128xf32, #tpu.memory_space<hbm>>
      %dma_start3A_2952 = arith.constant 0 : i32
      %dma_start3A_2953 = tpu.memref_slice %arg9[%add3A_2949, %dma_start3A_2952] : memref<819200x128xf32, #tpu.memory_space<hbm>> -> memref<80x128xf32, #tpu.memory_space<hbm>>
      tpu.enqueue_dma source(%arg30 : memref<80x128xf32, #tpu.memory_space<vmem>>) target(%dma_start3A_2953 : memref<80x128xf32, #tpu.memory_space<hbm>>) target_semaphore(%arg33 : memref<!tpu.dma_semaphore, #tpu.memory_space<semaphore_mem>>)
    }
    %scan3A_1849 = arith.constant 105 : i32
    %dma_wait3A_1850 = arith.constant 0 : i32
    %dma_wait3A_1851 = arith.constant 0 : i32
    %dma_wait3A_1852 = arith.constant 0 : i32
    %dma_wait3A_1853 = tpu.memref_slice %arg13[%dma_wait3A_1850, %dma_wait3A_1851, %dma_wait3A_1852] : memref<2x80x128xf32, #tpu.memory_space<vmem>> -> memref<1x80x128xf32, #tpu.memory_space<vmem>>
    %dma_wait3A_1854 = tpu.memref_squeeze %dma_wait3A_1853 : memref<1x80x128xf32, #tpu.memory_space<vmem>> -> memref<80x128xf32, #tpu.memory_space<vmem>>
    %dma_wait3A_1855 = arith.constant 0 : i32
    %dma_wait3A_1856 = arith.constant 0 : i32
    %dma_wait3A_1857 = tpu.memref_slice %arg7[%dma_wait3A_1855, %dma_wait3A_1856] : memref<178752x128xf32, #tpu.memory_space<hbm>> -> memref<178752x128xf32, #tpu.memory_space<hbm>>
    tpu.wait_indirect_dma semaphore(%arg16 : memref<!tpu.dma_semaphore, #tpu.memory_space<semaphore_mem>>) src(%dma_wait3A_1857 : memref<178752x128xf32, #tpu.memory_space<hbm>>) dst(%dma_wait3A_1854 : memref<80x128xf32, #tpu.memory_space<vmem>>)
    %dma_wait3A_1858 = arith.constant 1 : i32
    %dma_wait3A_1859 = arith.constant 0 : i32
    %dma_wait3A_1860 = arith.constant 0 : i32
    %dma_wait3A_1861 = tpu.memref_slice %arg13[%dma_wait3A_1858, %dma_wait3A_1859, %dma_wait3A_1860] : memref<2x80x128xf32, #tpu.memory_space<vmem>> -> memref<1x80x128xf32, #tpu.memory_space<vmem>>
    %dma_wait3A_1862 = tpu.memref_squeeze %dma_wait3A_1861 : memref<1x80x128xf32, #tpu.memory_space<vmem>> -> memref<80x128xf32, #tpu.memory_space<vmem>>
    %dma_wait3A_1863 = arith.constant 0 : i32
    %dma_wait3A_1864 = arith.constant 0 : i32
    %dma_wait3A_1865 = tpu.memref_slice %arg8[%dma_wait3A_1863, %dma_wait3A_1864] : memref<42016x128xf32, #tpu.memory_space<hbm>> -> memref<42016x128xf32, #tpu.memory_space<hbm>>
    tpu.wait_indirect_dma semaphore(%arg16 : memref<!tpu.dma_semaphore, #tpu.memory_space<semaphore_mem>>) src(%dma_wait3A_1865 : memref<42016x128xf32, #tpu.memory_space<hbm>>) dst(%dma_wait3A_1862 : memref<80x128xf32, #tpu.memory_space<vmem>>)
    %dma_wait3A_1866 = arith.constant 0 : i32
    %dma_wait3A_1867 = arith.constant 0 : i32
    %dma_wait3A_1868 = tpu.memref_slice %arg9[%dma_wait3A_1866, %dma_wait3A_1867] : memref<819200x128xf32, #tpu.memory_space<hbm>> -> memref<80x128xf32, #tpu.memory_space<hbm>>
    %dma_wait3A_1869 = arith.constant 0 : i32
    %dma_wait3A_1870 = arith.constant 0 : i32
    %dma_wait3A_1871 = tpu.memref_slice %arg9[%dma_wait3A_1869, %dma_wait3A_1870] : memref<819200x128xf32, #tpu.memory_space<hbm>> -> memref<80x128xf32, #tpu.memory_space<hbm>>
    tpu.wait_dma2 semaphore(%arg17 : memref<!tpu.dma_semaphore, #tpu.memory_space<semaphore_mem>>) src(%arg14 : memref<80x128xf32, #tpu.memory_space<vmem>>) dst(%dma_wait3A_1871 : memref<80x128xf32, #tpu.memory_space<hbm>>)
    %scan3A_1872 = arith.constant 0 : i32
    %scan3A_1873 = arith.constant 0 : i32
    %scan3A_1874 = arith.constant 80 : i32
    %scan3A_1875 = arith.addi %scan3A_1873, %scan3A_1874 : i32
    %scan3A_1876 = arith.constant 1 : i32
    scf.for %scan3A_1936 = %scan3A_1873 to %scan3A_1875 step %scan3A_1876  : i32 {
      %get3A_1937 = arith.constant 0 : i32
      %get3A_1938 = arith.index_cast %get3A_1937 : i32 to index
      %get3A_1939 = arith.index_cast %scan3A_1936 : i32 to index
      %get3A_1940 = arith.constant 0 : index
      %get3A_1941 = tpu.vector_load %arg13[%get3A_1938, %get3A_1939, %get3A_1940] {strides = array<i32>} : memref<2x80x128xf32, #tpu.memory_space<vmem>>, vector<1x1x16xf32>,
      %get3A_1942 = vector.shape_cast %get3A_1941 : vector<1x1x16xf32> to vector<16xf32>
      %get3A_1943 = arith.constant 1 : i32
      %get3A_1944 = arith.index_cast %get3A_1943 : i32 to index
      %get3A_1945 = arith.index_cast %scan3A_1936 : i32 to index
      %get3A_1946 = arith.constant 0 : index
      %get3A_1947 = tpu.vector_load %arg13[%get3A_1944, %get3A_1945, %get3A_1946] {strides = array<i32>} : memref<2x80x128xf32, #tpu.memory_space<vmem>>, vector<1x1x16xf32>,
      %get3A_1948 = vector.shape_cast %get3A_1947 : vector<1x1x16xf32> to vector<16xf32>
      %add3A_1949 = arith.addf %get3A_1942, %get3A_1948 : vector<16xf32>
      %swap3A_1950 = arith.index_cast %scan3A_1936 : i32 to index
      %swap3A_1951 = arith.constant 0 : index
      %swap3A_1952 = tpu.vector_load %arg14[%swap3A_1950, %swap3A_1951] {strides = array<i32>} : memref<80x128xf32, #tpu.memory_space<vmem>>, vector<1x16xf32>,
      %swap3A_1953 = vector.shape_cast %swap3A_1952 : vector<1x16xf32> to vector<16xf32>
      %swap3A_1954 = vector.shape_cast %add3A_1949 : vector<16xf32> to vector<1x16xf32>
      tpu.vector_store %arg14[%swap3A_1950, %swap3A_1951], %swap3A_1954 {strides = array<i32>} : memref<80x128xf32, #tpu.memory_space<vmem>>, vector<1x16xf32>,
      %get3A_1955 = arith.constant 0 : i32
      %get3A_1956 = arith.index_cast %get3A_1955 : i32 to index
      %get3A_1957 = arith.index_cast %scan3A_1936 : i32 to index
      %get3A_1958 = arith.constant 16 : index
      %get3A_1959 = tpu.vector_load %arg13[%get3A_1956, %get3A_1957, %get3A_1958] {strides = array<i32>} : memref<2x80x128xf32, #tpu.memory_space<vmem>>, vector<1x1x16xf32>,
      %get3A_1960 = vector.shape_cast %get3A_1959 : vector<1x1x16xf32> to vector<16xf32>
      %get3A_1961 = arith.constant 1 : i32
      %get3A_1962 = arith.index_cast %get3A_1961 : i32 to index
      %get3A_1963 = arith.index_cast %scan3A_1936 : i32 to index
      %get3A_1964 = arith.constant 16 : index
      %get3A_1965 = tpu.vector_load %arg13[%get3A_1962, %get3A_1963, %get3A_1964] {strides = array<i32>} : memref<2x80x128xf32, #tpu.memory_space<vmem>>, vector<1x1x16xf32>,
      %get3A_1966 = vector.shape_cast %get3A_1965 : vector<1x1x16xf32> to vector<16xf32>
      %add3A_1967 = arith.addf %get3A_1960, %get3A_1966 : vector<16xf32>
      %swap3A_1968 = arith.index_cast %scan3A_1936 : i32 to index
      %swap3A_1969 = arith.constant 16 : index
      %swap3A_1970 = tpu.vector_load %arg14[%swap3A_1968, %swap3A_1969] {strides = array<i32>} : memref<80x128xf32, #tpu.memory_space<vmem>>, vector<1x16xf32>,
      %swap3A_1971 = vector.shape_cast %swap3A_1970 : vector<1x16xf32> to vector<16xf32>
      %swap3A_1972 = vector.shape_cast %add3A_1967 : vector<16xf32> to vector<1x16xf32>
      tpu.vector_store %arg14[%swap3A_1968, %swap3A_1969], %swap3A_1972 {strides = array<i32>} : memref<80x128xf32, #tpu.memory_space<vmem>>, vector<1x16xf32>,
      %get3A_1973 = arith.constant 0 : i32
      %get3A_1974 = arith.index_cast %get3A_1973 : i32 to index
      %get3A_1975 = arith.index_cast %scan3A_1936 : i32 to index
      %get3A_1976 = arith.constant 32 : index
      %get3A_1977 = tpu.vector_load %arg13[%get3A_1974, %get3A_1975, %get3A_1976] {strides = array<i32>} : memref<2x80x128xf32, #tpu.memory_space<vmem>>, vector<1x1x16xf32>,
      %get3A_1978 = vector.shape_cast %get3A_1977 : vector<1x1x16xf32> to vector<16xf32>
      %get3A_1979 = arith.constant 1 : i32
      %get3A_1980 = arith.index_cast %get3A_1979 : i32 to index
      %get3A_1981 = arith.index_cast %scan3A_1936 : i32 to index
      %get3A_1982 = arith.constant 32 : index
      %get3A_1983 = tpu.vector_load %arg13[%get3A_1980, %get3A_1981, %get3A_1982] {strides = array<i32>} : memref<2x80x128xf32, #tpu.memory_space<vmem>>, vector<1x1x16xf32>,
      %get3A_1984 = vector.shape_cast %get3A_1983 : vector<1x1x16xf32> to vector<16xf32>
      %add3A_1985 = arith.addf %get3A_1978, %get3A_1984 : vector<16xf32>
      %swap3A_1986 = arith.index_cast %scan3A_1936 : i32 to index
      %swap3A_1987 = arith.constant 32 : index
      %swap3A_1988 = tpu.vector_load %arg14[%swap3A_1986, %swap3A_1987] {strides = array<i32>} : memref<80x128xf32, #tpu.memory_space<vmem>>, vector<1x16xf32>,
      %swap3A_1989 = vector.shape_cast %swap3A_1988 : vector<1x16xf32> to vector<16xf32>
      %swap3A_1990 = vector.shape_cast %add3A_1985 : vector<16xf32> to vector<1x16xf32>
      tpu.vector_store %arg14[%swap3A_1986, %swap3A_1987], %swap3A_1990 {strides = array<i32>} : memref<80x128xf32, #tpu.memory_space<vmem>>, vector<1x16xf32>,
      %get3A_1991 = arith.constant 0 : i32
      %get3A_1992 = arith.index_cast %get3A_1991 : i32 to index
      %get3A_1993 = arith.index_cast %scan3A_1936 : i32 to index
      %get3A_1994 = arith.constant 48 : index
      %get3A_1995 = tpu.vector_load %arg13[%get3A_1992, %get3A_1993, %get3A_1994] {strides = array<i32>} : memref<2x80x128xf32, #tpu.memory_space<vmem>>, vector<1x1x16xf32>,
      %get3A_1996 = vector.shape_cast %get3A_1995 : vector<1x1x16xf32> to vector<16xf32>
      %get3A_1997 = arith.constant 1 : i32
      %get3A_1998 = arith.index_cast %get3A_1997 : i32 to index
      %get3A_1999 = arith.index_cast %scan3A_1936 : i32 to index
      %get3A_2000 = arith.constant 48 : index
      %get3A_2001 = tpu.vector_load %arg13[%get3A_1998, %get3A_1999, %get3A_2000] {strides = array<i32>} : memref<2x80x128xf32, #tpu.memory_space<vmem>>, vector<1x1x16xf32>,
      %get3A_2002 = vector.shape_cast %get3A_2001 : vector<1x1x16xf32> to vector<16xf32>
      %add3A_2003 = arith.addf %get3A_1996, %get3A_2002 : vector<16xf32>
      %swap3A_2004 = arith.index_cast %scan3A_1936 : i32 to index
      %swap3A_2005 = arith.constant 48 : index
      %swap3A_2006 = tpu.vector_load %arg14[%swap3A_2004, %swap3A_2005] {strides = array<i32>} : memref<80x128xf32, #tpu.memory_space<vmem>>, vector<1x16xf32>,
      %swap3A_2007 = vector.shape_cast %swap3A_2006 : vector<1x16xf32> to vector<16xf32>
      %swap3A_2008 = vector.shape_cast %add3A_2003 : vector<16xf32> to vector<1x16xf32>
      tpu.vector_store %arg14[%swap3A_2004, %swap3A_2005], %swap3A_2008 {strides = array<i32>} : memref<80x128xf32, #tpu.memory_space<vmem>>, vector<1x16xf32>,
      %get3A_2009 = arith.constant 0 : i32
      %get3A_2010 = arith.index_cast %get3A_2009 : i32 to index
      %get3A_2011 = arith.index_cast %scan3A_1936 : i32 to index
      %get3A_2012 = arith.constant 64 : index
      %get3A_2013 = tpu.vector_load %arg13[%get3A_2010, %get3A_2011, %get3A_2012] {strides = array<i32>} : memref<2x80x128xf32, #tpu.memory_space<vmem>>, vector<1x1x16xf32>,
      %get3A_2014 = vector.shape_cast %get3A_2013 : vector<1x1x16xf32> to vector<16xf32>
      %get3A_2015 = arith.constant 1 : i32
      %get3A_2016 = arith.index_cast %get3A_2015 : i32 to index
      %get3A_2017 = arith.index_cast %scan3A_1936 : i32 to index
      %get3A_2018 = arith.constant 64 : index
      %get3A_2019 = tpu.vector_load %arg13[%get3A_2016, %get3A_2017, %get3A_2018] {strides = array<i32>} : memref<2x80x128xf32, #tpu.memory_space<vmem>>, vector<1x1x16xf32>,
      %get3A_2020 = vector.shape_cast %get3A_2019 : vector<1x1x16xf32> to vector<16xf32>
      %add3A_2021 = arith.addf %get3A_2014, %get3A_2020 : vector<16xf32>
      %swap3A_2022 = arith.index_cast %scan3A_1936 : i32 to index
      %swap3A_2023 = arith.constant 64 : index
      %swap3A_2024 = tpu.vector_load %arg14[%swap3A_2022, %swap3A_2023] {strides = array<i32>} : memref<80x128xf32, #tpu.memory_space<vmem>>, vector<1x16xf32>,
      %swap3A_2025 = vector.shape_cast %swap3A_2024 : vector<1x16xf32> to vector<16xf32>
      %swap3A_2026 = vector.shape_cast %add3A_2021 : vector<16xf32> to vector<1x16xf32>
      tpu.vector_store %arg14[%swap3A_2022, %swap3A_2023], %swap3A_2026 {strides = array<i32>} : memref<80x128xf32, #tpu.memory_space<vmem>>, vector<1x16xf32>,
      %get3A_2027 = arith.constant 0 : i32
      %get3A_2028 = arith.index_cast %get3A_2027 : i32 to index
      %get3A_2029 = arith.index_cast %scan3A_1936 : i32 to index
      %get3A_2030 = arith.constant 80 : index
      %get3A_2031 = tpu.vector_load %arg13[%get3A_2028, %get3A_2029, %get3A_2030] {strides = array<i32>} : memref<2x80x128xf32, #tpu.memory_space<vmem>>, vector<1x1x16xf32>,
      %get3A_2032 = vector.shape_cast %get3A_2031 : vector<1x1x16xf32> to vector<16xf32>
      %get3A_2033 = arith.constant 1 : i32
      %get3A_2034 = arith.index_cast %get3A_2033 : i32 to index
      %get3A_2035 = arith.index_cast %scan3A_1936 : i32 to index
      %get3A_2036 = arith.constant 80 : index
      %get3A_2037 = tpu.vector_load %arg13[%get3A_2034, %get3A_2035, %get3A_2036] {strides = array<i32>} : memref<2x80x128xf32, #tpu.memory_space<vmem>>, vector<1x1x16xf32>,
      %get3A_2038 = vector.shape_cast %get3A_2037 : vector<1x1x16xf32> to vector<16xf32>
      %add3A_2039 = arith.addf %get3A_2032, %get3A_2038 : vector<16xf32>
      %swap3A_2040 = arith.index_cast %scan3A_1936 : i32 to index
      %swap3A_2041 = arith.constant 80 : index
      %swap3A_2042 = tpu.vector_load %arg14[%swap3A_2040, %swap3A_2041] {strides = array<i32>} : memref<80x128xf32, #tpu.memory_space<vmem>>, vector<1x16xf32>,
      %swap3A_2043 = vector.shape_cast %swap3A_2042 : vector<1x16xf32> to vector<16xf32>
      %swap3A_2044 = vector.shape_cast %add3A_2039 : vector<16xf32> to vector<1x16xf32>
      tpu.vector_store %arg14[%swap3A_2040, %swap3A_2041], %swap3A_2044 {strides = array<i32>} : memref<80x128xf32, #tpu.memory_space<vmem>>, vector<1x16xf32>,
      %get3A_2045 = arith.constant 0 : i32
      %get3A_2046 = arith.index_cast %get3A_2045 : i32 to index
      %get3A_2047 = arith.index_cast %scan3A_1936 : i32 to index
      %get3A_2048 = arith.constant 96 : index
      %get3A_2049 = tpu.vector_load %arg13[%get3A_2046, %get3A_2047, %get3A_2048] {strides = array<i32>} : memref<2x80x128xf32, #tpu.memory_space<vmem>>, vector<1x1x16xf32>,
      %get3A_2050 = vector.shape_cast %get3A_2049 : vector<1x1x16xf32> to vector<16xf32>
      %get3A_2051 = arith.constant 1 : i32
      %get3A_2052 = arith.index_cast %get3A_2051 : i32 to index
      %get3A_2053 = arith.index_cast %scan3A_1936 : i32 to index
      %get3A_2054 = arith.constant 96 : index
      %get3A_2055 = tpu.vector_load %arg13[%get3A_2052, %get3A_2053, %get3A_2054] {strides = array<i32>} : memref<2x80x128xf32, #tpu.memory_space<vmem>>, vector<1x1x16xf32>,
      %get3A_2056 = vector.shape_cast %get3A_2055 : vector<1x1x16xf32> to vector<16xf32>
      %add3A_2057 = arith.addf %get3A_2050, %get3A_2056 : vector<16xf32>
      %swap3A_2058 = arith.index_cast %scan3A_1936 : i32 to index
      %swap3A_2059 = arith.constant 96 : index
      %swap3A_2060 = tpu.vector_load %arg14[%swap3A_2058, %swap3A_2059] {strides = array<i32>} : memref<80x128xf32, #tpu.memory_space<vmem>>, vector<1x16xf32>,
      %swap3A_2061 = vector.shape_cast %swap3A_2060 : vector<1x16xf32> to vector<16xf32>
      %swap3A_2062 = vector.shape_cast %add3A_2057 : vector<16xf32> to vector<1x16xf32>
      tpu.vector_store %arg14[%swap3A_2058, %swap3A_2059], %swap3A_2062 {strides = array<i32>} : memref<80x128xf32, #tpu.memory_space<vmem>>, vector<1x16xf32>,
      %get3A_2063 = arith.constant 0 : i32
      %get3A_2064 = arith.index_cast %get3A_2063 : i32 to index
      %get3A_2065 = arith.index_cast %scan3A_1936 : i32 to index
      %get3A_2066 = arith.constant 112 : index
      %get3A_2067 = tpu.vector_load %arg13[%get3A_2064, %get3A_2065, %get3A_2066] {strides = array<i32>} : memref<2x80x128xf32, #tpu.memory_space<vmem>>, vector<1x1x16xf32>,
      %get3A_2068 = vector.shape_cast %get3A_2067 : vector<1x1x16xf32> to vector<16xf32>
      %get3A_2069 = arith.constant 1 : i32
      %get3A_2070 = arith.index_cast %get3A_2069 : i32 to index
      %get3A_2071 = arith.index_cast %scan3A_1936 : i32 to index
      %get3A_2072 = arith.constant 112 : index
      %get3A_2073 = tpu.vector_load %arg13[%get3A_2070, %get3A_2071, %get3A_2072] {strides = array<i32>} : memref<2x80x128xf32, #tpu.memory_space<vmem>>, vector<1x1x16xf32>,
      %get3A_2074 = vector.shape_cast %get3A_2073 : vector<1x1x16xf32> to vector<16xf32>
      %add3A_2075 = arith.addf %get3A_2068, %get3A_2074 : vector<16xf32>
      %swap3A_2076 = arith.index_cast %scan3A_1936 : i32 to index
      %swap3A_2077 = arith.constant 112 : index
      %swap3A_2078 = tpu.vector_load %arg14[%swap3A_2076, %swap3A_2077] {strides = array<i32>} : memref<80x128xf32, #tpu.memory_space<vmem>>, vector<1x16xf32>,
      %swap3A_2079 = vector.shape_cast %swap3A_2078 : vector<1x16xf32> to vector<16xf32>
      %swap3A_2080 = vector.shape_cast %add3A_2075 : vector<16xf32> to vector<1x16xf32>
      tpu.vector_store %arg14[%swap3A_2076, %swap3A_2077], %swap3A_2080 {strides = array<i32>} : memref<80x128xf32, #tpu.memory_space<vmem>>, vector<1x16xf32>,
    }
    %scan3A_1877 = arith.constant 80 : i32
    %add3A_1878 = arith.constant 25440 : i32
    %add3A_1879 = arith.addi %mul3A_2, %add3A_1878 : i32
    %dma_start3A_1880 = arith.constant 0 : i32
    %dma_start3A_1881 = tpu.memref_slice %arg9[%add3A_1879, %dma_start3A_1880] : memref<819200x128xf32, #tpu.memory_space<hbm>> -> memref<80x128xf32, #tpu.memory_space<hbm>>
    %dma_start3A_1882 = arith.constant 0 : i32
    %dma_start3A_1883 = tpu.memref_slice %arg9[%add3A_1879, %dma_start3A_1882] : memref<819200x128xf32, #tpu.memory_space<hbm>> -> memref<80x128xf32, #tpu.memory_space<hbm>>
    tpu.enqueue_dma source(%arg14 : memref<80x128xf32, #tpu.memory_space<vmem>>) target(%dma_start3A_1883 : memref<80x128xf32, #tpu.memory_space<hbm>>) target_semaphore(%arg17 : memref<!tpu.dma_semaphore, #tpu.memory_space<semaphore_mem>>)
    %dma_wait3A_1884 = arith.constant 0 : i32
    %dma_wait3A_1885 = arith.constant 0 : i32
    %dma_wait3A_1886 = arith.constant 0 : i32
    %dma_wait3A_1887 = tpu.memref_slice %arg21[%dma_wait3A_1884, %dma_wait3A_1885, %dma_wait3A_1886] : memref<2x80x128xf32, #tpu.memory_space<vmem>> -> memref<1x80x128xf32, #tpu.memory_space<vmem>>
    %dma_wait3A_1888 = tpu.memref_squeeze %dma_wait3A_1887 : memref<1x80x128xf32, #tpu.memory_space<vmem>> -> memref<80x128xf32, #tpu.memory_space<vmem>>
    %dma_wait3A_1889 = arith.constant 0 : i32
    %dma_wait3A_1890 = arith.constant 0 : i32
    %dma_wait3A_1891 = tpu.memref_slice %arg7[%dma_wait3A_1889, %dma_wait3A_1890] : memref<178752x128xf32, #tpu.memory_space<hbm>> -> memref<178752x128xf32, #tpu.memory_space<hbm>>
    tpu.wait_indirect_dma semaphore(%arg24 : memref<!tpu.dma_semaphore, #tpu.memory_space<semaphore_mem>>) src(%dma_wait3A_1891 : memref<178752x128xf32, #tpu.memory_space<hbm>>) dst(%dma_wait3A_1888 : memref<80x128xf32, #tpu.memory_space<vmem>>)
    %dma_wait3A_1892 = arith.constant 1 : i32
    %dma_wait3A_1893 = arith.constant 0 : i32
    %dma_wait3A_1894 = arith.constant 0 : i32
    %dma_wait3A_1895 = tpu.memref_slice %arg21[%dma_wait3A_1892, %dma_wait3A_1893, %dma_wait3A_1894] : memref<2x80x128xf32, #tpu.memory_space<vmem>> -> memref<1x80x128xf32, #tpu.memory_space<vmem>>
    %dma_wait3A_1896 = tpu.memref_squeeze %dma_wait3A_1895 : memref<1x80x128xf32, #tpu.memory_space<vmem>> -> memref<80x128xf32, #tpu.memory_space<vmem>>
    %dma_wait3A_1897 = arith.constant 0 : i32
    %dma_wait3A_1898 = arith.constant 0 : i32
    %dma_wait3A_1899 = tpu.memref_slice %arg8[%dma_wait3A_1897, %dma_wait3A_1898] : memref<42016x128xf32, #tpu.memory_space<hbm>> -> memref<42016x128xf32, #tpu.memory_space<hbm>>
    tpu.wait_indirect_dma semaphore(%arg24 : memref<!tpu.dma_semaphore, #tpu.memory_space<semaphore_mem>>) src(%dma_wait3A_1899 : memref<42016x128xf32, #tpu.memory_space<hbm>>) dst(%dma_wait3A_1896 : memref<80x128xf32, #tpu.memory_space<vmem>>)
    %dma_wait3A_1900 = arith.constant 0 : i32
    %dma_wait3A_1901 = arith.constant 0 : i32
    %dma_wait3A_1902 = tpu.memref_slice %arg9[%dma_wait3A_1900, %dma_wait3A_1901] : memref<819200x128xf32, #tpu.memory_space<hbm>> -> memref<80x128xf32, #tpu.memory_space<hbm>>
    %dma_wait3A_1903 = arith.constant 0 : i32
    %dma_wait3A_1904 = arith.constant 0 : i32
    %dma_wait3A_1905 = tpu.memref_slice %arg9[%dma_wait3A_1903, %dma_wait3A_1904] : memref<819200x128xf32, #tpu.memory_space<hbm>> -> memref<80x128xf32, #tpu.memory_space<hbm>>
    tpu.wait_dma2 semaphore(%arg25 : memref<!tpu.dma_semaphore, #tpu.memory_space<semaphore_mem>>) src(%arg22 : memref<80x128xf32, #tpu.memory_space<vmem>>) dst(%dma_wait3A_1905 : memref<80x128xf32, #tpu.memory_space<hbm>>)
    %scan3A_1906 = arith.constant 0 : i32
    %scan3A_1907 = arith.constant 0 : i32
    %scan3A_1908 = arith.constant 80 : i32
    %scan3A_1909 = arith.addi %scan3A_1907, %scan3A_1908 : i32
    %scan3A_1910 = arith.constant 1 : i32
    scf.for %scan3A_1936 = %scan3A_1907 to %scan3A_1909 step %scan3A_1910  : i32 {
      %get3A_1937 = arith.constant 0 : i32
      %get3A_1938 = arith.index_cast %get3A_1937 : i32 to index
      %get3A_1939 = arith.index_cast %scan3A_1936 : i32 to index
      %get3A_1940 = arith.constant 0 : index
      %get3A_1941 = tpu.vector_load %arg21[%get3A_1938, %get3A_1939, %get3A_1940] {strides = array<i32>} : memref<2x80x128xf32, #tpu.memory_space<vmem>>, vector<1x1x16xf32>,
      %get3A_1942 = vector.shape_cast %get3A_1941 : vector<1x1x16xf32> to vector<16xf32>
      %get3A_1943 = arith.constant 1 : i32
      %get3A_1944 = arith.index_cast %get3A_1943 : i32 to index
      %get3A_1945 = arith.index_cast %scan3A_1936 : i32 to index
      %get3A_1946 = arith.constant 0 : index
      %get3A_1947 = tpu.vector_load %arg21[%get3A_1944, %get3A_1945, %get3A_1946] {strides = array<i32>} : memref<2x80x128xf32, #tpu.memory_space<vmem>>, vector<1x1x16xf32>,
      %get3A_1948 = vector.shape_cast %get3A_1947 : vector<1x1x16xf32> to vector<16xf32>
      %add3A_1949 = arith.addf %get3A_1942, %get3A_1948 : vector<16xf32>
      %swap3A_1950 = arith.index_cast %scan3A_1936 : i32 to index
      %swap3A_1951 = arith.constant 0 : index
      %swap3A_1952 = tpu.vector_load %arg22[%swap3A_1950, %swap3A_1951] {strides = array<i32>} : memref<80x128xf32, #tpu.memory_space<vmem>>, vector<1x16xf32>,
      %swap3A_1953 = vector.shape_cast %swap3A_1952 : vector<1x16xf32> to vector<16xf32>
      %swap3A_1954 = vector.shape_cast %add3A_1949 : vector<16xf32> to vector<1x16xf32>
      tpu.vector_store %arg22[%swap3A_1950, %swap3A_1951], %swap3A_1954 {strides = array<i32>} : memref<80x128xf32, #tpu.memory_space<vmem>>, vector<1x16xf32>,
      %get3A_1955 = arith.constant 0 : i32
      %get3A_1956 = arith.index_cast %get3A_1955 : i32 to index
      %get3A_1957 = arith.index_cast %scan3A_1936 : i32 to index
      %get3A_1958 = arith.constant 16 : index
      %get3A_1959 = tpu.vector_load %arg21[%get3A_1956, %get3A_1957, %get3A_1958] {strides = array<i32>} : memref<2x80x128xf32, #tpu.memory_space<vmem>>, vector<1x1x16xf32>,
      %get3A_1960 = vector.shape_cast %get3A_1959 : vector<1x1x16xf32> to vector<16xf32>
      %get3A_1961 = arith.constant 1 : i32
      %get3A_1962 = arith.index_cast %get3A_1961 : i32 to index
      %get3A_1963 = arith.index_cast %scan3A_1936 : i32 to index
      %get3A_1964 = arith.constant 16 : index
      %get3A_1965 = tpu.vector_load %arg21[%get3A_1962, %get3A_1963, %get3A_1964] {strides = array<i32>} : memref<2x80x128xf32, #tpu.memory_space<vmem>>, vector<1x1x16xf32>,
      %get3A_1966 = vector.shape_cast %get3A_1965 : vector<1x1x16xf32> to vector<16xf32>
      %add3A_1967 = arith.addf %get3A_1960, %get3A_1966 : vector<16xf32>
      %swap3A_1968 = arith.index_cast %scan3A_1936 : i32 to index
      %swap3A_1969 = arith.constant 16 : index
      %swap3A_1970 = tpu.vector_load %arg22[%swap3A_1968, %swap3A_1969] {strides = array<i32>} : memref<80x128xf32, #tpu.memory_space<vmem>>, vector<1x16xf32>,
      %swap3A_1971 = vector.shape_cast %swap3A_1970 : vector<1x16xf32> to vector<16xf32>
      %swap3A_1972 = vector.shape_cast %add3A_1967 : vector<16xf32> to vector<1x16xf32>
      tpu.vector_store %arg22[%swap3A_1968, %swap3A_1969], %swap3A_1972 {strides = array<i32>} : memref<80x128xf32, #tpu.memory_space<vmem>>, vector<1x16xf32>,
      %get3A_1973 = arith.constant 0 : i32
      %get3A_1974 = arith.index_cast %get3A_1973 : i32 to index
      %get3A_1975 = arith.index_cast %scan3A_1936 : i32 to index
      %get3A_1976 = arith.constant 32 : index
      %get3A_1977 = tpu.vector_load %arg21[%get3A_1974, %get3A_1975, %get3A_1976] {strides = array<i32>} : memref<2x80x128xf32, #tpu.memory_space<vmem>>, vector<1x1x16xf32>,
      %get3A_1978 = vector.shape_cast %get3A_1977 : vector<1x1x16xf32> to vector<16xf32>
      %get3A_1979 = arith.constant 1 : i32
      %get3A_1980 = arith.index_cast %get3A_1979 : i32 to index
      %get3A_1981 = arith.index_cast %scan3A_1936 : i32 to index
      %get3A_1982 = arith.constant 32 : index
      %get3A_1983 = tpu.vector_load %arg21[%get3A_1980, %get3A_1981, %get3A_1982] {strides = array<i32>} : memref<2x80x128xf32, #tpu.memory_space<vmem>>, vector<1x1x16xf32>,
      %get3A_1984 = vector.shape_cast %get3A_1983 : vector<1x1x16xf32> to vector<16xf32>
      %add3A_1985 = arith.addf %get3A_1978, %get3A_1984 : vector<16xf32>
      %swap3A_1986 = arith.index_cast %scan3A_1936 : i32 to index
      %swap3A_1987 = arith.constant 32 : index
      %swap3A_1988 = tpu.vector_load %arg22[%swap3A_1986, %swap3A_1987] {strides = array<i32>} : memref<80x128xf32, #tpu.memory_space<vmem>>, vector<1x16xf32>,
      %swap3A_1989 = vector.shape_cast %swap3A_1988 : vector<1x16xf32> to vector<16xf32>
      %swap3A_1990 = vector.shape_cast %add3A_1985 : vector<16xf32> to vector<1x16xf32>
      tpu.vector_store %arg22[%swap3A_1986, %swap3A_1987], %swap3A_1990 {strides = array<i32>} : memref<80x128xf32, #tpu.memory_space<vmem>>, vector<1x16xf32>,
      %get3A_1991 = arith.constant 0 : i32
      %get3A_1992 = arith.index_cast %get3A_1991 : i32 to index
      %get3A_1993 = arith.index_cast %scan3A_1936 : i32 to index
      %get3A_1994 = arith.constant 48 : index
      %get3A_1995 = tpu.vector_load %arg21[%get3A_1992, %get3A_1993, %get3A_1994] {strides = array<i32>} : memref<2x80x128xf32, #tpu.memory_space<vmem>>, vector<1x1x16xf32>,
      %get3A_1996 = vector.shape_cast %get3A_1995 : vector<1x1x16xf32> to vector<16xf32>
      %get3A_1997 = arith.constant 1 : i32
      %get3A_1998 = arith.index_cast %get3A_1997 : i32 to index
      %get3A_1999 = arith.index_cast %scan3A_1936 : i32 to index
      %get3A_2000 = arith.constant 48 : index
      %get3A_2001 = tpu.vector_load %arg21[%get3A_1998, %get3A_1999, %get3A_2000] {strides = array<i32>} : memref<2x80x128xf32, #tpu.memory_space<vmem>>, vector<1x1x16xf32>,
      %get3A_2002 = vector.shape_cast %get3A_2001 : vector<1x1x16xf32> to vector<16xf32>
      %add3A_2003 = arith.addf %get3A_1996, %get3A_2002 : vector<16xf32>
      %swap3A_2004 = arith.index_cast %scan3A_1936 : i32 to index
      %swap3A_2005 = arith.constant 48 : index
      %swap3A_2006 = tpu.vector_load %arg22[%swap3A_2004, %swap3A_2005] {strides = array<i32>} : memref<80x128xf32, #tpu.memory_space<vmem>>, vector<1x16xf32>,
      %swap3A_2007 = vector.shape_cast %swap3A_2006 : vector<1x16xf32> to vector<16xf32>
      %swap3A_2008 = vector.shape_cast %add3A_2003 : vector<16xf32> to vector<1x16xf32>
      tpu.vector_store %arg22[%swap3A_2004, %swap3A_2005], %swap3A_2008 {strides = array<i32>} : memref<80x128xf32, #tpu.memory_space<vmem>>, vector<1x16xf32>,
      %get3A_2009 = arith.constant 0 : i32
      %get3A_2010 = arith.index_cast %get3A_2009 : i32 to index
      %get3A_2011 = arith.index_cast %scan3A_1936 : i32 to index
      %get3A_2012 = arith.constant 64 : index
      %get3A_2013 = tpu.vector_load %arg21[%get3A_2010, %get3A_2011, %get3A_2012] {strides = array<i32>} : memref<2x80x128xf32, #tpu.memory_space<vmem>>, vector<1x1x16xf32>,
      %get3A_2014 = vector.shape_cast %get3A_2013 : vector<1x1x16xf32> to vector<16xf32>
      %get3A_2015 = arith.constant 1 : i32
      %get3A_2016 = arith.index_cast %get3A_2015 : i32 to index
      %get3A_2017 = arith.index_cast %scan3A_1936 : i32 to index
      %get3A_2018 = arith.constant 64 : index
      %get3A_2019 = tpu.vector_load %arg21[%get3A_2016, %get3A_2017, %get3A_2018] {strides = array<i32>} : memref<2x80x128xf32, #tpu.memory_space<vmem>>, vector<1x1x16xf32>,
      %get3A_2020 = vector.shape_cast %get3A_2019 : vector<1x1x16xf32> to vector<16xf32>
      %add3A_2021 = arith.addf %get3A_2014, %get3A_2020 : vector<16xf32>
      %swap3A_2022 = arith.index_cast %scan3A_1936 : i32 to index
      %swap3A_2023 = arith.constant 64 : index
      %swap3A_2024 = tpu.vector_load %arg22[%swap3A_2022, %swap3A_2023] {strides = array<i32>} : memref<80x128xf32, #tpu.memory_space<vmem>>, vector<1x16xf32>,
      %swap3A_2025 = vector.shape_cast %swap3A_2024 : vector<1x16xf32> to vector<16xf32>
      %swap3A_2026 = vector.shape_cast %add3A_2021 : vector<16xf32> to vector<1x16xf32>
      tpu.vector_store %arg22[%swap3A_2022, %swap3A_2023], %swap3A_2026 {strides = array<i32>} : memref<80x128xf32, #tpu.memory_space<vmem>>, vector<1x16xf32>,
      %get3A_2027 = arith.constant 0 : i32
      %get3A_2028 = arith.index_cast %get3A_2027 : i32 to index
      %get3A_2029 = arith.index_cast %scan3A_1936 : i32 to index
      %get3A_2030 = arith.constant 80 : index
      %get3A_2031 = tpu.vector_load %arg21[%get3A_2028, %get3A_2029, %get3A_2030] {strides = array<i32>} : memref<2x80x128xf32, #tpu.memory_space<vmem>>, vector<1x1x16xf32>,
      %get3A_2032 = vector.shape_cast %get3A_2031 : vector<1x1x16xf32> to vector<16xf32>
      %get3A_2033 = arith.constant 1 : i32
      %get3A_2034 = arith.index_cast %get3A_2033 : i32 to index
      %get3A_2035 = arith.index_cast %scan3A_1936 : i32 to index
      %get3A_2036 = arith.constant 80 : index
      %get3A_2037 = tpu.vector_load %arg21[%get3A_2034, %get3A_2035, %get3A_2036] {strides = array<i32>} : memref<2x80x128xf32, #tpu.memory_space<vmem>>, vector<1x1x16xf32>,
      %get3A_2038 = vector.shape_cast %get3A_2037 : vector<1x1x16xf32> to vector<16xf32>
      %add3A_2039 = arith.addf %get3A_2032, %get3A_2038 : vector<16xf32>
      %swap3A_2040 = arith.index_cast %scan3A_1936 : i32 to index
      %swap3A_2041 = arith.constant 80 : index
      %swap3A_2042 = tpu.vector_load %arg22[%swap3A_2040, %swap3A_2041] {strides = array<i32>} : memref<80x128xf32, #tpu.memory_space<vmem>>, vector<1x16xf32>,
      %swap3A_2043 = vector.shape_cast %swap3A_2042 : vector<1x16xf32> to vector<16xf32>
      %swap3A_2044 = vector.shape_cast %add3A_2039 : vector<16xf32> to vector<1x16xf32>
      tpu.vector_store %arg22[%swap3A_2040, %swap3A_2041], %swap3A_2044 {strides = array<i32>} : memref<80x128xf32, #tpu.memory_space<vmem>>, vector<1x16xf32>,
      %get3A_2045 = arith.constant 0 : i32
      %get3A_2046 = arith.index_cast %get3A_2045 : i32 to index
      %get3A_2047 = arith.index_cast %scan3A_1936 : i32 to index
      %get3A_2048 = arith.constant 96 : index
      %get3A_2049 = tpu.vector_load %arg21[%get3A_2046, %get3A_2047, %get3A_2048] {strides = array<i32>} : memref<2x80x128xf32, #tpu.memory_space<vmem>>, vector<1x1x16xf32>,
      %get3A_2050 = vector.shape_cast %get3A_2049 : vector<1x1x16xf32> to vector<16xf32>
      %get3A_2051 = arith.constant 1 : i32
      %get3A_2052 = arith.index_cast %get3A_2051 : i32 to index
      %get3A_2053 = arith.index_cast %scan3A_1936 : i32 to index
      %get3A_2054 = arith.constant 96 : index
      %get3A_2055 = tpu.vector_load %arg21[%get3A_2052, %get3A_2053, %get3A_2054] {strides = array<i32>} : memref<2x80x128xf32, #tpu.memory_space<vmem>>, vector<1x1x16xf32>,
      %get3A_2056 = vector.shape_cast %get3A_2055 : vector<1x1x16xf32> to vector<16xf32>
      %add3A_2057 = arith.addf %get3A_2050, %get3A_2056 : vector<16xf32>
      %swap3A_2058 = arith.index_cast %scan3A_1936 : i32 to index
      %swap3A_2059 = arith.constant 96 : index
      %swap3A_2060 = tpu.vector_load %arg22[%swap3A_2058, %swap3A_2059] {strides = array<i32>} : memref<80x128xf32, #tpu.memory_space<vmem>>, vector<1x16xf32>,
      %swap3A_2061 = vector.shape_cast %swap3A_2060 : vector<1x16xf32> to vector<16xf32>
      %swap3A_2062 = vector.shape_cast %add3A_2057 : vector<16xf32> to vector<1x16xf32>
      tpu.vector_store %arg22[%swap3A_2058, %swap3A_2059], %swap3A_2062 {strides = array<i32>} : memref<80x128xf32, #tpu.memory_space<vmem>>, vector<1x16xf32>,
      %get3A_2063 = arith.constant 0 : i32
      %get3A_2064 = arith.index_cast %get3A_2063 : i32 to index
      %get3A_2065 = arith.index_cast %scan3A_1936 : i32 to index
      %get3A_2066 = arith.constant 112 : index
      %get3A_2067 = tpu.vector_load %arg21[%get3A_2064, %get3A_2065, %get3A_2066] {strides = array<i32>} : memref<2x80x128xf32, #tpu.memory_space<vmem>>, vector<1x1x16xf32>,
      %get3A_2068 = vector.shape_cast %get3A_2067 : vector<1x1x16xf32> to vector<16xf32>
      %get3A_2069 = arith.constant 1 : i32
      %get3A_2070 = arith.index_cast %get3A_2069 : i32 to index
      %get3A_2071 = arith.index_cast %scan3A_1936 : i32 to index
      %get3A_2072 = arith.constant 112 : index
      %get3A_2073 = tpu.vector_load %arg21[%get3A_2070, %get3A_2071, %get3A_2072] {strides = array<i32>} : memref<2x80x128xf32, #tpu.memory_space<vmem>>, vector<1x1x16xf32>,
      %get3A_2074 = vector.shape_cast %get3A_2073 : vector<1x1x16xf32> to vector<16xf32>
      %add3A_2075 = arith.addf %get3A_2068, %get3A_2074 : vector<16xf32>
      %swap3A_2076 = arith.index_cast %scan3A_1936 : i32 to index
      %swap3A_2077 = arith.constant 112 : index
      %swap3A_2078 = tpu.vector_load %arg22[%swap3A_2076, %swap3A_2077] {strides = array<i32>} : memref<80x128xf32, #tpu.memory_space<vmem>>, vector<1x16xf32>,
      %swap3A_2079 = vector.shape_cast %swap3A_2078 : vector<1x16xf32> to vector<16xf32>
      %swap3A_2080 = vector.shape_cast %add3A_2075 : vector<16xf32> to vector<1x16xf32>
      tpu.vector_store %arg22[%swap3A_2076, %swap3A_2077], %swap3A_2080 {strides = array<i32>} : memref<80x128xf32, #tpu.memory_space<vmem>>, vector<1x16xf32>,
    }
    %scan3A_1911 = arith.constant 80 : i32
    %add3A_1912 = arith.constant 25520 : i32
    %add3A_1913 = arith.addi %mul3A_2, %add3A_1912 : i32
    %dma_start3A_1914 = arith.constant 0 : i32
    %dma_start3A_1915 = tpu.memref_slice %arg9[%add3A_1913, %dma_start3A_1914] : memref<819200x128xf32, #tpu.memory_space<hbm>> -> memref<80x128xf32, #tpu.memory_space<hbm>>
    %dma_start3A_1916 = arith.constant 0 : i32
    %dma_start3A_1917 = tpu.memref_slice %arg9[%add3A_1913, %dma_start3A_1916] : memref<819200x128xf32, #tpu.memory_space<hbm>> -> memref<80x128xf32, #tpu.memory_space<hbm>>
    tpu.enqueue_dma source(%arg22 : memref<80x128xf32, #tpu.memory_space<vmem>>) target(%dma_start3A_1917 : memref<80x128xf32, #tpu.memory_space<hbm>>) target_semaphore(%arg25 : memref<!tpu.dma_semaphore, #tpu.memory_space<semaphore_mem>>)
    %dma_wait3A_1918 = arith.constant 0 : i32
    %dma_wait3A_1919 = arith.constant 0 : i32
    %dma_wait3A_1920 = tpu.memref_slice %arg9[%dma_wait3A_1918, %dma_wait3A_1919] : memref<819200x128xf32, #tpu.memory_space<hbm>> -> memref<80x128xf32, #tpu.memory_space<hbm>>
    %dma_wait3A_1921 = arith.constant 0 : i32
    %dma_wait3A_1922 = arith.constant 0 : i32
    %dma_wait3A_1923 = tpu.memref_slice %arg9[%dma_wait3A_1921, %dma_wait3A_1922] : memref<819200x128xf32, #tpu.memory_space<hbm>> -> memref<80x128xf32, #tpu.memory_space<hbm>>
    tpu.wait_dma2 semaphore(%arg17 : memref<!tpu.dma_semaphore, #tpu.memory_space<semaphore_mem>>) src(%arg14 : memref<80x128xf32, #tpu.memory_space<vmem>>) dst(%dma_wait3A_1923 : memref<80x128xf32, #tpu.memory_space<hbm>>)
    %dma_wait3A_1924 = arith.constant 0 : i32
    %dma_wait3A_1925 = arith.constant 0 : i32
    %dma_wait3A_1926 = tpu.memref_slice %arg9[%dma_wait3A_1924, %dma_wait3A_1925] : memref<819200x128xf32, #tpu.memory_space<hbm>> -> memref<80x128xf32, #tpu.memory_space<hbm>>
    %dma_wait3A_1927 = arith.constant 0 : i32
    %dma_wait3A_1928 = arith.constant 0 : i32
    %dma_wait3A_1929 = tpu.memref_slice %arg9[%dma_wait3A_1927, %dma_wait3A_1928] : memref<819200x128xf32, #tpu.memory_space<hbm>> -> memref<80x128xf32, #tpu.memory_space<hbm>>
    tpu.wait_dma2 semaphore(%arg25 : memref<!tpu.dma_semaphore, #tpu.memory_space<semaphore_mem>>) src(%arg22 : memref<80x128xf32, #tpu.memory_space<vmem>>) dst(%dma_wait3A_1929 : memref<80x128xf32, #tpu.memory_space<hbm>>)
    %dma_wait3A_1930 = arith.constant 0 : i32
    %dma_wait3A_1931 = arith.constant 0 : i32
    %dma_wait3A_1932 = tpu.memref_slice %arg9[%dma_wait3A_1930, %dma_wait3A_1931] : memref<819200x128xf32, #tpu.memory_space<hbm>> -> memref<80x128xf32, #tpu.memory_space<hbm>>
    %dma_wait3A_1933 = arith.constant 0 : i32
    %dma_wait3A_1934 = arith.constant 0 : i32
    %dma_wait3A_1935 = tpu.memref_slice %arg9[%dma_wait3A_1933, %dma_wait3A_1934] : memref<819200x128xf32, #tpu.memory_space<hbm>> -> memref<80x128xf32, #tpu.memory_space<hbm>>
    tpu.wait_dma2 semaphore(%arg33 : memref<!tpu.dma_semaphore, #tpu.memory_space<semaphore_mem>>) src(%arg30 : memref<80x128xf32, #tpu.memory_space<vmem>>) dst(%dma_wait3A_1935 : memref<80x128xf32, #tpu.memory_space<hbm>>)
    return
  }
}

module attributes {stable_mosaic.version = 14 : i64} {
  func.func @_lxly_body(%arg0: i32, %arg1: memref<202x128xf32, #tpu.memory_space<vmem>>, %arg2: memref<202x128xf32, #tpu.memory_space<vmem>>, %arg3: memref<21008x128xf32, #tpu.memory_space<vmem>>) attributes {dimension_semantics = [#tpu.dimension_semantics<arbitrary>], iteration_bounds = array<i64: 2>, scalar_prefetch = 0 : i64, scratch_operands = 0 : i64, tpu.core_type = #tpu.core_type<tc>, window_params = [{pipeline_mode = #tpu.pipeline_mode<synchronous>, transform_indices = @transform_0, window_bounds = array<i64: 202, 128>}, {pipeline_mode = #tpu.pipeline_mode<synchronous>, transform_indices = @transform_1, window_bounds = array<i64: 202, 128>}, {transform_indices = @transform_2, window_bounds = array<i64: 21008, 128>}]} {
    %mul3A = arith.constant 101 : i32
    %mul3A_0 = arith.muli %arg0, %mul3A : i32
    %get3A = arith.index_cast %mul3A_0 : i32 to index
    %get3A_1 = arith.constant 0 : index
    %get3A_2 = vector.load %arg1[%get3A, %get3A_1] : memref<202x128xf32, #tpu.memory_space<vmem>>, vector<101x128xf32>
    %broadcast_in_dim3A = vector.shape_cast %get3A_2 : vector<101x128xf32> to vector<101x1x128xf32>
    %get3A_3 = arith.constant 0 : index
    %get3A_4 = arith.constant 0 : index
    %get3A_5 = vector.load %arg2[%get3A_3, %get3A_4] : memref<202x128xf32, #tpu.memory_space<vmem>>, vector<202x128xf32>
    %broadcast_in_dim3A_6 = vector.shape_cast %get3A_5 : vector<202x128xf32> to vector<1x202x128xf32>
    %add3A = vector.broadcast %broadcast_in_dim3A : vector<101x1x128xf32> to vector<101x202x128xf32>
    %add3A_7 = vector.broadcast %broadcast_in_dim3A_6 : vector<1x202x128xf32> to vector<101x202x128xf32>
    %add3A_8 = arith.addf %add3A, %add3A_7 : vector<101x202x128xf32>
    %broadcast_in_dim3A_9 = arith.constant 0.000000e+00 : f32
    %broadcast_in_dim3A_10 = vector.broadcast %broadcast_in_dim3A_9 : f32 to vector<101x6x128xf32>
    %concatenate3A = tpu.concatenate %add3A_8, %broadcast_in_dim3A_10 in 1 : vector<101x202x128xf32>, vector<101x6x128xf32> -> vector<101x208x128xf32>
    %reshape3A = vector.shape_cast %concatenate3A : vector<101x208x128xf32> to vector<21008x128xf32>
    %swap3A = arith.constant 0 : index
    %swap3A_11 = arith.constant 0 : index
    %swap3A_12 = vector.load %arg3[%swap3A, %swap3A_11] : memref<21008x128xf32, #tpu.memory_space<vmem>>, vector<21008x128xf32>
    tpu.vector_store %arg3[%swap3A, %swap3A_11], %reshape3A {strides = array<i32>} : memref<21008x128xf32, #tpu.memory_space<vmem>>, vector<21008x128xf32>,
    return
  }
  func.func @transform_0(%arg0: i32) -> (i32, i32) {
    %c0_i32 = arith.constant 0 : i32
    %c0_i32_0 = arith.constant 0 : i32
    %c0_i32_1 = arith.constant 0 : i32
    return %c0_i32, %c0_i32_0 : i32, i32
  }
  func.func @transform_1(%arg0: i32) -> (i32, i32) {
    %c0_i32 = arith.constant 0 : i32
    %c0_i32_0 = arith.constant 0 : i32
    %c0_i32_1 = arith.constant 0 : i32
    return %c0_i32, %c0_i32_0 : i32, i32
  }
  func.func @transform_2(%arg0: i32) -> (i32, i32) {
    %c0_i32 = arith.constant 0 : i32
    %c0_i32_0 = arith.constant 0 : i32
    return %arg0, %c0_i32 : i32, i32
  }
}

module attributes {stable_mosaic.version = 14 : i64} {
  func.func @_dttd_body(%arg0: i32, %arg1: memref<76x128xf32, #tpu.memory_space<vmem>>, %arg2: memref<49x128xf32, #tpu.memory_space<vmem>>, %arg3: memref<48x128xf32, #tpu.memory_space<vmem>>, %arg4: memref<9408x128xf32, #tpu.memory_space<vmem>>) attributes {dimension_semantics = [#tpu.dimension_semantics<arbitrary>], iteration_bounds = array<i64: 19>, scalar_prefetch = 0 : i64, scratch_operands = 0 : i64, tpu.core_type = #tpu.core_type<tc>, window_params = [{pipeline_mode = #tpu.pipeline_mode<synchronous>, transform_indices = @transform_0, window_bounds = array<i64: 76, 128>}, {pipeline_mode = #tpu.pipeline_mode<synchronous>, transform_indices = @transform_1, window_bounds = array<i64: 49, 128>}, {pipeline_mode = #tpu.pipeline_mode<synchronous>, transform_indices = @transform_2, window_bounds = array<i64: 48, 128>}, {transform_indices = @transform_3, window_bounds = array<i64: 9408, 128>}]} {
    %get3A = arith.constant 0 : index
    %get3A_0 = arith.constant 0 : index
    %get3A_1 = vector.load %arg2[%get3A, %get3A_0] : memref<49x128xf32, #tpu.memory_space<vmem>>, vector<49x128xf32>
    %broadcast_in_dim3A = vector.shape_cast %get3A_1 : vector<49x128xf32> to vector<49x1x128xf32>
    %get3A_2 = arith.constant 0 : index
    %get3A_3 = arith.constant 0 : index
    %get3A_4 = vector.load %arg3[%get3A_2, %get3A_3] : memref<48x128xf32, #tpu.memory_space<vmem>>, vector<48x128xf32>
    %broadcast_in_dim3A_5 = vector.shape_cast %get3A_4 : vector<48x128xf32> to vector<1x48x128xf32>
    %add3A = vector.broadcast %broadcast_in_dim3A : vector<49x1x128xf32> to vector<49x48x128xf32>
    %add3A_6 = vector.broadcast %broadcast_in_dim3A_5 : vector<1x48x128xf32> to vector<49x48x128xf32>
    %add3A_7 = arith.addf %add3A, %add3A_6 : vector<49x48x128xf32>
    %reshape3A = vector.shape_cast %add3A_7 : vector<49x48x128xf32> to vector<2352x128xf32>
    %mul3A = arith.constant 4 : i32
    %mul3A_8 = arith.muli %arg0, %mul3A : i32
    %get3A_9 = arith.index_cast %mul3A_8 : i32 to index
    %get3A_10 = arith.constant 0 : index
    %get3A_11 = vector.load %arg1[%get3A_9, %get3A_10] : memref<76x128xf32, #tpu.memory_space<vmem>>, vector<4x128xf32>
    %broadcast_in_dim3A_12 = vector.shape_cast %get3A_11 : vector<4x128xf32> to vector<4x1x128xf32>
    %broadcast_in_dim3A_13 = vector.shape_cast %reshape3A : vector<2352x128xf32> to vector<1x2352x128xf32>
    %add3A_14 = vector.broadcast %broadcast_in_dim3A_12 : vector<4x1x128xf32> to vector<4x2352x128xf32>
    %add3A_15 = vector.broadcast %broadcast_in_dim3A_13 : vector<1x2352x128xf32> to vector<4x2352x128xf32>
    %add3A_16 = arith.addf %add3A_14, %add3A_15 : vector<4x2352x128xf32>
    %reshape3A_17 = vector.shape_cast %add3A_16 : vector<4x2352x128xf32> to vector<9408x128xf32>
    %swap3A = arith.constant 0 : index
    %swap3A_18 = arith.constant 0 : index
    %swap3A_19 = vector.load %arg4[%swap3A, %swap3A_18] : memref<9408x128xf32, #tpu.memory_space<vmem>>, vector<9408x128xf32>
    tpu.vector_store %arg4[%swap3A, %swap3A_18], %reshape3A_17 {strides = array<i32>} : memref<9408x128xf32, #tpu.memory_space<vmem>>, vector<9408x128xf32>,
    return
  }
  func.func @transform_0(%arg0: i32) -> (i32, i32) {
    %c0_i32 = arith.constant 0 : i32
    %c0_i32_0 = arith.constant 0 : i32
    %c0_i32_1 = arith.constant 0 : i32
    return %c0_i32, %c0_i32_0 : i32, i32
  }
  func.func @transform_1(%arg0: i32) -> (i32, i32) {
    %c0_i32 = arith.constant 0 : i32
    %c0_i32_0 = arith.constant 0 : i32
    %c0_i32_1 = arith.constant 0 : i32
    return %c0_i32, %c0_i32_0 : i32, i32
  }
  func.func @transform_2(%arg0: i32) -> (i32, i32) {
    %c0_i32 = arith.constant 0 : i32
    %c0_i32_0 = arith.constant 0 : i32
    %c0_i32_1 = arith.constant 0 : i32
    return %c0_i32, %c0_i32_0 : i32, i32
  }
  func.func @transform_3(%arg0: i32) -> (i32, i32) {
    %c0_i32 = arith.constant 0 : i32
    %c0_i32_0 = arith.constant 0 : i32
    return %arg0, %c0_i32 : i32, i32
  }
}

</mosaic_0001>

<sc_bundles>
// kernel: _lookup_sum.5.cloned.1.call-start
scs
__scs_entry_jumppad:
0x0: {  	(pc) =	sbr.rel $0x88, $3  }
0x1: {  	(tag) =	ssettag $0x0;
	lr =	simm.s32 $0x1  }
0x2: {  	[smem:$0x3F97] =	sst lr;
	_ =	strace $0xD0000000  }
0x3: {  	_ = 	snop  }
0x4: {  	_ = 	snop  }
0x5: {  	_ = 	snop  }
0x6: {  	_ = 	snop  }
0x7: {  	_ = 	snop  }
__scs_overlays_trampoline_lowered:
0x8: {  	[smem:$0x3FA6] =	sst s0  }
0x9: {  	[smem:$0x3FA7] =	sst s1  }
0xa: {  	[smem:$0x3FA8] =	sst s2  }
0xb: {  	[smem:$0x3FA9] =	sst s3  }
0xc: {  	[smem:$0x3FAA] =	sst s4  }
0xd: {  	[smem:$0x3FAB] =	sst s5  }
0xe: {  	[smem:$0x3FAC] =	sst s6  }
0xf: {  	[smem:$0x3FAD] =	sst s7  }
0x10: {  	[smem:$0x3FAE] =	sst s8  }
0x11: {  	[smem:$0x3FAF] =	sst s9;
	s0 =	simm.s32 @!p0 $0x0  }
0x12: {  	s1 =	sld [smem:$0x3F95];
	s0 =	simm.s32 @p0 $0x1  }
0x13: {  	[smem:$0x3FB0] =	sst s0;
	s0 =	simm.s32 @!p1 $0x0  }
0x14: {  	s2 =	sld [smem:$0x3F94];
	s0 =	simm.s32 @p1 $0x1  }
0x15: {  	[smem:$0x3FB1] =	sst s0;
	s0 =	simm.s32 @!p2 $0x0  }
0x16: {  	s3 =	sld [smem:$0x3FDB];
	s0 =	simm.s32 @p2 $0x1  }
0x17: {  	s4 =	simm.s32 $0x1BF5;
	[smem:$0x3FB3] =	sst s0  }
0x18: {  	s0 =	sld [smem:$0x3F96];
	_ =	swait.ge [sflag:s4], $0x0  }
0x19: {  	s7 =	sld [smem:$0x3F97]  }
0x1a: {  	s8 =	sadd.s32 $0xFFFFE003, lr  }
0x1b: {  	s9 =	sadd.s32 $0xFFFFFEF7, lr;
	s5 =	simm.s32 $0xFFFFFFFF;
	p2 =	slt.u32 s8, $0xFFFFF086  }
0x1c: {  	p1 =	slt.u32 s9, $0xF7A;
	s5 =	simm.s32 @!p2 $0x0  }
0x1d: {  	s5 =	simm.s32 @p1 $0x1;
	p0 =	seq.s32 s7, s2  }
0x1e: {  	s7 =	smul.u32 @!p0 $0xF7A, s2;
	p2 =	seq.s32 @!p0 s5, $0x0  }
0x1f: {  	s9 =	smul.u32 $0xF7A, s1;
	s8 =	simm.s32 @!p0 $0x1BF5;
	p2 =	por !p2, p0  }
0x20: {  	[sflag:s8] =	ssyncset.s32 @!p0 $0xFFFFF086;
	s6 =	sadd.s32 @!p0 s3, s7;
	s7 =	simm.s32 @!p0 $0x108  }
0x21: {  	s3 =	sadd.s32 s3, s9;
	s6 =	sadd.s32 @!p0 $0x88, s6;
	s7 =	simm.s32 @p2 $0x1082  }
0x22: {  	[simem:s7], [sflag:s8] =	dma.local @!p0 [hbm:s6], $0xF7A  }
0x23: {  	s9 =	sor.u32 $0xD0000000, s2;
	s6 =	simm.s32 $0x108;
	_ =	swait.ge @!p0 [sflag:s8], $0x0  }
0x24: {  	s3 =	sadd.s32 $0x88, s3;
	s6 =	simm.s32 @!p1 $0x1082;
	[sflag:s4] =	ssyncset.s32 $0xFFFFF086  }
0x25: {  	[simem:s6], [sflag:s4] =	dma.local [hbm:s3], $0xF7A  }
0x26: {  	[smem:$0x3F97] =	sst s1;
	(tag) =	ssettag s2;
	_ =	strace s9  }
0x27: {  	s1 =	sld [smem:$0x3FA7]  }
0x28: {  	s2 =	sld [smem:$0x3FA8]  }
0x29: {  	s4 =	sld [smem:$0x3FAA]  }
0x2a: {  	p0 =	seq.s32 s5, $0x0;
	s5 =	sld [smem:$0x3FAB]  }
0x2b: {  	s6 =	sld [smem:$0x3FAC]  }
0x2c: {  	s7 =	sld [smem:$0x3FAD]  }
0x2d: {  	s3 =	simm.s32 $0x108;
	s8 =	sld [smem:$0x3FAE]  }
0x2e: {  	s3 =	simm.s32 @!p0 $0x1082;
	s9 =	sld [smem:$0x3FAF]  }
0x2f: {  	lr =	sadd.s32 s0, s3;
	s0 =	sld [smem:$0x3FA6]  }
0x30: {  	s3 =	sld [smem:$0x3FA9]  }
0x31: {  	[smem:$0x3FB2] =	sst s10  }
0x32: {  	s10 =	sld [smem:$0x3FB0];
	_ =	sdelay $0x3  }
0x33: {  	p0 =	seq.s32 s10, $0x1;
	s10 =	sld [smem:$0x3FB2];
	_ =	sdelay $0x3  }
0x34: {  	[smem:$0x3FB2] =	sst s10  }
0x35: {  	s10 =	sld [smem:$0x3FB1];
	_ =	sdelay $0x3  }
0x36: {  	p1 =	seq.s32 s10, $0x1;
	s10 =	sld [smem:$0x3FB2];
	_ =	sdelay $0x3  }
0x37: {  	[smem:$0x3FB2] =	sst s10  }
0x38: {  	s10 =	sld [smem:$0x3FB3]  }
0x39: {  	_ = 	snop;
	(pc) =	sbr.ind lr, $3  }
0x3a: {  	_ = 	snop  }
0x3b: {  	_ = 	snop  }
0x3c: {  	p2 =	seq.s32 s10, $0x1;
	s10 =	sld [smem:$0x3FB2]  }
0x3d: {  	_ =	shalt  }
0x3e: {  	_ =	shalt  }
0x3f: {  	_ =	shalt  }
0x40: {  	_ =	shalt  }
0x41: {  	_ =	shalt  }
0x42: {  	_ =	shalt  }
0x43: {  	_ =	shalt  }
0x44: {  	_ =	shalt  }
0x45: {  	_ =	shalt  }
0x46: {  	_ =	shalt  }
0x47: {  	_ =	shalt  }
0x48: {  	_ =	shalt  }
0x49: {  	_ =	shalt  }
0x4a: {  	_ =	shalt  }
0x4b: {  	_ =	shalt  }
0x4c: {  	_ =	shalt  }
0x4d: {  	_ =	shalt  }
0x4e: {  	_ =	shalt  }
0x4f: {  	_ =	shalt  }
0x50: {  	_ =	shalt  }
0x51: {  	_ =	shalt  }
0x52: {  	_ =	shalt  }
0x53: {  	_ =	shalt  }
0x54: {  	_ =	shalt  }
0x55: {  	_ =	shalt  }
0x56: {  	_ =	shalt  }
0x57: {  	_ =	shalt  }
0x58: {  	_ =	shalt  }
0x59: {  	_ =	shalt  }
0x5a: {  	_ =	shalt  }
0x5b: {  	_ =	shalt  }
0x5c: {  	_ =	shalt  }
0x5d: {  	_ =	shalt  }
0x5e: {  	_ =	shalt  }
0x5f: {  	_ =	shalt  }
0x60: {  	_ =	shalt  }
0x61: {  	_ =	shalt  }
0x62: {  	_ =	shalt  }
0x63: {  	_ =	shalt  }
0x64: {  	_ =	shalt  }
0x65: {  	_ =	shalt  }
0x66: {  	_ =	shalt  }
0x67: {  	_ =	shalt  }
0x68: {  	_ =	shalt  }
0x69: {  	_ =	shalt  }
0x6a: {  	_ =	shalt  }
0x6b: {  	_ =	shalt  }
0x6c: {  	_ =	shalt  }
0x6d: {  	_ =	shalt  }
0x6e: {  	_ =	shalt  }
0x6f: {  	_ =	shalt  }
0x70: {  	_ =	shalt  }
0x71: {  	_ =	shalt  }
0x72: {  	_ =	shalt  }
0x73: {  	_ =	shalt  }
0x74: {  	_ =	shalt  }
0x75: {  	_ =	shalt  }
0x76: {  	_ =	shalt  }
0x77: {  	_ =	shalt  }
0x78: {  	_ =	shalt  }
0x79: {  	_ =	shalt  }
0x7a: {  	_ =	shalt  }
0x7b: {  	_ =	shalt  }
0x7c: {  	_ =	shalt  }
0x7d: {  	_ =	shalt  }
0x7e: {  	_ =	shalt  }
0x7f: {  	_ =	shalt  }
0x80: {  	_ =	shalt  }
0x81: {  	_ =	shalt  }
0x82: {  	_ =	shalt  }
0x83: {  	_ =	shalt  }
0x84: {  	_ =	shalt  }
0x85: {  	_ =	shalt  }
0x86: {  	_ =	shalt  }
0x87: {  	_ =	shalt  }
.Lfunc_end0:
.L_simem_size_0:
called_computation_lowered:
.L_overlay_start_0:
0x88: {  	s2 =	sld [smem:$0x3FD9]  }
0x89: {  	s3 =	sld [smem:$0x3FFE];
	_ =	sdelay $0x1  }
0x8a: {  	s1 =	srdreg.scid  }
0x8b: {  	s0 =	sand.u32 $0x1, s1  }
0x8c: {  	s17 =	sshll.u32 s0, $0xA;
	s2 =	sadd.s32 s3, s2  }
0x8d: {  	s2 =	sadd.s32 s2, s17  }
0x8e: {  	[smem:$0x3FBE] =	sst s2  }
0x8f: {  	_ = 	snop  }
0x90: {  	s2 =	sld [smem:$0x3FC9]  }
0x91: {  	s18 =	sld [smem:$0x3FC8]  }
0x92: {  	s4 =	sld [smem:$0x3FC7]  }
0x93: {  	s5 =	sld [smem:$0x3FC6]  }
0x94: {  	s6 =	sld [smem:$0x3FC5]  }
0x95: {  	s7 =	sld [smem:$0x3FD0];
	(tm) =	ssettm $0x1  }
0x96: {  	s8 =	sld [smem:$0x3FFB];
	_ =	sdelay $0x3  }
0x97: {  	_ =	strace s8  }
0x98: {  	s8 =	sld [smem:$0x3FFC];
	_ =	sdelay $0x3  }
0x99: {  	_ =	strace s8  }
0x9a: {  	s8 =	sld [smem:$0x3FFD];
	_ =	sdelay $0x3  }
0x9b: {  	_ =	strace s8  }
0x9c: {  	_ =	strace $0x8FFFFFFF  }
0x9d: {  	s19 =	sld [smem:$0x3FDB];
	_ =	sdelay $0x1  }
0x9e: {  	s9 =	simm.s32 $_scs_section_size  }
0x9f: {  	s10 =	simm.s32 $_size__tile_overlayer_lowered;
	s11 =	simm.s32 $_tile_overlayer_lowered  }
0xa0: {  	s22 =	simm.s32 $0x1BFF;
	s21 =	sshll.u32 s11, $0x1;
	s8 =	sadd.s32 s9, s19  }
0xa1: {  	s12 =	simm.s32 $0x0;
	s20 =	sshll.u32 s10, $0x1;
	s10 =	sadd.s32 s21, s8  }
0xa2: {  	[timem:s12], [sflag:s22] =	dma.local [hbm:s10], s20  }
0xa3: {  	_ =	swait.ge [sflag:s22], s20  }
0xa4: {  	s9 =	ssub.s32 $0x0, s20;
	[sflag:s22] =	ssyncset.done $0x0  }
0xa5: {  	[sflag:s22] =	ssyncadd.s32 s9;
	_ =	sdelay $0x1  }
0xa6: {  	s23 =	simm.s32 $0x1B8B  }
0xa7: {  	_ =	swait.ge [sflag:s23], $0x1  }
0xa8: {  	[sflag:s23] =	ssyncset.done $0x0  }
0xa9: {  	s25 =	simm.s32 $0x1B8E;
	s24 =	sld [smem:$0x3FFE];
	[sflag:s23] =	ssyncadd.s32 $0xFFFFFFFF  }
0xaa: {  	s26 =	simm.s32 $execute0_lowered;
	[smem:$0x3FD2] =	sst s25  }
0xab: {  	s10 =	sshll.u32 s26, $0x1;
	_ =	strace $0x80000046;
	[dreg:$0x1] =	wrdreg $0xFFFFFFFF  }
0xac: {  	s28 =	simm.s32 $_size_execute0_lowered;
	s8 =	sadd.s32 s8, s10;
	[dreg:$0x0] =	wrdreg $0x0  }
0xad: {  	s10 =	sshll.u32 s28, $0x1;
	[dreg:$0x2] =	wrdreg s8  }
0xae: {  	[dreg:$0x3] =	wrdreg s10  }
0xaf: {  	[dreg:$0x4] =	wrdreg $0xC0  }
0xb0: {  	_ =	task [dreg:s12], $0x5FFFF  }
0xb1: {  	[dreg:$0x1] =	wrdreg $0xFFFFFFFF  }
0xb2: {  	[dreg:$0x0] =	wrdreg $0x60  }
0xb3: {  	[dreg:$0x2] =	wrdreg s2  }
0xb4: {  	[dreg:$0x3] =	wrdreg s18  }
0xb5: {  	[dreg:$0x4] =	wrdreg s4  }
0xb6: {  	[dreg:$0x5] =	wrdreg s5  }
0xb7: {  	[dreg:$0x6] =	wrdreg s6  }
0xb8: {  	[dreg:$0x7] =	wrdreg s24  }
0xb9: {  	[dreg:$0x8] =	wrdreg s7  }
0xba: {  	[dreg:$0x9] =	wrdreg $0x9  }
0xbb: {  	_ =	task.clear_ibuf [dreg:s12], $0xAFFFF;
	_ =	strace $0x90000046  }
0xbc: {  	s29 =	simm.s32 $0x9;
	_ =	strace $0x80000048  }
0xbd: {  	_ =	swait.ge [sflag:s29], $0x1  }
0xbe: {  	[sflag:s29] =	ssyncadd.s32 $0xFFFFFFFF  }
0xbf: {  	_ =	strace $0x90000048  }
0xc0: {  	_ =	sfence  }
0xc1: {  	s30 =	sld [smem:$0x0];
	_ =	sdelay $0x2  }
0xc2: {  	s31 =	sshll.u32 s1, $0xD;
	s1 =	sshrl.u32 s1, $0x2  }
0xc3: {  	s3 =	sand.u32 $0x4000, s31;
	s1 =	sadd.s32 s1, s30  }
0xc4: {  	s0 =	sor.u32 s3, s0;
	s1 =	sshll.u32 s1, $0x11  }
0xc5: {  	s0 =	sor.u32 s1, s0  }
0xc6: {  	s0 =	sadd.s32 $0x8F2B, s0  }
0xc7: {  	[sflag:s0] =	ssyncadd.remote.s32 $0x1  }
0xc8: {  	_ =	sfence.sel $0xFFFF  }
0xc9: {  	[dreg:$0x0] =	wrdreg $0xFFFFFFFF;
	(pc) =	sbr.abs _section_cstart, $3  }
0xca: {  	[dreg:$0x1] =	wrdreg $0xFFFFFFFF  }
0xcb: {  	_ =	task.clear_ibuf [dreg:s12], $0x2FFFF;
	_ =	strace $0x9FFFFFFF  }
0xcc: {  	(tm) =	ssettm $0x7FFFFFFF  }
0xcd: {  	_ =	shalt  }
tec
execute0_lowered:
.L_overlay_start_1:
0x0: {  	(tag) =	ssettag $0x1  }
0x1: {  	s0 =	rddreg [dreg:$0x0]  }
0x2: {  	s1 =	rddreg [dreg:$0x1]  }
0x3: {  	s2 =	rddreg [dreg:$0x2]  }
0x4: {  	s4 =	rddreg [dreg:$0x3]  }
0x5: {  	s6 =	srdreg.scid;
	s8 =	stileid.u32  }
0x6: {  	s5 =	rddreg [dreg:$0x4];
	s6 =	sand.u32 $0x1, s6;
	s9 =	sshll.u32 s8, $0x1  }
0x7: {  	s3 =	rddreg [dreg:$0x5];
	s13 =	sor.u32 s6, s9  }
0x8: {  	s7 =	rddreg [dreg:$0x6];
	s6 =	ssub.s32 $0x2, s6;
	s9 =	smul.u32 $0x6400, s13  }
0x9: {  	s8 =	simm.s32 $0x0;
	s10 =	sadd.s32 $0xA5200, s3;
	s24 =	sshrl.u32 s6, $0x1  }
0xa: {  	s11 =	sadd.s32 $0x1000, s3;
	s3 =	ssub.s32 s6, s24;
	s12 =	sor.u32 $0x50, s9  }
0xb: {  	[smem:$0x7FF] =	sst s8;
	s3 =	smax.u32 s3, $0x1;
	s14 =	sshrl.u32 s12, $0x3  }
0xc: {  	_ =	strace $0x80000047;
	[smem:$0x7FD] =	sst s3;
	s15 =	sadd.s32 s0, s14  }
0xd: {  	s25 =	sadd.s32 s1, s14;
	[dreg:$0x8] =	wrdreg s15  }
0xe: {  	s16 =	sadd.s32 s2, s14;
	[dreg:$0x9] =	wrdreg s25  }
0xf: {  	s6 =	sshrl.u32 s9, $0x3;
	s26 =	sadd.s32 s4, s14;
	[dreg:$0xa] =	wrdreg s16  }
0x10: {  	s22 =	sor.u32 $0x1E, s6;
	s14 =	sadd.s32 s5, s14;
	[dreg:$0xb] =	wrdreg s26  }
0x11: {  	s23 =	sadd.s32 s0, s22;
	[dreg:$0xc] =	wrdreg s14  }
0x12: {  	[dreg:$0x12] =	wrdreg s23;
	s25 =	sadd.s32 s2, s22  }
0x13: {  	s26 =	sadd.s32 s4, s22;
	[dreg:$0x14] =	wrdreg s25  }
0x14: {  	s14 =	sadd.s32 s5, s22;
	[dreg:$0x15] =	wrdreg s26  }
0x15: {  	s15 =	sor.u32 $0xA0, s9;
	[dreg:$0x16] =	wrdreg s14;
	s25 =	sadd.s32 s0, s6  }
0x16: {  	s17 =	sshrl.u32 s15, $0x3;
	s26 =	sadd.s32 s1, s6;
	[dreg:$0x1e] =	wrdreg s25  }
0x17: {  	s18 =	sadd.s32 s0, s17;
	[dreg:$0x1f] =	wrdreg s26  }
0x18: {  	s24 =	smul.u32 $0x64000, s13;
	s19 =	sadd.s32 s1, s17;
	[dreg:$0xd] =	wrdreg s18  }
0x19: {  	s13 =	smul.u32 $0x320000, s13;
	s20 =	sadd.s32 s2, s17;
	[dreg:$0xe] =	wrdreg s19  }
0x1a: {  	s21 =	sadd.s32 s4, s17;
	[dreg:$0xf] =	wrdreg s20  }
0x1b: {  	s13 =	sshrl.u32 s13, $0x3;
	s16 =	sadd.s32 s5, s17;
	[dreg:$0x10] =	wrdreg s21  }
0x1c: {  	s13 =	sadd.s32 s7, s13;
	s17 =	sadd.s32 s1, s22;
	[dreg:$0x11] =	wrdreg s16  }
0x1d: {  	s25 =	sadd.s32 $0x63600, s13;
	[dreg:$0x13] =	wrdreg s17  }
0x1e: {  	s26 =	sadd.s32 $0x63B00, s13;
	[smem:$0x7FB] =	sst s25  }
0x1f: {  	s18 =	sadd.s32 s7, s24;
	[smem:$0x7FC] =	sst s26  }
0x20: {  	s16 =	sadd.s32 s2, s6;
	[dreg:$0x17] =	wrdreg s18  }
0x21: {  	s19 =	sor.u32 $0x28, s6;
	s17 =	sadd.s32 s4, s6;
	[smem:$0x7F2] =	sst s16  }
0x22: {  	s20 =	sadd.s32 s0, s19;
	[smem:$0x7F3] =	sst s17  }
0x23: {  	s31 =	simm.s32 $0x4;
	s21 =	sadd.s32 s1, s19;
	[dreg:$0x18] =	wrdreg s20  }
0x24: {  	s28 =	simm.s32 $0x3;
	s22 =	sadd.s32 s2, s19;
	[dreg:$0x19] =	wrdreg s21  }
0x25: {  	s29 =	simm.s32 $0x6;
	s23 =	sadd.s32 s4, s19;
	[dreg:$0x1a] =	wrdreg s22  }
0x26: {  	s30 =	simm.s32 $0x9;
	s14 =	sadd.s32 s5, s19;
	[dreg:$0x1b] =	wrdreg s23  }
0x27: {  	s24 =	sshll.u32 s12, $0x4;
	s18 =	sadd.s32 s5, s6;
	[dreg:$0x1c] =	wrdreg s14  }
0x28: {  	s6 =	sor.u32 $0x32, s6;
	s14 =	sadd.s32 s7, s24;
	[smem:$0x7F4] =	sst s18  }
0x29: {  	s3 =	sor.u32 $0x140, s9;
	s19 =	sadd.s32 s0, s6;
	[dreg:$0x1d] =	wrdreg s14  }
0x2a: {  	s13 =	sor.u32 $0x190, s9;
	s20 =	sadd.s32 s1, s6;
	[smem:$0x7F5] =	sst s19  }
0x2b: {  	s25 =	simm.s32 $0x50;
	s21 =	sadd.s32 s2, s6;
	[smem:$0x7F6] =	sst s20  }
0x2c: {  	s26 =	simm.s32 $0x8;
	s22 =	sadd.s32 s4, s6;
	[smem:$0x7F7] =	sst s21  }
0x2d: {  	s23 =	sshll.u32 s15, $0x4;
	s6 =	sadd.s32 s5, s6;
	[smem:$0x7F8] =	sst s22  }
0x2e: {  	s16 =	simm.s32 $0x0;
	[smem:$0x7F9] =	sst s6;
	s24 =	sadd.s32 s7, s23  }
0x2f: {  	s6 =	sor.u32 $0xF0, s9;
	s19 =	simm.s32 $0x2;
	s20 =	simm.s32 $0x7  }
0x30: {  	s22 =	simm.s32 $0x5;
	[smem:$0x7FA] =	sst s24;
	s24 =	simm.s32 $0x1  }
.LBB2_1:
0x31: {  	[smem:$0x7F1] =	sst s16  }
0x32: {  	s14 =	rddreg [dreg:$0x1e]  }
0x33: {  	s17 =	rddreg [dreg:$0x1f]  }
0x34: {  	[tilespmem:s8], [sflag:$0x1] =	stream.linear.gather [hbm4b:s14+s8], $0x50, $0x38;
	[tilespmem:$0x17700] =	vst v63  }
0x35: {  	s16 =	simm.s32 $0x80;
	s18 =	sld [smem:$0x7F2]  }
0x36: {  	[tilespmem:s16], [sflag:$0x1] =	stream.linear.gather [hbm4b:s17+s8], $0x50, $0x38;
	[tilespmem:$0x17700] =	vst v63  }
0x37: {  	s21 =	sld [smem:$0x7F3];
	s17 =	simm.s32 $0x100  }
0x38: {  	[tilespmem:s17], [sflag:$0x1] =	stream.linear.gather [hbm4b:s18+s8], $0x50, $0x38;
	[tilespmem:$0x17700] =	vst v63  }
0x39: {  	s23 =	sld [smem:$0x7F4];
	s18 =	simm.s32 $0x180  }
0x3a: {  	[tilespmem:s18], [sflag:$0x1] =	stream.linear.gather [hbm4b:s21+s8], $0x50, $0x38;
	[tilespmem:$0x17700] =	vst v63  }
0x3b: {  	s21 =	simm.s32 $0x200  }
0x3c: {  	[tilespmem:s21], [sflag:$0x1] =	stream.linear.gather [hbm4b:s23+s8], $0x50, $0x38;
	[tilespmem:$0x17700] =	vst v63  }
0x3d: {  	s14 =	rddreg [dreg:$0x8];
	s23 =	simm.s32 $0x7D00  }
0x3e: {  	[tilespmem:s23], [sflag:$0x4] =	stream.linear.gather [hbm4b:s14+s8], $0x50, $0x38;
	[tilespmem:$0x17700] =	vst v63  }
0x3f: {  	s14 =	rddreg [dreg:$0x9];
	s23 =	simm.s32 $0x7D80  }
0x40: {  	[tilespmem:s23], [sflag:$0x4] =	stream.linear.gather [hbm4b:s14+s8], $0x50, $0x38;
	[tilespmem:$0x17700] =	vst v63  }
0x41: {  	s14 =	rddreg [dreg:$0xa];
	s23 =	simm.s32 $0x7E00  }
0x42: {  	[tilespmem:s23], [sflag:$0x4] =	stream.linear.gather [hbm4b:s14+s8], $0x50, $0x38;
	[tilespmem:$0x17700] =	vst v63  }
0x43: {  	s14 =	rddreg [dreg:$0xb];
	s23 =	simm.s32 $0x7E80  }
0x44: {  	[tilespmem:s23], [sflag:$0x4] =	stream.linear.gather [hbm4b:s14+s8], $0x50, $0x38;
	[tilespmem:$0x17700] =	vst v63  }
0x45: {  	s14 =	rddreg [dreg:$0xc];
	s23 =	simm.s32 $0x7F00  }
0x46: {  	[tilespmem:s23], [sflag:$0x4] =	stream.linear.gather [hbm4b:s14+s8], $0x50, $0x38;
	[tilespmem:$0x17700] =	vst v63  }
0x47: {  	s14 =	rddreg [dreg:$0xd];
	s23 =	simm.s32 $0xFA00  }
0x48: {  	[tilespmem:s23], [sflag:$0x7] =	stream.linear.gather [hbm4b:s14+s8], $0x50, $0x38;
	[tilespmem:$0x17700] =	vst v63  }
0x49: {  	s14 =	rddreg [dreg:$0xe];
	s23 =	simm.s32 $0xFA80  }
0x4a: {  	[tilespmem:s23], [sflag:$0x7] =	stream.linear.gather [hbm4b:s14+s8], $0x50, $0x38;
	[tilespmem:$0x17700] =	vst v63  }
0x4b: {  	s14 =	rddreg [dreg:$0xf];
	s23 =	simm.s32 $0xFB00  }
0x4c: {  	[tilespmem:s23], [sflag:$0x7] =	stream.linear.gather [hbm4b:s14+s8], $0x50, $0x38;
	[tilespmem:$0x17700] =	vst v63  }
0x4d: {  	s14 =	rddreg [dreg:$0x10];
	s23 =	simm.s32 $0xFB80  }
0x4e: {  	[tilespmem:s23], [sflag:$0x7] =	stream.linear.gather [hbm4b:s14+s8], $0x50, $0x38;
	[tilespmem:$0x17700] =	vst v63  }
0x4f: {  	s14 =	rddreg [dreg:$0x11];
	s23 =	simm.s32 $0xFC00  }
0x50: {  	[tilespmem:s23], [sflag:$0x7] =	stream.linear.gather [hbm4b:s14+s8], $0x50, $0x38;
	[tilespmem:$0x17700] =	vst v63  }
0x51: {  	_ =	swait.ge [sflag:s24], $0x50  }
0x52: {  	[sflag:s24] =	ssyncset.done $0x0  }
0x53: {  	[sflag:s24] =	ssyncadd.s32 $0xFFFFFFB0  }
0x54: {  	_ =	swait.ge [sflag:s24], $0x50  }
0x55: {  	[sflag:s24] =	ssyncset.done $0x0  }
0x56: {  	[sflag:s24] =	ssyncadd.s32 $0xFFFFFFB0  }
0x57: {  	_ =	swait.ge [sflag:s24], $0x50  }
0x58: {  	[sflag:s24] =	ssyncset.done $0x0  }
0x59: {  	[sflag:s24] =	ssyncadd.s32 $0xFFFFFFB0  }
0x5a: {  	_ =	swait.ge [sflag:s24], $0x50  }
0x5b: {  	[sflag:s24] =	ssyncset.done $0x0  }
0x5c: {  	[sflag:s24] =	ssyncadd.s32 $0xFFFFFFB0  }
0x5d: {  	_ =	swait.ge [sflag:s24], $0x50  }
0x5e: {  	[sflag:s24] =	ssyncset.done $0x0  }
0x5f: {  	[sflag:s24] =	ssyncadd.s32 $0xFFFFFFB0  }
0x60: {  	v0 =	vld [tilespmem:$0x0]  }
0x61: {  	v1 =	vld [tilespmem:$0x80]  }
0x62: {  	v2 =	vld [tilespmem:$0x100]  }
0x63: {  	v3 =	vld [tilespmem:$0x180]  }
0x64: {  	v4 =	vld [tilespmem:$0x200]  }
0x65: {  	v5 =	vld [tilespmem:$0x10]  }
0x66: {  	v6 =	vld [tilespmem:$0x90]  }
0x67: {  	v7 =	vld [tilespmem:$0x110]  }
0x68: {  	v8 =	vld [tilespmem:$0x190]  }
0x69: {  	v9 =	vld [tilespmem:$0x210]  }
0x6a: {  	v10 =	vld [tilespmem:$0x20]  }
0x6b: {  	v11 =	vld [tilespmem:$0xA0]  }
0x6c: {  	v12 =	vld [tilespmem:$0x120]  }
0x6d: {  	v13 =	vld [tilespmem:$0x1A0]  }
0x6e: {  	v14 =	vld [tilespmem:$0x220]  }
0x6f: {  	v15 =	vld [tilespmem:$0x30];
	v0 =	vmul.u32 $0x31, v0  }
0x70: {  	v16 =	vld [tilespmem:$0xB0]  }
0x71: {  	v17 =	vld [tilespmem:$0x40];
	v0 =	vadd.s32 v1, v0;
	v1 =	vmul.u32 $0x31, v5  }
0x72: {  	v33 =	vld [tilespmem:$0x1B0];
	v0 =	vmul.u32 $0x30, v0  }
0x73: {  	v2 =	vmul.u32 $0xD0, v2;
	v5 =	vld [tilespmem:$0x130];
	v1 =	vadd.s32 v6, v1;
	v6 =	vmul.u32 $0x31, v10  }
0x74: {  	v0 =	vadd.s32 v0, v4;
	v1 =	vmul.u32 $0x30, v1;
	v4 =	vmul.u32 $0xD0, v7;
	v7 =	vld [tilespmem:$0xC0]  }
0x75: {  	[tilespmem:$0x400] =	vst v0;
	v0 =	vadd.s32 v3, v2;
	v2 =	vadd.s32 v11, v6;
	v3 =	vld [tilespmem:$0x230];
	v6 =	vmul.u32 $0x31, v15  }
0x76: {  	[tilespmem:$0x480] =	vst v0;
	v0 =	vadd.s32 v1, v9;
	v1 =	vadd.s32 v8, v4;
	v2 =	vmul.u32 $0x30, v2;
	v4 =	vld [tilespmem:$0x140]  }
0x77: {  	v34 =	vld [tilespmem:$0x240];
	v35 =	vmul.u32 $0x31, v17;
	[tilespmem:$0x410] =	vst v0;
	v0 =	vmul.u32 $0xD0, v12;
	v6 =	vadd.s32 v16, v6  }
0x78: {  	[tilespmem:$0x490] =	vst v1;
	v1 =	vadd.s32 v2, v14;
	v2 =	vmul.u32 $0x30, v6;
	v6 =	vld [tilespmem:$0x1C0]  }
0x79: {  	[tilespmem:$0x420] =	vst v1;
	v0 =	vadd.s32 v13, v0;
	v1 =	vmul.u32 $0xD0, v5;
	v5 =	vadd.s32 v7, v35  }
0x7a: {  	[tilespmem:$0x4A0] =	vst v0;
	v0 =	vadd.s32 v2, v3;
	v2 =	vmul.u32 $0x30, v5  }
0x7b: {  	[tilespmem:$0x430] =	vst v0;
	v0 =	vadd.s32 v33, v1;
	v1 =	vmul.u32 $0xD0, v4  }
0x7c: {  	[tilespmem:$0x4B0] =	vst v0;
	v0 =	vadd.s32 v2, v34  }
0x7d: {  	[tilespmem:$0x440] =	vst v0;
	v0 =	vadd.s32 v6, v1  }
0x7e: {  	s14 =	simm.s32 $0x400;
	s23 =	simm.s32 $0x500;
	[tilespmem:$0x4C0] =	vst v0  }
0x7f: {  	[tilespmem:s23], [sflag:$0x2] =	stream.indirect.gather [hbm4b:s10+s25], $0x80, s14, s25, $0xb8;
	[tilespmem:$0x17700] =	vst v63  }
0x80: {  	s14 =	simm.s32 $0x480;
	s23 =	simm.s32 $0x2D00  }
0x81: {  	[tilespmem:s23], [sflag:$0x2] =	stream.indirect.gather [hbm4b:s11+s25], $0x80, s14, s25, $0xb8;
	[tilespmem:$0x17700] =	vst v63  }
0x82: {  	_ =	swait.ge [sflag:s31], $0x50  }
0x83: {  	[sflag:s31] =	ssyncset.done $0x0  }
0x84: {  	[sflag:s31] =	ssyncadd.s32 $0xFFFFFFB0  }
0x85: {  	_ =	swait.ge [sflag:s31], $0x50  }
0x86: {  	[sflag:s31] =	ssyncset.done $0x0  }
0x87: {  	[sflag:s31] =	ssyncadd.s32 $0xFFFFFFB0  }
0x88: {  	_ =	swait.ge [sflag:s31], $0x50  }
0x89: {  	[sflag:s31] =	ssyncset.done $0x0  }
0x8a: {  	[sflag:s31] =	ssyncadd.s32 $0xFFFFFFB0  }
0x8b: {  	_ =	swait.ge [sflag:s31], $0x50  }
0x8c: {  	[sflag:s31] =	ssyncset.done $0x0  }
0x8d: {  	[sflag:s31] =	ssyncadd.s32 $0xFFFFFFB0  }
0x8e: {  	_ =	swait.ge [sflag:s31], $0x50  }
0x8f: {  	[sflag:s31] =	ssyncset.done $0x0  }
0x90: {  	[sflag:s31] =	ssyncadd.s32 $0xFFFFFFB0  }
0x91: {  	v0 =	vld [tilespmem:$0x7D00]  }
0x92: {  	v1 =	vld [tilespmem:$0x7D80]  }
0x93: {  	v2 =	vld [tilespmem:$0x7E00]  }
0x94: {  	v3 =	vld [tilespmem:$0x7E80]  }
0x95: {  	v4 =	vld [tilespmem:$0x7F00]  }
0x96: {  	v5 =	vld [tilespmem:$0x7D10]  }
0x97: {  	v6 =	vld [tilespmem:$0x7D90]  }
0x98: {  	v7 =	vld [tilespmem:$0x7E10]  }
0x99: {  	v36 =	vld [tilespmem:$0x7E90]  }
0x9a: {  	v37 =	vld [tilespmem:$0x7F10]  }
0x9b: {  	v38 =	vld [tilespmem:$0x7D20]  }
0x9c: {  	v39 =	vld [tilespmem:$0x7DA0]  }
0x9d: {  	v40 =	vld [tilespmem:$0x7E20]  }
0x9e: {  	v41 =	vld [tilespmem:$0x7EA0]  }
0x9f: {  	v42 =	vld [tilespmem:$0x7F20]  }
0xa0: {  	v43 =	vld [tilespmem:$0x7D30];
	v0 =	vmul.u32 $0x31, v0  }
0xa1: {  	v44 =	vld [tilespmem:$0x7DB0]  }
0xa2: {  	v45 =	vld [tilespmem:$0x7D40];
	v0 =	vadd.s32 v1, v0;
	v1 =	vmul.u32 $0x31, v5  }
0xa3: {  	v46 =	vld [tilespmem:$0x7EB0];
	v0 =	vmul.u32 $0x30, v0  }
0xa4: {  	v2 =	vmul.u32 $0xD0, v2;
	v5 =	vld [tilespmem:$0x7E30];
	v1 =	vadd.s32 v6, v1;
	v6 =	vmul.u32 $0x31, v38  }
0xa5: {  	v0 =	vadd.s32 v0, v4;
	v1 =	vmul.u32 $0x30, v1;
	v4 =	vmul.u32 $0xD0, v7;
	v7 =	vld [tilespmem:$0x7DC0]  }
0xa6: {  	[tilespmem:$0x8100] =	vst v0;
	v0 =	vadd.s32 v3, v2;
	v2 =	vadd.s32 v39, v6;
	v3 =	vld [tilespmem:$0x7F30];
	v6 =	vmul.u32 $0x31, v43  }
0xa7: {  	[tilespmem:$0x8180] =	vst v0;
	v0 =	vadd.s32 v1, v37;
	v1 =	vadd.s32 v36, v4;
	v2 =	vmul.u32 $0x30, v2;
	v4 =	vld [tilespmem:$0x7E40]  }
0xa8: {  	v47 =	vld [tilespmem:$0x7F40];
	v48 =	vmul.u32 $0x31, v45;
	[tilespmem:$0x8110] =	vst v0;
	v0 =	vmul.u32 $0xD0, v40;
	v6 =	vadd.s32 v44, v6  }
0xa9: {  	[tilespmem:$0x8190] =	vst v1;
	v1 =	vadd.s32 v2, v42;
	v2 =	vmul.u32 $0x30, v6;
	v6 =	vld [tilespmem:$0x7EC0]  }
0xaa: {  	[tilespmem:$0x8120] =	vst v1;
	v0 =	vadd.s32 v41, v0;
	v1 =	vmul.u32 $0xD0, v5;
	v5 =	vadd.s32 v7, v48  }
0xab: {  	[tilespmem:$0x81A0] =	vst v0;
	v0 =	vadd.s32 v2, v3;
	v2 =	vmul.u32 $0x30, v5  }
0xac: {  	[tilespmem:$0x8130] =	vst v0;
	v0 =	vadd.s32 v46, v1;
	v1 =	vmul.u32 $0xD0, v4  }
0xad: {  	[tilespmem:$0x81B0] =	vst v0;
	v0 =	vadd.s32 v2, v47  }
0xae: {  	[tilespmem:$0x8140] =	vst v0;
	v0 =	vadd.s32 v6, v1  }
0xaf: {  	s14 =	simm.s32 $0x8100;
	s23 =	simm.s32 $0x8200;
	[tilespmem:$0x81C0] =	vst v0  }
0xb0: {  	[tilespmem:s23], [sflag:$0x5] =	stream.indirect.gather [hbm4b:s10+s25], $0x80, s14, s25, $0xb8;
	[tilespmem:$0x17700] =	vst v63  }
0xb1: {  	s14 =	simm.s32 $0x8180;
	s23 =	simm.s32 $0xAA00  }
0xb2: {  	[tilespmem:s23], [sflag:$0x5] =	stream.indirect.gather [hbm4b:s11+s25], $0x80, s14, s25, $0xb8;
	[tilespmem:$0x17700] =	vst v63  }
0xb3: {  	_ =	swait.ge [sflag:s19], $0x2800  }
0xb4: {  	[sflag:s19] =	ssyncset.done $0x0  }
0xb5: {  	[sflag:s19] =	ssyncadd.s32 $0xFFFFD800  }
0xb6: {  	_ =	swait.ge [sflag:s19], $0x2800  }
0xb7: {  	[sflag:s19] =	ssyncset.done $0x0  }
0xb8: {  	[sflag:s19] =	ssyncadd.s32 $0xFFFFD800  }
0xb9: {  	_ =	swait.ge [sflag:s20], $0x50  }
0xba: {  	[sflag:s20] =	ssyncset.done $0x0  }
0xbb: {  	[sflag:s20] =	ssyncadd.s32 $0xFFFFFFB0  }
0xbc: {  	_ =	swait.ge [sflag:s20], $0x50  }
0xbd: {  	[sflag:s20] =	ssyncset.done $0x0  }
0xbe: {  	[sflag:s20] =	ssyncadd.s32 $0xFFFFFFB0  }
0xbf: {  	_ =	swait.ge [sflag:s20], $0x50  }
0xc0: {  	[sflag:s20] =	ssyncset.done $0x0  }
0xc1: {  	[sflag:s20] =	ssyncadd.s32 $0xFFFFFFB0  }
0xc2: {  	_ =	swait.ge [sflag:s20], $0x50  }
0xc3: {  	[sflag:s20] =	ssyncset.done $0x0  }
0xc4: {  	[sflag:s20] =	ssyncadd.s32 $0xFFFFFFB0  }
0xc5: {  	_ =	swait.ge [sflag:s20], $0x50  }
0xc6: {  	[sflag:s20] =	ssyncset.done $0x0  }
0xc7: {  	[sflag:s20] =	ssyncadd.s32 $0xFFFFFFB0  }
0xc8: {  	v0 =	vld [tilespmem:$0xFA00]  }
0xc9: {  	v1 =	vld [tilespmem:$0xFA80]  }
0xca: {  	v2 =	vld [tilespmem:$0xFB00]  }
0xcb: {  	v3 =	vld [tilespmem:$0xFB80]  }
0xcc: {  	v4 =	vld [tilespmem:$0xFC00]  }
0xcd: {  	v5 =	vld [tilespmem:$0xFA10]  }
0xce: {  	v6 =	vld [tilespmem:$0xFA90]  }
0xcf: {  	v7 =	vld [tilespmem:$0xFB10]  }
0xd0: {  	v49 =	vld [tilespmem:$0xFB90]  }
0xd1: {  	v50 =	vld [tilespmem:$0xFC10]  }
0xd2: {  	v51 =	vld [tilespmem:$0xFA20]  }
0xd3: {  	v52 =	vld [tilespmem:$0xFAA0]  }
0xd4: {  	v53 =	vld [tilespmem:$0xFB20]  }
0xd5: {  	v54 =	vld [tilespmem:$0xFBA0]  }
0xd6: {  	v55 =	vld [tilespmem:$0xFC20]  }
0xd7: {  	v56 =	vld [tilespmem:$0xFA30];
	v0 =	vmul.u32 $0x31, v0  }
0xd8: {  	v57 =	vld [tilespmem:$0xFAB0]  }
0xd9: {  	v58 =	vld [tilespmem:$0xFA40];
	v0 =	vadd.s32 v1, v0;
	v1 =	vmul.u32 $0x31, v5  }
0xda: {  	v59 =	vld [tilespmem:$0xFBB0];
	v0 =	vmul.u32 $0x30, v0  }
0xdb: {  	v2 =	vmul.u32 $0xD0, v2;
	v5 =	vld [tilespmem:$0xFB30];
	v1 =	vadd.s32 v6, v1;
	v6 =	vmul.u32 $0x31, v51  }
0xdc: {  	v0 =	vadd.s32 v0, v4;
	v1 =	vmul.u32 $0x30, v1;
	v4 =	vmul.u32 $0xD0, v7;
	v7 =	vld [tilespmem:$0xFAC0]  }
0xdd: {  	[tilespmem:$0xFE00] =	vst v0;
	v0 =	vadd.s32 v3, v2;
	v2 =	vadd.s32 v52, v6;
	v3 =	vld [tilespmem:$0xFC30];
	v6 =	vmul.u32 $0x31, v56  }
0xde: {  	[tilespmem:$0xFE80] =	vst v0;
	v0 =	vadd.s32 v1, v50;
	v1 =	vadd.s32 v49, v4;
	v2 =	vmul.u32 $0x30, v2;
	v4 =	vld [tilespmem:$0xFB40]  }
0xdf: {  	v60 =	vld [tilespmem:$0xFC40];
	v61 =	vmul.u32 $0x31, v58;
	[tilespmem:$0xFE10] =	vst v0;
	v0 =	vmul.u32 $0xD0, v53;
	v6 =	vadd.s32 v57, v6  }
0xe0: {  	[tilespmem:$0xFE90] =	vst v1;
	v1 =	vadd.s32 v2, v55;
	v2 =	vmul.u32 $0x30, v6;
	v6 =	vld [tilespmem:$0xFBC0]  }
0xe1: {  	v5 =	vmul.u32 $0xD0, v5;
	[tilespmem:$0xFE20] =	vst v1;
	v0 =	vadd.s32 v54, v0;
	v1 =	vadd.s32 v7, v61  }
0xe2: {  	[tilespmem:$0xFEA0] =	vst v0;
	v0 =	vadd.s32 v2, v3;
	v1 =	vmul.u32 $0x30, v1  }
0xe3: {  	[tilespmem:$0xFE30] =	vst v0;
	v0 =	vadd.s32 v59, v5;
	v2 =	vmul.u32 $0xD0, v4  }
0xe4: {  	[tilespmem:$0xFEB0] =	vst v0;
	v0 =	vadd.s32 v1, v60  }
0xe5: {  	[tilespmem:$0xFE40] =	vst v0;
	v0 =	vadd.s32 v6, v2  }
0xe6: {  	s14 =	simm.s32 $0xFE00;
	s23 =	simm.s32 $0xFF00;
	[tilespmem:$0xFEC0] =	vst v0  }
0xe7: {  	[tilespmem:s23], [sflag:$0x8] =	stream.indirect.gather [hbm4b:s10+s25], $0x80, s14, s25, $0xb8;
	[tilespmem:$0x17700] =	vst v63  }
0xe8: {  	s14 =	simm.s32 $0xFE80;
	s23 =	simm.s32 $0x12700  }
0xe9: {  	[tilespmem:s23], [sflag:$0x8] =	stream.indirect.gather [hbm4b:s11+s25], $0x80, s14, s25, $0xb8;
	[tilespmem:$0x17700] =	vst v63  }
0xea: {  	s23 =	rddreg [dreg:$0x12]  }
0xeb: {  	[tilespmem:s8], [sflag:$0x1] =	stream.linear.gather [hbm4b:s23+s8], $0x50, $0x38;
	[tilespmem:$0x17700] =	vst v63  }
0xec: {  	s23 =	rddreg [dreg:$0x13]  }
0xed: {  	[tilespmem:s16], [sflag:$0x1] =	stream.linear.gather [hbm4b:s23+s8], $0x50, $0x38;
	[tilespmem:$0x17700] =	vst v63  }
0xee: {  	s16 =	rddreg [dreg:$0x14]  }
0xef: {  	[tilespmem:s17], [sflag:$0x1] =	stream.linear.gather [hbm4b:s16+s8], $0x50, $0x38;
	[tilespmem:$0x17700] =	vst v63  }
0xf0: {  	s17 =	rddreg [dreg:$0x15]  }
0xf1: {  	[tilespmem:s18], [sflag:$0x1] =	stream.linear.gather [hbm4b:s17+s8], $0x50, $0x38;
	[tilespmem:$0x17700] =	vst v63  }
0xf2: {  	s14 =	simm.s32 $0x0;
	s23 =	rddreg [dreg:$0x16]  }
0xf3: {  	[tilespmem:s21], [sflag:$0x1] =	stream.linear.gather [hbm4b:s23+s8], $0x50, $0x38;
	[tilespmem:$0x17700] =	vst v63  }
0xf4: {  	v0 =	vld [tilespmem:s14+$0x570]  }
0xf5: {  	v1 =	vld [tilespmem:s14+$0x2D70]  }
0xf6: {  	v2 =	vld [tilespmem:s14+$0x500]  }
0xf7: {  	v3 =	vld [tilespmem:s14+$0x2D00]  }
0xf8: {  	v4 =	vld [tilespmem:s14+$0x510]  }
0xf9: {  	v5 =	vld [tilespmem:s14+$0x2D10]  }
0xfa: {  	v6 =	vld [tilespmem:s14+$0x520]  }
0xfb: {  	v7 =	vld [tilespmem:s14+$0x530]  }
0xfc: {  	v0 =	vadd.f32 v1, v0;
	v1 =	vld [tilespmem:s14+$0x2D20]  }
0xfd: {  	v62 =	vld [tilespmem:s14+$0x2D30]  }
0xfe: {  	v63 =	vld [tilespmem:s14+$0x2D40];
	v2 =	vadd.f32 v3, v2  }
0xff: {  	[tilespmem:s14+$0x5570] =	vst v0;
	v0 =	vadd.f32 v5, v4;
	v5 =	vld [tilespmem:s14+$0x540]  }
0x100: {  	v3 =	vld [tilespmem:s14+$0x2D50];
	[tilespmem:s14+$0x5500] =	vst v2  }
0x101: {  	v2 =	vld [tilespmem:s14+$0x550];
	[tilespmem:s14+$0x5510] =	vst v0;
	v0 =	vadd.f32 v1, v6  }
0x102: {  	v4 =	vld [tilespmem:s14+$0x2D60];
	v6 =	vadd.f32 v62, v7  }
0x103: {  	s16 =	simm.s32 $0x80;
	[tilespmem:s14+$0x5520] =	vst v0;
	v0 =	vld [tilespmem:s14+$0x560]  }
0x104: {  	s17 =	simm.s32 $0x400;
	v5 =	vadd.f32 v63, v5;
	v1 =	vld [tilespmem:s16+$0x570];
	[tilespmem:s14+$0x5530] =	vst v6  }
.LBB2_2:
0x105: {  	p0 =	sne.s32 s17, $0x9E00;
	v6 =	vld [tilespmem:s16+$0x2D70]  }
0x106: {  	v7 =	vld [tilespmem:s16+$0x500];
	[tilespmem:s14+$0x5540] =	vst v5;
	v2 =	vadd.f32 v3, v2  }
0x107: {  	v3 =	vld [tilespmem:s16+$0x2D00]  }
0x108: {  	v5 =	vld [tilespmem:s16+$0x510];
	[tilespmem:s14+$0x5550] =	vst v2;
	v0 =	vadd.f32 v4, v0  }
0x109: {  	v2 =	vld [tilespmem:s16+$0x2D10]  }
0x10a: {  	v4 =	vld [tilespmem:s16+$0x520];
	v1 =	vadd.f32 v6, v1;
	[tilespmem:s14+$0x5560] =	vst v0;
	s14 =	smov.u32 s16  }
0x10b: {  	v0 =	vld [tilespmem:s14+$0x2D20]  }
0x10c: {  	v3 =	vadd.f32 v3, v7;
	v6 =	vld [tilespmem:s14+$0x530];
	[tilespmem:s14+$0x5570] =	vst v1  }
0x10d: {  	v1 =	vld [tilespmem:s14+$0x2D30]  }
0x10e: {  	[tilespmem:s14+$0x5500] =	vst v3;
	v2 =	vadd.f32 v2, v5;
	v5 =	vld [tilespmem:s14+$0x540]  }
0x10f: {  	v7 =	vld [tilespmem:s14+$0x2D40]  }
.Ltmp0:
0x110: {  	[tilespmem:s14+$0x5510] =	vst v2;
	v0 =	vadd.f32 v0, v4;
	v2 =	vld [tilespmem:s14+$0x550];
	(pc) =	sbr.rel @p0 .LBB2_2-.Ltmp0, $4  }
0x111: {  	v3 =	vld [tilespmem:s14+$0x2D50]  }
0x112: {  	[tilespmem:s14+$0x5520] =	vst v0;
	v6 =	vadd.f32 v1, v6;
	v0 =	vld [tilespmem:s14+$0x560]  }
0x113: {  	s16 =	sshra.s32 s17, $0x2;
	v4 =	vld [tilespmem:s14+$0x2D60]  }
0x114: {  	s17 =	sadd.s32 $0x200, s17;
	v1 =	vld [tilespmem:s16+$0x570];
	[tilespmem:s14+$0x5530] =	vst v6;
	v5 =	vadd.f32 v7, v5  }
0x115: {  	v6 =	vld [tilespmem:s16+$0x2D70]  }
0x116: {  	v7 =	vld [tilespmem:s16+$0x500];
	[tilespmem:s14+$0x5540] =	vst v5;
	v2 =	vadd.f32 v3, v2  }
0x117: {  	v3 =	vld [tilespmem:s16+$0x2D00]  }
0x118: {  	v5 =	vld [tilespmem:s16+$0x510];
	[tilespmem:s14+$0x5550] =	vst v2;
	v0 =	vadd.f32 v4, v0  }
0x119: {  	v2 =	vld [tilespmem:s16+$0x2D10]  }
0x11a: {  	v4 =	vld [tilespmem:s16+$0x520];
	[tilespmem:s14+$0x5560] =	vst v0  }
0x11b: {  	v0 =	vadd.f32 v6, v1;
	v1 =	vld [tilespmem:s16+$0x2D20]  }
0x11c: {  	v6 =	vld [tilespmem:s16+$0x530]  }
0x11d: {  	v3 =	vadd.f32 v3, v7;
	[tilespmem:s16+$0x5570] =	vst v0;
	v0 =	vld [tilespmem:s16+$0x2D30]  }
0x11e: {  	v7 =	vld [tilespmem:s16+$0x2D60]  }
0x11f: {  	[tilespmem:s16+$0x5500] =	vst v3;
	v2 =	vadd.f32 v2, v5;
	v3 =	vld [tilespmem:s16+$0x540]  }
0x120: {  	v5 =	vld [tilespmem:s16+$0x2D40]  }
0x121: {  	[tilespmem:s16+$0x5510] =	vst v2;
	v1 =	vadd.f32 v1, v4;
	v2 =	vld [tilespmem:s16+$0x550]  }
0x122: {  	v4 =	vld [tilespmem:s16+$0x2D50]  }
0x123: {  	[tilespmem:s16+$0x5520] =	vst v1;
	v1 =	vld [tilespmem:s16+$0x560];
	_ =	sdelay $0x1  }
0x124: {  	v0 =	vadd.f32 v0, v6  }
0x125: {  	v3 =	vadd.f32 v5, v3  }
0x126: {  	[tilespmem:s16+$0x5530] =	vst v0;
	v0 =	vadd.f32 v4, v2  }
0x127: {  	[tilespmem:s16+$0x5540] =	vst v3;
	v1 =	vadd.f32 v7, v1  }
0x128: {  	[tilespmem:s16+$0x5550] =	vst v0  }
0x129: {  	s18 =	rddreg [dreg:$0x17];
	s17 =	simm.s32 $0x5500;
	s14 =	simm.s32 $0x0;
	[tilespmem:s16+$0x5560] =	vst v1  }
0x12a: {  	[hbm4b:s18+s14] =	stream.linear.scatter [tilespmem:s17], [sflag:$0x3], $0x2800, $0x38;
	[tilespmem:$0x17700] =	vst v63  }
0x12b: {  	_ =	swait.ge [sflag:s22], $0x2800  }
0x12c: {  	[sflag:s22] =	ssyncset.done $0x0  }
0x12d: {  	[sflag:s22] =	ssyncadd.s32 $0xFFFFD800  }
0x12e: {  	_ =	swait.ge [sflag:s22], $0x2800  }
0x12f: {  	[sflag:s22] =	ssyncset.done $0x0  }
0x130: {  	[sflag:s22] =	ssyncadd.s32 $0xFFFFD800  }
0x131: {  	_ =	swait.ge [sflag:s24], $0x50  }
0x132: {  	[sflag:s24] =	ssyncset.done $0x0  }
0x133: {  	[sflag:s24] =	ssyncadd.s32 $0xFFFFFFB0  }
0x134: {  	_ =	swait.ge [sflag:s24], $0x50  }
0x135: {  	[sflag:s24] =	ssyncset.done $0x0  }
0x136: {  	[sflag:s24] =	ssyncadd.s32 $0xFFFFFFB0  }
0x137: {  	_ =	swait.ge [sflag:s24], $0x50  }
0x138: {  	[sflag:s24] =	ssyncset.done $0x0  }
0x139: {  	[sflag:s24] =	ssyncadd.s32 $0xFFFFFFB0  }
0x13a: {  	_ =	swait.ge [sflag:s24], $0x50  }
0x13b: {  	[sflag:s24] =	ssyncset.done $0x0  }
0x13c: {  	[sflag:s24] =	ssyncadd.s32 $0xFFFFFFB0  }
0x13d: {  	_ =	swait.ge [sflag:s24], $0x50  }
0x13e: {  	[sflag:s24] =	ssyncset.done $0x0  }
0x13f: {  	[sflag:s24] =	ssyncadd.s32 $0xFFFFFFB0  }
0x140: {  	v0 =	vld [tilespmem:$0x0]  }
0x141: {  	v1 =	vld [tilespmem:$0x80]  }
0x142: {  	v2 =	vld [tilespmem:$0x100]  }
0x143: {  	v3 =	vld [tilespmem:$0x180]  }
0x144: {  	v4 =	vld [tilespmem:$0x200]  }
0x145: {  	v5 =	vld [tilespmem:$0x10]  }
0x146: {  	v6 =	vld [tilespmem:$0x90]  }
0x147: {  	v7 =	vld [tilespmem:$0x110]  }
0x148: {  	v8 =	vld [tilespmem:$0x190]  }
0x149: {  	v9 =	vld [tilespmem:$0x210]  }
0x14a: {  	v10 =	vld [tilespmem:$0x20]  }
0x14b: {  	v11 =	vld [tilespmem:$0xA0]  }
0x14c: {  	v12 =	vld [tilespmem:$0x120]  }
0x14d: {  	v13 =	vld [tilespmem:$0x1A0]  }
0x14e: {  	v14 =	vld [tilespmem:$0x220]  }
0x14f: {  	v15 =	vld [tilespmem:$0x30];
	v0 =	vmul.u32 $0x31, v0  }
0x150: {  	v16 =	vld [tilespmem:$0xB0]  }
0x151: {  	v17 =	vld [tilespmem:$0x40];
	v0 =	vadd.s32 v1, v0;
	v1 =	vmul.u32 $0x31, v5  }
0x152: {  	v59 =	vld [tilespmem:$0x1B0];
	v0 =	vmul.u32 $0x30, v0  }
0x153: {  	v2 =	vmul.u32 $0xD0, v2;
	v5 =	vld [tilespmem:$0x130];
	v1 =	vadd.s32 v6, v1;
	v6 =	vmul.u32 $0x31, v10  }
0x154: {  	v0 =	vadd.s32 v0, v4;
	v1 =	vmul.u32 $0x30, v1;
	v4 =	vmul.u32 $0xD0, v7;
	v7 =	vld [tilespmem:$0xC0]  }
0x155: {  	[tilespmem:$0x400] =	vst v0;
	v0 =	vadd.s32 v3, v2;
	v2 =	vadd.s32 v11, v6;
	v3 =	vld [tilespmem:$0x230];
	v6 =	vmul.u32 $0x31, v15  }
0x156: {  	[tilespmem:$0x480] =	vst v0;
	v0 =	vadd.s32 v1, v9;
	v1 =	vadd.s32 v8, v4;
	v2 =	vmul.u32 $0x30, v2;
	v4 =	vld [tilespmem:$0x140]  }
0x157: {  	v60 =	vld [tilespmem:$0x240];
	v61 =	vmul.u32 $0x31, v17;
	[tilespmem:$0x410] =	vst v0;
	v0 =	vmul.u32 $0xD0, v12;
	v6 =	vadd.s32 v16, v6  }
0x158: {  	[tilespmem:$0x490] =	vst v1;
	v1 =	vadd.s32 v2, v14;
	v2 =	vmul.u32 $0x30, v6;
	v6 =	vld [tilespmem:$0x1C0]  }
0x159: {  	v5 =	vmul.u32 $0xD0, v5;
	[tilespmem:$0x420] =	vst v1;
	v0 =	vadd.s32 v13, v0;
	v1 =	vadd.s32 v7, v61  }
0x15a: {  	[tilespmem:$0x4A0] =	vst v0;
	v0 =	vadd.s32 v2, v3;
	v1 =	vmul.u32 $0x30, v1  }
0x15b: {  	[tilespmem:$0x430] =	vst v0;
	v0 =	vadd.s32 v59, v5;
	v2 =	vmul.u32 $0xD0, v4  }
0x15c: {  	[tilespmem:$0x4B0] =	vst v0;
	v0 =	vadd.s32 v1, v60  }
0x15d: {  	[tilespmem:$0x440] =	vst v0;
	v0 =	vadd.s32 v6, v2  }
0x15e: {  	s21 =	simm.s32 $0x400;
	s23 =	simm.s32 $0x500;
	[tilespmem:$0x4C0] =	vst v0  }
0x15f: {  	[tilespmem:s23], [sflag:$0x2] =	stream.indirect.gather [hbm4b:s10+s25], $0x80, s21, s25, $0xb8;
	[tilespmem:$0x17700] =	vst v63  }
0x160: {  	s17 =	simm.s32 $0x480;
	s18 =	simm.s32 $0x2D00  }
0x161: {  	[tilespmem:s18], [sflag:$0x2] =	stream.indirect.gather [hbm4b:s11+s25], $0x80, s17, s25, $0xb8;
	[tilespmem:$0x17700] =	vst v63  }
0x162: {  	s21 =	rddreg [dreg:$0x18];
	s23 =	simm.s32 $0x7D00  }
0x163: {  	[tilespmem:s23], [sflag:$0x4] =	stream.linear.gather [hbm4b:s21+s14], $0x50, $0x38;
	[tilespmem:$0x17700] =	vst v63  }
0x164: {  	s17 =	rddreg [dreg:$0x19];
	s18 =	simm.s32 $0x7D80  }
0x165: {  	[tilespmem:s18], [sflag:$0x4] =	stream.linear.gather [hbm4b:s17+s14], $0x50, $0x38;
	[tilespmem:$0x17700] =	vst v63  }
0x166: {  	s21 =	rddreg [dreg:$0x1a];
	s23 =	simm.s32 $0x7E00  }
0x167: {  	[tilespmem:s23], [sflag:$0x4] =	stream.linear.gather [hbm4b:s21+s14], $0x50, $0x38;
	[tilespmem:$0x17700] =	vst v63  }
0x168: {  	s17 =	rddreg [dreg:$0x1b];
	s18 =	simm.s32 $0x7E80  }
0x169: {  	[tilespmem:s18], [sflag:$0x4] =	stream.linear.gather [hbm4b:s17+s14], $0x50, $0x38;
	[tilespmem:$0x17700] =	vst v63  }
0x16a: {  	s21 =	rddreg [dreg:$0x1c];
	s23 =	simm.s32 $0x7F00  }
0x16b: {  	[tilespmem:s23], [sflag:$0x4] =	stream.linear.gather [hbm4b:s21+s14], $0x50, $0x38;
	[tilespmem:$0x17700] =	vst v63  }
0x16c: {  	s14 =	simm.s32 $0x0  }
0x16d: {  	v0 =	vld [tilespmem:s14+$0x8270]  }
0x16e: {  	v1 =	vld [tilespmem:s14+$0xAA70]  }
0x16f: {  	v2 =	vld [tilespmem:s14+$0x8200]  }
0x170: {  	v3 =	vld [tilespmem:s14+$0xAA00]  }
0x171: {  	v4 =	vld [tilespmem:s14+$0x8210]  }
0x172: {  	v5 =	vld [tilespmem:s14+$0xAA10]  }
0x173: {  	v6 =	vld [tilespmem:s14+$0x8220]  }
0x174: {  	v7 =	vld [tilespmem:s14+$0x8230]  }
0x175: {  	v0 =	vadd.f32 v1, v0;
	v1 =	vld [tilespmem:s14+$0xAA20]  }
0x176: {  	v62 =	vld [tilespmem:s14+$0xAA30]  }
0x177: {  	v63 =	vld [tilespmem:s14+$0xAA40];
	v2 =	vadd.f32 v3, v2  }
0x178: {  	[tilespmem:s14+$0xD270] =	vst v0;
	v0 =	vadd.f32 v5, v4;
	v5 =	vld [tilespmem:s14+$0x8240]  }
0x179: {  	v3 =	vld [tilespmem:s14+$0xAA50];
	[tilespmem:s14+$0xD200] =	vst v2  }
0x17a: {  	v2 =	vld [tilespmem:s14+$0x8250];
	[tilespmem:s14+$0xD210] =	vst v0;
	v0 =	vadd.f32 v1, v6  }
0x17b: {  	v4 =	vld [tilespmem:s14+$0xAA60];
	v6 =	vadd.f32 v62, v7  }
0x17c: {  	s16 =	simm.s32 $0x80;
	[tilespmem:s14+$0xD220] =	vst v0;
	v0 =	vld [tilespmem:s14+$0x8260]  }
0x17d: {  	s17 =	simm.s32 $0x400;
	v5 =	vadd.f32 v63, v5;
	v1 =	vld [tilespmem:s16+$0x8270];
	[tilespmem:s14+$0xD230] =	vst v6  }
.LBB2_4:
0x17e: {  	p0 =	sne.s32 s17, $0x9E00;
	v6 =	vld [tilespmem:s16+$0xAA70]  }
0x17f: {  	v7 =	vld [tilespmem:s16+$0x8200];
	[tilespmem:s14+$0xD240] =	vst v5;
	v2 =	vadd.f32 v3, v2  }
0x180: {  	v3 =	vld [tilespmem:s16+$0xAA00]  }
0x181: {  	v5 =	vld [tilespmem:s16+$0x8210];
	[tilespmem:s14+$0xD250] =	vst v2;
	v0 =	vadd.f32 v4, v0  }
0x182: {  	v2 =	vld [tilespmem:s16+$0xAA10]  }
0x183: {  	v4 =	vld [tilespmem:s16+$0x8220];
	v1 =	vadd.f32 v6, v1;
	[tilespmem:s14+$0xD260] =	vst v0;
	s14 =	smov.u32 s16  }
0x184: {  	v0 =	vld [tilespmem:s14+$0xAA20]  }
0x185: {  	v3 =	vadd.f32 v3, v7;
	v6 =	vld [tilespmem:s14+$0x8230];
	[tilespmem:s14+$0xD270] =	vst v1  }
0x186: {  	v1 =	vld [tilespmem:s14+$0xAA30]  }
0x187: {  	[tilespmem:s14+$0xD200] =	vst v3;
	v2 =	vadd.f32 v2, v5;
	v5 =	vld [tilespmem:s14+$0x8240]  }
0x188: {  	v7 =	vld [tilespmem:s14+$0xAA40]  }
.Ltmp1:
0x189: {  	[tilespmem:s14+$0xD210] =	vst v2;
	v0 =	vadd.f32 v0, v4;
	v2 =	vld [tilespmem:s14+$0x8250];
	(pc) =	sbr.rel @p0 .LBB2_4-.Ltmp1, $4  }
0x18a: {  	v3 =	vld [tilespmem:s14+$0xAA50]  }
0x18b: {  	[tilespmem:s14+$0xD220] =	vst v0;
	v6 =	vadd.f32 v1, v6;
	v0 =	vld [tilespmem:s14+$0x8260]  }
0x18c: {  	s16 =	sshra.s32 s17, $0x2;
	v4 =	vld [tilespmem:s14+$0xAA60]  }
0x18d: {  	s17 =	sadd.s32 $0x200, s17;
	v1 =	vld [tilespmem:s16+$0x8270];
	[tilespmem:s14+$0xD230] =	vst v6;
	v5 =	vadd.f32 v7, v5  }
0x18e: {  	v6 =	vld [tilespmem:s16+$0xAA70]  }
0x18f: {  	v7 =	vld [tilespmem:s16+$0x8200];
	[tilespmem:s14+$0xD240] =	vst v5;
	v2 =	vadd.f32 v3, v2  }
0x190: {  	v3 =	vld [tilespmem:s16+$0xAA00]  }
0x191: {  	v5 =	vld [tilespmem:s16+$0x8210];
	[tilespmem:s14+$0xD250] =	vst v2;
	v0 =	vadd.f32 v4, v0  }
0x192: {  	v2 =	vld [tilespmem:s16+$0xAA10]  }
0x193: {  	v4 =	vld [tilespmem:s16+$0x8220];
	[tilespmem:s14+$0xD260] =	vst v0  }
0x194: {  	v0 =	vadd.f32 v6, v1;
	v1 =	vld [tilespmem:s16+$0xAA20]  }
0x195: {  	v6 =	vld [tilespmem:s16+$0x8230]  }
0x196: {  	v3 =	vadd.f32 v3, v7;
	[tilespmem:s16+$0xD270] =	vst v0;
	v0 =	vld [tilespmem:s16+$0xAA30]  }
0x197: {  	v7 =	vld [tilespmem:s16+$0xAA60]  }
0x198: {  	[tilespmem:s16+$0xD200] =	vst v3;
	v2 =	vadd.f32 v2, v5;
	v3 =	vld [tilespmem:s16+$0x8240]  }
0x199: {  	v5 =	vld [tilespmem:s16+$0xAA40]  }
0x19a: {  	[tilespmem:s16+$0xD210] =	vst v2;
	v1 =	vadd.f32 v1, v4;
	v2 =	vld [tilespmem:s16+$0x8250]  }
0x19b: {  	v4 =	vld [tilespmem:s16+$0xAA50]  }
0x19c: {  	[tilespmem:s16+$0xD220] =	vst v1;
	v1 =	vld [tilespmem:s16+$0x8260];
	_ =	sdelay $0x1  }
0x19d: {  	v0 =	vadd.f32 v0, v6  }
0x19e: {  	v3 =	vadd.f32 v5, v3  }
0x19f: {  	[tilespmem:s16+$0xD230] =	vst v0;
	v0 =	vadd.f32 v4, v2  }
0x1a0: {  	[tilespmem:s16+$0xD240] =	vst v3;
	v1 =	vadd.f32 v7, v1  }
0x1a1: {  	[tilespmem:s16+$0xD250] =	vst v0  }
0x1a2: {  	s18 =	rddreg [dreg:$0x1d];
	s17 =	simm.s32 $0xD200;
	s14 =	simm.s32 $0x0;
	[tilespmem:s16+$0xD260] =	vst v1  }
0x1a3: {  	[hbm4b:s18+s14] =	stream.linear.scatter [tilespmem:s17], [sflag:$0x6], $0x2800, $0x38;
	[tilespmem:$0x17700] =	vst v63  }
0x1a4: {  	_ =	swait.ge [sflag:s26], $0x2800  }
0x1a5: {  	[sflag:s26] =	ssyncset.done $0x0  }
0x1a6: {  	[sflag:s26] =	ssyncadd.s32 $0xFFFFD800  }
0x1a7: {  	_ =	swait.ge [sflag:s26], $0x2800  }
0x1a8: {  	[sflag:s26] =	ssyncset.done $0x0  }
0x1a9: {  	[sflag:s26] =	ssyncadd.s32 $0xFFFFD800  }
0x1aa: {  	_ =	swait.ge [sflag:s31], $0x50  }
0x1ab: {  	[sflag:s31] =	ssyncset.done $0x0  }
0x1ac: {  	[sflag:s31] =	ssyncadd.s32 $0xFFFFFFB0  }
0x1ad: {  	_ =	swait.ge [sflag:s31], $0x50  }
0x1ae: {  	[sflag:s31] =	ssyncset.done $0x0  }
0x1af: {  	[sflag:s31] =	ssyncadd.s32 $0xFFFFFFB0  }
0x1b0: {  	_ =	swait.ge [sflag:s31], $0x50  }
0x1b1: {  	[sflag:s31] =	ssyncset.done $0x0  }
0x1b2: {  	[sflag:s31] =	ssyncadd.s32 $0xFFFFFFB0  }
0x1b3: {  	_ =	swait.ge [sflag:s31], $0x50  }
0x1b4: {  	[sflag:s31] =	ssyncset.done $0x0  }
0x1b5: {  	[sflag:s31] =	ssyncadd.s32 $0xFFFFFFB0  }
0x1b6: {  	_ =	swait.ge [sflag:s31], $0x50  }
0x1b7: {  	[sflag:s31] =	ssyncset.done $0x0  }
0x1b8: {  	[sflag:s31] =	ssyncadd.s32 $0xFFFFFFB0  }
0x1b9: {  	v0 =	vld [tilespmem:$0x7D00]  }
0x1ba: {  	v1 =	vld [tilespmem:$0x7D80]  }
0x1bb: {  	v2 =	vld [tilespmem:$0x7E00]  }
0x1bc: {  	v3 =	vld [tilespmem:$0x7E80]  }
0x1bd: {  	v4 =	vld [tilespmem:$0x7F00]  }
0x1be: {  	v5 =	vld [tilespmem:$0x7D10]  }
0x1bf: {  	v6 =	vld [tilespmem:$0x7D90]  }
0x1c0: {  	v7 =	vld [tilespmem:$0x7E10]  }
0x1c1: {  	v8 =	vld [tilespmem:$0x7E90]  }
0x1c2: {  	v9 =	vld [tilespmem:$0x7F10]  }
0x1c3: {  	v10 =	vld [tilespmem:$0x7D20]  }
0x1c4: {  	v11 =	vld [tilespmem:$0x7DA0]  }
0x1c5: {  	v12 =	vld [tilespmem:$0x7E20]  }
0x1c6: {  	v13 =	vld [tilespmem:$0x7EA0]  }
0x1c7: {  	v14 =	vld [tilespmem:$0x7F20]  }
0x1c8: {  	v15 =	vld [tilespmem:$0x7D30];
	v0 =	vmul.u32 $0x31, v0  }
0x1c9: {  	v16 =	vld [tilespmem:$0x7DB0]  }
0x1ca: {  	v17 =	vld [tilespmem:$0x7D40];
	v0 =	vadd.s32 v1, v0;
	v1 =	vmul.u32 $0x31, v5  }
0x1cb: {  	v59 =	vld [tilespmem:$0x7EB0];
	v0 =	vmul.u32 $0x30, v0  }
0x1cc: {  	v2 =	vmul.u32 $0xD0, v2;
	v5 =	vld [tilespmem:$0x7E30];
	v1 =	vadd.s32 v6, v1;
	v6 =	vmul.u32 $0x31, v10  }
0x1cd: {  	v0 =	vadd.s32 v0, v4;
	v1 =	vmul.u32 $0x30, v1;
	v4 =	vmul.u32 $0xD0, v7;
	v7 =	vld [tilespmem:$0x7DC0]  }
0x1ce: {  	[tilespmem:$0x8100] =	vst v0;
	v0 =	vadd.s32 v3, v2;
	v2 =	vadd.s32 v11, v6;
	v3 =	vld [tilespmem:$0x7F30];
	v6 =	vmul.u32 $0x31, v15  }
0x1cf: {  	[tilespmem:$0x8180] =	vst v0;
	v0 =	vadd.s32 v1, v9;
	v1 =	vadd.s32 v8, v4;
	v2 =	vmul.u32 $0x30, v2;
	v4 =	vld [tilespmem:$0x7E40]  }
0x1d0: {  	v60 =	vld [tilespmem:$0x7F40];
	v61 =	vmul.u32 $0x31, v17;
	[tilespmem:$0x8110] =	vst v0;
	v0 =	vmul.u32 $0xD0, v12;
	v6 =	vadd.s32 v16, v6  }
0x1d1: {  	[tilespmem:$0x8190] =	vst v1;
	v1 =	vadd.s32 v2, v14;
	v2 =	vmul.u32 $0x30, v6;
	v6 =	vld [tilespmem:$0x7EC0]  }
0x1d2: {  	v5 =	vmul.u32 $0xD0, v5;
	[tilespmem:$0x8120] =	vst v1;
	v0 =	vadd.s32 v13, v0;
	v1 =	vadd.s32 v7, v61  }
0x1d3: {  	[tilespmem:$0x81A0] =	vst v0;
	v0 =	vadd.s32 v2, v3;
	v1 =	vmul.u32 $0x30, v1  }
0x1d4: {  	[tilespmem:$0x8130] =	vst v0;
	v0 =	vadd.s32 v59, v5;
	v2 =	vmul.u32 $0xD0, v4  }
0x1d5: {  	[tilespmem:$0x81B0] =	vst v0;
	v0 =	vadd.s32 v1, v60  }
0x1d6: {  	[tilespmem:$0x8140] =	vst v0;
	v0 =	vadd.s32 v6, v2  }
0x1d7: {  	s21 =	simm.s32 $0x8100;
	s23 =	simm.s32 $0x8200;
	[tilespmem:$0x81C0] =	vst v0  }
0x1d8: {  	[tilespmem:s23], [sflag:$0x5] =	stream.indirect.gather [hbm4b:s10+s25], $0x80, s21, s25, $0xb8;
	[tilespmem:$0x17700] =	vst v63  }
0x1d9: {  	s17 =	simm.s32 $0x8180;
	s18 =	simm.s32 $0xAA00;
	s21 =	sld [smem:$0x7F5]  }
0x1da: {  	[tilespmem:s18], [sflag:$0x5] =	stream.indirect.gather [hbm4b:s11+s25], $0x80, s17, s25, $0xb8;
	[tilespmem:$0x17700] =	vst v63  }
0x1db: {  	s23 =	simm.s32 $0xFA00;
	s17 =	sld [smem:$0x7F6]  }
0x1dc: {  	[tilespmem:s23], [sflag:$0x7] =	stream.linear.gather [hbm4b:s21+s14], $0x50, $0x38;
	[tilespmem:$0x17700] =	vst v63  }
0x1dd: {  	s18 =	simm.s32 $0xFA80;
	s21 =	sld [smem:$0x7F7]  }
0x1de: {  	[tilespmem:s18], [sflag:$0x7] =	stream.linear.gather [hbm4b:s17+s14], $0x50, $0x38;
	[tilespmem:$0x17700] =	vst v63  }
0x1df: {  	s23 =	simm.s32 $0xFB00;
	s17 =	sld [smem:$0x7F8]  }
0x1e0: {  	[tilespmem:s23], [sflag:$0x7] =	stream.linear.gather [hbm4b:s21+s14], $0x50, $0x38;
	[tilespmem:$0x17700] =	vst v63  }
0x1e1: {  	s18 =	simm.s32 $0xFB80;
	s21 =	sld [smem:$0x7F9]  }
0x1e2: {  	[tilespmem:s18], [sflag:$0x7] =	stream.linear.gather [hbm4b:s17+s14], $0x50, $0x38;
	[tilespmem:$0x17700] =	vst v63  }
0x1e3: {  	s23 =	simm.s32 $0xFC00  }
0x1e4: {  	[tilespmem:s23], [sflag:$0x7] =	stream.linear.gather [hbm4b:s21+s14], $0x50, $0x38;
	[tilespmem:$0x17700] =	vst v63  }
0x1e5: {  	s14 =	simm.s32 $0x0  }
0x1e6: {  	v0 =	vld [tilespmem:s14+$0xFF70]  }
0x1e7: {  	v1 =	vld [tilespmem:s14+$0x12770]  }
0x1e8: {  	v2 =	vld [tilespmem:s14+$0xFF00]  }
0x1e9: {  	v3 =	vld [tilespmem:s14+$0x12700]  }
0x1ea: {  	v4 =	vld [tilespmem:s14+$0xFF10]  }
0x1eb: {  	v5 =	vld [tilespmem:s14+$0x12710]  }
0x1ec: {  	v6 =	vld [tilespmem:s14+$0xFF20]  }
0x1ed: {  	v7 =	vld [tilespmem:s14+$0xFF30]  }
0x1ee: {  	v0 =	vadd.f32 v1, v0;
	v1 =	vld [tilespmem:s14+$0x12720]  }
0x1ef: {  	v62 =	vld [tilespmem:s14+$0x12730]  }
0x1f0: {  	v63 =	vld [tilespmem:s14+$0x12740];
	v2 =	vadd.f32 v3, v2  }
0x1f1: {  	[tilespmem:s14+$0x14F70] =	vst v0;
	v0 =	vadd.f32 v5, v4;
	v5 =	vld [tilespmem:s14+$0xFF40]  }
0x1f2: {  	v3 =	vld [tilespmem:s14+$0x12750];
	[tilespmem:s14+$0x14F00] =	vst v2  }
0x1f3: {  	v2 =	vld [tilespmem:s14+$0xFF50];
	[tilespmem:s14+$0x14F10] =	vst v0;
	v0 =	vadd.f32 v1, v6  }
0x1f4: {  	v4 =	vld [tilespmem:s14+$0x12760];
	v6 =	vadd.f32 v62, v7  }
0x1f5: {  	s16 =	simm.s32 $0x80;
	[tilespmem:s14+$0x14F20] =	vst v0;
	v0 =	vld [tilespmem:s14+$0xFF60]  }
0x1f6: {  	s17 =	simm.s32 $0x400;
	v5 =	vadd.f32 v63, v5;
	v1 =	vld [tilespmem:s16+$0xFF70];
	[tilespmem:s14+$0x14F30] =	vst v6  }
.LBB2_6:
0x1f7: {  	p0 =	sne.s32 s17, $0x9E00;
	v6 =	vld [tilespmem:s16+$0x12770]  }
0x1f8: {  	v7 =	vld [tilespmem:s16+$0xFF00];
	[tilespmem:s14+$0x14F40] =	vst v5;
	v2 =	vadd.f32 v3, v2  }
0x1f9: {  	v3 =	vld [tilespmem:s16+$0x12700]  }
0x1fa: {  	v5 =	vld [tilespmem:s16+$0xFF10];
	[tilespmem:s14+$0x14F50] =	vst v2;
	v0 =	vadd.f32 v4, v0  }
0x1fb: {  	v2 =	vld [tilespmem:s16+$0x12710]  }
0x1fc: {  	v4 =	vld [tilespmem:s16+$0xFF20];
	v1 =	vadd.f32 v6, v1;
	[tilespmem:s14+$0x14F60] =	vst v0;
	s14 =	smov.u32 s16  }
0x1fd: {  	v0 =	vld [tilespmem:s14+$0x12720]  }
0x1fe: {  	v3 =	vadd.f32 v3, v7;
	v6 =	vld [tilespmem:s14+$0xFF30];
	[tilespmem:s14+$0x14F70] =	vst v1  }
0x1ff: {  	v1 =	vld [tilespmem:s14+$0x12730]  }
0x200: {  	[tilespmem:s14+$0x14F00] =	vst v3;
	v2 =	vadd.f32 v2, v5;
	v5 =	vld [tilespmem:s14+$0xFF40]  }
0x201: {  	v7 =	vld [tilespmem:s14+$0x12740]  }
.Ltmp2:
0x202: {  	[tilespmem:s14+$0x14F10] =	vst v2;
	v0 =	vadd.f32 v0, v4;
	v2 =	vld [tilespmem:s14+$0xFF50];
	(pc) =	sbr.rel @p0 .LBB2_6-.Ltmp2, $4  }
0x203: {  	v3 =	vld [tilespmem:s14+$0x12750]  }
0x204: {  	[tilespmem:s14+$0x14F20] =	vst v0;
	v6 =	vadd.f32 v1, v6;
	v0 =	vld [tilespmem:s14+$0xFF60]  }
0x205: {  	s16 =	sshra.s32 s17, $0x2;
	v4 =	vld [tilespmem:s14+$0x12760]  }
0x206: {  	s17 =	sadd.s32 $0x200, s17;
	v1 =	vld [tilespmem:s16+$0xFF70];
	[tilespmem:s14+$0x14F30] =	vst v6;
	v5 =	vadd.f32 v7, v5  }
0x207: {  	v6 =	vld [tilespmem:s16+$0x12770]  }
0x208: {  	v7 =	vld [tilespmem:s16+$0xFF00];
	[tilespmem:s14+$0x14F40] =	vst v5;
	v2 =	vadd.f32 v3, v2  }
0x209: {  	v51 =	vld [tilespmem:s16+$0x12700]  }
0x20a: {  	v5 =	vld [tilespmem:s16+$0xFF10];
	[tilespmem:s14+$0x14F50] =	vst v2;
	v0 =	vadd.f32 v4, v0  }
0x20b: {  	v2 =	vld [tilespmem:s16+$0x12710]  }
0x20c: {  	v52 =	vld [tilespmem:s16+$0xFF20];
	[tilespmem:s14+$0x14F60] =	vst v0  }
0x20d: {  	v54 =	vld [tilespmem:s16+$0x12720]  }
0x20e: {  	v55 =	vld [tilespmem:s16+$0xFF30]  }
0x20f: {  	v56 =	vld [tilespmem:s16+$0x12730]  }
0x210: {  	v57 =	vld [tilespmem:s16+$0xFF40]  }
0x211: {  	v58 =	vld [tilespmem:s16+$0x12740]  }
0x212: {  	v59 =	vld [tilespmem:s16+$0xFF50]  }
0x213: {  	v53 =	vadd.f32 v6, v1;
	v60 =	vld [tilespmem:s16+$0x12750]  }
0x214: {  	v61 =	vld [tilespmem:s16+$0xFF60];
	v3 =	vadd.f32 v51, v7  }
0x215: {  	v62 =	vld [tilespmem:s16+$0x12760];
	[tilespmem:s16+$0x14F70] =	vst v53;
	v2 =	vadd.f32 v2, v5  }
0x216: {  	[tilespmem:s16+$0x14F00] =	vst v3;
	v1 =	vadd.f32 v54, v52  }
0x217: {  	[tilespmem:s16+$0x14F10] =	vst v2;
	v0 =	vadd.f32 v56, v55  }
0x218: {  	v3 =	vadd.f32 v58, v57;
	[tilespmem:s16+$0x14F20] =	vst v1  }
0x219: {  	v63 =	vadd.f32 v60, v59;
	[tilespmem:s16+$0x14F30] =	vst v0  }
0x21a: {  	s21 =	sld [smem:$0x7FA];
	[tilespmem:s16+$0x14F40] =	vst v3;
	v1 =	vadd.f32 v62, v61  }
0x21b: {  	[tilespmem:s16+$0x14F50] =	vst v63  }
0x21c: {  	s23 =	simm.s32 $0x14F00;
	s14 =	simm.s32 $0x1;
	[tilespmem:s16+$0x14F60] =	vst v1  }
0x21d: {  	[hbm4b:s21+s8] =	stream.linear.scatter [tilespmem:s23], [sflag:$0x9], $0x2800, $0x38;
	[tilespmem:$0x17700] =	vst v63  }
.LBB2_8:
0x21e: {  	_ =	swait.ge [sflag:s19], $0x2800  }
0x21f: {  	[sflag:s19] =	ssyncset.done $0x0  }
0x220: {  	[sflag:s19] =	ssyncadd.s32 $0xFFFFD800  }
0x221: {  	_ =	swait.ge [sflag:s19], $0x2800  }
0x222: {  	[sflag:s19] =	ssyncset.done $0x0  }
0x223: {  	[sflag:s19] =	ssyncadd.s32 $0xFFFFD800  }
0x224: {  	_ =	swait.ge [sflag:s20], $0x50  }
0x225: {  	[sflag:s20] =	ssyncset.done $0x0  }
0x226: {  	[sflag:s20] =	ssyncadd.s32 $0xFFFFFFB0  }
0x227: {  	_ =	swait.ge [sflag:s20], $0x50  }
0x228: {  	[sflag:s20] =	ssyncset.done $0x0  }
0x229: {  	[sflag:s20] =	ssyncadd.s32 $0xFFFFFFB0  }
0x22a: {  	_ =	swait.ge [sflag:s20], $0x50  }
0x22b: {  	[sflag:s20] =	ssyncset.done $0x0  }
0x22c: {  	[sflag:s20] =	ssyncadd.s32 $0xFFFFFFB0  }
0x22d: {  	_ =	swait.ge [sflag:s20], $0x50  }
0x22e: {  	[sflag:s20] =	ssyncset.done $0x0  }
0x22f: {  	[sflag:s20] =	ssyncadd.s32 $0xFFFFFFB0  }
0x230: {  	_ =	swait.ge [sflag:s20], $0x50  }
0x231: {  	[sflag:s20] =	ssyncset.done $0x0  }
0x232: {  	[sflag:s20] =	ssyncadd.s32 $0xFFFFFFB0  }
0x233: {  	v0 =	vld [tilespmem:$0xFA00]  }
0x234: {  	v1 =	vld [tilespmem:$0xFA80]  }
0x235: {  	v2 =	vld [tilespmem:$0xFB00]  }
0x236: {  	v3 =	vld [tilespmem:$0xFB80]  }
0x237: {  	v4 =	vld [tilespmem:$0xFC00]  }
0x238: {  	v5 =	vld [tilespmem:$0xFA10]  }
0x239: {  	v6 =	vld [tilespmem:$0xFA90]  }
0x23a: {  	v7 =	vld [tilespmem:$0xFB10]  }
0x23b: {  	v8 =	vld [tilespmem:$0xFB90]  }
0x23c: {  	v9 =	vld [tilespmem:$0xFC10]  }
0x23d: {  	v10 =	vld [tilespmem:$0xFA20]  }
0x23e: {  	v11 =	vld [tilespmem:$0xFAA0]  }
0x23f: {  	v12 =	vld [tilespmem:$0xFB20]  }
0x240: {  	v13 =	vld [tilespmem:$0xFBA0]  }
0x241: {  	v14 =	vld [tilespmem:$0xFC20]  }
0x242: {  	v15 =	vld [tilespmem:$0xFA30];
	v0 =	vmul.u32 $0x31, v0  }
0x243: {  	v16 =	vld [tilespmem:$0xFAB0]  }
0x244: {  	v17 =	vld [tilespmem:$0xFA40];
	v0 =	vadd.s32 v1, v0;
	v1 =	vmul.u32 $0x31, v5  }
0x245: {  	v59 =	vld [tilespmem:$0xFBB0];
	v0 =	vmul.u32 $0x30, v0  }
0x246: {  	v2 =	vmul.u32 $0xD0, v2;
	v5 =	vld [tilespmem:$0xFB30];
	v1 =	vadd.s32 v6, v1;
	v6 =	vmul.u32 $0x31, v10  }
0x247: {  	v0 =	vadd.s32 v0, v4;
	v1 =	vmul.u32 $0x30, v1;
	v4 =	vmul.u32 $0xD0, v7;
	v7 =	vld [tilespmem:$0xFAC0]  }
0x248: {  	[tilespmem:$0xFE00] =	vst v0;
	v0 =	vadd.s32 v3, v2;
	v2 =	vadd.s32 v11, v6;
	v3 =	vld [tilespmem:$0xFC30];
	v6 =	vmul.u32 $0x31, v15  }
0x249: {  	[tilespmem:$0xFE80] =	vst v0;
	v0 =	vadd.s32 v1, v9;
	v1 =	vadd.s32 v8, v4;
	v2 =	vmul.u32 $0x30, v2;
	v4 =	vld [tilespmem:$0xFB40]  }
0x24a: {  	v60 =	vld [tilespmem:$0xFC40];
	v61 =	vmul.u32 $0x31, v17;
	[tilespmem:$0xFE10] =	vst v0;
	v0 =	vmul.u32 $0xD0, v12;
	v6 =	vadd.s32 v16, v6  }
0x24b: {  	[tilespmem:$0xFE90] =	vst v1;
	v1 =	vadd.s32 v2, v14;
	v2 =	vmul.u32 $0x30, v6;
	v6 =	vld [tilespmem:$0xFBC0]  }
0x24c: {  	v5 =	vmul.u32 $0xD0, v5;
	[tilespmem:$0xFE20] =	vst v1;
	v0 =	vadd.s32 v13, v0;
	v1 =	vadd.s32 v7, v61  }
0x24d: {  	[tilespmem:$0xFEA0] =	vst v0;
	v0 =	vadd.s32 v2, v3;
	v1 =	vmul.u32 $0x30, v1  }
0x24e: {  	[tilespmem:$0xFE30] =	vst v0;
	v0 =	vadd.s32 v59, v5;
	v2 =	vmul.u32 $0xD0, v4  }
0x24f: {  	[tilespmem:$0xFEB0] =	vst v0;
	v0 =	vadd.s32 v1, v60  }
0x250: {  	[tilespmem:$0xFE40] =	vst v0;
	v0 =	vadd.s32 v6, v2  }
0x251: {  	s16 =	simm.s32 $0xFE00;
	s17 =	simm.s32 $0xFF00;
	[tilespmem:$0xFEC0] =	vst v0  }
0x252: {  	[tilespmem:s17], [sflag:$0x8] =	stream.indirect.gather [hbm4b:s10+s25], $0x80, s16, s25, $0xb8;
	[tilespmem:$0x17700] =	vst v63  }
0x253: {  	s23 =	simm.s32 $0xFE80;
	s18 =	simm.s32 $0x12700;
	s16 =	smul.u32 $0xF0, s14  }
0x254: {  	[tilespmem:s18], [sflag:$0x8] =	stream.indirect.gather [hbm4b:s11+s25], $0x80, s23, s25, $0xb8;
	[tilespmem:$0x17700] =	vst v63  }
0x255: {  	s21 =	sadd.s32 s16, s6  }
0x256: {  	s17 =	sshrl.u32 s21, $0x3  }
0x257: {  	s21 =	simm.s32 $0x0;
	s23 =	sadd.s32 s0, s17  }
0x258: {  	[tilespmem:s21], [sflag:$0x1] =	stream.linear.gather [hbm4b:s23+s21], $0x50, $0x38;
	[tilespmem:$0x17700] =	vst v63  }
0x259: {  	s18 =	sadd.s32 s1, s17;
	s23 =	simm.s32 $0x80  }
0x25a: {  	[tilespmem:s23], [sflag:$0x1] =	stream.linear.gather [hbm4b:s18+s21], $0x50, $0x38;
	[tilespmem:$0x17700] =	vst v63  }
0x25b: {  	s18 =	sadd.s32 s2, s17;
	s23 =	simm.s32 $0x100  }
0x25c: {  	[tilespmem:s23], [sflag:$0x1] =	stream.linear.gather [hbm4b:s18+s21], $0x50, $0x38;
	[tilespmem:$0x17700] =	vst v63  }
0x25d: {  	s18 =	sadd.s32 s4, s17;
	s23 =	simm.s32 $0x180  }
0x25e: {  	[tilespmem:s23], [sflag:$0x1] =	stream.linear.gather [hbm4b:s18+s21], $0x50, $0x38;
	[tilespmem:$0x17700] =	vst v63  }
0x25f: {  	s17 =	sadd.s32 s5, s17;
	s23 =	simm.s32 $0x200  }
0x260: {  	[tilespmem:s23], [sflag:$0x1] =	stream.linear.gather [hbm4b:s17+s21], $0x50, $0x38;
	[tilespmem:$0x17700] =	vst v63  }
0x261: {  	_ =	swait.ge [sflag:s28], $0x2800  }
0x262: {  	[sflag:s28] =	ssyncset.done $0x0  }
0x263: {  	s17 =	simm.s32 $0x0;
	[sflag:s28] =	ssyncadd.s32 $0xFFFFD800  }
0x264: {  	v0 =	vld [tilespmem:s17+$0x570]  }
0x265: {  	v1 =	vld [tilespmem:s17+$0x2D70]  }
0x266: {  	v2 =	vld [tilespmem:s17+$0x500]  }
0x267: {  	v3 =	vld [tilespmem:s17+$0x2D00]  }
0x268: {  	v4 =	vld [tilespmem:s17+$0x510]  }
0x269: {  	v5 =	vld [tilespmem:s17+$0x2D10]  }
0x26a: {  	v6 =	vld [tilespmem:s17+$0x520]  }
0x26b: {  	v7 =	vld [tilespmem:s17+$0x530]  }
0x26c: {  	v0 =	vadd.f32 v1, v0;
	v1 =	vld [tilespmem:s17+$0x2D20]  }
0x26d: {  	v62 =	vld [tilespmem:s17+$0x2D30]  }
0x26e: {  	v63 =	vld [tilespmem:s17+$0x2D40];
	v2 =	vadd.f32 v3, v2  }
0x26f: {  	[tilespmem:s17+$0x5570] =	vst v0;
	v0 =	vadd.f32 v5, v4;
	v5 =	vld [tilespmem:s17+$0x540]  }
0x270: {  	v3 =	vld [tilespmem:s17+$0x2D50];
	[tilespmem:s17+$0x5500] =	vst v2  }
0x271: {  	v2 =	vld [tilespmem:s17+$0x550];
	[tilespmem:s17+$0x5510] =	vst v0;
	v0 =	vadd.f32 v1, v6  }
0x272: {  	v4 =	vld [tilespmem:s17+$0x2D60];
	v6 =	vadd.f32 v62, v7  }
0x273: {  	s18 =	simm.s32 $0x80;
	[tilespmem:s17+$0x5520] =	vst v0;
	v0 =	vld [tilespmem:s17+$0x560]  }
0x274: {  	s21 =	simm.s32 $0x400;
	v5 =	vadd.f32 v63, v5;
	v1 =	vld [tilespmem:s18+$0x570];
	[tilespmem:s17+$0x5530] =	vst v6  }
.LBB2_9:
0x275: {  	p0 =	sne.s32 s21, $0x9E00;
	v6 =	vld [tilespmem:s18+$0x2D70]  }
0x276: {  	v7 =	vld [tilespmem:s18+$0x500];
	[tilespmem:s17+$0x5540] =	vst v5;
	v2 =	vadd.f32 v3, v2  }
0x277: {  	v3 =	vld [tilespmem:s18+$0x2D00]  }
0x278: {  	v5 =	vld [tilespmem:s18+$0x510];
	[tilespmem:s17+$0x5550] =	vst v2;
	v0 =	vadd.f32 v4, v0  }
0x279: {  	v2 =	vld [tilespmem:s18+$0x2D10]  }
0x27a: {  	v4 =	vld [tilespmem:s18+$0x520];
	v1 =	vadd.f32 v6, v1;
	[tilespmem:s17+$0x5560] =	vst v0;
	s17 =	smov.u32 s18  }
0x27b: {  	v0 =	vld [tilespmem:s17+$0x2D20]  }
0x27c: {  	v3 =	vadd.f32 v3, v7;
	v6 =	vld [tilespmem:s17+$0x530];
	[tilespmem:s17+$0x5570] =	vst v1  }
0x27d: {  	v1 =	vld [tilespmem:s17+$0x2D30]  }
0x27e: {  	[tilespmem:s17+$0x5500] =	vst v3;
	v2 =	vadd.f32 v2, v5;
	v5 =	vld [tilespmem:s17+$0x540]  }
0x27f: {  	v7 =	vld [tilespmem:s17+$0x2D40]  }
.Ltmp3:
0x280: {  	[tilespmem:s17+$0x5510] =	vst v2;
	v0 =	vadd.f32 v0, v4;
	v2 =	vld [tilespmem:s17+$0x550];
	(pc) =	sbr.rel @p0 .LBB2_9-.Ltmp3, $4  }
0x281: {  	v3 =	vld [tilespmem:s17+$0x2D50]  }
0x282: {  	[tilespmem:s17+$0x5520] =	vst v0;
	v6 =	vadd.f32 v1, v6;
	v0 =	vld [tilespmem:s17+$0x560]  }
0x283: {  	s18 =	sshra.s32 s21, $0x2;
	v4 =	vld [tilespmem:s17+$0x2D60]  }
0x284: {  	s21 =	sadd.s32 $0x200, s21;
	v1 =	vld [tilespmem:s18+$0x570];
	[tilespmem:s17+$0x5530] =	vst v6;
	v5 =	vadd.f32 v7, v5  }
0x285: {  	v6 =	vld [tilespmem:s18+$0x2D70]  }
0x286: {  	v7 =	vld [tilespmem:s18+$0x500];
	[tilespmem:s17+$0x5540] =	vst v5;
	v2 =	vadd.f32 v3, v2  }
0x287: {  	v3 =	vld [tilespmem:s18+$0x2D00]  }
0x288: {  	v5 =	vld [tilespmem:s18+$0x510];
	[tilespmem:s17+$0x5550] =	vst v2;
	v0 =	vadd.f32 v4, v0  }
0x289: {  	v2 =	vld [tilespmem:s18+$0x2D10]  }
0x28a: {  	v4 =	vld [tilespmem:s18+$0x520];
	[tilespmem:s17+$0x5560] =	vst v0  }
0x28b: {  	v0 =	vadd.f32 v6, v1;
	v1 =	vld [tilespmem:s18+$0x2D20]  }
0x28c: {  	v6 =	vld [tilespmem:s18+$0x530]  }
0x28d: {  	v3 =	vadd.f32 v3, v7;
	[tilespmem:s18+$0x5570] =	vst v0;
	v0 =	vld [tilespmem:s18+$0x2D30]  }
0x28e: {  	v7 =	vld [tilespmem:s18+$0x2D60]  }
0x28f: {  	[tilespmem:s18+$0x5500] =	vst v3;
	v2 =	vadd.f32 v2, v5;
	v3 =	vld [tilespmem:s18+$0x540]  }
0x290: {  	v5 =	vld [tilespmem:s18+$0x2D40]  }
0x291: {  	[tilespmem:s18+$0x5510] =	vst v2;
	v1 =	vadd.f32 v1, v4;
	v2 =	vld [tilespmem:s18+$0x550]  }
0x292: {  	v4 =	vld [tilespmem:s18+$0x2D50]  }
0x293: {  	[tilespmem:s18+$0x5520] =	vst v1;
	v1 =	vld [tilespmem:s18+$0x560];
	_ =	sdelay $0x1  }
0x294: {  	v0 =	vadd.f32 v0, v6  }
0x295: {  	v3 =	vadd.f32 v5, v3  }
0x296: {  	[tilespmem:s18+$0x5530] =	vst v0;
	v0 =	vadd.f32 v4, v2  }
0x297: {  	s21 =	sadd.s32 s9, s16;
	[tilespmem:s18+$0x5540] =	vst v3;
	v1 =	vadd.f32 v7, v1  }
0x298: {  	s17 =	sshll.u32 s21, $0x4;
	[tilespmem:s18+$0x5550] =	vst v0  }
0x299: {  	s21 =	simm.s32 $0x5500;
	s23 =	sadd.s32 s7, s17;
	s17 =	simm.s32 $0x0;
	[tilespmem:s18+$0x5560] =	vst v1  }
0x29a: {  	[hbm4b:s23+s17] =	stream.linear.scatter [tilespmem:s21], [sflag:$0x3], $0x2800, $0x38;
	[tilespmem:$0x17700] =	vst v63  }
0x29b: {  	_ =	swait.ge [sflag:s22], $0x2800  }
0x29c: {  	[sflag:s22] =	ssyncset.done $0x0  }
0x29d: {  	[sflag:s22] =	ssyncadd.s32 $0xFFFFD800  }
0x29e: {  	_ =	swait.ge [sflag:s22], $0x2800  }
0x29f: {  	[sflag:s22] =	ssyncset.done $0x0  }
0x2a0: {  	[sflag:s22] =	ssyncadd.s32 $0xFFFFD800  }
0x2a1: {  	_ =	swait.ge [sflag:s24], $0x50  }
0x2a2: {  	[sflag:s24] =	ssyncset.done $0x0  }
0x2a3: {  	[sflag:s24] =	ssyncadd.s32 $0xFFFFFFB0  }
0x2a4: {  	_ =	swait.ge [sflag:s24], $0x50  }
0x2a5: {  	[sflag:s24] =	ssyncset.done $0x0  }
0x2a6: {  	[sflag:s24] =	ssyncadd.s32 $0xFFFFFFB0  }
0x2a7: {  	_ =	swait.ge [sflag:s24], $0x50  }
0x2a8: {  	[sflag:s24] =	ssyncset.done $0x0  }
0x2a9: {  	[sflag:s24] =	ssyncadd.s32 $0xFFFFFFB0  }
0x2aa: {  	_ =	swait.ge [sflag:s24], $0x50  }
0x2ab: {  	[sflag:s24] =	ssyncset.done $0x0  }
0x2ac: {  	[sflag:s24] =	ssyncadd.s32 $0xFFFFFFB0  }
0x2ad: {  	_ =	swait.ge [sflag:s24], $0x50  }
0x2ae: {  	[sflag:s24] =	ssyncset.done $0x0  }
0x2af: {  	[sflag:s24] =	ssyncadd.s32 $0xFFFFFFB0  }
0x2b0: {  	v0 =	vld [tilespmem:$0x0]  }
0x2b1: {  	v1 =	vld [tilespmem:$0x80]  }
0x2b2: {  	v2 =	vld [tilespmem:$0x100]  }
0x2b3: {  	v3 =	vld [tilespmem:$0x180]  }
0x2b4: {  	v4 =	vld [tilespmem:$0x200]  }
0x2b5: {  	v5 =	vld [tilespmem:$0x10]  }
0x2b6: {  	v6 =	vld [tilespmem:$0x90]  }
0x2b7: {  	v7 =	vld [tilespmem:$0x110]  }
0x2b8: {  	v8 =	vld [tilespmem:$0x190]  }
0x2b9: {  	v9 =	vld [tilespmem:$0x210]  }
0x2ba: {  	v10 =	vld [tilespmem:$0x20]  }
0x2bb: {  	v11 =	vld [tilespmem:$0xA0]  }
0x2bc: {  	v12 =	vld [tilespmem:$0x120]  }
0x2bd: {  	v13 =	vld [tilespmem:$0x1A0]  }
0x2be: {  	v14 =	vld [tilespmem:$0x220]  }
0x2bf: {  	v15 =	vld [tilespmem:$0x30];
	v0 =	vmul.u32 $0x31, v0  }
0x2c0: {  	v16 =	vld [tilespmem:$0xB0]  }
0x2c1: {  	v17 =	vld [tilespmem:$0x40];
	v0 =	vadd.s32 v1, v0;
	v1 =	vmul.u32 $0x31, v5  }
0x2c2: {  	v59 =	vld [tilespmem:$0x1B0];
	v0 =	vmul.u32 $0x30, v0  }
0x2c3: {  	v2 =	vmul.u32 $0xD0, v2;
	v5 =	vld [tilespmem:$0x130];
	v1 =	vadd.s32 v6, v1;
	v6 =	vmul.u32 $0x31, v10  }
0x2c4: {  	v0 =	vadd.s32 v0, v4;
	v1 =	vmul.u32 $0x30, v1;
	v4 =	vmul.u32 $0xD0, v7;
	v7 =	vld [tilespmem:$0xC0]  }
0x2c5: {  	[tilespmem:$0x400] =	vst v0;
	v0 =	vadd.s32 v3, v2;
	v2 =	vadd.s32 v11, v6;
	v3 =	vld [tilespmem:$0x230];
	v6 =	vmul.u32 $0x31, v15  }
0x2c6: {  	[tilespmem:$0x480] =	vst v0;
	v0 =	vadd.s32 v1, v9;
	v1 =	vadd.s32 v8, v4;
	v2 =	vmul.u32 $0x30, v2;
	v4 =	vld [tilespmem:$0x140]  }
0x2c7: {  	v60 =	vld [tilespmem:$0x240];
	v61 =	vmul.u32 $0x31, v17;
	[tilespmem:$0x410] =	vst v0;
	v0 =	vmul.u32 $0xD0, v12;
	v6 =	vadd.s32 v16, v6  }
0x2c8: {  	[tilespmem:$0x490] =	vst v1;
	v1 =	vadd.s32 v2, v14;
	v2 =	vmul.u32 $0x30, v6;
	v6 =	vld [tilespmem:$0x1C0]  }
0x2c9: {  	v5 =	vmul.u32 $0xD0, v5;
	[tilespmem:$0x420] =	vst v1;
	v0 =	vadd.s32 v13, v0;
	v1 =	vadd.s32 v7, v61  }
0x2ca: {  	[tilespmem:$0x4A0] =	vst v0;
	v0 =	vadd.s32 v2, v3;
	v1 =	vmul.u32 $0x30, v1  }
0x2cb: {  	[tilespmem:$0x430] =	vst v0;
	v0 =	vadd.s32 v59, v5;
	v2 =	vmul.u32 $0xD0, v4  }
0x2cc: {  	[tilespmem:$0x4B0] =	vst v0;
	v0 =	vadd.s32 v1, v60  }
0x2cd: {  	[tilespmem:$0x440] =	vst v0;
	v0 =	vadd.s32 v6, v2  }
0x2ce: {  	s21 =	simm.s32 $0x400;
	s23 =	simm.s32 $0x500;
	[tilespmem:$0x4C0] =	vst v0  }
0x2cf: {  	[tilespmem:s23], [sflag:$0x2] =	stream.indirect.gather [hbm4b:s10+s25], $0x80, s21, s25, $0xb8;
	[tilespmem:$0x17700] =	vst v63  }
0x2d0: {  	s21 =	simm.s32 $0x480;
	s23 =	simm.s32 $0x2D00  }
0x2d1: {  	[tilespmem:s23], [sflag:$0x2] =	stream.indirect.gather [hbm4b:s11+s25], $0x80, s21, s25, $0xb8;
	[tilespmem:$0x17700] =	vst v63  }
0x2d2: {  	s21 =	sadd.s32 s16, s3  }
0x2d3: {  	s18 =	sshrl.u32 s21, $0x3  }
0x2d4: {  	s23 =	simm.s32 $0x7D00;
	s21 =	sadd.s32 s0, s18  }
0x2d5: {  	[tilespmem:s23], [sflag:$0x4] =	stream.linear.gather [hbm4b:s21+s17], $0x50, $0x38;
	[tilespmem:$0x17700] =	vst v63  }
0x2d6: {  	s21 =	sadd.s32 s1, s18;
	s23 =	simm.s32 $0x7D80  }
0x2d7: {  	[tilespmem:s23], [sflag:$0x4] =	stream.linear.gather [hbm4b:s21+s17], $0x50, $0x38;
	[tilespmem:$0x17700] =	vst v63  }
0x2d8: {  	s21 =	sadd.s32 s2, s18;
	s23 =	simm.s32 $0x7E00  }
0x2d9: {  	[tilespmem:s23], [sflag:$0x4] =	stream.linear.gather [hbm4b:s21+s17], $0x50, $0x38;
	[tilespmem:$0x17700] =	vst v63  }
0x2da: {  	s21 =	sadd.s32 s4, s18;
	s23 =	simm.s32 $0x7E80  }
0x2db: {  	[tilespmem:s23], [sflag:$0x4] =	stream.linear.gather [hbm4b:s21+s17], $0x50, $0x38;
	[tilespmem:$0x17700] =	vst v63  }
0x2dc: {  	s18 =	sadd.s32 s5, s18;
	s23 =	simm.s32 $0x7F00  }
0x2dd: {  	[tilespmem:s23], [sflag:$0x4] =	stream.linear.gather [hbm4b:s18+s17], $0x50, $0x38;
	[tilespmem:$0x17700] =	vst v63  }
0x2de: {  	_ =	swait.ge [sflag:s29], $0x2800  }
0x2df: {  	[sflag:s29] =	ssyncset.done $0x0  }
0x2e0: {  	s17 =	simm.s32 $0x0;
	[sflag:s29] =	ssyncadd.s32 $0xFFFFD800  }
0x2e1: {  	v0 =	vld [tilespmem:s17+$0x8270]  }
0x2e2: {  	v1 =	vld [tilespmem:s17+$0xAA70]  }
0x2e3: {  	v2 =	vld [tilespmem:s17+$0x8200]  }
0x2e4: {  	v3 =	vld [tilespmem:s17+$0xAA00]  }
0x2e5: {  	v4 =	vld [tilespmem:s17+$0x8210]  }
0x2e6: {  	v5 =	vld [tilespmem:s17+$0xAA10]  }
0x2e7: {  	v6 =	vld [tilespmem:s17+$0x8220]  }
0x2e8: {  	v7 =	vld [tilespmem:s17+$0x8230]  }
0x2e9: {  	v0 =	vadd.f32 v1, v0;
	v1 =	vld [tilespmem:s17+$0xAA20]  }
0x2ea: {  	v62 =	vld [tilespmem:s17+$0xAA30]  }
0x2eb: {  	v63 =	vld [tilespmem:s17+$0xAA40];
	v2 =	vadd.f32 v3, v2  }
0x2ec: {  	[tilespmem:s17+$0xD270] =	vst v0;
	v0 =	vadd.f32 v5, v4;
	v5 =	vld [tilespmem:s17+$0x8240]  }
0x2ed: {  	v3 =	vld [tilespmem:s17+$0xAA50];
	[tilespmem:s17+$0xD200] =	vst v2  }
0x2ee: {  	v2 =	vld [tilespmem:s17+$0x8250];
	[tilespmem:s17+$0xD210] =	vst v0;
	v0 =	vadd.f32 v1, v6  }
0x2ef: {  	v4 =	vld [tilespmem:s17+$0xAA60];
	v6 =	vadd.f32 v62, v7  }
0x2f0: {  	s18 =	simm.s32 $0x80;
	[tilespmem:s17+$0xD220] =	vst v0;
	v0 =	vld [tilespmem:s17+$0x8260]  }
0x2f1: {  	s21 =	simm.s32 $0x400;
	v5 =	vadd.f32 v63, v5;
	v1 =	vld [tilespmem:s18+$0x8270];
	[tilespmem:s17+$0xD230] =	vst v6  }
.LBB2_11:
0x2f2: {  	p0 =	sne.s32 s21, $0x9E00;
	v6 =	vld [tilespmem:s18+$0xAA70]  }
0x2f3: {  	v7 =	vld [tilespmem:s18+$0x8200];
	[tilespmem:s17+$0xD240] =	vst v5;
	v2 =	vadd.f32 v3, v2  }
0x2f4: {  	v3 =	vld [tilespmem:s18+$0xAA00]  }
0x2f5: {  	v5 =	vld [tilespmem:s18+$0x8210];
	[tilespmem:s17+$0xD250] =	vst v2;
	v0 =	vadd.f32 v4, v0  }
0x2f6: {  	v2 =	vld [tilespmem:s18+$0xAA10]  }
0x2f7: {  	v4 =	vld [tilespmem:s18+$0x8220];
	v1 =	vadd.f32 v6, v1;
	[tilespmem:s17+$0xD260] =	vst v0;
	s17 =	smov.u32 s18  }
0x2f8: {  	v0 =	vld [tilespmem:s17+$0xAA20]  }
0x2f9: {  	v3 =	vadd.f32 v3, v7;
	v6 =	vld [tilespmem:s17+$0x8230];
	[tilespmem:s17+$0xD270] =	vst v1  }
0x2fa: {  	v1 =	vld [tilespmem:s17+$0xAA30]  }
0x2fb: {  	[tilespmem:s17+$0xD200] =	vst v3;
	v2 =	vadd.f32 v2, v5;
	v5 =	vld [tilespmem:s17+$0x8240]  }
0x2fc: {  	v7 =	vld [tilespmem:s17+$0xAA40]  }
.Ltmp4:
0x2fd: {  	[tilespmem:s17+$0xD210] =	vst v2;
	v0 =	vadd.f32 v0, v4;
	v2 =	vld [tilespmem:s17+$0x8250];
	(pc) =	sbr.rel @p0 .LBB2_11-.Ltmp4, $4  }
0x2fe: {  	v3 =	vld [tilespmem:s17+$0xAA50]  }
0x2ff: {  	[tilespmem:s17+$0xD220] =	vst v0;
	v6 =	vadd.f32 v1, v6;
	v0 =	vld [tilespmem:s17+$0x8260]  }
0x300: {  	s18 =	sshra.s32 s21, $0x2;
	v4 =	vld [tilespmem:s17+$0xAA60]  }
0x301: {  	s21 =	sadd.s32 $0x200, s21;
	v1 =	vld [tilespmem:s18+$0x8270];
	[tilespmem:s17+$0xD230] =	vst v6;
	v5 =	vadd.f32 v7, v5  }
0x302: {  	v6 =	vld [tilespmem:s18+$0xAA70]  }
0x303: {  	v7 =	vld [tilespmem:s18+$0x8200];
	[tilespmem:s17+$0xD240] =	vst v5;
	v2 =	vadd.f32 v3, v2  }
0x304: {  	v3 =	vld [tilespmem:s18+$0xAA00]  }
0x305: {  	v5 =	vld [tilespmem:s18+$0x8210];
	[tilespmem:s17+$0xD250] =	vst v2;
	v0 =	vadd.f32 v4, v0  }
0x306: {  	v2 =	vld [tilespmem:s18+$0xAA10]  }
0x307: {  	v4 =	vld [tilespmem:s18+$0x8220];
	[tilespmem:s17+$0xD260] =	vst v0  }
0x308: {  	v0 =	vadd.f32 v6, v1;
	v1 =	vld [tilespmem:s18+$0xAA20]  }
0x309: {  	v6 =	vld [tilespmem:s18+$0x8230]  }
0x30a: {  	v3 =	vadd.f32 v3, v7;
	[tilespmem:s18+$0xD270] =	vst v0;
	v0 =	vld [tilespmem:s18+$0xAA30]  }
0x30b: {  	v7 =	vld [tilespmem:s18+$0xAA60]  }
0x30c: {  	[tilespmem:s18+$0xD200] =	vst v3;
	v2 =	vadd.f32 v2, v5;
	v3 =	vld [tilespmem:s18+$0x8240]  }
0x30d: {  	v5 =	vld [tilespmem:s18+$0xAA40]  }
0x30e: {  	[tilespmem:s18+$0xD210] =	vst v2;
	v1 =	vadd.f32 v1, v4;
	v2 =	vld [tilespmem:s18+$0x8250]  }
0x30f: {  	v4 =	vld [tilespmem:s18+$0xAA50]  }
0x310: {  	[tilespmem:s18+$0xD220] =	vst v1;
	v1 =	vld [tilespmem:s18+$0x8260];
	_ =	sdelay $0x1  }
0x311: {  	v0 =	vadd.f32 v0, v6  }
0x312: {  	v3 =	vadd.f32 v5, v3  }
0x313: {  	[tilespmem:s18+$0xD230] =	vst v0;
	v0 =	vadd.f32 v4, v2  }
0x314: {  	s21 =	sadd.s32 s16, s12;
	[tilespmem:s18+$0xD240] =	vst v3;
	v1 =	vadd.f32 v7, v1  }
0x315: {  	s17 =	sshll.u32 s21, $0x4;
	[tilespmem:s18+$0xD250] =	vst v0  }
0x316: {  	s23 =	simm.s32 $0xD200;
	s17 =	sadd.s32 s7, s17;
	[tilespmem:s18+$0xD260] =	vst v1  }
0x317: {  	[hbm4b:s17+s8] =	stream.linear.scatter [tilespmem:s23], [sflag:$0x6], $0x2800, $0x38;
	[tilespmem:$0x17700] =	vst v63  }
0x318: {  	_ =	swait.ge [sflag:s26], $0x2800  }
0x319: {  	[sflag:s26] =	ssyncset.done $0x0  }
0x31a: {  	[sflag:s26] =	ssyncadd.s32 $0xFFFFD800  }
0x31b: {  	_ =	swait.ge [sflag:s26], $0x2800  }
0x31c: {  	[sflag:s26] =	ssyncset.done $0x0  }
0x31d: {  	[sflag:s26] =	ssyncadd.s32 $0xFFFFD800  }
0x31e: {  	_ =	swait.ge [sflag:s31], $0x50  }
0x31f: {  	[sflag:s31] =	ssyncset.done $0x0  }
0x320: {  	[sflag:s31] =	ssyncadd.s32 $0xFFFFFFB0  }
0x321: {  	_ =	swait.ge [sflag:s31], $0x50  }
0x322: {  	[sflag:s31] =	ssyncset.done $0x0  }
0x323: {  	[sflag:s31] =	ssyncadd.s32 $0xFFFFFFB0  }
0x324: {  	_ =	swait.ge [sflag:s31], $0x50  }
0x325: {  	[sflag:s31] =	ssyncset.done $0x0  }
0x326: {  	[sflag:s31] =	ssyncadd.s32 $0xFFFFFFB0  }
0x327: {  	_ =	swait.ge [sflag:s31], $0x50  }
0x328: {  	[sflag:s31] =	ssyncset.done $0x0  }
0x329: {  	[sflag:s31] =	ssyncadd.s32 $0xFFFFFFB0  }
0x32a: {  	_ =	swait.ge [sflag:s31], $0x50  }
0x32b: {  	[sflag:s31] =	ssyncset.done $0x0  }
0x32c: {  	[sflag:s31] =	ssyncadd.s32 $0xFFFFFFB0  }
0x32d: {  	v0 =	vld [tilespmem:$0x7D00]  }
0x32e: {  	v1 =	vld [tilespmem:$0x7D80]  }
0x32f: {  	v2 =	vld [tilespmem:$0x7E00]  }
0x330: {  	v3 =	vld [tilespmem:$0x7E80]  }
0x331: {  	v4 =	vld [tilespmem:$0x7F00]  }
0x332: {  	v5 =	vld [tilespmem:$0x7D10]  }
0x333: {  	v6 =	vld [tilespmem:$0x7D90]  }
0x334: {  	v7 =	vld [tilespmem:$0x7E10]  }
0x335: {  	v8 =	vld [tilespmem:$0x7E90]  }
0x336: {  	v9 =	vld [tilespmem:$0x7F10]  }
0x337: {  	v10 =	vld [tilespmem:$0x7D20]  }
0x338: {  	v11 =	vld [tilespmem:$0x7DA0]  }
0x339: {  	v12 =	vld [tilespmem:$0x7E20]  }
0x33a: {  	v13 =	vld [tilespmem:$0x7EA0]  }
0x33b: {  	v14 =	vld [tilespmem:$0x7F20]  }
0x33c: {  	v15 =	vld [tilespmem:$0x7D30];
	v0 =	vmul.u32 $0x31, v0  }
0x33d: {  	v16 =	vld [tilespmem:$0x7DB0]  }
0x33e: {  	v17 =	vld [tilespmem:$0x7D40];
	v0 =	vadd.s32 v1, v0;
	v1 =	vmul.u32 $0x31, v5  }
0x33f: {  	v59 =	vld [tilespmem:$0x7EB0];
	v0 =	vmul.u32 $0x30, v0  }
0x340: {  	v2 =	vmul.u32 $0xD0, v2;
	v5 =	vld [tilespmem:$0x7E30];
	v1 =	vadd.s32 v6, v1;
	v6 =	vmul.u32 $0x31, v10  }
0x341: {  	v0 =	vadd.s32 v0, v4;
	v1 =	vmul.u32 $0x30, v1;
	v4 =	vmul.u32 $0xD0, v7;
	v7 =	vld [tilespmem:$0x7DC0]  }
0x342: {  	[tilespmem:$0x8100] =	vst v0;
	v0 =	vadd.s32 v3, v2;
	v2 =	vadd.s32 v11, v6;
	v3 =	vld [tilespmem:$0x7F30];
	v6 =	vmul.u32 $0x31, v15  }
0x343: {  	[tilespmem:$0x8180] =	vst v0;
	v0 =	vadd.s32 v1, v9;
	v1 =	vadd.s32 v8, v4;
	v2 =	vmul.u32 $0x30, v2;
	v4 =	vld [tilespmem:$0x7E40]  }
0x344: {  	v60 =	vld [tilespmem:$0x7F40];
	v61 =	vmul.u32 $0x31, v17;
	[tilespmem:$0x8110] =	vst v0;
	v0 =	vmul.u32 $0xD0, v12;
	v6 =	vadd.s32 v16, v6  }
0x345: {  	[tilespmem:$0x8190] =	vst v1;
	v1 =	vadd.s32 v2, v14;
	v2 =	vmul.u32 $0x30, v6;
	v6 =	vld [tilespmem:$0x7EC0]  }
0x346: {  	v5 =	vmul.u32 $0xD0, v5;
	[tilespmem:$0x8120] =	vst v1;
	v0 =	vadd.s32 v13, v0;
	v1 =	vadd.s32 v7, v61  }
0x347: {  	[tilespmem:$0x81A0] =	vst v0;
	v0 =	vadd.s32 v2, v3;
	v1 =	vmul.u32 $0x30, v1  }
0x348: {  	[tilespmem:$0x8130] =	vst v0;
	v0 =	vadd.s32 v59, v5;
	v2 =	vmul.u32 $0xD0, v4  }
0x349: {  	[tilespmem:$0x81B0] =	vst v0;
	v0 =	vadd.s32 v1, v60  }
0x34a: {  	p0 =	seq.s32 s14, $0x69;
	[tilespmem:$0x8140] =	vst v0;
	v0 =	vadd.s32 v6, v2  }
0x34b: {  	s21 =	simm.s32 $0x8100;
	s23 =	simm.s32 $0x8200;
	s17 =	sadd.s32 @!p0 s16, s13;
	[tilespmem:$0x81C0] =	vst v0  }
0x34c: {  	[tilespmem:s23], [sflag:$0x5] =	stream.indirect.gather [hbm4b:s10+s25], $0x80, s21, s25, $0xb8;
	[tilespmem:$0x17700] =	vst v63  }
0x34d: {  	s17 =	sshrl.u32 @!p0 s17, $0x3;
	s21 =	simm.s32 $0x8180;
	s23 =	simm.s32 $0xAA00  }
0x34e: {  	[tilespmem:s23], [sflag:$0x5] =	stream.indirect.gather [hbm4b:s11+s25], $0x80, s21, s25, $0xb8;
	[tilespmem:$0x17700] =	vst v63  }
0x34f: {  	s18 =	sadd.s32 @!p0 s0, s17;
	s21 =	simm.s32 @!p0 $0x0;
	s23 =	simm.s32 @!p0 $0xFA00  }
0x350: {  	[tilespmem:s23], [sflag:$0x7] =	stream.linear.gather @!p0 [hbm4b:s18+s21], $0x50, $0x38;
	[tilespmem:$0x17700] =	vst v63  }
0x351: {  	s18 =	sadd.s32 @!p0 s1, s17;
	s23 =	simm.s32 @!p0 $0xFA80  }
0x352: {  	[tilespmem:s23], [sflag:$0x7] =	stream.linear.gather @!p0 [hbm4b:s18+s21], $0x50, $0x38;
	[tilespmem:$0x17700] =	vst v63  }
0x353: {  	s18 =	sadd.s32 @!p0 s2, s17;
	s23 =	simm.s32 @!p0 $0xFB00  }
0x354: {  	[tilespmem:s23], [sflag:$0x7] =	stream.linear.gather @!p0 [hbm4b:s18+s21], $0x50, $0x38;
	[tilespmem:$0x17700] =	vst v63  }
0x355: {  	s18 =	sadd.s32 @!p0 s4, s17;
	s23 =	simm.s32 @!p0 $0xFB80  }
0x356: {  	[tilespmem:s23], [sflag:$0x7] =	stream.linear.gather @!p0 [hbm4b:s18+s21], $0x50, $0x38;
	[tilespmem:$0x17700] =	vst v63  }
0x357: {  	s17 =	sadd.s32 @!p0 s5, s17;
	s18 =	simm.s32 @!p0 $0xFC00  }
0x358: {  	[tilespmem:s18], [sflag:$0x7] =	stream.linear.gather @!p0 [hbm4b:s17+s21], $0x50, $0x38;
	[tilespmem:$0x17700] =	vst v63  }
0x359: {  	_ =	swait.ge [sflag:s30], $0x2800  }
0x35a: {  	[sflag:s30] =	ssyncset.done $0x0  }
0x35b: {  	s17 =	simm.s32 $0x0;
	[sflag:s30] =	ssyncadd.s32 $0xFFFFD800  }
0x35c: {  	v0 =	vld [tilespmem:s17+$0xFF70]  }
0x35d: {  	v1 =	vld [tilespmem:s17+$0x12770]  }
0x35e: {  	v2 =	vld [tilespmem:s17+$0xFF00]  }
0x35f: {  	v3 =	vld [tilespmem:s17+$0x12700]  }
0x360: {  	v4 =	vld [tilespmem:s17+$0xFF10]  }
0x361: {  	v5 =	vld [tilespmem:s17+$0x12710]  }
0x362: {  	v6 =	vld [tilespmem:s17+$0xFF20]  }
0x363: {  	v7 =	vld [tilespmem:s17+$0xFF30]  }
0x364: {  	v0 =	vadd.f32 v1, v0;
	v1 =	vld [tilespmem:s17+$0x12720]  }
0x365: {  	v62 =	vld [tilespmem:s17+$0x12730]  }
0x366: {  	v63 =	vld [tilespmem:s17+$0x12740];
	v2 =	vadd.f32 v3, v2  }
0x367: {  	[tilespmem:s17+$0x14F70] =	vst v0;
	v0 =	vadd.f32 v5, v4;
	v5 =	vld [tilespmem:s17+$0xFF40]  }
0x368: {  	v3 =	vld [tilespmem:s17+$0x12750];
	[tilespmem:s17+$0x14F00] =	vst v2  }
0x369: {  	v2 =	vld [tilespmem:s17+$0xFF50];
	[tilespmem:s17+$0x14F10] =	vst v0;
	v0 =	vadd.f32 v1, v6  }
0x36a: {  	v4 =	vld [tilespmem:s17+$0x12760];
	v6 =	vadd.f32 v62, v7  }
0x36b: {  	s18 =	simm.s32 $0x80;
	[tilespmem:s17+$0x14F20] =	vst v0;
	v0 =	vld [tilespmem:s17+$0xFF60]  }
0x36c: {  	s21 =	simm.s32 $0x400;
	v5 =	vadd.f32 v63, v5;
	v1 =	vld [tilespmem:s18+$0xFF70];
	[tilespmem:s17+$0x14F30] =	vst v6  }
.LBB2_13:
0x36d: {  	p0 =	sne.s32 s21, $0x9E00;
	v6 =	vld [tilespmem:s18+$0x12770]  }
0x36e: {  	v7 =	vld [tilespmem:s18+$0xFF00];
	[tilespmem:s17+$0x14F40] =	vst v5;
	v2 =	vadd.f32 v3, v2  }
0x36f: {  	v3 =	vld [tilespmem:s18+$0x12700]  }
0x370: {  	v5 =	vld [tilespmem:s18+$0xFF10];
	[tilespmem:s17+$0x14F50] =	vst v2;
	v0 =	vadd.f32 v4, v0  }
0x371: {  	v2 =	vld [tilespmem:s18+$0x12710]  }
0x372: {  	v4 =	vld [tilespmem:s18+$0xFF20];
	v1 =	vadd.f32 v6, v1;
	[tilespmem:s17+$0x14F60] =	vst v0;
	s17 =	smov.u32 s18  }
0x373: {  	v0 =	vld [tilespmem:s17+$0x12720]  }
0x374: {  	v3 =	vadd.f32 v3, v7;
	v6 =	vld [tilespmem:s17+$0xFF30];
	[tilespmem:s17+$0x14F70] =	vst v1  }
0x375: {  	v1 =	vld [tilespmem:s17+$0x12730]  }
0x376: {  	[tilespmem:s17+$0x14F00] =	vst v3;
	v2 =	vadd.f32 v2, v5;
	v5 =	vld [tilespmem:s17+$0xFF40]  }
0x377: {  	v7 =	vld [tilespmem:s17+$0x12740]  }
.Ltmp5:
0x378: {  	[tilespmem:s17+$0x14F10] =	vst v2;
	v0 =	vadd.f32 v0, v4;
	v2 =	vld [tilespmem:s17+$0xFF50];
	(pc) =	sbr.rel @p0 .LBB2_13-.Ltmp5, $4  }
0x379: {  	v3 =	vld [tilespmem:s17+$0x12750]  }
0x37a: {  	[tilespmem:s17+$0x14F20] =	vst v0;
	v6 =	vadd.f32 v1, v6;
	v0 =	vld [tilespmem:s17+$0xFF60]  }
0x37b: {  	s18 =	sshra.s32 s21, $0x2;
	v4 =	vld [tilespmem:s17+$0x12760]  }
0x37c: {  	s21 =	sadd.s32 $0x200, s21;
	v1 =	vld [tilespmem:s18+$0xFF70];
	[tilespmem:s17+$0x14F30] =	vst v6;
	v5 =	vadd.f32 v7, v5  }
0x37d: {  	v6 =	vld [tilespmem:s18+$0x12770]  }
0x37e: {  	v7 =	vld [tilespmem:s18+$0xFF00];
	[tilespmem:s17+$0x14F40] =	vst v5;
	v2 =	vadd.f32 v3, v2  }
0x37f: {  	v51 =	vld [tilespmem:s18+$0x12700]  }
0x380: {  	v5 =	vld [tilespmem:s18+$0xFF10];
	[tilespmem:s17+$0x14F50] =	vst v2;
	v0 =	vadd.f32 v4, v0  }
0x381: {  	v2 =	vld [tilespmem:s18+$0x12710]  }
0x382: {  	v52 =	vld [tilespmem:s18+$0xFF20];
	[tilespmem:s17+$0x14F60] =	vst v0  }
0x383: {  	v54 =	vld [tilespmem:s18+$0x12720]  }
0x384: {  	v55 =	vld [tilespmem:s18+$0xFF30]  }
0x385: {  	v56 =	vld [tilespmem:s18+$0x12730]  }
0x386: {  	v57 =	vld [tilespmem:s18+$0xFF40]  }
0x387: {  	v58 =	vld [tilespmem:s18+$0x12740]  }
0x388: {  	v59 =	vld [tilespmem:s18+$0xFF50]  }
0x389: {  	v53 =	vadd.f32 v6, v1;
	v60 =	vld [tilespmem:s18+$0x12750]  }
0x38a: {  	v61 =	vld [tilespmem:s18+$0xFF60];
	v3 =	vadd.f32 v51, v7  }
0x38b: {  	v62 =	vld [tilespmem:s18+$0x12760];
	[tilespmem:s18+$0x14F70] =	vst v53;
	v2 =	vadd.f32 v2, v5  }
0x38c: {  	[tilespmem:s18+$0x14F00] =	vst v3;
	v1 =	vadd.f32 v54, v52  }
0x38d: {  	s14 =	sadd.s32 $0x1, s14;
	[tilespmem:s18+$0x14F10] =	vst v2;
	v0 =	vadd.f32 v56, v55  }
0x38e: {  	p0 =	sne.s32 s14, $0x6A;
	v3 =	vadd.f32 v58, v57;
	[tilespmem:s18+$0x14F20] =	vst v1  }
.Ltmp6:
0x38f: {  	v63 =	vadd.f32 v60, v59;
	[tilespmem:s18+$0x14F30] =	vst v0;
	(pc) =	sbr.rel @p0 .LBB2_8-.Ltmp6, $4  }
0x390: {  	s16 =	sadd.s32 s16, s15;
	[tilespmem:s18+$0x14F40] =	vst v3;
	v1 =	vadd.f32 v62, v61  }
0x391: {  	s16 =	sshll.u32 s16, $0x4;
	[tilespmem:s18+$0x14F50] =	vst v63  }
0x392: {  	s23 =	simm.s32 $0x14F00;
	s16 =	sadd.s32 s7, s16;
	[tilespmem:s18+$0x14F60] =	vst v1  }
0x393: {  	[hbm4b:s16+s8] =	stream.linear.scatter [tilespmem:s23], [sflag:$0x9], $0x2800, $0x38;
	[tilespmem:$0x17700] =	vst v63  }
0x394: {  	_ =	swait.ge [sflag:s19], $0x2800  }
0x395: {  	[sflag:s19] =	ssyncset.done $0x0  }
0x396: {  	[sflag:s19] =	ssyncadd.s32 $0xFFFFD800  }
0x397: {  	_ =	swait.ge [sflag:s19], $0x2800  }
0x398: {  	[sflag:s19] =	ssyncset.done $0x0  }
0x399: {  	[sflag:s19] =	ssyncadd.s32 $0xFFFFD800  }
0x39a: {  	_ =	swait.ge [sflag:s28], $0x2800  }
0x39b: {  	[sflag:s28] =	ssyncset.done $0x0  }
0x39c: {  	s14 =	simm.s32 $0x0;
	[sflag:s28] =	ssyncadd.s32 $0xFFFFD800  }
0x39d: {  	v0 =	vld [tilespmem:s14+$0x570]  }
0x39e: {  	v1 =	vld [tilespmem:s14+$0x2D70]  }
0x39f: {  	v2 =	vld [tilespmem:s14+$0x500]  }
0x3a0: {  	v3 =	vld [tilespmem:s14+$0x2D00]  }
0x3a1: {  	v4 =	vld [tilespmem:s14+$0x510]  }
0x3a2: {  	v5 =	vld [tilespmem:s14+$0x2D10]  }
0x3a3: {  	v6 =	vld [tilespmem:s14+$0x520]  }
0x3a4: {  	v7 =	vld [tilespmem:s14+$0x530]  }
0x3a5: {  	v0 =	vadd.f32 v1, v0;
	v1 =	vld [tilespmem:s14+$0x2D20]  }
0x3a6: {  	v8 =	vld [tilespmem:s14+$0x2D30]  }
0x3a7: {  	v9 =	vld [tilespmem:s14+$0x2D40];
	v2 =	vadd.f32 v3, v2  }
0x3a8: {  	[tilespmem:s14+$0x5570] =	vst v0;
	v0 =	vadd.f32 v5, v4;
	v5 =	vld [tilespmem:s14+$0x540]  }
0x3a9: {  	v3 =	vld [tilespmem:s14+$0x2D50];
	[tilespmem:s14+$0x5500] =	vst v2  }
0x3aa: {  	v2 =	vld [tilespmem:s14+$0x550];
	[tilespmem:s14+$0x5510] =	vst v0;
	v0 =	vadd.f32 v1, v6  }
0x3ab: {  	v4 =	vld [tilespmem:s14+$0x2D60];
	v6 =	vadd.f32 v8, v7  }
0x3ac: {  	s16 =	simm.s32 $0x80;
	[tilespmem:s14+$0x5520] =	vst v0;
	v0 =	vld [tilespmem:s14+$0x560]  }
0x3ad: {  	s17 =	simm.s32 $0x400;
	v5 =	vadd.f32 v9, v5;
	v1 =	vld [tilespmem:s16+$0x570];
	[tilespmem:s14+$0x5530] =	vst v6  }
.LBB2_16:
0x3ae: {  	p0 =	sne.s32 s17, $0x9E00;
	v6 =	vld [tilespmem:s16+$0x2D70]  }
0x3af: {  	v7 =	vld [tilespmem:s16+$0x500];
	[tilespmem:s14+$0x5540] =	vst v5;
	v2 =	vadd.f32 v3, v2  }
0x3b0: {  	v3 =	vld [tilespmem:s16+$0x2D00]  }
0x3b1: {  	v5 =	vld [tilespmem:s16+$0x510];
	[tilespmem:s14+$0x5550] =	vst v2;
	v0 =	vadd.f32 v4, v0  }
0x3b2: {  	v2 =	vld [tilespmem:s16+$0x2D10]  }
0x3b3: {  	v4 =	vld [tilespmem:s16+$0x520];
	v1 =	vadd.f32 v6, v1;
	[tilespmem:s14+$0x5560] =	vst v0;
	s14 =	smov.u32 s16  }
0x3b4: {  	v0 =	vld [tilespmem:s14+$0x2D20]  }
0x3b5: {  	v3 =	vadd.f32 v3, v7;
	v6 =	vld [tilespmem:s14+$0x530];
	[tilespmem:s14+$0x5570] =	vst v1  }
0x3b6: {  	v1 =	vld [tilespmem:s14+$0x2D30]  }
0x3b7: {  	[tilespmem:s14+$0x5500] =	vst v3;
	v2 =	vadd.f32 v2, v5;
	v5 =	vld [tilespmem:s14+$0x540]  }
0x3b8: {  	v7 =	vld [tilespmem:s14+$0x2D40]  }
.Ltmp7:
0x3b9: {  	[tilespmem:s14+$0x5510] =	vst v2;
	v0 =	vadd.f32 v0, v4;
	v2 =	vld [tilespmem:s14+$0x550];
	(pc) =	sbr.rel @p0 .LBB2_16-.Ltmp7, $4  }
0x3ba: {  	v3 =	vld [tilespmem:s14+$0x2D50]  }
0x3bb: {  	[tilespmem:s14+$0x5520] =	vst v0;
	v6 =	vadd.f32 v1, v6;
	v0 =	vld [tilespmem:s14+$0x560]  }
0x3bc: {  	s16 =	sshra.s32 s17, $0x2;
	v4 =	vld [tilespmem:s14+$0x2D60]  }
0x3bd: {  	s17 =	sadd.s32 $0x200, s17;
	v1 =	vld [tilespmem:s16+$0x570];
	[tilespmem:s14+$0x5530] =	vst v6;
	v5 =	vadd.f32 v7, v5  }
0x3be: {  	v6 =	vld [tilespmem:s16+$0x2D70]  }
0x3bf: {  	v7 =	vld [tilespmem:s16+$0x500];
	[tilespmem:s14+$0x5540] =	vst v5;
	v2 =	vadd.f32 v3, v2  }
0x3c0: {  	v3 =	vld [tilespmem:s16+$0x2D00]  }
0x3c1: {  	v5 =	vld [tilespmem:s16+$0x510];
	[tilespmem:s14+$0x5550] =	vst v2;
	v0 =	vadd.f32 v4, v0  }
0x3c2: {  	v2 =	vld [tilespmem:s16+$0x2D10]  }
0x3c3: {  	v4 =	vld [tilespmem:s16+$0x520];
	[tilespmem:s14+$0x5560] =	vst v0  }
0x3c4: {  	v0 =	vadd.f32 v6, v1;
	v1 =	vld [tilespmem:s16+$0x2D20]  }
0x3c5: {  	v6 =	vld [tilespmem:s16+$0x530]  }
0x3c6: {  	v3 =	vadd.f32 v3, v7;
	[tilespmem:s16+$0x5570] =	vst v0;
	v0 =	vld [tilespmem:s16+$0x2D30]  }
0x3c7: {  	v7 =	vld [tilespmem:s16+$0x2D60]  }
0x3c8: {  	[tilespmem:s16+$0x5500] =	vst v3;
	v2 =	vadd.f32 v2, v5;
	v3 =	vld [tilespmem:s16+$0x540]  }
0x3c9: {  	v5 =	vld [tilespmem:s16+$0x2D40]  }
0x3ca: {  	[tilespmem:s16+$0x5510] =	vst v2;
	v1 =	vadd.f32 v1, v4;
	v2 =	vld [tilespmem:s16+$0x550]  }
0x3cb: {  	v4 =	vld [tilespmem:s16+$0x2D50]  }
0x3cc: {  	[tilespmem:s16+$0x5520] =	vst v1;
	v1 =	vld [tilespmem:s16+$0x560];
	_ =	sdelay $0x1  }
0x3cd: {  	v0 =	vadd.f32 v0, v6  }
0x3ce: {  	v3 =	vadd.f32 v5, v3  }
0x3cf: {  	[tilespmem:s16+$0x5530] =	vst v0;
	v0 =	vadd.f32 v4, v2  }
0x3d0: {  	s23 =	sld [smem:$0x7FB];
	[tilespmem:s16+$0x5540] =	vst v3;
	v1 =	vadd.f32 v7, v1  }
0x3d1: {  	[tilespmem:s16+$0x5550] =	vst v0  }
0x3d2: {  	s21 =	simm.s32 $0x0;
	s17 =	simm.s32 $0x5500;
	[tilespmem:s16+$0x5560] =	vst v1  }
0x3d3: {  	[hbm4b:s23+s21] =	stream.linear.scatter [tilespmem:s17], [sflag:$0x3], $0x2800, $0x38;
	[tilespmem:$0x17700] =	vst v63  }
0x3d4: {  	_ =	swait.ge [sflag:s22], $0x2800  }
0x3d5: {  	[sflag:s22] =	ssyncset.done $0x0  }
0x3d6: {  	[sflag:s22] =	ssyncadd.s32 $0xFFFFD800  }
0x3d7: {  	_ =	swait.ge [sflag:s22], $0x2800  }
0x3d8: {  	[sflag:s22] =	ssyncset.done $0x0  }
0x3d9: {  	[sflag:s22] =	ssyncadd.s32 $0xFFFFD800  }
0x3da: {  	_ =	swait.ge [sflag:s29], $0x2800  }
0x3db: {  	[sflag:s29] =	ssyncset.done $0x0  }
0x3dc: {  	s14 =	simm.s32 $0x0;
	[sflag:s29] =	ssyncadd.s32 $0xFFFFD800  }
0x3dd: {  	v0 =	vld [tilespmem:s14+$0x8270]  }
0x3de: {  	v1 =	vld [tilespmem:s14+$0xAA70]  }
0x3df: {  	v2 =	vld [tilespmem:s14+$0x8200]  }
0x3e0: {  	v3 =	vld [tilespmem:s14+$0xAA00]  }
0x3e1: {  	v4 =	vld [tilespmem:s14+$0x8210]  }
0x3e2: {  	v5 =	vld [tilespmem:s14+$0xAA10]  }
0x3e3: {  	v6 =	vld [tilespmem:s14+$0x8220]  }
0x3e4: {  	v7 =	vld [tilespmem:s14+$0x8230]  }
0x3e5: {  	v0 =	vadd.f32 v1, v0;
	v1 =	vld [tilespmem:s14+$0xAA20]  }
0x3e6: {  	v8 =	vld [tilespmem:s14+$0xAA30]  }
0x3e7: {  	v9 =	vld [tilespmem:s14+$0xAA40];
	v2 =	vadd.f32 v3, v2  }
0x3e8: {  	[tilespmem:s14+$0xD270] =	vst v0;
	v0 =	vadd.f32 v5, v4;
	v5 =	vld [tilespmem:s14+$0x8240]  }
0x3e9: {  	v3 =	vld [tilespmem:s14+$0xAA50];
	[tilespmem:s14+$0xD200] =	vst v2  }
0x3ea: {  	v2 =	vld [tilespmem:s14+$0x8250];
	[tilespmem:s14+$0xD210] =	vst v0;
	v0 =	vadd.f32 v1, v6  }
0x3eb: {  	v4 =	vld [tilespmem:s14+$0xAA60];
	v6 =	vadd.f32 v8, v7  }
0x3ec: {  	s16 =	simm.s32 $0x80;
	[tilespmem:s14+$0xD220] =	vst v0;
	v0 =	vld [tilespmem:s14+$0x8260]  }
0x3ed: {  	s17 =	simm.s32 $0x400;
	v5 =	vadd.f32 v9, v5;
	v1 =	vld [tilespmem:s16+$0x8270];
	[tilespmem:s14+$0xD230] =	vst v6  }
.LBB2_18:
0x3ee: {  	p0 =	sne.s32 s17, $0x9E00;
	v6 =	vld [tilespmem:s16+$0xAA70]  }
0x3ef: {  	v7 =	vld [tilespmem:s16+$0x8200];
	[tilespmem:s14+$0xD240] =	vst v5;
	v2 =	vadd.f32 v3, v2  }
0x3f0: {  	v3 =	vld [tilespmem:s16+$0xAA00]  }
0x3f1: {  	v5 =	vld [tilespmem:s16+$0x8210];
	[tilespmem:s14+$0xD250] =	vst v2;
	v0 =	vadd.f32 v4, v0  }
0x3f2: {  	v2 =	vld [tilespmem:s16+$0xAA10]  }
0x3f3: {  	v4 =	vld [tilespmem:s16+$0x8220];
	v1 =	vadd.f32 v6, v1;
	[tilespmem:s14+$0xD260] =	vst v0;
	s14 =	smov.u32 s16  }
0x3f4: {  	v0 =	vld [tilespmem:s14+$0xAA20]  }
0x3f5: {  	v3 =	vadd.f32 v3, v7;
	v6 =	vld [tilespmem:s14+$0x8230];
	[tilespmem:s14+$0xD270] =	vst v1  }
0x3f6: {  	v1 =	vld [tilespmem:s14+$0xAA30]  }
0x3f7: {  	[tilespmem:s14+$0xD200] =	vst v3;
	v2 =	vadd.f32 v2, v5;
	v5 =	vld [tilespmem:s14+$0x8240]  }
0x3f8: {  	v7 =	vld [tilespmem:s14+$0xAA40]  }
.Ltmp8:
0x3f9: {  	[tilespmem:s14+$0xD210] =	vst v2;
	v0 =	vadd.f32 v0, v4;
	v2 =	vld [tilespmem:s14+$0x8250];
	(pc) =	sbr.rel @p0 .LBB2_18-.Ltmp8, $4  }
0x3fa: {  	v3 =	vld [tilespmem:s14+$0xAA50]  }
0x3fb: {  	[tilespmem:s14+$0xD220] =	vst v0;
	v6 =	vadd.f32 v1, v6;
	v0 =	vld [tilespmem:s14+$0x8260]  }
0x3fc: {  	s16 =	sshra.s32 s17, $0x2;
	v4 =	vld [tilespmem:s14+$0xAA60]  }
0x3fd: {  	s17 =	sadd.s32 $0x200, s17;
	v1 =	vld [tilespmem:s16+$0x8270];
	[tilespmem:s14+$0xD230] =	vst v6;
	v5 =	vadd.f32 v7, v5  }
0x3fe: {  	v6 =	vld [tilespmem:s16+$0xAA70]  }
0x3ff: {  	v7 =	vld [tilespmem:s16+$0x8200];
	[tilespmem:s14+$0xD240] =	vst v5;
	v2 =	vadd.f32 v3, v2  }
0x400: {  	v51 =	vld [tilespmem:s16+$0xAA00]  }
0x401: {  	v5 =	vld [tilespmem:s16+$0x8210];
	[tilespmem:s14+$0xD250] =	vst v2;
	v0 =	vadd.f32 v4, v0  }
0x402: {  	v2 =	vld [tilespmem:s16+$0xAA10]  }
0x403: {  	v52 =	vld [tilespmem:s16+$0x8220];
	[tilespmem:s14+$0xD260] =	vst v0  }
0x404: {  	v54 =	vld [tilespmem:s16+$0xAA20]  }
0x405: {  	v55 =	vld [tilespmem:s16+$0x8230]  }
0x406: {  	v56 =	vld [tilespmem:s16+$0xAA30]  }
0x407: {  	v57 =	vld [tilespmem:s16+$0x8240]  }
0x408: {  	v58 =	vld [tilespmem:s16+$0xAA40]  }
0x409: {  	v59 =	vld [tilespmem:s16+$0x8250]  }
0x40a: {  	v53 =	vadd.f32 v6, v1;
	v60 =	vld [tilespmem:s16+$0xAA50]  }
0x40b: {  	v61 =	vld [tilespmem:s16+$0x8260];
	v3 =	vadd.f32 v51, v7  }
0x40c: {  	v62 =	vld [tilespmem:s16+$0xAA60];
	[tilespmem:s16+$0xD270] =	vst v53;
	v2 =	vadd.f32 v2, v5  }
0x40d: {  	[tilespmem:s16+$0xD200] =	vst v3;
	v1 =	vadd.f32 v54, v52  }
0x40e: {  	[tilespmem:s16+$0xD210] =	vst v2;
	v0 =	vadd.f32 v56, v55  }
0x40f: {  	v3 =	vadd.f32 v58, v57;
	[tilespmem:s16+$0xD220] =	vst v1  }
0x410: {  	v63 =	vadd.f32 v60, v59;
	[tilespmem:s16+$0xD230] =	vst v0  }
0x411: {  	s17 =	sld [smem:$0x7FC];
	[tilespmem:s16+$0xD240] =	vst v3;
	v1 =	vadd.f32 v62, v61  }
0x412: {  	[tilespmem:s16+$0xD250] =	vst v63  }
0x413: {  	s18 =	simm.s32 $0xD200;
	[tilespmem:s16+$0xD260] =	vst v1  }
0x414: {  	[hbm4b:s17+s8] =	stream.linear.scatter [tilespmem:s18], [sflag:$0x6], $0x2800, $0x38;
	[tilespmem:$0x17700] =	vst v63  }
0x415: {  	_ =	swait.ge [sflag:s28], $0x2800  }
0x416: {  	[sflag:s28] =	ssyncset.done $0x0  }
0x417: {  	[sflag:s28] =	ssyncadd.s32 $0xFFFFD800  }
0x418: {  	_ =	swait.ge [sflag:s29], $0x2800  }
0x419: {  	[sflag:s29] =	ssyncset.done $0x0  }
0x41a: {  	[sflag:s29] =	ssyncadd.s32 $0xFFFFD800  }
0x41b: {  	_ =	swait.ge [sflag:s30], $0x2800  }
0x41c: {  	s21 =	sld [smem:$0x7F1]  }
0x41d: {  	s23 =	sld [smem:$0x7FD];
	_ =	sdelay $0x1  }
0x41e: {  	s16 =	sadd.s32 $0x1, s21  }
0x41f: {  	p0 =	sne.s32 s16, s23  }
.Ltmp9:
0x420: {  	_ = 	snop;
	(pc) =	sbr.rel @p0 .LBB2_1-.Ltmp9, $3  }
0x421: {  	_ =	sdelay $0x1  }
0x422: {  	[sflag:s30] =	ssyncset.done $0x0  }
0x423: {  	[sflag:s30] =	ssyncadd.s32 $0xFFFFD800  }
0x424: {  	_ =	sfence.sel $0x180000  }
0x425: {  	[bflag:$0x0] =	sbarrier.arrive $0xFFFF  }
0x426: {  	_ =	strace $0x90000047  }
0x427: {  	s0 =	stileid.u32;
	[bflag:$0x2] =	sbarrier.arrive $0xFFFF  }
0x428: {  	p0 =	sne.s32 s0, $0x0;
	s0 =	rddreg [dreg:$0x7]  }
0x429: {  	s0 =	sadd.s32 @!p0 $0x100000, s0  }
0x42a: {  	[sflag:s0] =	ssyncadd.tile.s32 @!p0 $0x1;
	_ =	shalt  }
.Lfunc_end2:
_tile_overlayer_lowered:
.L_overlay_start_2:
0x42b: {  	(tag) =	ssettag $0x2  }
0x42c: {  	s0 =	rddreg [dreg:$0x0];
	s2 =	stileid.u32  }
0x42d: {  	s1 =	rddreg [dreg:$0x1];
	p0 =	sne.s32 s2, $0x0  }
0x42e: {  	s3 =	rddreg [dreg:$0x2];
	[bflag:$0x3] =	sbarrier.arrive $0xFFFF;
	s2 =	simm.s32 @!p0 $0x1C0A  }
0x42f: {  	[timem:s3], [sflag:s2] =	dma.local @!p0 [hbm:s0], s1  }
0x430: {  	s0 =	simm.s32 @!p0 $0xA  }
0x431: {  	_ =	swait.ge @!p0 [sflag:s0], s1  }
0x432: {  	s1 =	ssub.s32 @!p0 $0x0, s1;
	[sflag:s0] =	ssyncset.done @!p0 $0x0  }
0x433: {  	[sflag:s0] =	ssyncadd.s32 @!p0 s1  }
0x434: {  	[bflag:$0x3] =	sbarrier.arrive $0xFFFF  }
0x435: {  	_ =	shalt  }

</sc_bundles>
